<compile_context>
chip_gen: v7x
topology: tpu7x:2x2x1
jax: 0.10.2.dev20260603
libtpu: 0.0.44.dev20260713+nightly
codegen_flags: <defaults>
</compile_context>

<pallas_src>
import jax
import jax.numpy as jnp
from jax import lax
from jax.experimental import pallas as pl
from jax.experimental.pallas import tpu as pltpu
from jax.experimental.pallas import tpu_sc as plsc

ALPHA = 0.9
BETA = 0.8
THRESH = 1.0
HORIZON = 12
F_OUT = 2

B, T, N, F = 16, 12, 325, 2
H, FF, LW = 64, 64, 32
C1, C2 = 96, 128
NT = T * N
NN = N * N

NUM_TILES = 32
EPT = 96
EP = NUM_TILES * EPT
CHK = 6608
NNP = 16 * CHK

_HI = jax.lax.Precision.HIGHEST


def _dot(a, b, precision=None):
    return jnp.dot(a, b, preferred_element_type=jnp.float32,
                   precision=precision)


def _sc_scatter_body(src_h, dst_h, w_h, zero_h, out_h, acc, sv, dv, wv, iv, zb):
    cid = lax.axis_index("c")
    sid = lax.axis_index("s")
    pltpu.sync_copy(zero_h.at[pl.ds(sid * CHK, CHK)], zb)
    pltpu.sync_copy(zb, acc.at[pl.ds(sid * CHK, CHK)])
    base = (cid * 16 + sid) * EPT
    pltpu.sync_copy(src_h.at[pl.ds(base, EPT)], sv)
    pltpu.sync_copy(dst_h.at[pl.ds(base, EPT)], dv)
    pltpu.sync_copy(w_h.at[pl.ds(base, EPT)], wv)
    for k in range(EPT // 16):
        d16 = dv[pl.ds(k * 16, 16)]
        s16 = sv[pl.ds(k * 16, 16)]
        iv[pl.ds(k * 16, 16)] = d16 * N + s16
    plsc.subcore_barrier()
    pltpu.sync_copy(wv, acc.at[iv], add=True)
    plsc.subcore_barrier()
    pltpu.sync_copy(acc.at[pl.ds(sid * CHK, CHK)], zb)
    pltpu.sync_copy(zb, out_h.at[pl.ds(cid * NNP + sid * CHK, CHK)])


def _sc_scatter(src_p, dst_p, w_p, zeros_p):
    mesh = plsc.VectorSubcoreMesh(core_axis_name="c", subcore_axis_name="s",
                                  num_cores=2, num_subcores=16)
    return pl.kernel(
        _sc_scatter_body,
        out_type=jax.ShapeDtypeStruct((2 * NNP,), jnp.float32),
        mesh=mesh,
        scratch_types=[
            pltpu.VMEM_SHARED((NNP,), jnp.float32),
            pltpu.VMEM((EPT,), jnp.int32),
            pltpu.VMEM((EPT,), jnp.int32),
            pltpu.VMEM((EPT,), jnp.float32),
            pltpu.VMEM((EPT,), jnp.int32),
            pltpu.VMEM((CHK,), jnp.float32),
        ],
    )(src_p, dst_p, w_p, zeros_p)


def _prep_body(ap_ref, m_ref):
    A = ap_ref[0] + ap_ref[1]
    rs = jnp.sum(A, axis=1, keepdims=True)
    Af = A / jnp.where(rs > 0, rs, 1.0)
    cs = jnp.sum(A, axis=0, keepdims=True)
    Ab = jnp.transpose(A / jnp.where(cs > 0, cs, 1.0))
    m_ref[0] = Af
    m_ref[1] = Ab


def _prep(apart):
    return pl.pallas_call(
        _prep_body,
        out_shape=jax.ShapeDtypeStruct((2, N, N), jnp.float32),
    )(apart)


def _lif_scan(buf, c):
    syn = jnp.zeros((N, c), jnp.float32)
    mem = jnp.zeros((N, c), jnp.float32)
    spk = jnp.zeros((N, c), jnp.float32)
    for t in range(T):
        syn = ALPHA * syn + buf[t]
        mem = BETA * mem + syn - spk
        spk = (mem > THRESH).astype(jnp.float32)
        buf[t] = spk


def _block1_body(x_ref, encW_ref, encb_ref, ne_ref, lw1_ref, wt_ref, bt_ref,
                 skW_ref, skb_ref, m_ref, dw_ref, db_ref, nw_ref, nb_ref,
                 y1_ref, c1s_ref, st_ref, buf, buf2, res):
    b = pl.program_id(0)
    lw1 = lw1_ref[...]
    for t in range(T):
        e = _dot(x_ref[0, t], encW_ref[...]) + encb_ref[...] + ne_ref[...]
        buf[t] = jnp.concatenate([e, lw1], axis=1)
    res[...] = buf[...]
    for l in range(3):
        for t in range(T):
            buf2[t] = _dot(buf[t], wt_ref[l]) + bt_ref[l][None]
        _lif_scan(buf2, C1)
        buf, buf2 = buf2, buf
    c1s_ref[0] = _dot(buf[11], skW_ref[...]) + skb_ref[...]
    su = jnp.zeros((C1,), jnp.float32)
    sq = jnp.zeros((C1,), jnp.float32)
    for t in range(T):
        xt = buf[t]
        h1f = _dot(m_ref[0], xt, _HI)
        h2f = _dot(m_ref[0], h1f, _HI)
        h1b = _dot(m_ref[1], xt, _HI)
        h2b = _dot(m_ref[1], h1b, _HI)
        d1 = _dot(m_ref[2], xt)
        d2 = _dot(m_ref[2], d1)
        xs = _dot(jnp.concatenate([xt, h1f, h2f, h1b, h2b], axis=1),
                  dw_ref[...]) + db_ref[...]
        xd = _dot(jnp.concatenate([d1, d2], axis=1), nw_ref[...]) + nb_ref[...]
        yt = xs + xd + res[t]
        y1_ref[0, t] = yt
        su = su + jnp.sum(yt, axis=0)
        sq = sq + jnp.sum(yt * yt, axis=0)
    S = jnp.stack([su, sq], axis=0)

    @pl.when(b == 0)
    def _():
        st_ref[...] = S

    @pl.when(b != 0)
    def _():
        st_ref[...] = st_ref[...] + S


def _block1(x, encW, encb, ne, lw1, wt1, bt1, sk1W, sk1b, M, dw, db, nw, nb):
    full = lambda a: pl.BlockSpec(a.shape, lambda b: (0,) * a.ndim)
    return pl.pallas_call(
        _block1_body,
        grid=(B,),
        in_specs=[
            pl.BlockSpec((1, T, N, F), lambda b: (b, 0, 0, 0)),
            full(encW), full(encb), full(ne), full(lw1), full(wt1), full(bt1),
            full(sk1W), full(sk1b), full(M), full(dw), full(db), full(nw),
            full(nb),
        ],
        out_specs=[
            pl.BlockSpec((1, T, N, C1), lambda b: (b, 0, 0, 0)),
            pl.BlockSpec((1, N, FF), lambda b: (b, 0, 0)),
            pl.BlockSpec((2, C1), lambda b: (0, 0)),
        ],
        out_shape=[
            jax.ShapeDtypeStruct((B, T, N, C1), jnp.float32),
            jax.ShapeDtypeStruct((B, N, FF), jnp.float32),
            jax.ShapeDtypeStruct((2, C1), jnp.float32),
        ],
        scratch_shapes=[
            pltpu.VMEM((T, N, C1), jnp.float32),
            pltpu.VMEM((T, N, C1), jnp.float32),
            pltpu.VMEM((T, N, C1), jnp.float32),
        ],
    )(x, encW, encb, ne, lw1, wt1, bt1, sk1W, sk1b, M, dw, db, nw, nb)


def _block2_body(y1_ref, st_ref, ga_ref, be_ref, lw2_ref, wt_ref, bt_ref,
                 sk2W_ref, sk2b_ref, c1s_ref, roW1_ref, rob1_ref,
                 roW2_ref, rob2_ref, yo_ref, buf, buf2):
    cnt = float(B * T * N)
    mu = st_ref[0] / cnt
    var = st_ref[1] / cnt - mu * mu
    sd = jnp.sqrt(var + 1e-5)
    ga = ga_ref[0]
    be = be_ref[0]
    lw2 = lw2_ref[...]
    for t in range(T):
        xn = (y1_ref[0, t] - mu[None]) / sd[None] * ga[None] + be[None]
        xc = jnp.concatenate([xn, lw2], axis=1)
        buf[t] = _dot(xc, wt_ref[0]) + bt_ref[0][None]
    _lif_scan(buf, C2)
    for l in range(1, 3):
        for t in range(T):
            buf2[t] = _dot(buf[t], wt_ref[l]) + bt_ref[l][None]
        _lif_scan(buf2, C2)
        buf, buf2 = buf2, buf
    out11 = _dot(buf[11], sk2W_ref[...]) + sk2b_ref[...] + c1s_ref[0]
    h0 = jnp.maximum(out11, 0.0)
    h1 = jnp.maximum(_dot(h0, roW1_ref[...]) + rob1_ref[...], 0.0)
    yo_ref[0] = _dot(h1, roW2_ref[...]) + rob2_ref[...]


def _block2(y1, stats, ga, be, lw2, wt2, bt2, sk2W, sk2b, c1s,
            roW1, rob1, roW2, rob2):
    full = lambda a: pl.BlockSpec(a.shape, lambda b: (0,) * a.ndim)
    return pl.pallas_call(
        _block2_body,
        grid=(B,),
        in_specs=[
            pl.BlockSpec((1, T, N, C1), lambda b: (b, 0, 0, 0)),
            full(stats), full(ga), full(be), full(lw2), full(wt2), full(bt2),
            full(sk2W), full(sk2b),
            pl.BlockSpec((1, N, FF), lambda b: (b, 0, 0)),
            full(roW1), full(rob1), full(roW2), full(rob2),
        ],
        out_specs=pl.BlockSpec((1, N, HORIZON * F_OUT), lambda b: (b, 0, 0)),
        out_shape=jax.ShapeDtypeStruct((B, N, HORIZON * F_OUT), jnp.float32),
        scratch_shapes=[
            pltpu.VMEM((T, N, C2), jnp.float32),
            pltpu.VMEM((T, N, C2), jnp.float32),
        ],
    )(y1, stats, ga, be, lw2, wt2, bt2, sk2W, sk2b, c1s, roW1, rob1, roW2, rob2)


def kernel(x, edge_index, edge_weight, params):
    p = params
    bp1, bp2 = p['blocks'][0], p['blocks'][1]
    f32 = jnp.float32

    E = edge_weight.shape[0]
    src = jnp.zeros((EP,), jnp.int32).at[:E].set(edge_index[0])
    dst = jnp.zeros((EP,), jnp.int32).at[:E].set(edge_index[1])
    w = jnp.zeros((EP,), f32).at[:E].set(edge_weight)
    apart = _sc_scatter(src, dst, w, jnp.zeros((NNP,), f32))
    apart = jnp.stack([apart[:NN], apart[NNP:NNP + NN]]).reshape(2, N, N)

    M = _prep(apart)
    adj = jax.nn.softmax(jax.nn.relu(p['src_emb'] @ p['tgt_emb'].T), axis=1)
    M = jnp.concatenate([M, adj[None]], axis=0)

    wt1 = jnp.stack([W for (W, _) in bp1['temporal']])
    bt1 = jnp.stack([bb for (_, bb) in bp1['temporal']])

    y1, c1s, stats = _block1(
        x, p['enc_W'], p['enc_b'][None, :], p['node_emb'], bp1['lw'],
        wt1, bt1, bp1['skip_W'], bp1['skip_b'][None, :], M,
        bp1['diff_W'], bp1['diff_b'][None, :],
        bp1['dense_W'], bp1['dense_b'][None, :])

    wt2 = jnp.stack([W for (W, _) in bp2['temporal']])
    bt2 = jnp.stack([bb for (_, bb) in bp2['temporal']])
    yo = _block2(y1, stats, bp1['gamma'][None, :], bp1['beta'][None, :],
                 bp2['lw'], wt2, bt2, bp2['skip_W'], bp2['skip_b'][None, :],
                 c1s, p['ro_W1'], p['ro_b1'][None, :],
                 p['ro_W2'], p['ro_b2'][None, :])

    return yo.reshape(B, N, HORIZON, F_OUT).transpose(0, 2, 1, 3)

# --- scband reference (transcript-rebuilt; emitter-appended) ---
"""Pipeline reference for scband-temporal-synaptic-learnable-weights-47648367182494 (READ-ONLY COPY).

The authoritative reference and input builder live on the scoring server;
editing this copy changes nothing except your own understanding.
"""

import jax, jax.numpy as jnp
import numpy as np

ALPHA = 0.9
BETA = 0.8
THRESH = 1.0
HORIZON = 12
F_OUT = 2


def _spike(v):
    # heaviside forward, atan surrogate gradient (snntorch-style)
    s = jnp.arctan(jnp.pi * v) / jnp.pi + 0.5
    return jax.lax.stop_gradient((v > 0.0).astype(v.dtype) - s) + s


def _synaptic_chain(x, layers):
    # x: [b, t, n, c]; each layer: Linear + Synaptic (2nd-order LIF) recurrence over time
    for (W, b) in layers:
        cur = x @ W + b
        cur_t = jnp.moveaxis(cur, 1, 0)  # [t, b, n, c]
        z = jnp.zeros_like(cur_t[0])
        init = (z, z, z)

        def step(carry, I):
            syn, mem, spk = carry
            syn = ALPHA * syn + I
            mem = BETA * mem + syn - spk * THRESH
            spk = _spike(mem - THRESH)
            return (syn, mem, spk), spk

        _, spks = jax.lax.scan(step, init, cur_t)
        x = jnp.moveaxis(spks, 0, 1)
    return x


def _propagate(h, src, dst, wn):
    # h: [b, t, n, c]; gather src rows, scatter-add into dst rows
    msg = jnp.take(h, src, axis=2) * wn[None, None, :, None]
    return jnp.zeros_like(h).at[:, :, dst, :].add(msg)


def _diff_conv(x, src, dst, w, n, W, b, k=2):
    deg_dst = jnp.zeros((n,), x.dtype).at[dst].add(w)
    deg_src = jnp.zeros((n,), x.dtype).at[src].add(w)
    wn_f = w / jnp.where(deg_dst[dst] > 0, deg_dst[dst], 1.0)
    wn_b = w / jnp.where(deg_src[src] > 0, deg_src[src], 1.0)
    outs = [x]
    h = x
    for _ in range(k):
        h = _propagate(h, src, dst, wn_f)
        outs.append(h)
    h = x
    for _ in range(k):
        h = _propagate(h, dst, src, wn_b)
        outs.append(h)
    return jnp.concatenate(outs, axis=-1) @ W + b


def _dense_conv_k(x, adj, W, b, order=2):
    outs = []
    h = x
    for _ in range(order):
        h = jnp.einsum('mn,btnf->btmf', adj, h)
        outs.append(h)
    return jnp.concatenate(outs, axis=-1) @ W + b


def _batch_norm(x, gamma, beta, eps=1e-5):
    mean = x.mean(axis=(0, 1, 2), keepdims=True)
    var = x.var(axis=(0, 1, 2), keepdims=True)
    return (x - mean) / jnp.sqrt(var + eps) * gamma + beta


def _forward(x, edge_index, edge_weight, params):
    p = params
    src = edge_index[0]
    dst = edge_index[1]
    n = p['node_emb'].shape[0]
    x = x @ p['enc_W'] + p['enc_b']
    x = x + p['node_emb']
    logits = jax.nn.relu(p['src_emb'] @ p['tgt_emb'].T)
    adj = jax.nn.softmax(logits, axis=1)
    out = jnp.zeros((1, x.shape[1], 1, 1), x.dtype)
    for bp in p['blocks']:
        bsz, t = x.shape[0], x.shape[1]
        lw = jnp.broadcast_to(bp['lw'], (bsz, t) + bp['lw'].shape)
        x = jnp.concatenate([x, lw], axis=-1)
        res = x
        x = _synaptic_chain(x, bp['temporal'])
        out = x @ bp['skip_W'] + bp['skip_b'] + out[:, -x.shape[1]:]
        xs = _diff_conv(x, src, dst, edge_weight, n, bp['diff_W'], bp['diff_b'], k=2)
        xd = _dense_conv_k(x, adj, bp['dense_W'], bp['dense_b'], order=2)
        x = xs + xd
        x = x + res[:, -x.shape[1]:]
        x = _batch_norm(x, bp['gamma'], bp['beta'])
    h = jax.nn.relu(out)[:, -1]  # MLPDecoder with receptive_field=1: take last step
    h = jax.nn.relu(h @ p['ro_W1'] + p['ro_b1'])
    y = h @ p['ro_W2'] + p['ro_b2']
    b_, n_ = y.shape[0], y.shape[1]
    y = y.reshape(b_, n_, HORIZON, F_OUT).transpose(0, 2, 1, 3)
    return y


def setup_inputs(seed: int = 0):
    key = jax.random.key(seed)
    ks = list(jax.random.split(key, 48))
    it = iter(ks)

    def nxt():
        return next(it)

    B, T, N, F = 16, 12, 325, 2
    H, FF, LW = 64, 64, 32
    E = 2600

    def lin(k, fin, fout):
        W = jax.random.normal(k, (fin, fout), jnp.float32) / np.sqrt(fin)
        b = jnp.zeros((fout,), jnp.float32)
        return W, b

    x = jax.random.normal(nxt(), (B, T, N, F), jnp.float32)
    edge_index = jax.random.randint(nxt(), (2, E), 0, N, dtype=jnp.int32)
    edge_weight = jax.random.uniform(nxt(), (E,), jnp.float32)

    enc_W, enc_b = lin(nxt(), F, H)
    node_emb = jax.random.normal(nxt(), (N, H), jnp.float32) * 0.1
    src_emb = jax.random.normal(nxt(), (N, H), jnp.float32) * 0.1
    tgt_emb = jax.random.normal(nxt(), (N, H), jnp.float32) * 0.1

    blocks = []
    for i in range(2):
        C = H + (i + 1) * LW
        lw = jax.random.normal(nxt(), (N, LW), jnp.float32) * 0.1
        temporal = [lin(nxt(), C, C) for _ in range(3)]
        diff_W, diff_b = lin(nxt(), 5 * C, C)
        dense_W, dense_b = lin(nxt(), 2 * C, C)
        skip_W, skip_b = lin(nxt(), C, FF)
        blocks.append(dict(lw=lw, temporal=temporal, diff_W=diff_W, diff_b=diff_b,
                           dense_W=dense_W, dense_b=dense_b, skip_W=skip_W, skip_b=skip_b,
                           gamma=jnp.ones((C,), jnp.float32), beta=jnp.zeros((C,), jnp.float32)))

    ro_W1, ro_b1 = lin(nxt(), FF, 2 * FF)
    ro_W2, ro_b2 = lin(nxt(), 2 * FF, HORIZON * F_OUT)

    params = dict(enc_W=enc_W, enc_b=enc_b, node_emb=node_emb, src_emb=src_emb,
                  tgt_emb=tgt_emb, blocks=blocks, ro_W1=ro_W1, ro_b1=ro_b1,
                  ro_W2=ro_W2, ro_b2=ro_b2)
    return {'x': x, 'edge_index': edge_index, 'edge_weight': edge_weight, 'params': params}


def reference(x, edge_index, edge_weight, params):
    return _forward(x, edge_index, edge_weight, params)

if __name__ == "__main__":
    import jax
    _d = setup_inputs()
    print(jax.jit(kernel)(*tuple(_d.values())))

</pallas_src>

<mosaic_0001>
#map = affine_map<(d0, d1) -> (0)>
module attributes {stable_mosaic.version = 14 : i64} {
  func.func @_sc_scatter_body(%arg0: i32, %arg1: i32, %arg2: memref<3072xi32, #tpu.memory_space<hbm>>, %arg3: memref<3072xi32, #tpu.memory_space<hbm>>, %arg4: memref<3072xf32, #tpu.memory_space<hbm>>, %arg5: memref<105728xf32, #tpu.memory_space<hbm>>, %arg6: memref<211456xf32, #tpu.memory_space<hbm>>, %arg7: memref<105728xf32, #tpu.memory_space<vmem_shared>>, %arg8: memref<96xi32, #tpu.memory_space<vmem>>, %arg9: memref<96xi32, #tpu.memory_space<vmem>>, %arg10: memref<96xf32, #tpu.memory_space<vmem>>, %arg11: memref<96xi32, #tpu.memory_space<vmem>>, %arg12: memref<6608xf32, #tpu.memory_space<vmem>>) attributes {dimension_semantics = [#tpu.dimension_semantics<core_parallel>, #tpu.dimension_semantics<subcore_parallel>], iteration_bounds = array<i64: 2, 16>, scalar_prefetch = 0 : i64, scratch_operands = 6 : i64, tpu.core_type = #tpu.core_type<sc_vector_subcore>, window_params = [{transform_indices = #map}, {transform_indices = #map}, {transform_indices = #map}, {transform_indices = #map}, {transform_indices = #map}]} {
    %mul3A = arith.constant 6608 : i32
    %mul3A_0 = arith.muli %arg1, %mul3A : i32
    "tpu.region"() ({
      %run_scoped3A = tpu.sem_alloc : memref<!tpu.dma_semaphore, #tpu.memory_space<semaphore_mem>>
      %dma_start3A = tpu.memref_slice %arg5[%mul3A_0] : memref<105728xf32, #tpu.memory_space<hbm>> -> memref<6608xf32, #tpu.memory_space<hbm>>
      %dma_start3A_97 = tpu.memref_slice %arg5[%mul3A_0] : memref<105728xf32, #tpu.memory_space<hbm>> -> memref<6608xf32, #tpu.memory_space<hbm>>
      tpu.enqueue_dma source(%dma_start3A_97 : memref<6608xf32, #tpu.memory_space<hbm>>) target(%arg12 : memref<6608xf32, #tpu.memory_space<vmem>>) target_semaphore(%run_scoped3A : memref<!tpu.dma_semaphore, #tpu.memory_space<semaphore_mem>>)
      %dma_wait3A = tpu.memref_slice %arg5[%mul3A_0] : memref<105728xf32, #tpu.memory_space<hbm>> -> memref<6608xf32, #tpu.memory_space<hbm>>
      %dma_wait3A_98 = tpu.memref_slice %arg5[%mul3A_0] : memref<105728xf32, #tpu.memory_space<hbm>> -> memref<6608xf32, #tpu.memory_space<hbm>>
      tpu.wait_dma2 semaphore(%run_scoped3A : memref<!tpu.dma_semaphore, #tpu.memory_space<semaphore_mem>>) src(%dma_wait3A_98 : memref<6608xf32, #tpu.memory_space<hbm>>) dst(%arg12 : memref<6608xf32, #tpu.memory_space<vmem>>)
      tpu.yield
    }) : () -> ()
    %mul3A_1 = arith.constant 6608 : i32
    %mul3A_2 = arith.muli %arg1, %mul3A_1 : i32
    "tpu.region"() ({
      %run_scoped3A = tpu.sem_alloc : memref<!tpu.dma_semaphore, #tpu.memory_space<semaphore_mem>>
      %dma_start3A = tpu.memref_slice %arg7[%mul3A_2] : memref<105728xf32, #tpu.memory_space<vmem_shared>> -> memref<6608xf32, #tpu.memory_space<vmem_shared>>
      %dma_start3A_97 = tpu.memref_slice %arg7[%mul3A_2] : memref<105728xf32, #tpu.memory_space<vmem_shared>> -> memref<6608xf32, #tpu.memory_space<vmem_shared>>
      tpu.enqueue_dma source(%arg12 : memref<6608xf32, #tpu.memory_space<vmem>>) target(%dma_start3A_97 : memref<6608xf32, #tpu.memory_space<vmem_shared>>) target_semaphore(%run_scoped3A : memref<!tpu.dma_semaphore, #tpu.memory_space<semaphore_mem>>)
      %dma_wait3A = tpu.memref_slice %arg7[%mul3A_2] : memref<105728xf32, #tpu.memory_space<vmem_shared>> -> memref<6608xf32, #tpu.memory_space<vmem_shared>>
      %dma_wait3A_98 = tpu.memref_slice %arg7[%mul3A_2] : memref<105728xf32, #tpu.memory_space<vmem_shared>> -> memref<6608xf32, #tpu.memory_space<vmem_shared>>
      tpu.wait_dma2 semaphore(%run_scoped3A : memref<!tpu.dma_semaphore, #tpu.memory_space<semaphore_mem>>) src(%arg12 : memref<6608xf32, #tpu.memory_space<vmem>>) dst(%dma_wait3A_98 : memref<6608xf32, #tpu.memory_space<vmem_shared>>)
      tpu.yield
    }) : () -> ()
    %mul3A_3 = arith.constant 16 : i32
    %mul3A_4 = arith.muli %arg0, %mul3A_3 : i32
    %add3A = arith.addi %mul3A_4, %arg1 : i32
    %mul3A_5 = arith.constant 96 : i32
    %mul3A_6 = arith.muli %add3A, %mul3A_5 : i32
    "tpu.region"() ({
      %run_scoped3A = tpu.sem_alloc : memref<!tpu.dma_semaphore, #tpu.memory_space<semaphore_mem>>
      %dma_start3A = tpu.memref_slice %arg2[%mul3A_6] : memref<3072xi32, #tpu.memory_space<hbm>> -> memref<96xi32, #tpu.memory_space<hbm>>
      %dma_start3A_97 = tpu.memref_slice %arg2[%mul3A_6] : memref<3072xi32, #tpu.memory_space<hbm>> -> memref<96xi32, #tpu.memory_space<hbm>>
      tpu.enqueue_dma source(%dma_start3A_97 : memref<96xi32, #tpu.memory_space<hbm>>) target(%arg8 : memref<96xi32, #tpu.memory_space<vmem>>) target_semaphore(%run_scoped3A : memref<!tpu.dma_semaphore, #tpu.memory_space<semaphore_mem>>)
      %dma_wait3A = tpu.memref_slice %arg2[%mul3A_6] : memref<3072xi32, #tpu.memory_space<hbm>> -> memref<96xi32, #tpu.memory_space<hbm>>
      %dma_wait3A_98 = tpu.memref_slice %arg2[%mul3A_6] : memref<3072xi32, #tpu.memory_space<hbm>> -> memref<96xi32, #tpu.memory_space<hbm>>
      tpu.wait_dma2 semaphore(%run_scoped3A : memref<!tpu.dma_semaphore, #tpu.memory_space<semaphore_mem>>) src(%dma_wait3A_98 : memref<96xi32, #tpu.memory_space<hbm>>) dst(%arg8 : memref<96xi32, #tpu.memory_space<vmem>>)
      tpu.yield
    }) : () -> ()
    "tpu.region"() ({
      %run_scoped3A = tpu.sem_alloc : memref<!tpu.dma_semaphore, #tpu.memory_space<semaphore_mem>>
      %dma_start3A = tpu.memref_slice %arg3[%mul3A_6] : memref<3072xi32, #tpu.memory_space<hbm>> -> memref<96xi32, #tpu.memory_space<hbm>>
      %dma_start3A_97 = tpu.memref_slice %arg3[%mul3A_6] : memref<3072xi32, #tpu.memory_space<hbm>> -> memref<96xi32, #tpu.memory_space<hbm>>
      tpu.enqueue_dma source(%dma_start3A_97 : memref<96xi32, #tpu.memory_space<hbm>>) target(%arg9 : memref<96xi32, #tpu.memory_space<vmem>>) target_semaphore(%run_scoped3A : memref<!tpu.dma_semaphore, #tpu.memory_space<semaphore_mem>>)
      %dma_wait3A = tpu.memref_slice %arg3[%mul3A_6] : memref<3072xi32, #tpu.memory_space<hbm>> -> memref<96xi32, #tpu.memory_space<hbm>>
      %dma_wait3A_98 = tpu.memref_slice %arg3[%mul3A_6] : memref<3072xi32, #tpu.memory_space<hbm>> -> memref<96xi32, #tpu.memory_space<hbm>>
      tpu.wait_dma2 semaphore(%run_scoped3A : memref<!tpu.dma_semaphore, #tpu.memory_space<semaphore_mem>>) src(%dma_wait3A_98 : memref<96xi32, #tpu.memory_space<hbm>>) dst(%arg9 : memref<96xi32, #tpu.memory_space<vmem>>)
      tpu.yield
    }) : () -> ()
    "tpu.region"() ({
      %run_scoped3A = tpu.sem_alloc : memref<!tpu.dma_semaphore, #tpu.memory_space<semaphore_mem>>
      %dma_start3A = tpu.memref_slice %arg4[%mul3A_6] : memref<3072xf32, #tpu.memory_space<hbm>> -> memref<96xf32, #tpu.memory_space<hbm>>
      %dma_start3A_97 = tpu.memref_slice %arg4[%mul3A_6] : memref<3072xf32, #tpu.memory_space<hbm>> -> memref<96xf32, #tpu.memory_space<hbm>>
      tpu.enqueue_dma source(%dma_start3A_97 : memref<96xf32, #tpu.memory_space<hbm>>) target(%arg10 : memref<96xf32, #tpu.memory_space<vmem>>) target_semaphore(%run_scoped3A : memref<!tpu.dma_semaphore, #tpu.memory_space<semaphore_mem>>)
      %dma_wait3A = tpu.memref_slice %arg4[%mul3A_6] : memref<3072xf32, #tpu.memory_space<hbm>> -> memref<96xf32, #tpu.memory_space<hbm>>
      %dma_wait3A_98 = tpu.memref_slice %arg4[%mul3A_6] : memref<3072xf32, #tpu.memory_space<hbm>> -> memref<96xf32, #tpu.memory_space<hbm>>
      tpu.wait_dma2 semaphore(%run_scoped3A : memref<!tpu.dma_semaphore, #tpu.memory_space<semaphore_mem>>) src(%dma_wait3A_98 : memref<96xf32, #tpu.memory_space<hbm>>) dst(%arg10 : memref<96xf32, #tpu.memory_space<vmem>>)
      tpu.yield
    }) : () -> ()
    %get3A = arith.constant 0 : index
    %get3A_7 = tpu.vector_load %arg9[%get3A] {strides = array<i32>} : memref<96xi32, #tpu.memory_space<vmem>>, vector<16xi32>,
    %get3A_8 = vector.shape_cast %get3A_7 : vector<16xi32> to vector<16xi32>
    %get3A_9 = arith.constant 0 : index
    %get3A_10 = tpu.vector_load %arg8[%get3A_9] {strides = array<i32>} : memref<96xi32, #tpu.memory_space<vmem>>, vector<16xi32>,
    %get3A_11 = vector.shape_cast %get3A_10 : vector<16xi32> to vector<16xi32>
    %mul3A_12 = arith.constant 325 : i32
    %mul3A_13 = vector.broadcast %mul3A_12 : i32 to vector<16xi32>
    %mul3A_14 = arith.muli %get3A_8, %mul3A_13 : vector<16xi32>
    %add3A_15 = arith.addi %mul3A_14, %get3A_11 : vector<16xi32>
    %swap3A = arith.constant 0 : index
    %swap3A_16 = tpu.vector_load %arg11[%swap3A] {strides = array<i32>} : memref<96xi32, #tpu.memory_space<vmem>>, vector<16xi32>,
    %swap3A_17 = vector.shape_cast %swap3A_16 : vector<16xi32> to vector<16xi32>
    %swap3A_18 = vector.shape_cast %add3A_15 : vector<16xi32> to vector<16xi32>
    tpu.vector_store %arg11[%swap3A], %swap3A_18 {strides = array<i32>} : memref<96xi32, #tpu.memory_space<vmem>>, vector<16xi32>,
    %get3A_19 = arith.constant 16 : index
    %get3A_20 = tpu.vector_load %arg9[%get3A_19] {strides = array<i32>} : memref<96xi32, #tpu.memory_space<vmem>>, vector<16xi32>,
    %get3A_21 = vector.shape_cast %get3A_20 : vector<16xi32> to vector<16xi32>
    %get3A_22 = arith.constant 16 : index
    %get3A_23 = tpu.vector_load %arg8[%get3A_22] {strides = array<i32>} : memref<96xi32, #tpu.memory_space<vmem>>, vector<16xi32>,
    %get3A_24 = vector.shape_cast %get3A_23 : vector<16xi32> to vector<16xi32>
    %mul3A_25 = arith.constant 325 : i32
    %mul3A_26 = vector.broadcast %mul3A_25 : i32 to vector<16xi32>
    %mul3A_27 = arith.muli %get3A_21, %mul3A_26 : vector<16xi32>
    %add3A_28 = arith.addi %mul3A_27, %get3A_24 : vector<16xi32>
    %swap3A_29 = arith.constant 16 : index
    %swap3A_30 = tpu.vector_load %arg11[%swap3A_29] {strides = array<i32>} : memref<96xi32, #tpu.memory_space<vmem>>, vector<16xi32>,
    %swap3A_31 = vector.shape_cast %swap3A_30 : vector<16xi32> to vector<16xi32>
    %swap3A_32 = vector.shape_cast %add3A_28 : vector<16xi32> to vector<16xi32>
    tpu.vector_store %arg11[%swap3A_29], %swap3A_32 {strides = array<i32>} : memref<96xi32, #tpu.memory_space<vmem>>, vector<16xi32>,
    %get3A_33 = arith.constant 32 : index
    %get3A_34 = tpu.vector_load %arg9[%get3A_33] {strides = array<i32>} : memref<96xi32, #tpu.memory_space<vmem>>, vector<16xi32>,
    %get3A_35 = vector.shape_cast %get3A_34 : vector<16xi32> to vector<16xi32>
    %get3A_36 = arith.constant 32 : index
    %get3A_37 = tpu.vector_load %arg8[%get3A_36] {strides = array<i32>} : memref<96xi32, #tpu.memory_space<vmem>>, vector<16xi32>,
    %get3A_38 = vector.shape_cast %get3A_37 : vector<16xi32> to vector<16xi32>
    %mul3A_39 = arith.constant 325 : i32
    %mul3A_40 = vector.broadcast %mul3A_39 : i32 to vector<16xi32>
    %mul3A_41 = arith.muli %get3A_35, %mul3A_40 : vector<16xi32>
    %add3A_42 = arith.addi %mul3A_41, %get3A_38 : vector<16xi32>
    %swap3A_43 = arith.constant 32 : index
    %swap3A_44 = tpu.vector_load %arg11[%swap3A_43] {strides = array<i32>} : memref<96xi32, #tpu.memory_space<vmem>>, vector<16xi32>,
    %swap3A_45 = vector.shape_cast %swap3A_44 : vector<16xi32> to vector<16xi32>
    %swap3A_46 = vector.shape_cast %add3A_42 : vector<16xi32> to vector<16xi32>
    tpu.vector_store %arg11[%swap3A_43], %swap3A_46 {strides = array<i32>} : memref<96xi32, #tpu.memory_space<vmem>>, vector<16xi32>,
    %get3A_47 = arith.constant 48 : index
    %get3A_48 = tpu.vector_load %arg9[%get3A_47] {strides = array<i32>} : memref<96xi32, #tpu.memory_space<vmem>>, vector<16xi32>,
    %get3A_49 = vector.shape_cast %get3A_48 : vector<16xi32> to vector<16xi32>
    %get3A_50 = arith.constant 48 : index
    %get3A_51 = tpu.vector_load %arg8[%get3A_50] {strides = array<i32>} : memref<96xi32, #tpu.memory_space<vmem>>, vector<16xi32>,
    %get3A_52 = vector.shape_cast %get3A_51 : vector<16xi32> to vector<16xi32>
    %mul3A_53 = arith.constant 325 : i32
    %mul3A_54 = vector.broadcast %mul3A_53 : i32 to vector<16xi32>
    %mul3A_55 = arith.muli %get3A_49, %mul3A_54 : vector<16xi32>
    %add3A_56 = arith.addi %mul3A_55, %get3A_52 : vector<16xi32>
    %swap3A_57 = arith.constant 48 : index
    %swap3A_58 = tpu.vector_load %arg11[%swap3A_57] {strides = array<i32>} : memref<96xi32, #tpu.memory_space<vmem>>, vector<16xi32>,
    %swap3A_59 = vector.shape_cast %swap3A_58 : vector<16xi32> to vector<16xi32>
    %swap3A_60 = vector.shape_cast %add3A_56 : vector<16xi32> to vector<16xi32>
    tpu.vector_store %arg11[%swap3A_57], %swap3A_60 {strides = array<i32>} : memref<96xi32, #tpu.memory_space<vmem>>, vector<16xi32>,
    %get3A_61 = arith.constant 64 : index
    %get3A_62 = tpu.vector_load %arg9[%get3A_61] {strides = array<i32>} : memref<96xi32, #tpu.memory_space<vmem>>, vector<16xi32>,
    %get3A_63 = vector.shape_cast %get3A_62 : vector<16xi32> to vector<16xi32>
    %get3A_64 = arith.constant 64 : index
    %get3A_65 = tpu.vector_load %arg8[%get3A_64] {strides = array<i32>} : memref<96xi32, #tpu.memory_space<vmem>>, vector<16xi32>,
    %get3A_66 = vector.shape_cast %get3A_65 : vector<16xi32> to vector<16xi32>
    %mul3A_67 = arith.constant 325 : i32
    %mul3A_68 = vector.broadcast %mul3A_67 : i32 to vector<16xi32>
    %mul3A_69 = arith.muli %get3A_63, %mul3A_68 : vector<16xi32>
    %add3A_70 = arith.addi %mul3A_69, %get3A_66 : vector<16xi32>
    %swap3A_71 = arith.constant 64 : index
    %swap3A_72 = tpu.vector_load %arg11[%swap3A_71] {strides = array<i32>} : memref<96xi32, #tpu.memory_space<vmem>>, vector<16xi32>,
    %swap3A_73 = vector.shape_cast %swap3A_72 : vector<16xi32> to vector<16xi32>
    %swap3A_74 = vector.shape_cast %add3A_70 : vector<16xi32> to vector<16xi32>
    tpu.vector_store %arg11[%swap3A_71], %swap3A_74 {strides = array<i32>} : memref<96xi32, #tpu.memory_space<vmem>>, vector<16xi32>,
    %get3A_75 = arith.constant 80 : index
    %get3A_76 = tpu.vector_load %arg9[%get3A_75] {strides = array<i32>} : memref<96xi32, #tpu.memory_space<vmem>>, vector<16xi32>,
    %get3A_77 = vector.shape_cast %get3A_76 : vector<16xi32> to vector<16xi32>
    %get3A_78 = arith.constant 80 : index
    %get3A_79 = tpu.vector_load %arg8[%get3A_78] {strides = array<i32>} : memref<96xi32, #tpu.memory_space<vmem>>, vector<16xi32>,
    %get3A_80 = vector.shape_cast %get3A_79 : vector<16xi32> to vector<16xi32>
    %mul3A_81 = arith.constant 325 : i32
    %mul3A_82 = vector.broadcast %mul3A_81 : i32 to vector<16xi32>
    %mul3A_83 = arith.muli %get3A_77, %mul3A_82 : vector<16xi32>
    %add3A_84 = arith.addi %mul3A_83, %get3A_80 : vector<16xi32>
    %swap3A_85 = arith.constant 80 : index
    %swap3A_86 = tpu.vector_load %arg11[%swap3A_85] {strides = array<i32>} : memref<96xi32, #tpu.memory_space<vmem>>, vector<16xi32>,
    %swap3A_87 = vector.shape_cast %swap3A_86 : vector<16xi32> to vector<16xi32>
    %swap3A_88 = vector.shape_cast %add3A_84 : vector<16xi32> to vector<16xi32>
    tpu.vector_store %arg11[%swap3A_85], %swap3A_88 {strides = array<i32>} : memref<96xi32, #tpu.memory_space<vmem>>, vector<16xi32>,
    %barrier3A = arith.constant 0 : index
    tpu.barrier barrier_id(%barrier3A)
    "tpu.region"() ({
      %run_scoped3A = tpu.sem_alloc : memref<!tpu.dma_semaphore, #tpu.memory_space<semaphore_mem>>
      %dma_start3A = arith.constant 0 : i32
      %dma_start3A_97 = tpu.memref_slice %arg7[%dma_start3A] : memref<105728xf32, #tpu.memory_space<vmem_shared>> -> memref<105728xf32, #tpu.memory_space<vmem_shared>>
      tpu.enqueue_indirect_dma source(%arg10 : memref<96xf32, #tpu.memory_space<vmem>>) target(%dma_start3A_97 : memref<105728xf32, #tpu.memory_space<vmem_shared>>) offsets(%arg11 : memref<96xi32, #tpu.memory_space<vmem>>) semaphore(%run_scoped3A : memref<!tpu.dma_semaphore, #tpu.memory_space<semaphore_mem>>) {add = true}
      %dma_wait3A = arith.constant 0 : i32
      %dma_wait3A_98 = tpu.memref_slice %arg7[%dma_wait3A] : memref<105728xf32, #tpu.memory_space<vmem_shared>> -> memref<105728xf32, #tpu.memory_space<vmem_shared>>
      tpu.wait_indirect_dma semaphore(%run_scoped3A : memref<!tpu.dma_semaphore, #tpu.memory_space<semaphore_mem>>) src(%arg10 : memref<96xf32, #tpu.memory_space<vmem>>) dst(%dma_wait3A_98 : memref<105728xf32, #tpu.memory_space<vmem_shared>>)
      tpu.yield
    }) : () -> ()
    %barrier3A_89 = arith.constant 0 : index
    tpu.barrier barrier_id(%barrier3A_89)
    %mul3A_90 = arith.constant 6608 : i32
    %mul3A_91 = arith.muli %arg1, %mul3A_90 : i32
    "tpu.region"() ({
      %run_scoped3A = tpu.sem_alloc : memref<!tpu.dma_semaphore, #tpu.memory_space<semaphore_mem>>
      %dma_start3A = tpu.memref_slice %arg7[%mul3A_91] : memref<105728xf32, #tpu.memory_space<vmem_shared>> -> memref<6608xf32, #tpu.memory_space<vmem_shared>>
      %dma_start3A_97 = tpu.memref_slice %arg7[%mul3A_91] : memref<105728xf32, #tpu.memory_space<vmem_shared>> -> memref<6608xf32, #tpu.memory_space<vmem_shared>>
      tpu.enqueue_dma source(%dma_start3A_97 : memref<6608xf32, #tpu.memory_space<vmem_shared>>) target(%arg12 : memref<6608xf32, #tpu.memory_space<vmem>>) target_semaphore(%run_scoped3A : memref<!tpu.dma_semaphore, #tpu.memory_space<semaphore_mem>>)
      %dma_wait3A = tpu.memref_slice %arg7[%mul3A_91] : memref<105728xf32, #tpu.memory_space<vmem_shared>> -> memref<6608xf32, #tpu.memory_space<vmem_shared>>
      %dma_wait3A_98 = tpu.memref_slice %arg7[%mul3A_91] : memref<105728xf32, #tpu.memory_space<vmem_shared>> -> memref<6608xf32, #tpu.memory_space<vmem_shared>>
      tpu.wait_dma2 semaphore(%run_scoped3A : memref<!tpu.dma_semaphore, #tpu.memory_space<semaphore_mem>>) src(%dma_wait3A_98 : memref<6608xf32, #tpu.memory_space<vmem_shared>>) dst(%arg12 : memref<6608xf32, #tpu.memory_space<vmem>>)
      tpu.yield
    }) : () -> ()
    %mul3A_92 = arith.constant 105728 : i32
    %mul3A_93 = arith.muli %arg0, %mul3A_92 : i32
    %mul3A_94 = arith.constant 6608 : i32
    %mul3A_95 = arith.muli %arg1, %mul3A_94 : i32
    %add3A_96 = arith.addi %mul3A_93, %mul3A_95 : i32
    "tpu.region"() ({
      %run_scoped3A = tpu.sem_alloc : memref<!tpu.dma_semaphore, #tpu.memory_space<semaphore_mem>>
      %dma_start3A = tpu.memref_slice %arg6[%add3A_96] : memref<211456xf32, #tpu.memory_space<hbm>> -> memref<6608xf32, #tpu.memory_space<hbm>>
      %dma_start3A_97 = tpu.memref_slice %arg6[%add3A_96] : memref<211456xf32, #tpu.memory_space<hbm>> -> memref<6608xf32, #tpu.memory_space<hbm>>
      tpu.enqueue_dma source(%arg12 : memref<6608xf32, #tpu.memory_space<vmem>>) target(%dma_start3A_97 : memref<6608xf32, #tpu.memory_space<hbm>>) target_semaphore(%run_scoped3A : memref<!tpu.dma_semaphore, #tpu.memory_space<semaphore_mem>>)
      %dma_wait3A = tpu.memref_slice %arg6[%add3A_96] : memref<211456xf32, #tpu.memory_space<hbm>> -> memref<6608xf32, #tpu.memory_space<hbm>>
      %dma_wait3A_98 = tpu.memref_slice %arg6[%add3A_96] : memref<211456xf32, #tpu.memory_space<hbm>> -> memref<6608xf32, #tpu.memory_space<hbm>>
      tpu.wait_dma2 semaphore(%run_scoped3A : memref<!tpu.dma_semaphore, #tpu.memory_space<semaphore_mem>>) src(%arg12 : memref<6608xf32, #tpu.memory_space<vmem>>) dst(%dma_wait3A_98 : memref<6608xf32, #tpu.memory_space<hbm>>)
      tpu.yield
    }) : () -> ()
    return
  }
}

module attributes {stable_mosaic.version = 14 : i64} {
  func.func @_prep_body(%arg0: memref<2x325x325xf32, #tpu.memory_space<vmem>>, %arg1: memref<2x325x325xf32, #tpu.memory_space<vmem>>) attributes {dimension_semantics = [], scalar_prefetch = 0 : i64, scratch_operands = 0 : i64, tpu.core_type = #tpu.core_type<tc>} {
    %get3A = arith.constant 0 : index
    %get3A_0 = arith.constant 0 : index
    %get3A_1 = arith.constant 0 : index
    %get3A_2 = vector.load %arg0[%get3A, %get3A_0, %get3A_1] : memref<2x325x325xf32, #tpu.memory_space<vmem>>, vector<1x325x325xf32>
    %get3A_3 = vector.shape_cast %get3A_2 : vector<1x325x325xf32> to vector<325x325xf32>
    %get3A_4 = arith.constant 1 : index
    %get3A_5 = arith.constant 0 : index
    %get3A_6 = arith.constant 0 : index
    %get3A_7 = vector.load %arg0[%get3A_4, %get3A_5, %get3A_6] : memref<2x325x325xf32, #tpu.memory_space<vmem>>, vector<1x325x325xf32>
    %get3A_8 = vector.shape_cast %get3A_7 : vector<1x325x325xf32> to vector<325x325xf32>
    %add3A = arith.addf %get3A_3, %get3A_8 : vector<325x325xf32>
    %reduce_sum3A = arith.constant dense<0.000000e+00> : vector<325xf32>
    %reduce_sum3A_9 = vector.multi_reduction <add>, %add3A, %reduce_sum3A [1] : vector<325x325xf32> to vector<325xf32>
    %broadcast_in_dim3A = vector.shape_cast %reduce_sum3A_9 : vector<325xf32> to vector<325x1xf32>
    %gt3A = arith.constant 0.000000e+00 : f32
    %gt3A_10 = vector.broadcast %gt3A : f32 to vector<325x1xf32>
    %gt3A_11 = arith.cmpf ogt, %broadcast_in_dim3A, %gt3A_10 : vector<325x1xf32>
    %jit3A = arith.constant 1.000000e+00 : f32
    %broadcast_in_dim3A_12 = vector.broadcast %jit3A : f32 to vector<325x1xf32>
    %select_n3A = arith.select %gt3A_11, %broadcast_in_dim3A, %broadcast_in_dim3A_12 : vector<325x1xi1>, vector<325x1xf32>
    %div3A = vector.broadcast %select_n3A : vector<325x1xf32> to vector<325x325xf32>
    %div3A_13 = arith.divf %add3A, %div3A : vector<325x325xf32>
    %reduce_sum3A_14 = arith.constant dense<0.000000e+00> : vector<325xf32>
    %reduce_sum3A_15 = vector.multi_reduction <add>, %add3A, %reduce_sum3A_14 [0] : vector<325x325xf32> to vector<325xf32>
    %broadcast_in_dim3A_16 = vector.shape_cast %reduce_sum3A_15 : vector<325xf32> to vector<1x325xf32>
    %gt3A_17 = arith.constant 0.000000e+00 : f32
    %gt3A_18 = vector.broadcast %gt3A_17 : f32 to vector<1x325xf32>
    %gt3A_19 = arith.cmpf ogt, %broadcast_in_dim3A_16, %gt3A_18 : vector<1x325xf32>
    %jit3A_20 = arith.constant 1.000000e+00 : f32
    %broadcast_in_dim3A_21 = vector.broadcast %jit3A_20 : f32 to vector<1x325xf32>
    %select_n3A_22 = arith.select %gt3A_19, %broadcast_in_dim3A_16, %broadcast_in_dim3A_21 : vector<1x325xi1>, vector<1x325xf32>
    %div3A_23 = vector.broadcast %select_n3A_22 : vector<1x325xf32> to vector<325x325xf32>
    %div3A_24 = arith.divf %add3A, %div3A_23 : vector<325x325xf32>
    %transpose3A = tpu.transpose %div3A_24, [1, 0] : vector<325x325xf32> -> vector<325x325xf32>
    %swap3A = arith.constant 0 : index
    %swap3A_25 = arith.constant 0 : index
    %swap3A_26 = arith.constant 0 : index
    %swap3A_27 = vector.load %arg1[%swap3A, %swap3A_25, %swap3A_26] : memref<2x325x325xf32, #tpu.memory_space<vmem>>, vector<1x325x325xf32>
    %swap3A_28 = vector.shape_cast %swap3A_27 : vector<1x325x325xf32> to vector<325x325xf32>
    %swap3A_29 = vector.shape_cast %div3A_13 : vector<325x325xf32> to vector<1x325x325xf32>
    tpu.vector_store %arg1[%swap3A, %swap3A_25, %swap3A_26], %swap3A_29 {strides = array<i32>} : memref<2x325x325xf32, #tpu.memory_space<vmem>>, vector<1x325x325xf32>,
    %swap3A_30 = arith.constant 1 : index
    %swap3A_31 = arith.constant 0 : index
    %swap3A_32 = arith.constant 0 : index
    %swap3A_33 = vector.load %arg1[%swap3A_30, %swap3A_31, %swap3A_32] : memref<2x325x325xf32, #tpu.memory_space<vmem>>, vector<1x325x325xf32>
    %swap3A_34 = vector.shape_cast %swap3A_33 : vector<1x325x325xf32> to vector<325x325xf32>
    %swap3A_35 = vector.shape_cast %transpose3A : vector<325x325xf32> to vector<1x325x325xf32>
    tpu.vector_store %arg1[%swap3A_30, %swap3A_31, %swap3A_32], %swap3A_35 {strides = array<i32>} : memref<2x325x325xf32, #tpu.memory_space<vmem>>, vector<1x325x325xf32>,
    return
  }
}

module attributes {stable_mosaic.version = 14 : i64} {
  func.func @_block1_body(%arg0: i32, %arg1: memref<1x12x325x2xf32, #tpu.memory_space<vmem>>, %arg2: memref<2x64xf32, #tpu.memory_space<vmem>>, %arg3: memref<1x64xf32, #tpu.memory_space<vmem>>, %arg4: memref<325x64xf32, #tpu.memory_space<vmem>>, %arg5: memref<325x32xf32, #tpu.memory_space<vmem>>, %arg6: memref<3x96x96xf32, #tpu.memory_space<vmem>>, %arg7: memref<3x96xf32, #tpu.memory_space<vmem>>, %arg8: memref<96x64xf32, #tpu.memory_space<vmem>>, %arg9: memref<1x64xf32, #tpu.memory_space<vmem>>, %arg10: memref<3x325x325xf32, #tpu.memory_space<vmem>>, %arg11: memref<480x96xf32, #tpu.memory_space<vmem>>, %arg12: memref<1x96xf32, #tpu.memory_space<vmem>>, %arg13: memref<192x96xf32, #tpu.memory_space<vmem>>, %arg14: memref<1x96xf32, #tpu.memory_space<vmem>>, %arg15: memref<1x12x325x96xf32, #tpu.memory_space<vmem>>, %arg16: memref<1x325x64xf32, #tpu.memory_space<vmem>>, %arg17: memref<2x96xf32, #tpu.memory_space<vmem>>, %arg18: memref<12x325x96xf32, #tpu.memory_space<vmem>>, %arg19: memref<12x325x96xf32, #tpu.memory_space<vmem>>, %arg20: memref<12x325x96xf32, #tpu.memory_space<vmem>>) attributes {dimension_semantics = [#tpu.dimension_semantics<arbitrary>], iteration_bounds = array<i64: 16>, scalar_prefetch = 0 : i64, scratch_operands = 3 : i64, tpu.core_type = #tpu.core_type<tc>, window_params = [{transform_indices = @transform_0, window_bounds = array<i64: 1, 12, 325, 2>}, {pipeline_mode = #tpu.pipeline_mode<synchronous>, transform_indices = @transform_1, window_bounds = array<i64: 2, 64>}, {pipeline_mode = #tpu.pipeline_mode<synchronous>, transform_indices = @transform_2, window_bounds = array<i64: 1, 64>}, {pipeline_mode = #tpu.pipeline_mode<synchronous>, transform_indices = @transform_3, window_bounds = array<i64: 325, 64>}, {pipeline_mode = #tpu.pipeline_mode<synchronous>, transform_indices = @transform_4, window_bounds = array<i64: 325, 32>}, {pipeline_mode = #tpu.pipeline_mode<synchronous>, transform_indices = @transform_5, window_bounds = array<i64: 3, 96, 96>}, {pipeline_mode = #tpu.pipeline_mode<synchronous>, transform_indices = @transform_6, window_bounds = array<i64: 3, 96>}, {pipeline_mode = #tpu.pipeline_mode<synchronous>, transform_indices = @transform_7, window_bounds = array<i64: 96, 64>}, {pipeline_mode = #tpu.pipeline_mode<synchronous>, transform_indices = @transform_8, window_bounds = array<i64: 1, 64>}, {pipeline_mode = #tpu.pipeline_mode<synchronous>, transform_indices = @transform_9, window_bounds = array<i64: 3, 325, 325>}, {pipeline_mode = #tpu.pipeline_mode<synchronous>, transform_indices = @transform_10, window_bounds = array<i64: 480, 96>}, {pipeline_mode = #tpu.pipeline_mode<synchronous>, transform_indices = @transform_11, window_bounds = array<i64: 1, 96>}, {pipeline_mode = #tpu.pipeline_mode<synchronous>, transform_indices = @transform_12, window_bounds = array<i64: 192, 96>}, {pipeline_mode = #tpu.pipeline_mode<synchronous>, transform_indices = @transform_13, window_bounds = array<i64: 1, 96>}, {transform_indices = @transform_14, window_bounds = array<i64: 1, 12, 325, 96>}, {transform_indices = @transform_15, window_bounds = array<i64: 1, 325, 64>}, {pipeline_mode = #tpu.pipeline_mode<synchronous>, transform_indices = @transform_16, window_bounds = array<i64: 2, 96>}]} {
    %get3A = arith.constant 0 : index
    %get3A_0 = arith.constant 0 : index
    %get3A_1 = vector.load %arg5[%get3A, %get3A_0] : memref<325x32xf32, #tpu.memory_space<vmem>>, vector<325x32xf32>
    %get3A_2 = arith.constant 0 : index
    %get3A_3 = arith.constant 0 : index
    %get3A_4 = arith.constant 0 : index
    %get3A_5 = arith.constant 0 : index
    %get3A_6 = vector.load %arg1[%get3A_2, %get3A_3, %get3A_4, %get3A_5] : memref<1x12x325x2xf32, #tpu.memory_space<vmem>>, vector<1x1x325x2xf32>
    %get3A_7 = vector.shape_cast %get3A_6 : vector<1x1x325x2xf32> to vector<325x2xf32>
    %get3A_8 = arith.constant 0 : index
    %get3A_9 = arith.constant 0 : index
    %get3A_10 = vector.load %arg2[%get3A_8, %get3A_9] : memref<2x64xf32, #tpu.memory_space<vmem>>, vector<2x64xf32>
    %dot_general3A = arith.constant dense<0.000000e+00> : vector<325x64xf32>
    %dot_general3A_11 = tpu.matmul %get3A_7, %get3A_10, %dot_general3A {dimension_numbers = #tpu.dot_dimension_numbers<[1], [0], [0], [1], [0, 0, 1, 1], [], []>, transpose_lhs_hint = false} : vector<325x2xf32>, vector<2x64xf32>, vector<325x64xf32> -> vector<325x64xf32>
    %get3A_12 = arith.constant 0 : index
    %get3A_13 = arith.constant 0 : index
    %get3A_14 = vector.load %arg3[%get3A_12, %get3A_13] : memref<1x64xf32, #tpu.memory_space<vmem>>, vector<1x64xf32>
    %add3A = vector.broadcast %get3A_14 : vector<1x64xf32> to vector<325x64xf32>
    %add3A_15 = arith.addf %dot_general3A_11, %add3A : vector<325x64xf32>
    %get3A_16 = arith.constant 0 : index
    %get3A_17 = arith.constant 0 : index
    %get3A_18 = vector.load %arg4[%get3A_16, %get3A_17] : memref<325x64xf32, #tpu.memory_space<vmem>>, vector<325x64xf32>
    %add3A_19 = arith.addf %add3A_15, %get3A_18 : vector<325x64xf32>
    %concatenate3A = tpu.concatenate %add3A_19, %get3A_1 in 1 : vector<325x64xf32>, vector<325x32xf32> -> vector<325x96xf32>
    %swap3A = arith.constant 0 : index
    %swap3A_20 = arith.constant 0 : index
    %swap3A_21 = arith.constant 0 : index
    %swap3A_22 = vector.load %arg18[%swap3A, %swap3A_20, %swap3A_21] : memref<12x325x96xf32, #tpu.memory_space<vmem>>, vector<1x325x96xf32>
    %swap3A_23 = vector.shape_cast %swap3A_22 : vector<1x325x96xf32> to vector<325x96xf32>
    %swap3A_24 = vector.shape_cast %concatenate3A : vector<325x96xf32> to vector<1x325x96xf32>
    tpu.vector_store %arg18[%swap3A, %swap3A_20, %swap3A_21], %swap3A_24 {strides = array<i32>} : memref<12x325x96xf32, #tpu.memory_space<vmem>>, vector<1x325x96xf32>,
    %get3A_25 = arith.constant 0 : index
    %get3A_26 = arith.constant 1 : index
    %get3A_27 = arith.constant 0 : index
    %get3A_28 = arith.constant 0 : index
    %get3A_29 = vector.load %arg1[%get3A_25, %get3A_26, %get3A_27, %get3A_28] : memref<1x12x325x2xf32, #tpu.memory_space<vmem>>, vector<1x1x325x2xf32>
    %get3A_30 = vector.shape_cast %get3A_29 : vector<1x1x325x2xf32> to vector<325x2xf32>
    %get3A_31 = arith.constant 0 : index
    %get3A_32 = arith.constant 0 : index
    %get3A_33 = vector.load %arg2[%get3A_31, %get3A_32] : memref<2x64xf32, #tpu.memory_space<vmem>>, vector<2x64xf32>
    %dot_general3A_34 = arith.constant dense<0.000000e+00> : vector<325x64xf32>
    %dot_general3A_35 = tpu.matmul %get3A_30, %get3A_33, %dot_general3A_34 {dimension_numbers = #tpu.dot_dimension_numbers<[1], [0], [0], [1], [0, 0, 1, 1], [], []>, transpose_lhs_hint = false} : vector<325x2xf32>, vector<2x64xf32>, vector<325x64xf32> -> vector<325x64xf32>
    %get3A_36 = arith.constant 0 : index
    %get3A_37 = arith.constant 0 : index
    %get3A_38 = vector.load %arg3[%get3A_36, %get3A_37] : memref<1x64xf32, #tpu.memory_space<vmem>>, vector<1x64xf32>
    %add3A_39 = vector.broadcast %get3A_38 : vector<1x64xf32> to vector<325x64xf32>
    %add3A_40 = arith.addf %dot_general3A_35, %add3A_39 : vector<325x64xf32>
    %get3A_41 = arith.constant 0 : index
    %get3A_42 = arith.constant 0 : index
    %get3A_43 = vector.load %arg4[%get3A_41, %get3A_42] : memref<325x64xf32, #tpu.memory_space<vmem>>, vector<325x64xf32>
    %add3A_44 = arith.addf %add3A_40, %get3A_43 : vector<325x64xf32>
    %concatenate3A_45 = tpu.concatenate %add3A_44, %get3A_1 in 1 : vector<325x64xf32>, vector<325x32xf32> -> vector<325x96xf32>
    %swap3A_46 = arith.constant 1 : index
    %swap3A_47 = arith.constant 0 : index
    %swap3A_48 = arith.constant 0 : index
    %swap3A_49 = vector.load %arg18[%swap3A_46, %swap3A_47, %swap3A_48] : memref<12x325x96xf32, #tpu.memory_space<vmem>>, vector<1x325x96xf32>
    %swap3A_50 = vector.shape_cast %swap3A_49 : vector<1x325x96xf32> to vector<325x96xf32>
    %swap3A_51 = vector.shape_cast %concatenate3A_45 : vector<325x96xf32> to vector<1x325x96xf32>
    tpu.vector_store %arg18[%swap3A_46, %swap3A_47, %swap3A_48], %swap3A_51 {strides = array<i32>} : memref<12x325x96xf32, #tpu.memory_space<vmem>>, vector<1x325x96xf32>,
    %get3A_52 = arith.constant 0 : index
    %get3A_53 = arith.constant 2 : index
    %get3A_54 = arith.constant 0 : index
    %get3A_55 = arith.constant 0 : index
    %get3A_56 = vector.load %arg1[%get3A_52, %get3A_53, %get3A_54, %get3A_55] : memref<1x12x325x2xf32, #tpu.memory_space<vmem>>, vector<1x1x325x2xf32>
    %get3A_57 = vector.shape_cast %get3A_56 : vector<1x1x325x2xf32> to vector<325x2xf32>
    %get3A_58 = arith.constant 0 : index
    %get3A_59 = arith.constant 0 : index
    %get3A_60 = vector.load %arg2[%get3A_58, %get3A_59] : memref<2x64xf32, #tpu.memory_space<vmem>>, vector<2x64xf32>
    %dot_general3A_61 = arith.constant dense<0.000000e+00> : vector<325x64xf32>
    %dot_general3A_62 = tpu.matmul %get3A_57, %get3A_60, %dot_general3A_61 {dimension_numbers = #tpu.dot_dimension_numbers<[1], [0], [0], [1], [0, 0, 1, 1], [], []>, transpose_lhs_hint = false} : vector<325x2xf32>, vector<2x64xf32>, vector<325x64xf32> -> vector<325x64xf32>
    %get3A_63 = arith.constant 0 : index
    %get3A_64 = arith.constant 0 : index
    %get3A_65 = vector.load %arg3[%get3A_63, %get3A_64] : memref<1x64xf32, #tpu.memory_space<vmem>>, vector<1x64xf32>
    %add3A_66 = vector.broadcast %get3A_65 : vector<1x64xf32> to vector<325x64xf32>
    %add3A_67 = arith.addf %dot_general3A_62, %add3A_66 : vector<325x64xf32>
    %get3A_68 = arith.constant 0 : index
    %get3A_69 = arith.constant 0 : index
    %get3A_70 = vector.load %arg4[%get3A_68, %get3A_69] : memref<325x64xf32, #tpu.memory_space<vmem>>, vector<325x64xf32>
    %add3A_71 = arith.addf %add3A_67, %get3A_70 : vector<325x64xf32>
    %concatenate3A_72 = tpu.concatenate %add3A_71, %get3A_1 in 1 : vector<325x64xf32>, vector<325x32xf32> -> vector<325x96xf32>
    %swap3A_73 = arith.constant 2 : index
    %swap3A_74 = arith.constant 0 : index
    %swap3A_75 = arith.constant 0 : index
    %swap3A_76 = vector.load %arg18[%swap3A_73, %swap3A_74, %swap3A_75] : memref<12x325x96xf32, #tpu.memory_space<vmem>>, vector<1x325x96xf32>
    %swap3A_77 = vector.shape_cast %swap3A_76 : vector<1x325x96xf32> to vector<325x96xf32>
    %swap3A_78 = vector.shape_cast %concatenate3A_72 : vector<325x96xf32> to vector<1x325x96xf32>
    tpu.vector_store %arg18[%swap3A_73, %swap3A_74, %swap3A_75], %swap3A_78 {strides = array<i32>} : memref<12x325x96xf32, #tpu.memory_space<vmem>>, vector<1x325x96xf32>,
    %get3A_79 = arith.constant 0 : index
    %get3A_80 = arith.constant 3 : index
    %get3A_81 = arith.constant 0 : index
    %get3A_82 = arith.constant 0 : index
    %get3A_83 = vector.load %arg1[%get3A_79, %get3A_80, %get3A_81, %get3A_82] : memref<1x12x325x2xf32, #tpu.memory_space<vmem>>, vector<1x1x325x2xf32>
    %get3A_84 = vector.shape_cast %get3A_83 : vector<1x1x325x2xf32> to vector<325x2xf32>
    %get3A_85 = arith.constant 0 : index
    %get3A_86 = arith.constant 0 : index
    %get3A_87 = vector.load %arg2[%get3A_85, %get3A_86] : memref<2x64xf32, #tpu.memory_space<vmem>>, vector<2x64xf32>
    %dot_general3A_88 = arith.constant dense<0.000000e+00> : vector<325x64xf32>
    %dot_general3A_89 = tpu.matmul %get3A_84, %get3A_87, %dot_general3A_88 {dimension_numbers = #tpu.dot_dimension_numbers<[1], [0], [0], [1], [0, 0, 1, 1], [], []>, transpose_lhs_hint = false} : vector<325x2xf32>, vector<2x64xf32>, vector<325x64xf32> -> vector<325x64xf32>
    %get3A_90 = arith.constant 0 : index
    %get3A_91 = arith.constant 0 : index
    %get3A_92 = vector.load %arg3[%get3A_90, %get3A_91] : memref<1x64xf32, #tpu.memory_space<vmem>>, vector<1x64xf32>
    %add3A_93 = vector.broadcast %get3A_92 : vector<1x64xf32> to vector<325x64xf32>
    %add3A_94 = arith.addf %dot_general3A_89, %add3A_93 : vector<325x64xf32>
    %get3A_95 = arith.constant 0 : index
    %get3A_96 = arith.constant 0 : index
    %get3A_97 = vector.load %arg4[%get3A_95, %get3A_96] : memref<325x64xf32, #tpu.memory_space<vmem>>, vector<325x64xf32>
    %add3A_98 = arith.addf %add3A_94, %get3A_97 : vector<325x64xf32>
    %concatenate3A_99 = tpu.concatenate %add3A_98, %get3A_1 in 1 : vector<325x64xf32>, vector<325x32xf32> -> vector<325x96xf32>
    %swap3A_100 = arith.constant 3 : index
    %swap3A_101 = arith.constant 0 : index
    %swap3A_102 = arith.constant 0 : index
    %swap3A_103 = vector.load %arg18[%swap3A_100, %swap3A_101, %swap3A_102] : memref<12x325x96xf32, #tpu.memory_space<vmem>>, vector<1x325x96xf32>
    %swap3A_104 = vector.shape_cast %swap3A_103 : vector<1x325x96xf32> to vector<325x96xf32>
    %swap3A_105 = vector.shape_cast %concatenate3A_99 : vector<325x96xf32> to vector<1x325x96xf32>
    tpu.vector_store %arg18[%swap3A_100, %swap3A_101, %swap3A_102], %swap3A_105 {strides = array<i32>} : memref<12x325x96xf32, #tpu.memory_space<vmem>>, vector<1x325x96xf32>,
    %get3A_106 = arith.constant 0 : index
    %get3A_107 = arith.constant 4 : index
    %get3A_108 = arith.constant 0 : index
    %get3A_109 = arith.constant 0 : index
    %get3A_110 = vector.load %arg1[%get3A_106, %get3A_107, %get3A_108, %get3A_109] : memref<1x12x325x2xf32, #tpu.memory_space<vmem>>, vector<1x1x325x2xf32>
    %get3A_111 = vector.shape_cast %get3A_110 : vector<1x1x325x2xf32> to vector<325x2xf32>
    %get3A_112 = arith.constant 0 : index
    %get3A_113 = arith.constant 0 : index
    %get3A_114 = vector.load %arg2[%get3A_112, %get3A_113] : memref<2x64xf32, #tpu.memory_space<vmem>>, vector<2x64xf32>
    %dot_general3A_115 = arith.constant dense<0.000000e+00> : vector<325x64xf32>
    %dot_general3A_116 = tpu.matmul %get3A_111, %get3A_114, %dot_general3A_115 {dimension_numbers = #tpu.dot_dimension_numbers<[1], [0], [0], [1], [0, 0, 1, 1], [], []>, transpose_lhs_hint = false} : vector<325x2xf32>, vector<2x64xf32>, vector<325x64xf32> -> vector<325x64xf32>
    %get3A_117 = arith.constant 0 : index
    %get3A_118 = arith.constant 0 : index
    %get3A_119 = vector.load %arg3[%get3A_117, %get3A_118] : memref<1x64xf32, #tpu.memory_space<vmem>>, vector<1x64xf32>
    %add3A_120 = vector.broadcast %get3A_119 : vector<1x64xf32> to vector<325x64xf32>
    %add3A_121 = arith.addf %dot_general3A_116, %add3A_120 : vector<325x64xf32>
    %get3A_122 = arith.constant 0 : index
    %get3A_123 = arith.constant 0 : index
    %get3A_124 = vector.load %arg4[%get3A_122, %get3A_123] : memref<325x64xf32, #tpu.memory_space<vmem>>, vector<325x64xf32>
    %add3A_125 = arith.addf %add3A_121, %get3A_124 : vector<325x64xf32>
    %concatenate3A_126 = tpu.concatenate %add3A_125, %get3A_1 in 1 : vector<325x64xf32>, vector<325x32xf32> -> vector<325x96xf32>
    %swap3A_127 = arith.constant 4 : index
    %swap3A_128 = arith.constant 0 : index
    %swap3A_129 = arith.constant 0 : index
    %swap3A_130 = vector.load %arg18[%swap3A_127, %swap3A_128, %swap3A_129] : memref<12x325x96xf32, #tpu.memory_space<vmem>>, vector<1x325x96xf32>
    %swap3A_131 = vector.shape_cast %swap3A_130 : vector<1x325x96xf32> to vector<325x96xf32>
    %swap3A_132 = vector.shape_cast %concatenate3A_126 : vector<325x96xf32> to vector<1x325x96xf32>
    tpu.vector_store %arg18[%swap3A_127, %swap3A_128, %swap3A_129], %swap3A_132 {strides = array<i32>} : memref<12x325x96xf32, #tpu.memory_space<vmem>>, vector<1x325x96xf32>,
    %get3A_133 = arith.constant 0 : index
    %get3A_134 = arith.constant 5 : index
    %get3A_135 = arith.constant 0 : index
    %get3A_136 = arith.constant 0 : index
    %get3A_137 = vector.load %arg1[%get3A_133, %get3A_134, %get3A_135, %get3A_136] : memref<1x12x325x2xf32, #tpu.memory_space<vmem>>, vector<1x1x325x2xf32>
    %get3A_138 = vector.shape_cast %get3A_137 : vector<1x1x325x2xf32> to vector<325x2xf32>
    %get3A_139 = arith.constant 0 : index
    %get3A_140 = arith.constant 0 : index
    %get3A_141 = vector.load %arg2[%get3A_139, %get3A_140] : memref<2x64xf32, #tpu.memory_space<vmem>>, vector<2x64xf32>
    %dot_general3A_142 = arith.constant dense<0.000000e+00> : vector<325x64xf32>
    %dot_general3A_143 = tpu.matmul %get3A_138, %get3A_141, %dot_general3A_142 {dimension_numbers = #tpu.dot_dimension_numbers<[1], [0], [0], [1], [0, 0, 1, 1], [], []>, transpose_lhs_hint = false} : vector<325x2xf32>, vector<2x64xf32>, vector<325x64xf32> -> vector<325x64xf32>
    %get3A_144 = arith.constant 0 : index
    %get3A_145 = arith.constant 0 : index
    %get3A_146 = vector.load %arg3[%get3A_144, %get3A_145] : memref<1x64xf32, #tpu.memory_space<vmem>>, vector<1x64xf32>
    %add3A_147 = vector.broadcast %get3A_146 : vector<1x64xf32> to vector<325x64xf32>
    %add3A_148 = arith.addf %dot_general3A_143, %add3A_147 : vector<325x64xf32>
    %get3A_149 = arith.constant 0 : index
    %get3A_150 = arith.constant 0 : index
    %get3A_151 = vector.load %arg4[%get3A_149, %get3A_150] : memref<325x64xf32, #tpu.memory_space<vmem>>, vector<325x64xf32>
    %add3A_152 = arith.addf %add3A_148, %get3A_151 : vector<325x64xf32>
    %concatenate3A_153 = tpu.concatenate %add3A_152, %get3A_1 in 1 : vector<325x64xf32>, vector<325x32xf32> -> vector<325x96xf32>
    %swap3A_154 = arith.constant 5 : index
    %swap3A_155 = arith.constant 0 : index
    %swap3A_156 = arith.constant 0 : index
    %swap3A_157 = vector.load %arg18[%swap3A_154, %swap3A_155, %swap3A_156] : memref<12x325x96xf32, #tpu.memory_space<vmem>>, vector<1x325x96xf32>
    %swap3A_158 = vector.shape_cast %swap3A_157 : vector<1x325x96xf32> to vector<325x96xf32>
    %swap3A_159 = vector.shape_cast %concatenate3A_153 : vector<325x96xf32> to vector<1x325x96xf32>
    tpu.vector_store %arg18[%swap3A_154, %swap3A_155, %swap3A_156], %swap3A_159 {strides = array<i32>} : memref<12x325x96xf32, #tpu.memory_space<vmem>>, vector<1x325x96xf32>,
    %get3A_160 = arith.constant 0 : index
    %get3A_161 = arith.constant 6 : index
    %get3A_162 = arith.constant 0 : index
    %get3A_163 = arith.constant 0 : index
    %get3A_164 = vector.load %arg1[%get3A_160, %get3A_161, %get3A_162, %get3A_163] : memref<1x12x325x2xf32, #tpu.memory_space<vmem>>, vector<1x1x325x2xf32>
    %get3A_165 = vector.shape_cast %get3A_164 : vector<1x1x325x2xf32> to vector<325x2xf32>
    %get3A_166 = arith.constant 0 : index
    %get3A_167 = arith.constant 0 : index
    %get3A_168 = vector.load %arg2[%get3A_166, %get3A_167] : memref<2x64xf32, #tpu.memory_space<vmem>>, vector<2x64xf32>
    %dot_general3A_169 = arith.constant dense<0.000000e+00> : vector<325x64xf32>
    %dot_general3A_170 = tpu.matmul %get3A_165, %get3A_168, %dot_general3A_169 {dimension_numbers = #tpu.dot_dimension_numbers<[1], [0], [0], [1], [0, 0, 1, 1], [], []>, transpose_lhs_hint = false} : vector<325x2xf32>, vector<2x64xf32>, vector<325x64xf32> -> vector<325x64xf32>
    %get3A_171 = arith.constant 0 : index
    %get3A_172 = arith.constant 0 : index
    %get3A_173 = vector.load %arg3[%get3A_171, %get3A_172] : memref<1x64xf32, #tpu.memory_space<vmem>>, vector<1x64xf32>
    %add3A_174 = vector.broadcast %get3A_173 : vector<1x64xf32> to vector<325x64xf32>
    %add3A_175 = arith.addf %dot_general3A_170, %add3A_174 : vector<325x64xf32>
    %get3A_176 = arith.constant 0 : index
    %get3A_177 = arith.constant 0 : index
    %get3A_178 = vector.load %arg4[%get3A_176, %get3A_177] : memref<325x64xf32, #tpu.memory_space<vmem>>, vector<325x64xf32>
    %add3A_179 = arith.addf %add3A_175, %get3A_178 : vector<325x64xf32>
    %concatenate3A_180 = tpu.concatenate %add3A_179, %get3A_1 in 1 : vector<325x64xf32>, vector<325x32xf32> -> vector<325x96xf32>
    %swap3A_181 = arith.constant 6 : index
    %swap3A_182 = arith.constant 0 : index
    %swap3A_183 = arith.constant 0 : index
    %swap3A_184 = vector.load %arg18[%swap3A_181, %swap3A_182, %swap3A_183] : memref<12x325x96xf32, #tpu.memory_space<vmem>>, vector<1x325x96xf32>
    %swap3A_185 = vector.shape_cast %swap3A_184 : vector<1x325x96xf32> to vector<325x96xf32>
    %swap3A_186 = vector.shape_cast %concatenate3A_180 : vector<325x96xf32> to vector<1x325x96xf32>
    tpu.vector_store %arg18[%swap3A_181, %swap3A_182, %swap3A_183], %swap3A_186 {strides = array<i32>} : memref<12x325x96xf32, #tpu.memory_space<vmem>>, vector<1x325x96xf32>,
    %get3A_187 = arith.constant 0 : index
    %get3A_188 = arith.constant 7 : index
    %get3A_189 = arith.constant 0 : index
    %get3A_190 = arith.constant 0 : index
    %get3A_191 = vector.load %arg1[%get3A_187, %get3A_188, %get3A_189, %get3A_190] : memref<1x12x325x2xf32, #tpu.memory_space<vmem>>, vector<1x1x325x2xf32>
    %get3A_192 = vector.shape_cast %get3A_191 : vector<1x1x325x2xf32> to vector<325x2xf32>
    %get3A_193 = arith.constant 0 : index
    %get3A_194 = arith.constant 0 : index
    %get3A_195 = vector.load %arg2[%get3A_193, %get3A_194] : memref<2x64xf32, #tpu.memory_space<vmem>>, vector<2x64xf32>
    %dot_general3A_196 = arith.constant dense<0.000000e+00> : vector<325x64xf32>
    %dot_general3A_197 = tpu.matmul %get3A_192, %get3A_195, %dot_general3A_196 {dimension_numbers = #tpu.dot_dimension_numbers<[1], [0], [0], [1], [0, 0, 1, 1], [], []>, transpose_lhs_hint = false} : vector<325x2xf32>, vector<2x64xf32>, vector<325x64xf32> -> vector<325x64xf32>
    %get3A_198 = arith.constant 0 : index
    %get3A_199 = arith.constant 0 : index
    %get3A_200 = vector.load %arg3[%get3A_198, %get3A_199] : memref<1x64xf32, #tpu.memory_space<vmem>>, vector<1x64xf32>
    %add3A_201 = vector.broadcast %get3A_200 : vector<1x64xf32> to vector<325x64xf32>
    %add3A_202 = arith.addf %dot_general3A_197, %add3A_201 : vector<325x64xf32>
    %get3A_203 = arith.constant 0 : index
    %get3A_204 = arith.constant 0 : index
    %get3A_205 = vector.load %arg4[%get3A_203, %get3A_204] : memref<325x64xf32, #tpu.memory_space<vmem>>, vector<325x64xf32>
    %add3A_206 = arith.addf %add3A_202, %get3A_205 : vector<325x64xf32>
    %concatenate3A_207 = tpu.concatenate %add3A_206, %get3A_1 in 1 : vector<325x64xf32>, vector<325x32xf32> -> vector<325x96xf32>
    %swap3A_208 = arith.constant 7 : index
    %swap3A_209 = arith.constant 0 : index
    %swap3A_210 = arith.constant 0 : index
    %swap3A_211 = vector.load %arg18[%swap3A_208, %swap3A_209, %swap3A_210] : memref<12x325x96xf32, #tpu.memory_space<vmem>>, vector<1x325x96xf32>
    %swap3A_212 = vector.shape_cast %swap3A_211 : vector<1x325x96xf32> to vector<325x96xf32>
    %swap3A_213 = vector.shape_cast %concatenate3A_207 : vector<325x96xf32> to vector<1x325x96xf32>
    tpu.vector_store %arg18[%swap3A_208, %swap3A_209, %swap3A_210], %swap3A_213 {strides = array<i32>} : memref<12x325x96xf32, #tpu.memory_space<vmem>>, vector<1x325x96xf32>,
    %get3A_214 = arith.constant 0 : index
    %get3A_215 = arith.constant 8 : index
    %get3A_216 = arith.constant 0 : index
    %get3A_217 = arith.constant 0 : index
    %get3A_218 = vector.load %arg1[%get3A_214, %get3A_215, %get3A_216, %get3A_217] : memref<1x12x325x2xf32, #tpu.memory_space<vmem>>, vector<1x1x325x2xf32>
    %get3A_219 = vector.shape_cast %get3A_218 : vector<1x1x325x2xf32> to vector<325x2xf32>
    %get3A_220 = arith.constant 0 : index
    %get3A_221 = arith.constant 0 : index
    %get3A_222 = vector.load %arg2[%get3A_220, %get3A_221] : memref<2x64xf32, #tpu.memory_space<vmem>>, vector<2x64xf32>
    %dot_general3A_223 = arith.constant dense<0.000000e+00> : vector<325x64xf32>
    %dot_general3A_224 = tpu.matmul %get3A_219, %get3A_222, %dot_general3A_223 {dimension_numbers = #tpu.dot_dimension_numbers<[1], [0], [0], [1], [0, 0, 1, 1], [], []>, transpose_lhs_hint = false} : vector<325x2xf32>, vector<2x64xf32>, vector<325x64xf32> -> vector<325x64xf32>
    %get3A_225 = arith.constant 0 : index
    %get3A_226 = arith.constant 0 : index
    %get3A_227 = vector.load %arg3[%get3A_225, %get3A_226] : memref<1x64xf32, #tpu.memory_space<vmem>>, vector<1x64xf32>
    %add3A_228 = vector.broadcast %get3A_227 : vector<1x64xf32> to vector<325x64xf32>
    %add3A_229 = arith.addf %dot_general3A_224, %add3A_228 : vector<325x64xf32>
    %get3A_230 = arith.constant 0 : index
    %get3A_231 = arith.constant 0 : index
    %get3A_232 = vector.load %arg4[%get3A_230, %get3A_231] : memref<325x64xf32, #tpu.memory_space<vmem>>, vector<325x64xf32>
    %add3A_233 = arith.addf %add3A_229, %get3A_232 : vector<325x64xf32>
    %concatenate3A_234 = tpu.concatenate %add3A_233, %get3A_1 in 1 : vector<325x64xf32>, vector<325x32xf32> -> vector<325x96xf32>
    %swap3A_235 = arith.constant 8 : index
    %swap3A_236 = arith.constant 0 : index
    %swap3A_237 = arith.constant 0 : index
    %swap3A_238 = vector.load %arg18[%swap3A_235, %swap3A_236, %swap3A_237] : memref<12x325x96xf32, #tpu.memory_space<vmem>>, vector<1x325x96xf32>
    %swap3A_239 = vector.shape_cast %swap3A_238 : vector<1x325x96xf32> to vector<325x96xf32>
    %swap3A_240 = vector.shape_cast %concatenate3A_234 : vector<325x96xf32> to vector<1x325x96xf32>
    tpu.vector_store %arg18[%swap3A_235, %swap3A_236, %swap3A_237], %swap3A_240 {strides = array<i32>} : memref<12x325x96xf32, #tpu.memory_space<vmem>>, vector<1x325x96xf32>,
    %get3A_241 = arith.constant 0 : index
    %get3A_242 = arith.constant 9 : index
    %get3A_243 = arith.constant 0 : index
    %get3A_244 = arith.constant 0 : index
    %get3A_245 = vector.load %arg1[%get3A_241, %get3A_242, %get3A_243, %get3A_244] : memref<1x12x325x2xf32, #tpu.memory_space<vmem>>, vector<1x1x325x2xf32>
    %get3A_246 = vector.shape_cast %get3A_245 : vector<1x1x325x2xf32> to vector<325x2xf32>
    %get3A_247 = arith.constant 0 : index
    %get3A_248 = arith.constant 0 : index
    %get3A_249 = vector.load %arg2[%get3A_247, %get3A_248] : memref<2x64xf32, #tpu.memory_space<vmem>>, vector<2x64xf32>
    %dot_general3A_250 = arith.constant dense<0.000000e+00> : vector<325x64xf32>
    %dot_general3A_251 = tpu.matmul %get3A_246, %get3A_249, %dot_general3A_250 {dimension_numbers = #tpu.dot_dimension_numbers<[1], [0], [0], [1], [0, 0, 1, 1], [], []>, transpose_lhs_hint = false} : vector<325x2xf32>, vector<2x64xf32>, vector<325x64xf32> -> vector<325x64xf32>
    %get3A_252 = arith.constant 0 : index
    %get3A_253 = arith.constant 0 : index
    %get3A_254 = vector.load %arg3[%get3A_252, %get3A_253] : memref<1x64xf32, #tpu.memory_space<vmem>>, vector<1x64xf32>
    %add3A_255 = vector.broadcast %get3A_254 : vector<1x64xf32> to vector<325x64xf32>
    %add3A_256 = arith.addf %dot_general3A_251, %add3A_255 : vector<325x64xf32>
    %get3A_257 = arith.constant 0 : index
    %get3A_258 = arith.constant 0 : index
    %get3A_259 = vector.load %arg4[%get3A_257, %get3A_258] : memref<325x64xf32, #tpu.memory_space<vmem>>, vector<325x64xf32>
    %add3A_260 = arith.addf %add3A_256, %get3A_259 : vector<325x64xf32>
    %concatenate3A_261 = tpu.concatenate %add3A_260, %get3A_1 in 1 : vector<325x64xf32>, vector<325x32xf32> -> vector<325x96xf32>
    %swap3A_262 = arith.constant 9 : index
    %swap3A_263 = arith.constant 0 : index
    %swap3A_264 = arith.constant 0 : index
    %swap3A_265 = vector.load %arg18[%swap3A_262, %swap3A_263, %swap3A_264] : memref<12x325x96xf32, #tpu.memory_space<vmem>>, vector<1x325x96xf32>
    %swap3A_266 = vector.shape_cast %swap3A_265 : vector<1x325x96xf32> to vector<325x96xf32>
    %swap3A_267 = vector.shape_cast %concatenate3A_261 : vector<325x96xf32> to vector<1x325x96xf32>
    tpu.vector_store %arg18[%swap3A_262, %swap3A_263, %swap3A_264], %swap3A_267 {strides = array<i32>} : memref<12x325x96xf32, #tpu.memory_space<vmem>>, vector<1x325x96xf32>,
    %get3A_268 = arith.constant 0 : index
    %get3A_269 = arith.constant 10 : index
    %get3A_270 = arith.constant 0 : index
    %get3A_271 = arith.constant 0 : index
    %get3A_272 = vector.load %arg1[%get3A_268, %get3A_269, %get3A_270, %get3A_271] : memref<1x12x325x2xf32, #tpu.memory_space<vmem>>, vector<1x1x325x2xf32>
    %get3A_273 = vector.shape_cast %get3A_272 : vector<1x1x325x2xf32> to vector<325x2xf32>
    %get3A_274 = arith.constant 0 : index
    %get3A_275 = arith.constant 0 : index
    %get3A_276 = vector.load %arg2[%get3A_274, %get3A_275] : memref<2x64xf32, #tpu.memory_space<vmem>>, vector<2x64xf32>
    %dot_general3A_277 = arith.constant dense<0.000000e+00> : vector<325x64xf32>
    %dot_general3A_278 = tpu.matmul %get3A_273, %get3A_276, %dot_general3A_277 {dimension_numbers = #tpu.dot_dimension_numbers<[1], [0], [0], [1], [0, 0, 1, 1], [], []>, transpose_lhs_hint = false} : vector<325x2xf32>, vector<2x64xf32>, vector<325x64xf32> -> vector<325x64xf32>
    %get3A_279 = arith.constant 0 : index
    %get3A_280 = arith.constant 0 : index
    %get3A_281 = vector.load %arg3[%get3A_279, %get3A_280] : memref<1x64xf32, #tpu.memory_space<vmem>>, vector<1x64xf32>
    %add3A_282 = vector.broadcast %get3A_281 : vector<1x64xf32> to vector<325x64xf32>
    %add3A_283 = arith.addf %dot_general3A_278, %add3A_282 : vector<325x64xf32>
    %get3A_284 = arith.constant 0 : index
    %get3A_285 = arith.constant 0 : index
    %get3A_286 = vector.load %arg4[%get3A_284, %get3A_285] : memref<325x64xf32, #tpu.memory_space<vmem>>, vector<325x64xf32>
    %add3A_287 = arith.addf %add3A_283, %get3A_286 : vector<325x64xf32>
    %concatenate3A_288 = tpu.concatenate %add3A_287, %get3A_1 in 1 : vector<325x64xf32>, vector<325x32xf32> -> vector<325x96xf32>
    %swap3A_289 = arith.constant 10 : index
    %swap3A_290 = arith.constant 0 : index
    %swap3A_291 = arith.constant 0 : index
    %swap3A_292 = vector.load %arg18[%swap3A_289, %swap3A_290, %swap3A_291] : memref<12x325x96xf32, #tpu.memory_space<vmem>>, vector<1x325x96xf32>
    %swap3A_293 = vector.shape_cast %swap3A_292 : vector<1x325x96xf32> to vector<325x96xf32>
    %swap3A_294 = vector.shape_cast %concatenate3A_288 : vector<325x96xf32> to vector<1x325x96xf32>
    tpu.vector_store %arg18[%swap3A_289, %swap3A_290, %swap3A_291], %swap3A_294 {strides = array<i32>} : memref<12x325x96xf32, #tpu.memory_space<vmem>>, vector<1x325x96xf32>,
    %get3A_295 = arith.constant 0 : index
    %get3A_296 = arith.constant 11 : index
    %get3A_297 = arith.constant 0 : index
    %get3A_298 = arith.constant 0 : index
    %get3A_299 = vector.load %arg1[%get3A_295, %get3A_296, %get3A_297, %get3A_298] : memref<1x12x325x2xf32, #tpu.memory_space<vmem>>, vector<1x1x325x2xf32>
    %get3A_300 = vector.shape_cast %get3A_299 : vector<1x1x325x2xf32> to vector<325x2xf32>
    %get3A_301 = arith.constant 0 : index
    %get3A_302 = arith.constant 0 : index
    %get3A_303 = vector.load %arg2[%get3A_301, %get3A_302] : memref<2x64xf32, #tpu.memory_space<vmem>>, vector<2x64xf32>
    %dot_general3A_304 = arith.constant dense<0.000000e+00> : vector<325x64xf32>
    %dot_general3A_305 = tpu.matmul %get3A_300, %get3A_303, %dot_general3A_304 {dimension_numbers = #tpu.dot_dimension_numbers<[1], [0], [0], [1], [0, 0, 1, 1], [], []>, transpose_lhs_hint = false} : vector<325x2xf32>, vector<2x64xf32>, vector<325x64xf32> -> vector<325x64xf32>
    %get3A_306 = arith.constant 0 : index
    %get3A_307 = arith.constant 0 : index
    %get3A_308 = vector.load %arg3[%get3A_306, %get3A_307] : memref<1x64xf32, #tpu.memory_space<vmem>>, vector<1x64xf32>
    %add3A_309 = vector.broadcast %get3A_308 : vector<1x64xf32> to vector<325x64xf32>
    %add3A_310 = arith.addf %dot_general3A_305, %add3A_309 : vector<325x64xf32>
    %get3A_311 = arith.constant 0 : index
    %get3A_312 = arith.constant 0 : index
    %get3A_313 = vector.load %arg4[%get3A_311, %get3A_312] : memref<325x64xf32, #tpu.memory_space<vmem>>, vector<325x64xf32>
    %add3A_314 = arith.addf %add3A_310, %get3A_313 : vector<325x64xf32>
    %concatenate3A_315 = tpu.concatenate %add3A_314, %get3A_1 in 1 : vector<325x64xf32>, vector<325x32xf32> -> vector<325x96xf32>
    %swap3A_316 = arith.constant 11 : index
    %swap3A_317 = arith.constant 0 : index
    %swap3A_318 = arith.constant 0 : index
    %swap3A_319 = vector.load %arg18[%swap3A_316, %swap3A_317, %swap3A_318] : memref<12x325x96xf32, #tpu.memory_space<vmem>>, vector<1x325x96xf32>
    %swap3A_320 = vector.shape_cast %swap3A_319 : vector<1x325x96xf32> to vector<325x96xf32>
    %swap3A_321 = vector.shape_cast %concatenate3A_315 : vector<325x96xf32> to vector<1x325x96xf32>
    tpu.vector_store %arg18[%swap3A_316, %swap3A_317, %swap3A_318], %swap3A_321 {strides = array<i32>} : memref<12x325x96xf32, #tpu.memory_space<vmem>>, vector<1x325x96xf32>,
    %get3A_322 = arith.constant 0 : index
    %get3A_323 = arith.constant 0 : index
    %get3A_324 = arith.constant 0 : index
    %get3A_325 = vector.load %arg18[%get3A_322, %get3A_323, %get3A_324] : memref<12x325x96xf32, #tpu.memory_space<vmem>>, vector<12x325x96xf32>
    %swap3A_326 = arith.constant 0 : index
    %swap3A_327 = arith.constant 0 : index
    %swap3A_328 = arith.constant 0 : index
    %swap3A_329 = vector.load %arg20[%swap3A_326, %swap3A_327, %swap3A_328] : memref<12x325x96xf32, #tpu.memory_space<vmem>>, vector<12x325x96xf32>
    tpu.vector_store %arg20[%swap3A_326, %swap3A_327, %swap3A_328], %get3A_325 {strides = array<i32>} : memref<12x325x96xf32, #tpu.memory_space<vmem>>, vector<12x325x96xf32>,
    %get3A_330 = arith.constant 0 : index
    %get3A_331 = arith.constant 0 : index
    %get3A_332 = arith.constant 0 : index
    %get3A_333 = vector.load %arg18[%get3A_330, %get3A_331, %get3A_332] : memref<12x325x96xf32, #tpu.memory_space<vmem>>, vector<1x325x96xf32>
    %get3A_334 = vector.shape_cast %get3A_333 : vector<1x325x96xf32> to vector<325x96xf32>
    %get3A_335 = arith.constant 0 : index
    %get3A_336 = arith.constant 0 : index
    %get3A_337 = arith.constant 0 : index
    %get3A_338 = vector.load %arg6[%get3A_335, %get3A_336, %get3A_337] : memref<3x96x96xf32, #tpu.memory_space<vmem>>, vector<1x96x96xf32>
    %get3A_339 = vector.shape_cast %get3A_338 : vector<1x96x96xf32> to vector<96x96xf32>
    %dot_general3A_340 = arith.constant dense<0.000000e+00> : vector<325x96xf32>
    %dot_general3A_341 = tpu.matmul %get3A_334, %get3A_339, %dot_general3A_340 {dimension_numbers = #tpu.dot_dimension_numbers<[1], [0], [0], [1], [0, 0, 1, 1], [], []>, transpose_lhs_hint = false} : vector<325x96xf32>, vector<96x96xf32>, vector<325x96xf32> -> vector<325x96xf32>
    %get3A_342 = arith.constant 0 : index
    %get3A_343 = arith.constant 0 : index
    %get3A_344 = vector.load %arg7[%get3A_342, %get3A_343] : memref<3x96xf32, #tpu.memory_space<vmem>>, vector<1x96xf32>
    %get3A_345 = vector.shape_cast %get3A_344 : vector<1x96xf32> to vector<96xf32>
    %broadcast_in_dim3A = vector.shape_cast %get3A_345 : vector<96xf32> to vector<1x96xf32>
    %add3A_346 = vector.broadcast %broadcast_in_dim3A : vector<1x96xf32> to vector<325x96xf32>
    %add3A_347 = arith.addf %dot_general3A_341, %add3A_346 : vector<325x96xf32>
    %swap3A_348 = arith.constant 0 : index
    %swap3A_349 = arith.constant 0 : index
    %swap3A_350 = arith.constant 0 : index
    %swap3A_351 = vector.load %arg19[%swap3A_348, %swap3A_349, %swap3A_350] : memref<12x325x96xf32, #tpu.memory_space<vmem>>, vector<1x325x96xf32>
    %swap3A_352 = vector.shape_cast %swap3A_351 : vector<1x325x96xf32> to vector<325x96xf32>
    %swap3A_353 = vector.shape_cast %add3A_347 : vector<325x96xf32> to vector<1x325x96xf32>
    tpu.vector_store %arg19[%swap3A_348, %swap3A_349, %swap3A_350], %swap3A_353 {strides = array<i32>} : memref<12x325x96xf32, #tpu.memory_space<vmem>>, vector<1x325x96xf32>,
    %get3A_354 = arith.constant 1 : index
    %get3A_355 = arith.constant 0 : index
    %get3A_356 = arith.constant 0 : index
    %get3A_357 = vector.load %arg18[%get3A_354, %get3A_355, %get3A_356] : memref<12x325x96xf32, #tpu.memory_space<vmem>>, vector<1x325x96xf32>
    %get3A_358 = vector.shape_cast %get3A_357 : vector<1x325x96xf32> to vector<325x96xf32>
    %get3A_359 = arith.constant 0 : index
    %get3A_360 = arith.constant 0 : index
    %get3A_361 = arith.constant 0 : index
    %get3A_362 = vector.load %arg6[%get3A_359, %get3A_360, %get3A_361] : memref<3x96x96xf32, #tpu.memory_space<vmem>>, vector<1x96x96xf32>
    %get3A_363 = vector.shape_cast %get3A_362 : vector<1x96x96xf32> to vector<96x96xf32>
    %dot_general3A_364 = arith.constant dense<0.000000e+00> : vector<325x96xf32>
    %dot_general3A_365 = tpu.matmul %get3A_358, %get3A_363, %dot_general3A_364 {dimension_numbers = #tpu.dot_dimension_numbers<[1], [0], [0], [1], [0, 0, 1, 1], [], []>, transpose_lhs_hint = false} : vector<325x96xf32>, vector<96x96xf32>, vector<325x96xf32> -> vector<325x96xf32>
    %get3A_366 = arith.constant 0 : index
    %get3A_367 = arith.constant 0 : index
    %get3A_368 = vector.load %arg7[%get3A_366, %get3A_367] : memref<3x96xf32, #tpu.memory_space<vmem>>, vector<1x96xf32>
    %get3A_369 = vector.shape_cast %get3A_368 : vector<1x96xf32> to vector<96xf32>
    %broadcast_in_dim3A_370 = vector.shape_cast %get3A_369 : vector<96xf32> to vector<1x96xf32>
    %add3A_371 = vector.broadcast %broadcast_in_dim3A_370 : vector<1x96xf32> to vector<325x96xf32>
    %add3A_372 = arith.addf %dot_general3A_365, %add3A_371 : vector<325x96xf32>
    %swap3A_373 = arith.constant 1 : index
    %swap3A_374 = arith.constant 0 : index
    %swap3A_375 = arith.constant 0 : index
    %swap3A_376 = vector.load %arg19[%swap3A_373, %swap3A_374, %swap3A_375] : memref<12x325x96xf32, #tpu.memory_space<vmem>>, vector<1x325x96xf32>
    %swap3A_377 = vector.shape_cast %swap3A_376 : vector<1x325x96xf32> to vector<325x96xf32>
    %swap3A_378 = vector.shape_cast %add3A_372 : vector<325x96xf32> to vector<1x325x96xf32>
    tpu.vector_store %arg19[%swap3A_373, %swap3A_374, %swap3A_375], %swap3A_378 {strides = array<i32>} : memref<12x325x96xf32, #tpu.memory_space<vmem>>, vector<1x325x96xf32>,
    %get3A_379 = arith.constant 2 : index
    %get3A_380 = arith.constant 0 : index
    %get3A_381 = arith.constant 0 : index
    %get3A_382 = vector.load %arg18[%get3A_379, %get3A_380, %get3A_381] : memref<12x325x96xf32, #tpu.memory_space<vmem>>, vector<1x325x96xf32>
    %get3A_383 = vector.shape_cast %get3A_382 : vector<1x325x96xf32> to vector<325x96xf32>
    %get3A_384 = arith.constant 0 : index
    %get3A_385 = arith.constant 0 : index
    %get3A_386 = arith.constant 0 : index
    %get3A_387 = vector.load %arg6[%get3A_384, %get3A_385, %get3A_386] : memref<3x96x96xf32, #tpu.memory_space<vmem>>, vector<1x96x96xf32>
    %get3A_388 = vector.shape_cast %get3A_387 : vector<1x96x96xf32> to vector<96x96xf32>
    %dot_general3A_389 = arith.constant dense<0.000000e+00> : vector<325x96xf32>
    %dot_general3A_390 = tpu.matmul %get3A_383, %get3A_388, %dot_general3A_389 {dimension_numbers = #tpu.dot_dimension_numbers<[1], [0], [0], [1], [0, 0, 1, 1], [], []>, transpose_lhs_hint = false} : vector<325x96xf32>, vector<96x96xf32>, vector<325x96xf32> -> vector<325x96xf32>
    %get3A_391 = arith.constant 0 : index
    %get3A_392 = arith.constant 0 : index
    %get3A_393 = vector.load %arg7[%get3A_391, %get3A_392] : memref<3x96xf32, #tpu.memory_space<vmem>>, vector<1x96xf32>
    %get3A_394 = vector.shape_cast %get3A_393 : vector<1x96xf32> to vector<96xf32>
    %broadcast_in_dim3A_395 = vector.shape_cast %get3A_394 : vector<96xf32> to vector<1x96xf32>
    %add3A_396 = vector.broadcast %broadcast_in_dim3A_395 : vector<1x96xf32> to vector<325x96xf32>
    %add3A_397 = arith.addf %dot_general3A_390, %add3A_396 : vector<325x96xf32>
    %swap3A_398 = arith.constant 2 : index
    %swap3A_399 = arith.constant 0 : index
    %swap3A_400 = arith.constant 0 : index
    %swap3A_401 = vector.load %arg19[%swap3A_398, %swap3A_399, %swap3A_400] : memref<12x325x96xf32, #tpu.memory_space<vmem>>, vector<1x325x96xf32>
    %swap3A_402 = vector.shape_cast %swap3A_401 : vector<1x325x96xf32> to vector<325x96xf32>
    %swap3A_403 = vector.shape_cast %add3A_397 : vector<325x96xf32> to vector<1x325x96xf32>
    tpu.vector_store %arg19[%swap3A_398, %swap3A_399, %swap3A_400], %swap3A_403 {strides = array<i32>} : memref<12x325x96xf32, #tpu.memory_space<vmem>>, vector<1x325x96xf32>,
    %get3A_404 = arith.constant 3 : index
    %get3A_405 = arith.constant 0 : index
    %get3A_406 = arith.constant 0 : index
    %get3A_407 = vector.load %arg18[%get3A_404, %get3A_405, %get3A_406] : memref<12x325x96xf32, #tpu.memory_space<vmem>>, vector<1x325x96xf32>
    %get3A_408 = vector.shape_cast %get3A_407 : vector<1x325x96xf32> to vector<325x96xf32>
    %get3A_409 = arith.constant 0 : index
    %get3A_410 = arith.constant 0 : index
    %get3A_411 = arith.constant 0 : index
    %get3A_412 = vector.load %arg6[%get3A_409, %get3A_410, %get3A_411] : memref<3x96x96xf32, #tpu.memory_space<vmem>>, vector<1x96x96xf32>
    %get3A_413 = vector.shape_cast %get3A_412 : vector<1x96x96xf32> to vector<96x96xf32>
    %dot_general3A_414 = arith.constant dense<0.000000e+00> : vector<325x96xf32>
    %dot_general3A_415 = tpu.matmul %get3A_408, %get3A_413, %dot_general3A_414 {dimension_numbers = #tpu.dot_dimension_numbers<[1], [0], [0], [1], [0, 0, 1, 1], [], []>, transpose_lhs_hint = false} : vector<325x96xf32>, vector<96x96xf32>, vector<325x96xf32> -> vector<325x96xf32>
    %get3A_416 = arith.constant 0 : index
    %get3A_417 = arith.constant 0 : index
    %get3A_418 = vector.load %arg7[%get3A_416, %get3A_417] : memref<3x96xf32, #tpu.memory_space<vmem>>, vector<1x96xf32>
    %get3A_419 = vector.shape_cast %get3A_418 : vector<1x96xf32> to vector<96xf32>
    %broadcast_in_dim3A_420 = vector.shape_cast %get3A_419 : vector<96xf32> to vector<1x96xf32>
    %add3A_421 = vector.broadcast %broadcast_in_dim3A_420 : vector<1x96xf32> to vector<325x96xf32>
    %add3A_422 = arith.addf %dot_general3A_415, %add3A_421 : vector<325x96xf32>
    %swap3A_423 = arith.constant 3 : index
    %swap3A_424 = arith.constant 0 : index
    %swap3A_425 = arith.constant 0 : index
    %swap3A_426 = vector.load %arg19[%swap3A_423, %swap3A_424, %swap3A_425] : memref<12x325x96xf32, #tpu.memory_space<vmem>>, vector<1x325x96xf32>
    %swap3A_427 = vector.shape_cast %swap3A_426 : vector<1x325x96xf32> to vector<325x96xf32>
    %swap3A_428 = vector.shape_cast %add3A_422 : vector<325x96xf32> to vector<1x325x96xf32>
    tpu.vector_store %arg19[%swap3A_423, %swap3A_424, %swap3A_425], %swap3A_428 {strides = array<i32>} : memref<12x325x96xf32, #tpu.memory_space<vmem>>, vector<1x325x96xf32>,
    %get3A_429 = arith.constant 4 : index
    %get3A_430 = arith.constant 0 : index
    %get3A_431 = arith.constant 0 : index
    %get3A_432 = vector.load %arg18[%get3A_429, %get3A_430, %get3A_431] : memref<12x325x96xf32, #tpu.memory_space<vmem>>, vector<1x325x96xf32>
    %get3A_433 = vector.shape_cast %get3A_432 : vector<1x325x96xf32> to vector<325x96xf32>
    %get3A_434 = arith.constant 0 : index
    %get3A_435 = arith.constant 0 : index
    %get3A_436 = arith.constant 0 : index
    %get3A_437 = vector.load %arg6[%get3A_434, %get3A_435, %get3A_436] : memref<3x96x96xf32, #tpu.memory_space<vmem>>, vector<1x96x96xf32>
    %get3A_438 = vector.shape_cast %get3A_437 : vector<1x96x96xf32> to vector<96x96xf32>
    %dot_general3A_439 = arith.constant dense<0.000000e+00> : vector<325x96xf32>
    %dot_general3A_440 = tpu.matmul %get3A_433, %get3A_438, %dot_general3A_439 {dimension_numbers = #tpu.dot_dimension_numbers<[1], [0], [0], [1], [0, 0, 1, 1], [], []>, transpose_lhs_hint = false} : vector<325x96xf32>, vector<96x96xf32>, vector<325x96xf32> -> vector<325x96xf32>
    %get3A_441 = arith.constant 0 : index
    %get3A_442 = arith.constant 0 : index
    %get3A_443 = vector.load %arg7[%get3A_441, %get3A_442] : memref<3x96xf32, #tpu.memory_space<vmem>>, vector<1x96xf32>
    %get3A_444 = vector.shape_cast %get3A_443 : vector<1x96xf32> to vector<96xf32>
    %broadcast_in_dim3A_445 = vector.shape_cast %get3A_444 : vector<96xf32> to vector<1x96xf32>
    %add3A_446 = vector.broadcast %broadcast_in_dim3A_445 : vector<1x96xf32> to vector<325x96xf32>
    %add3A_447 = arith.addf %dot_general3A_440, %add3A_446 : vector<325x96xf32>
    %swap3A_448 = arith.constant 4 : index
    %swap3A_449 = arith.constant 0 : index
    %swap3A_450 = arith.constant 0 : index
    %swap3A_451 = vector.load %arg19[%swap3A_448, %swap3A_449, %swap3A_450] : memref<12x325x96xf32, #tpu.memory_space<vmem>>, vector<1x325x96xf32>
    %swap3A_452 = vector.shape_cast %swap3A_451 : vector<1x325x96xf32> to vector<325x96xf32>
    %swap3A_453 = vector.shape_cast %add3A_447 : vector<325x96xf32> to vector<1x325x96xf32>
    tpu.vector_store %arg19[%swap3A_448, %swap3A_449, %swap3A_450], %swap3A_453 {strides = array<i32>} : memref<12x325x96xf32, #tpu.memory_space<vmem>>, vector<1x325x96xf32>,
    %get3A_454 = arith.constant 5 : index
    %get3A_455 = arith.constant 0 : index
    %get3A_456 = arith.constant 0 : index
    %get3A_457 = vector.load %arg18[%get3A_454, %get3A_455, %get3A_456] : memref<12x325x96xf32, #tpu.memory_space<vmem>>, vector<1x325x96xf32>
    %get3A_458 = vector.shape_cast %get3A_457 : vector<1x325x96xf32> to vector<325x96xf32>
    %get3A_459 = arith.constant 0 : index
    %get3A_460 = arith.constant 0 : index
    %get3A_461 = arith.constant 0 : index
    %get3A_462 = vector.load %arg6[%get3A_459, %get3A_460, %get3A_461] : memref<3x96x96xf32, #tpu.memory_space<vmem>>, vector<1x96x96xf32>
    %get3A_463 = vector.shape_cast %get3A_462 : vector<1x96x96xf32> to vector<96x96xf32>
    %dot_general3A_464 = arith.constant dense<0.000000e+00> : vector<325x96xf32>
    %dot_general3A_465 = tpu.matmul %get3A_458, %get3A_463, %dot_general3A_464 {dimension_numbers = #tpu.dot_dimension_numbers<[1], [0], [0], [1], [0, 0, 1, 1], [], []>, transpose_lhs_hint = false} : vector<325x96xf32>, vector<96x96xf32>, vector<325x96xf32> -> vector<325x96xf32>
    %get3A_466 = arith.constant 0 : index
    %get3A_467 = arith.constant 0 : index
    %get3A_468 = vector.load %arg7[%get3A_466, %get3A_467] : memref<3x96xf32, #tpu.memory_space<vmem>>, vector<1x96xf32>
    %get3A_469 = vector.shape_cast %get3A_468 : vector<1x96xf32> to vector<96xf32>
    %broadcast_in_dim3A_470 = vector.shape_cast %get3A_469 : vector<96xf32> to vector<1x96xf32>
    %add3A_471 = vector.broadcast %broadcast_in_dim3A_470 : vector<1x96xf32> to vector<325x96xf32>
    %add3A_472 = arith.addf %dot_general3A_465, %add3A_471 : vector<325x96xf32>
    %swap3A_473 = arith.constant 5 : index
    %swap3A_474 = arith.constant 0 : index
    %swap3A_475 = arith.constant 0 : index
    %swap3A_476 = vector.load %arg19[%swap3A_473, %swap3A_474, %swap3A_475] : memref<12x325x96xf32, #tpu.memory_space<vmem>>, vector<1x325x96xf32>
    %swap3A_477 = vector.shape_cast %swap3A_476 : vector<1x325x96xf32> to vector<325x96xf32>
    %swap3A_478 = vector.shape_cast %add3A_472 : vector<325x96xf32> to vector<1x325x96xf32>
    tpu.vector_store %arg19[%swap3A_473, %swap3A_474, %swap3A_475], %swap3A_478 {strides = array<i32>} : memref<12x325x96xf32, #tpu.memory_space<vmem>>, vector<1x325x96xf32>,
    %get3A_479 = arith.constant 6 : index
    %get3A_480 = arith.constant 0 : index
    %get3A_481 = arith.constant 0 : index
    %get3A_482 = vector.load %arg18[%get3A_479, %get3A_480, %get3A_481] : memref<12x325x96xf32, #tpu.memory_space<vmem>>, vector<1x325x96xf32>
    %get3A_483 = vector.shape_cast %get3A_482 : vector<1x325x96xf32> to vector<325x96xf32>
    %get3A_484 = arith.constant 0 : index
    %get3A_485 = arith.constant 0 : index
    %get3A_486 = arith.constant 0 : index
    %get3A_487 = vector.load %arg6[%get3A_484, %get3A_485, %get3A_486] : memref<3x96x96xf32, #tpu.memory_space<vmem>>, vector<1x96x96xf32>
    %get3A_488 = vector.shape_cast %get3A_487 : vector<1x96x96xf32> to vector<96x96xf32>
    %dot_general3A_489 = arith.constant dense<0.000000e+00> : vector<325x96xf32>
    %dot_general3A_490 = tpu.matmul %get3A_483, %get3A_488, %dot_general3A_489 {dimension_numbers = #tpu.dot_dimension_numbers<[1], [0], [0], [1], [0, 0, 1, 1], [], []>, transpose_lhs_hint = false} : vector<325x96xf32>, vector<96x96xf32>, vector<325x96xf32> -> vector<325x96xf32>
    %get3A_491 = arith.constant 0 : index
    %get3A_492 = arith.constant 0 : index
    %get3A_493 = vector.load %arg7[%get3A_491, %get3A_492] : memref<3x96xf32, #tpu.memory_space<vmem>>, vector<1x96xf32>
    %get3A_494 = vector.shape_cast %get3A_493 : vector<1x96xf32> to vector<96xf32>
    %broadcast_in_dim3A_495 = vector.shape_cast %get3A_494 : vector<96xf32> to vector<1x96xf32>
    %add3A_496 = vector.broadcast %broadcast_in_dim3A_495 : vector<1x96xf32> to vector<325x96xf32>
    %add3A_497 = arith.addf %dot_general3A_490, %add3A_496 : vector<325x96xf32>
    %swap3A_498 = arith.constant 6 : index
    %swap3A_499 = arith.constant 0 : index
    %swap3A_500 = arith.constant 0 : index
    %swap3A_501 = vector.load %arg19[%swap3A_498, %swap3A_499, %swap3A_500] : memref<12x325x96xf32, #tpu.memory_space<vmem>>, vector<1x325x96xf32>
    %swap3A_502 = vector.shape_cast %swap3A_501 : vector<1x325x96xf32> to vector<325x96xf32>
    %swap3A_503 = vector.shape_cast %add3A_497 : vector<325x96xf32> to vector<1x325x96xf32>
    tpu.vector_store %arg19[%swap3A_498, %swap3A_499, %swap3A_500], %swap3A_503 {strides = array<i32>} : memref<12x325x96xf32, #tpu.memory_space<vmem>>, vector<1x325x96xf32>,
    %get3A_504 = arith.constant 7 : index
    %get3A_505 = arith.constant 0 : index
    %get3A_506 = arith.constant 0 : index
    %get3A_507 = vector.load %arg18[%get3A_504, %get3A_505, %get3A_506] : memref<12x325x96xf32, #tpu.memory_space<vmem>>, vector<1x325x96xf32>
    %get3A_508 = vector.shape_cast %get3A_507 : vector<1x325x96xf32> to vector<325x96xf32>
    %get3A_509 = arith.constant 0 : index
    %get3A_510 = arith.constant 0 : index
    %get3A_511 = arith.constant 0 : index
    %get3A_512 = vector.load %arg6[%get3A_509, %get3A_510, %get3A_511] : memref<3x96x96xf32, #tpu.memory_space<vmem>>, vector<1x96x96xf32>
    %get3A_513 = vector.shape_cast %get3A_512 : vector<1x96x96xf32> to vector<96x96xf32>
    %dot_general3A_514 = arith.constant dense<0.000000e+00> : vector<325x96xf32>
    %dot_general3A_515 = tpu.matmul %get3A_508, %get3A_513, %dot_general3A_514 {dimension_numbers = #tpu.dot_dimension_numbers<[1], [0], [0], [1], [0, 0, 1, 1], [], []>, transpose_lhs_hint = false} : vector<325x96xf32>, vector<96x96xf32>, vector<325x96xf32> -> vector<325x96xf32>
    %get3A_516 = arith.constant 0 : index
    %get3A_517 = arith.constant 0 : index
    %get3A_518 = vector.load %arg7[%get3A_516, %get3A_517] : memref<3x96xf32, #tpu.memory_space<vmem>>, vector<1x96xf32>
    %get3A_519 = vector.shape_cast %get3A_518 : vector<1x96xf32> to vector<96xf32>
    %broadcast_in_dim3A_520 = vector.shape_cast %get3A_519 : vector<96xf32> to vector<1x96xf32>
    %add3A_521 = vector.broadcast %broadcast_in_dim3A_520 : vector<1x96xf32> to vector<325x96xf32>
    %add3A_522 = arith.addf %dot_general3A_515, %add3A_521 : vector<325x96xf32>
    %swap3A_523 = arith.constant 7 : index
    %swap3A_524 = arith.constant 0 : index
    %swap3A_525 = arith.constant 0 : index
    %swap3A_526 = vector.load %arg19[%swap3A_523, %swap3A_524, %swap3A_525] : memref<12x325x96xf32, #tpu.memory_space<vmem>>, vector<1x325x96xf32>
    %swap3A_527 = vector.shape_cast %swap3A_526 : vector<1x325x96xf32> to vector<325x96xf32>
    %swap3A_528 = vector.shape_cast %add3A_522 : vector<325x96xf32> to vector<1x325x96xf32>
    tpu.vector_store %arg19[%swap3A_523, %swap3A_524, %swap3A_525], %swap3A_528 {strides = array<i32>} : memref<12x325x96xf32, #tpu.memory_space<vmem>>, vector<1x325x96xf32>,
    %get3A_529 = arith.constant 8 : index
    %get3A_530 = arith.constant 0 : index
    %get3A_531 = arith.constant 0 : index
    %get3A_532 = vector.load %arg18[%get3A_529, %get3A_530, %get3A_531] : memref<12x325x96xf32, #tpu.memory_space<vmem>>, vector<1x325x96xf32>
    %get3A_533 = vector.shape_cast %get3A_532 : vector<1x325x96xf32> to vector<325x96xf32>
    %get3A_534 = arith.constant 0 : index
    %get3A_535 = arith.constant 0 : index
    %get3A_536 = arith.constant 0 : index
    %get3A_537 = vector.load %arg6[%get3A_534, %get3A_535, %get3A_536] : memref<3x96x96xf32, #tpu.memory_space<vmem>>, vector<1x96x96xf32>
    %get3A_538 = vector.shape_cast %get3A_537 : vector<1x96x96xf32> to vector<96x96xf32>
    %dot_general3A_539 = arith.constant dense<0.000000e+00> : vector<325x96xf32>
    %dot_general3A_540 = tpu.matmul %get3A_533, %get3A_538, %dot_general3A_539 {dimension_numbers = #tpu.dot_dimension_numbers<[1], [0], [0], [1], [0, 0, 1, 1], [], []>, transpose_lhs_hint = false} : vector<325x96xf32>, vector<96x96xf32>, vector<325x96xf32> -> vector<325x96xf32>
    %get3A_541 = arith.constant 0 : index
    %get3A_542 = arith.constant 0 : index
    %get3A_543 = vector.load %arg7[%get3A_541, %get3A_542] : memref<3x96xf32, #tpu.memory_space<vmem>>, vector<1x96xf32>
    %get3A_544 = vector.shape_cast %get3A_543 : vector<1x96xf32> to vector<96xf32>
    %broadcast_in_dim3A_545 = vector.shape_cast %get3A_544 : vector<96xf32> to vector<1x96xf32>
    %add3A_546 = vector.broadcast %broadcast_in_dim3A_545 : vector<1x96xf32> to vector<325x96xf32>
    %add3A_547 = arith.addf %dot_general3A_540, %add3A_546 : vector<325x96xf32>
    %swap3A_548 = arith.constant 8 : index
    %swap3A_549 = arith.constant 0 : index
    %swap3A_550 = arith.constant 0 : index
    %swap3A_551 = vector.load %arg19[%swap3A_548, %swap3A_549, %swap3A_550] : memref<12x325x96xf32, #tpu.memory_space<vmem>>, vector<1x325x96xf32>
    %swap3A_552 = vector.shape_cast %swap3A_551 : vector<1x325x96xf32> to vector<325x96xf32>
    %swap3A_553 = vector.shape_cast %add3A_547 : vector<325x96xf32> to vector<1x325x96xf32>
    tpu.vector_store %arg19[%swap3A_548, %swap3A_549, %swap3A_550], %swap3A_553 {strides = array<i32>} : memref<12x325x96xf32, #tpu.memory_space<vmem>>, vector<1x325x96xf32>,
    %get3A_554 = arith.constant 9 : index
    %get3A_555 = arith.constant 0 : index
    %get3A_556 = arith.constant 0 : index
    %get3A_557 = vector.load %arg18[%get3A_554, %get3A_555, %get3A_556] : memref<12x325x96xf32, #tpu.memory_space<vmem>>, vector<1x325x96xf32>
    %get3A_558 = vector.shape_cast %get3A_557 : vector<1x325x96xf32> to vector<325x96xf32>
    %get3A_559 = arith.constant 0 : index
    %get3A_560 = arith.constant 0 : index
    %get3A_561 = arith.constant 0 : index
    %get3A_562 = vector.load %arg6[%get3A_559, %get3A_560, %get3A_561] : memref<3x96x96xf32, #tpu.memory_space<vmem>>, vector<1x96x96xf32>
    %get3A_563 = vector.shape_cast %get3A_562 : vector<1x96x96xf32> to vector<96x96xf32>
    %dot_general3A_564 = arith.constant dense<0.000000e+00> : vector<325x96xf32>
    %dot_general3A_565 = tpu.matmul %get3A_558, %get3A_563, %dot_general3A_564 {dimension_numbers = #tpu.dot_dimension_numbers<[1], [0], [0], [1], [0, 0, 1, 1], [], []>, transpose_lhs_hint = false} : vector<325x96xf32>, vector<96x96xf32>, vector<325x96xf32> -> vector<325x96xf32>
    %get3A_566 = arith.constant 0 : index
    %get3A_567 = arith.constant 0 : index
    %get3A_568 = vector.load %arg7[%get3A_566, %get3A_567] : memref<3x96xf32, #tpu.memory_space<vmem>>, vector<1x96xf32>
    %get3A_569 = vector.shape_cast %get3A_568 : vector<1x96xf32> to vector<96xf32>
    %broadcast_in_dim3A_570 = vector.shape_cast %get3A_569 : vector<96xf32> to vector<1x96xf32>
    %add3A_571 = vector.broadcast %broadcast_in_dim3A_570 : vector<1x96xf32> to vector<325x96xf32>
    %add3A_572 = arith.addf %dot_general3A_565, %add3A_571 : vector<325x96xf32>
    %swap3A_573 = arith.constant 9 : index
    %swap3A_574 = arith.constant 0 : index
    %swap3A_575 = arith.constant 0 : index
    %swap3A_576 = vector.load %arg19[%swap3A_573, %swap3A_574, %swap3A_575] : memref<12x325x96xf32, #tpu.memory_space<vmem>>, vector<1x325x96xf32>
    %swap3A_577 = vector.shape_cast %swap3A_576 : vector<1x325x96xf32> to vector<325x96xf32>
    %swap3A_578 = vector.shape_cast %add3A_572 : vector<325x96xf32> to vector<1x325x96xf32>
    tpu.vector_store %arg19[%swap3A_573, %swap3A_574, %swap3A_575], %swap3A_578 {strides = array<i32>} : memref<12x325x96xf32, #tpu.memory_space<vmem>>, vector<1x325x96xf32>,
    %get3A_579 = arith.constant 10 : index
    %get3A_580 = arith.constant 0 : index
    %get3A_581 = arith.constant 0 : index
    %get3A_582 = vector.load %arg18[%get3A_579, %get3A_580, %get3A_581] : memref<12x325x96xf32, #tpu.memory_space<vmem>>, vector<1x325x96xf32>
    %get3A_583 = vector.shape_cast %get3A_582 : vector<1x325x96xf32> to vector<325x96xf32>
    %get3A_584 = arith.constant 0 : index
    %get3A_585 = arith.constant 0 : index
    %get3A_586 = arith.constant 0 : index
    %get3A_587 = vector.load %arg6[%get3A_584, %get3A_585, %get3A_586] : memref<3x96x96xf32, #tpu.memory_space<vmem>>, vector<1x96x96xf32>
    %get3A_588 = vector.shape_cast %get3A_587 : vector<1x96x96xf32> to vector<96x96xf32>
    %dot_general3A_589 = arith.constant dense<0.000000e+00> : vector<325x96xf32>
    %dot_general3A_590 = tpu.matmul %get3A_583, %get3A_588, %dot_general3A_589 {dimension_numbers = #tpu.dot_dimension_numbers<[1], [0], [0], [1], [0, 0, 1, 1], [], []>, transpose_lhs_hint = false} : vector<325x96xf32>, vector<96x96xf32>, vector<325x96xf32> -> vector<325x96xf32>
    %get3A_591 = arith.constant 0 : index
    %get3A_592 = arith.constant 0 : index
    %get3A_593 = vector.load %arg7[%get3A_591, %get3A_592] : memref<3x96xf32, #tpu.memory_space<vmem>>, vector<1x96xf32>
    %get3A_594 = vector.shape_cast %get3A_593 : vector<1x96xf32> to vector<96xf32>
    %broadcast_in_dim3A_595 = vector.shape_cast %get3A_594 : vector<96xf32> to vector<1x96xf32>
    %add3A_596 = vector.broadcast %broadcast_in_dim3A_595 : vector<1x96xf32> to vector<325x96xf32>
    %add3A_597 = arith.addf %dot_general3A_590, %add3A_596 : vector<325x96xf32>
    %swap3A_598 = arith.constant 10 : index
    %swap3A_599 = arith.constant 0 : index
    %swap3A_600 = arith.constant 0 : index
    %swap3A_601 = vector.load %arg19[%swap3A_598, %swap3A_599, %swap3A_600] : memref<12x325x96xf32, #tpu.memory_space<vmem>>, vector<1x325x96xf32>
    %swap3A_602 = vector.shape_cast %swap3A_601 : vector<1x325x96xf32> to vector<325x96xf32>
    %swap3A_603 = vector.shape_cast %add3A_597 : vector<325x96xf32> to vector<1x325x96xf32>
    tpu.vector_store %arg19[%swap3A_598, %swap3A_599, %swap3A_600], %swap3A_603 {strides = array<i32>} : memref<12x325x96xf32, #tpu.memory_space<vmem>>, vector<1x325x96xf32>,
    %get3A_604 = arith.constant 11 : index
    %get3A_605 = arith.constant 0 : index
    %get3A_606 = arith.constant 0 : index
    %get3A_607 = vector.load %arg18[%get3A_604, %get3A_605, %get3A_606] : memref<12x325x96xf32, #tpu.memory_space<vmem>>, vector<1x325x96xf32>
    %get3A_608 = vector.shape_cast %get3A_607 : vector<1x325x96xf32> to vector<325x96xf32>
    %get3A_609 = arith.constant 0 : index
    %get3A_610 = arith.constant 0 : index
    %get3A_611 = arith.constant 0 : index
    %get3A_612 = vector.load %arg6[%get3A_609, %get3A_610, %get3A_611] : memref<3x96x96xf32, #tpu.memory_space<vmem>>, vector<1x96x96xf32>
    %get3A_613 = vector.shape_cast %get3A_612 : vector<1x96x96xf32> to vector<96x96xf32>
    %dot_general3A_614 = arith.constant dense<0.000000e+00> : vector<325x96xf32>
    %dot_general3A_615 = tpu.matmul %get3A_608, %get3A_613, %dot_general3A_614 {dimension_numbers = #tpu.dot_dimension_numbers<[1], [0], [0], [1], [0, 0, 1, 1], [], []>, transpose_lhs_hint = false} : vector<325x96xf32>, vector<96x96xf32>, vector<325x96xf32> -> vector<325x96xf32>
    %get3A_616 = arith.constant 0 : index
    %get3A_617 = arith.constant 0 : index
    %get3A_618 = vector.load %arg7[%get3A_616, %get3A_617] : memref<3x96xf32, #tpu.memory_space<vmem>>, vector<1x96xf32>
    %get3A_619 = vector.shape_cast %get3A_618 : vector<1x96xf32> to vector<96xf32>
    %broadcast_in_dim3A_620 = vector.shape_cast %get3A_619 : vector<96xf32> to vector<1x96xf32>
    %add3A_621 = vector.broadcast %broadcast_in_dim3A_620 : vector<1x96xf32> to vector<325x96xf32>
    %add3A_622 = arith.addf %dot_general3A_615, %add3A_621 : vector<325x96xf32>
    %swap3A_623 = arith.constant 11 : index
    %swap3A_624 = arith.constant 0 : index
    %swap3A_625 = arith.constant 0 : index
    %swap3A_626 = vector.load %arg19[%swap3A_623, %swap3A_624, %swap3A_625] : memref<12x325x96xf32, #tpu.memory_space<vmem>>, vector<1x325x96xf32>
    %swap3A_627 = vector.shape_cast %swap3A_626 : vector<1x325x96xf32> to vector<325x96xf32>
    %swap3A_628 = vector.shape_cast %add3A_622 : vector<325x96xf32> to vector<1x325x96xf32>
    tpu.vector_store %arg19[%swap3A_623, %swap3A_624, %swap3A_625], %swap3A_628 {strides = array<i32>} : memref<12x325x96xf32, #tpu.memory_space<vmem>>, vector<1x325x96xf32>,
    %broadcast_in_dim3A_629 = arith.constant 0.000000e+00 : f32
    %broadcast_in_dim3A_630 = vector.broadcast %broadcast_in_dim3A_629 : f32 to vector<325x96xf32>
    %broadcast_in_dim3A_631 = arith.constant 0.000000e+00 : f32
    %broadcast_in_dim3A_632 = vector.broadcast %broadcast_in_dim3A_631 : f32 to vector<325x96xf32>
    %broadcast_in_dim3A_633 = arith.constant 0.000000e+00 : f32
    %broadcast_in_dim3A_634 = vector.broadcast %broadcast_in_dim3A_633 : f32 to vector<325x96xf32>
    %mul3A = arith.constant 0.899999976 : f32
    %mul3A_635 = vector.broadcast %mul3A : f32 to vector<325x96xf32>
    %mul3A_636 = arith.mulf %mul3A_635, %broadcast_in_dim3A_630 : vector<325x96xf32>
    %get3A_637 = arith.constant 0 : index
    %get3A_638 = arith.constant 0 : index
    %get3A_639 = arith.constant 0 : index
    %get3A_640 = vector.load %arg19[%get3A_637, %get3A_638, %get3A_639] : memref<12x325x96xf32, #tpu.memory_space<vmem>>, vector<1x325x96xf32>
    %get3A_641 = vector.shape_cast %get3A_640 : vector<1x325x96xf32> to vector<325x96xf32>
    %add3A_642 = arith.addf %mul3A_636, %get3A_641 : vector<325x96xf32>
    %mul3A_643 = arith.constant 8.000000e-01 : f32
    %mul3A_644 = vector.broadcast %mul3A_643 : f32 to vector<325x96xf32>
    %mul3A_645 = arith.mulf %mul3A_644, %broadcast_in_dim3A_632 : vector<325x96xf32>
    %add3A_646 = arith.addf %mul3A_645, %add3A_642 : vector<325x96xf32>
    %sub3A = arith.subf %add3A_646, %broadcast_in_dim3A_634 : vector<325x96xf32>
    %gt3A = arith.constant 1.000000e+00 : f32
    %gt3A_647 = vector.broadcast %gt3A : f32 to vector<325x96xf32>
    %gt3A_648 = arith.cmpf ogt, %sub3A, %gt3A_647 : vector<325x96xf32>
    %convert_element_type3A = arith.extui %gt3A_648 : vector<325x96xi1> to vector<325x96xi32>
    %convert_element_type3A_649 = arith.sitofp %convert_element_type3A : vector<325x96xi32> to vector<325x96xf32>
    %swap3A_650 = arith.constant 0 : index
    %swap3A_651 = arith.constant 0 : index
    %swap3A_652 = arith.constant 0 : index
    %swap3A_653 = vector.load %arg19[%swap3A_650, %swap3A_651, %swap3A_652] : memref<12x325x96xf32, #tpu.memory_space<vmem>>, vector<1x325x96xf32>
    %swap3A_654 = vector.shape_cast %swap3A_653 : vector<1x325x96xf32> to vector<325x96xf32>
    %swap3A_655 = vector.shape_cast %convert_element_type3A_649 : vector<325x96xf32> to vector<1x325x96xf32>
    tpu.vector_store %arg19[%swap3A_650, %swap3A_651, %swap3A_652], %swap3A_655 {strides = array<i32>} : memref<12x325x96xf32, #tpu.memory_space<vmem>>, vector<1x325x96xf32>,
    %mul3A_656 = arith.constant 0.899999976 : f32
    %mul3A_657 = vector.broadcast %mul3A_656 : f32 to vector<325x96xf32>
    %mul3A_658 = arith.mulf %mul3A_657, %add3A_642 : vector<325x96xf32>
    %get3A_659 = arith.constant 1 : index
    %get3A_660 = arith.constant 0 : index
    %get3A_661 = arith.constant 0 : index
    %get3A_662 = vector.load %arg19[%get3A_659, %get3A_660, %get3A_661] : memref<12x325x96xf32, #tpu.memory_space<vmem>>, vector<1x325x96xf32>
    %get3A_663 = vector.shape_cast %get3A_662 : vector<1x325x96xf32> to vector<325x96xf32>
    %add3A_664 = arith.addf %mul3A_658, %get3A_663 : vector<325x96xf32>
    %mul3A_665 = arith.constant 8.000000e-01 : f32
    %mul3A_666 = vector.broadcast %mul3A_665 : f32 to vector<325x96xf32>
    %mul3A_667 = arith.mulf %mul3A_666, %sub3A : vector<325x96xf32>
    %add3A_668 = arith.addf %mul3A_667, %add3A_664 : vector<325x96xf32>
    %sub3A_669 = arith.subf %add3A_668, %convert_element_type3A_649 : vector<325x96xf32>
    %gt3A_670 = arith.constant 1.000000e+00 : f32
    %gt3A_671 = vector.broadcast %gt3A_670 : f32 to vector<325x96xf32>
    %gt3A_672 = arith.cmpf ogt, %sub3A_669, %gt3A_671 : vector<325x96xf32>
    %convert_element_type3A_673 = arith.extui %gt3A_672 : vector<325x96xi1> to vector<325x96xi32>
    %convert_element_type3A_674 = arith.sitofp %convert_element_type3A_673 : vector<325x96xi32> to vector<325x96xf32>
    %swap3A_675 = arith.constant 1 : index
    %swap3A_676 = arith.constant 0 : index
    %swap3A_677 = arith.constant 0 : index
    %swap3A_678 = vector.load %arg19[%swap3A_675, %swap3A_676, %swap3A_677] : memref<12x325x96xf32, #tpu.memory_space<vmem>>, vector<1x325x96xf32>
    %swap3A_679 = vector.shape_cast %swap3A_678 : vector<1x325x96xf32> to vector<325x96xf32>
    %swap3A_680 = vector.shape_cast %convert_element_type3A_674 : vector<325x96xf32> to vector<1x325x96xf32>
    tpu.vector_store %arg19[%swap3A_675, %swap3A_676, %swap3A_677], %swap3A_680 {strides = array<i32>} : memref<12x325x96xf32, #tpu.memory_space<vmem>>, vector<1x325x96xf32>,
    %mul3A_681 = arith.constant 0.899999976 : f32
    %mul3A_682 = vector.broadcast %mul3A_681 : f32 to vector<325x96xf32>
    %mul3A_683 = arith.mulf %mul3A_682, %add3A_664 : vector<325x96xf32>
    %get3A_684 = arith.constant 2 : index
    %get3A_685 = arith.constant 0 : index
    %get3A_686 = arith.constant 0 : index
    %get3A_687 = vector.load %arg19[%get3A_684, %get3A_685, %get3A_686] : memref<12x325x96xf32, #tpu.memory_space<vmem>>, vector<1x325x96xf32>
    %get3A_688 = vector.shape_cast %get3A_687 : vector<1x325x96xf32> to vector<325x96xf32>
    %add3A_689 = arith.addf %mul3A_683, %get3A_688 : vector<325x96xf32>
    %mul3A_690 = arith.constant 8.000000e-01 : f32
    %mul3A_691 = vector.broadcast %mul3A_690 : f32 to vector<325x96xf32>
    %mul3A_692 = arith.mulf %mul3A_691, %sub3A_669 : vector<325x96xf32>
    %add3A_693 = arith.addf %mul3A_692, %add3A_689 : vector<325x96xf32>
    %sub3A_694 = arith.subf %add3A_693, %convert_element_type3A_674 : vector<325x96xf32>
    %gt3A_695 = arith.constant 1.000000e+00 : f32
    %gt3A_696 = vector.broadcast %gt3A_695 : f32 to vector<325x96xf32>
    %gt3A_697 = arith.cmpf ogt, %sub3A_694, %gt3A_696 : vector<325x96xf32>
    %convert_element_type3A_698 = arith.extui %gt3A_697 : vector<325x96xi1> to vector<325x96xi32>
    %convert_element_type3A_699 = arith.sitofp %convert_element_type3A_698 : vector<325x96xi32> to vector<325x96xf32>
    %swap3A_700 = arith.constant 2 : index
    %swap3A_701 = arith.constant 0 : index
    %swap3A_702 = arith.constant 0 : index
    %swap3A_703 = vector.load %arg19[%swap3A_700, %swap3A_701, %swap3A_702] : memref<12x325x96xf32, #tpu.memory_space<vmem>>, vector<1x325x96xf32>
    %swap3A_704 = vector.shape_cast %swap3A_703 : vector<1x325x96xf32> to vector<325x96xf32>
    %swap3A_705 = vector.shape_cast %convert_element_type3A_699 : vector<325x96xf32> to vector<1x325x96xf32>
    tpu.vector_store %arg19[%swap3A_700, %swap3A_701, %swap3A_702], %swap3A_705 {strides = array<i32>} : memref<12x325x96xf32, #tpu.memory_space<vmem>>, vector<1x325x96xf32>,
    %mul3A_706 = arith.constant 0.899999976 : f32
    %mul3A_707 = vector.broadcast %mul3A_706 : f32 to vector<325x96xf32>
    %mul3A_708 = arith.mulf %mul3A_707, %add3A_689 : vector<325x96xf32>
    %get3A_709 = arith.constant 3 : index
    %get3A_710 = arith.constant 0 : index
    %get3A_711 = arith.constant 0 : index
    %get3A_712 = vector.load %arg19[%get3A_709, %get3A_710, %get3A_711] : memref<12x325x96xf32, #tpu.memory_space<vmem>>, vector<1x325x96xf32>
    %get3A_713 = vector.shape_cast %get3A_712 : vector<1x325x96xf32> to vector<325x96xf32>
    %add3A_714 = arith.addf %mul3A_708, %get3A_713 : vector<325x96xf32>
    %mul3A_715 = arith.constant 8.000000e-01 : f32
    %mul3A_716 = vector.broadcast %mul3A_715 : f32 to vector<325x96xf32>
    %mul3A_717 = arith.mulf %mul3A_716, %sub3A_694 : vector<325x96xf32>
    %add3A_718 = arith.addf %mul3A_717, %add3A_714 : vector<325x96xf32>
    %sub3A_719 = arith.subf %add3A_718, %convert_element_type3A_699 : vector<325x96xf32>
    %gt3A_720 = arith.constant 1.000000e+00 : f32
    %gt3A_721 = vector.broadcast %gt3A_720 : f32 to vector<325x96xf32>
    %gt3A_722 = arith.cmpf ogt, %sub3A_719, %gt3A_721 : vector<325x96xf32>
    %convert_element_type3A_723 = arith.extui %gt3A_722 : vector<325x96xi1> to vector<325x96xi32>
    %convert_element_type3A_724 = arith.sitofp %convert_element_type3A_723 : vector<325x96xi32> to vector<325x96xf32>
    %swap3A_725 = arith.constant 3 : index
    %swap3A_726 = arith.constant 0 : index
    %swap3A_727 = arith.constant 0 : index
    %swap3A_728 = vector.load %arg19[%swap3A_725, %swap3A_726, %swap3A_727] : memref<12x325x96xf32, #tpu.memory_space<vmem>>, vector<1x325x96xf32>
    %swap3A_729 = vector.shape_cast %swap3A_728 : vector<1x325x96xf32> to vector<325x96xf32>
    %swap3A_730 = vector.shape_cast %convert_element_type3A_724 : vector<325x96xf32> to vector<1x325x96xf32>
    tpu.vector_store %arg19[%swap3A_725, %swap3A_726, %swap3A_727], %swap3A_730 {strides = array<i32>} : memref<12x325x96xf32, #tpu.memory_space<vmem>>, vector<1x325x96xf32>,
    %mul3A_731 = arith.constant 0.899999976 : f32
    %mul3A_732 = vector.broadcast %mul3A_731 : f32 to vector<325x96xf32>
    %mul3A_733 = arith.mulf %mul3A_732, %add3A_714 : vector<325x96xf32>
    %get3A_734 = arith.constant 4 : index
    %get3A_735 = arith.constant 0 : index
    %get3A_736 = arith.constant 0 : index
    %get3A_737 = vector.load %arg19[%get3A_734, %get3A_735, %get3A_736] : memref<12x325x96xf32, #tpu.memory_space<vmem>>, vector<1x325x96xf32>
    %get3A_738 = vector.shape_cast %get3A_737 : vector<1x325x96xf32> to vector<325x96xf32>
    %add3A_739 = arith.addf %mul3A_733, %get3A_738 : vector<325x96xf32>
    %mul3A_740 = arith.constant 8.000000e-01 : f32
    %mul3A_741 = vector.broadcast %mul3A_740 : f32 to vector<325x96xf32>
    %mul3A_742 = arith.mulf %mul3A_741, %sub3A_719 : vector<325x96xf32>
    %add3A_743 = arith.addf %mul3A_742, %add3A_739 : vector<325x96xf32>
    %sub3A_744 = arith.subf %add3A_743, %convert_element_type3A_724 : vector<325x96xf32>
    %gt3A_745 = arith.constant 1.000000e+00 : f32
    %gt3A_746 = vector.broadcast %gt3A_745 : f32 to vector<325x96xf32>
    %gt3A_747 = arith.cmpf ogt, %sub3A_744, %gt3A_746 : vector<325x96xf32>
    %convert_element_type3A_748 = arith.extui %gt3A_747 : vector<325x96xi1> to vector<325x96xi32>
    %convert_element_type3A_749 = arith.sitofp %convert_element_type3A_748 : vector<325x96xi32> to vector<325x96xf32>
    %swap3A_750 = arith.constant 4 : index
    %swap3A_751 = arith.constant 0 : index
    %swap3A_752 = arith.constant 0 : index
    %swap3A_753 = vector.load %arg19[%swap3A_750, %swap3A_751, %swap3A_752] : memref<12x325x96xf32, #tpu.memory_space<vmem>>, vector<1x325x96xf32>
    %swap3A_754 = vector.shape_cast %swap3A_753 : vector<1x325x96xf32> to vector<325x96xf32>
    %swap3A_755 = vector.shape_cast %convert_element_type3A_749 : vector<325x96xf32> to vector<1x325x96xf32>
    tpu.vector_store %arg19[%swap3A_750, %swap3A_751, %swap3A_752], %swap3A_755 {strides = array<i32>} : memref<12x325x96xf32, #tpu.memory_space<vmem>>, vector<1x325x96xf32>,
    %mul3A_756 = arith.constant 0.899999976 : f32
    %mul3A_757 = vector.broadcast %mul3A_756 : f32 to vector<325x96xf32>
    %mul3A_758 = arith.mulf %mul3A_757, %add3A_739 : vector<325x96xf32>
    %get3A_759 = arith.constant 5 : index
    %get3A_760 = arith.constant 0 : index
    %get3A_761 = arith.constant 0 : index
    %get3A_762 = vector.load %arg19[%get3A_759, %get3A_760, %get3A_761] : memref<12x325x96xf32, #tpu.memory_space<vmem>>, vector<1x325x96xf32>
    %get3A_763 = vector.shape_cast %get3A_762 : vector<1x325x96xf32> to vector<325x96xf32>
    %add3A_764 = arith.addf %mul3A_758, %get3A_763 : vector<325x96xf32>
    %mul3A_765 = arith.constant 8.000000e-01 : f32
    %mul3A_766 = vector.broadcast %mul3A_765 : f32 to vector<325x96xf32>
    %mul3A_767 = arith.mulf %mul3A_766, %sub3A_744 : vector<325x96xf32>
    %add3A_768 = arith.addf %mul3A_767, %add3A_764 : vector<325x96xf32>
    %sub3A_769 = arith.subf %add3A_768, %convert_element_type3A_749 : vector<325x96xf32>
    %gt3A_770 = arith.constant 1.000000e+00 : f32
    %gt3A_771 = vector.broadcast %gt3A_770 : f32 to vector<325x96xf32>
    %gt3A_772 = arith.cmpf ogt, %sub3A_769, %gt3A_771 : vector<325x96xf32>
    %convert_element_type3A_773 = arith.extui %gt3A_772 : vector<325x96xi1> to vector<325x96xi32>
    %convert_element_type3A_774 = arith.sitofp %convert_element_type3A_773 : vector<325x96xi32> to vector<325x96xf32>
    %swap3A_775 = arith.constant 5 : index
    %swap3A_776 = arith.constant 0 : index
    %swap3A_777 = arith.constant 0 : index
    %swap3A_778 = vector.load %arg19[%swap3A_775, %swap3A_776, %swap3A_777] : memref<12x325x96xf32, #tpu.memory_space<vmem>>, vector<1x325x96xf32>
    %swap3A_779 = vector.shape_cast %swap3A_778 : vector<1x325x96xf32> to vector<325x96xf32>
    %swap3A_780 = vector.shape_cast %convert_element_type3A_774 : vector<325x96xf32> to vector<1x325x96xf32>
    tpu.vector_store %arg19[%swap3A_775, %swap3A_776, %swap3A_777], %swap3A_780 {strides = array<i32>} : memref<12x325x96xf32, #tpu.memory_space<vmem>>, vector<1x325x96xf32>,
    %mul3A_781 = arith.constant 0.899999976 : f32
    %mul3A_782 = vector.broadcast %mul3A_781 : f32 to vector<325x96xf32>
    %mul3A_783 = arith.mulf %mul3A_782, %add3A_764 : vector<325x96xf32>
    %get3A_784 = arith.constant 6 : index
    %get3A_785 = arith.constant 0 : index
    %get3A_786 = arith.constant 0 : index
    %get3A_787 = vector.load %arg19[%get3A_784, %get3A_785, %get3A_786] : memref<12x325x96xf32, #tpu.memory_space<vmem>>, vector<1x325x96xf32>
    %get3A_788 = vector.shape_cast %get3A_787 : vector<1x325x96xf32> to vector<325x96xf32>
    %add3A_789 = arith.addf %mul3A_783, %get3A_788 : vector<325x96xf32>
    %mul3A_790 = arith.constant 8.000000e-01 : f32
    %mul3A_791 = vector.broadcast %mul3A_790 : f32 to vector<325x96xf32>
    %mul3A_792 = arith.mulf %mul3A_791, %sub3A_769 : vector<325x96xf32>
    %add3A_793 = arith.addf %mul3A_792, %add3A_789 : vector<325x96xf32>
    %sub3A_794 = arith.subf %add3A_793, %convert_element_type3A_774 : vector<325x96xf32>
    %gt3A_795 = arith.constant 1.000000e+00 : f32
    %gt3A_796 = vector.broadcast %gt3A_795 : f32 to vector<325x96xf32>
    %gt3A_797 = arith.cmpf ogt, %sub3A_794, %gt3A_796 : vector<325x96xf32>
    %convert_element_type3A_798 = arith.extui %gt3A_797 : vector<325x96xi1> to vector<325x96xi32>
    %convert_element_type3A_799 = arith.sitofp %convert_element_type3A_798 : vector<325x96xi32> to vector<325x96xf32>
    %swap3A_800 = arith.constant 6 : index
    %swap3A_801 = arith.constant 0 : index
    %swap3A_802 = arith.constant 0 : index
    %swap3A_803 = vector.load %arg19[%swap3A_800, %swap3A_801, %swap3A_802] : memref<12x325x96xf32, #tpu.memory_space<vmem>>, vector<1x325x96xf32>
    %swap3A_804 = vector.shape_cast %swap3A_803 : vector<1x325x96xf32> to vector<325x96xf32>
    %swap3A_805 = vector.shape_cast %convert_element_type3A_799 : vector<325x96xf32> to vector<1x325x96xf32>
    tpu.vector_store %arg19[%swap3A_800, %swap3A_801, %swap3A_802], %swap3A_805 {strides = array<i32>} : memref<12x325x96xf32, #tpu.memory_space<vmem>>, vector<1x325x96xf32>,
    %mul3A_806 = arith.constant 0.899999976 : f32
    %mul3A_807 = vector.broadcast %mul3A_806 : f32 to vector<325x96xf32>
    %mul3A_808 = arith.mulf %mul3A_807, %add3A_789 : vector<325x96xf32>
    %get3A_809 = arith.constant 7 : index
    %get3A_810 = arith.constant 0 : index
    %get3A_811 = arith.constant 0 : index
    %get3A_812 = vector.load %arg19[%get3A_809, %get3A_810, %get3A_811] : memref<12x325x96xf32, #tpu.memory_space<vmem>>, vector<1x325x96xf32>
    %get3A_813 = vector.shape_cast %get3A_812 : vector<1x325x96xf32> to vector<325x96xf32>
    %add3A_814 = arith.addf %mul3A_808, %get3A_813 : vector<325x96xf32>
    %mul3A_815 = arith.constant 8.000000e-01 : f32
    %mul3A_816 = vector.broadcast %mul3A_815 : f32 to vector<325x96xf32>
    %mul3A_817 = arith.mulf %mul3A_816, %sub3A_794 : vector<325x96xf32>
    %add3A_818 = arith.addf %mul3A_817, %add3A_814 : vector<325x96xf32>
    %sub3A_819 = arith.subf %add3A_818, %convert_element_type3A_799 : vector<325x96xf32>
    %gt3A_820 = arith.constant 1.000000e+00 : f32
    %gt3A_821 = vector.broadcast %gt3A_820 : f32 to vector<325x96xf32>
    %gt3A_822 = arith.cmpf ogt, %sub3A_819, %gt3A_821 : vector<325x96xf32>
    %convert_element_type3A_823 = arith.extui %gt3A_822 : vector<325x96xi1> to vector<325x96xi32>
    %convert_element_type3A_824 = arith.sitofp %convert_element_type3A_823 : vector<325x96xi32> to vector<325x96xf32>
    %swap3A_825 = arith.constant 7 : index
    %swap3A_826 = arith.constant 0 : index
    %swap3A_827 = arith.constant 0 : index
    %swap3A_828 = vector.load %arg19[%swap3A_825, %swap3A_826, %swap3A_827] : memref<12x325x96xf32, #tpu.memory_space<vmem>>, vector<1x325x96xf32>
    %swap3A_829 = vector.shape_cast %swap3A_828 : vector<1x325x96xf32> to vector<325x96xf32>
    %swap3A_830 = vector.shape_cast %convert_element_type3A_824 : vector<325x96xf32> to vector<1x325x96xf32>
    tpu.vector_store %arg19[%swap3A_825, %swap3A_826, %swap3A_827], %swap3A_830 {strides = array<i32>} : memref<12x325x96xf32, #tpu.memory_space<vmem>>, vector<1x325x96xf32>,
    %mul3A_831 = arith.constant 0.899999976 : f32
    %mul3A_832 = vector.broadcast %mul3A_831 : f32 to vector<325x96xf32>
    %mul3A_833 = arith.mulf %mul3A_832, %add3A_814 : vector<325x96xf32>
    %get3A_834 = arith.constant 8 : index
    %get3A_835 = arith.constant 0 : index
    %get3A_836 = arith.constant 0 : index
    %get3A_837 = vector.load %arg19[%get3A_834, %get3A_835, %get3A_836] : memref<12x325x96xf32, #tpu.memory_space<vmem>>, vector<1x325x96xf32>
    %get3A_838 = vector.shape_cast %get3A_837 : vector<1x325x96xf32> to vector<325x96xf32>
    %add3A_839 = arith.addf %mul3A_833, %get3A_838 : vector<325x96xf32>
    %mul3A_840 = arith.constant 8.000000e-01 : f32
    %mul3A_841 = vector.broadcast %mul3A_840 : f32 to vector<325x96xf32>
    %mul3A_842 = arith.mulf %mul3A_841, %sub3A_819 : vector<325x96xf32>
    %add3A_843 = arith.addf %mul3A_842, %add3A_839 : vector<325x96xf32>
    %sub3A_844 = arith.subf %add3A_843, %convert_element_type3A_824 : vector<325x96xf32>
    %gt3A_845 = arith.constant 1.000000e+00 : f32
    %gt3A_846 = vector.broadcast %gt3A_845 : f32 to vector<325x96xf32>
    %gt3A_847 = arith.cmpf ogt, %sub3A_844, %gt3A_846 : vector<325x96xf32>
    %convert_element_type3A_848 = arith.extui %gt3A_847 : vector<325x96xi1> to vector<325x96xi32>
    %convert_element_type3A_849 = arith.sitofp %convert_element_type3A_848 : vector<325x96xi32> to vector<325x96xf32>
    %swap3A_850 = arith.constant 8 : index
    %swap3A_851 = arith.constant 0 : index
    %swap3A_852 = arith.constant 0 : index
    %swap3A_853 = vector.load %arg19[%swap3A_850, %swap3A_851, %swap3A_852] : memref<12x325x96xf32, #tpu.memory_space<vmem>>, vector<1x325x96xf32>
    %swap3A_854 = vector.shape_cast %swap3A_853 : vector<1x325x96xf32> to vector<325x96xf32>
    %swap3A_855 = vector.shape_cast %convert_element_type3A_849 : vector<325x96xf32> to vector<1x325x96xf32>
    tpu.vector_store %arg19[%swap3A_850, %swap3A_851, %swap3A_852], %swap3A_855 {strides = array<i32>} : memref<12x325x96xf32, #tpu.memory_space<vmem>>, vector<1x325x96xf32>,
    %mul3A_856 = arith.constant 0.899999976 : f32
    %mul3A_857 = vector.broadcast %mul3A_856 : f32 to vector<325x96xf32>
    %mul3A_858 = arith.mulf %mul3A_857, %add3A_839 : vector<325x96xf32>
    %get3A_859 = arith.constant 9 : index
    %get3A_860 = arith.constant 0 : index
    %get3A_861 = arith.constant 0 : index
    %get3A_862 = vector.load %arg19[%get3A_859, %get3A_860, %get3A_861] : memref<12x325x96xf32, #tpu.memory_space<vmem>>, vector<1x325x96xf32>
    %get3A_863 = vector.shape_cast %get3A_862 : vector<1x325x96xf32> to vector<325x96xf32>
    %add3A_864 = arith.addf %mul3A_858, %get3A_863 : vector<325x96xf32>
    %mul3A_865 = arith.constant 8.000000e-01 : f32
    %mul3A_866 = vector.broadcast %mul3A_865 : f32 to vector<325x96xf32>
    %mul3A_867 = arith.mulf %mul3A_866, %sub3A_844 : vector<325x96xf32>
    %add3A_868 = arith.addf %mul3A_867, %add3A_864 : vector<325x96xf32>
    %sub3A_869 = arith.subf %add3A_868, %convert_element_type3A_849 : vector<325x96xf32>
    %gt3A_870 = arith.constant 1.000000e+00 : f32
    %gt3A_871 = vector.broadcast %gt3A_870 : f32 to vector<325x96xf32>
    %gt3A_872 = arith.cmpf ogt, %sub3A_869, %gt3A_871 : vector<325x96xf32>
    %convert_element_type3A_873 = arith.extui %gt3A_872 : vector<325x96xi1> to vector<325x96xi32>
    %convert_element_type3A_874 = arith.sitofp %convert_element_type3A_873 : vector<325x96xi32> to vector<325x96xf32>
    %swap3A_875 = arith.constant 9 : index
    %swap3A_876 = arith.constant 0 : index
    %swap3A_877 = arith.constant 0 : index
    %swap3A_878 = vector.load %arg19[%swap3A_875, %swap3A_876, %swap3A_877] : memref<12x325x96xf32, #tpu.memory_space<vmem>>, vector<1x325x96xf32>
    %swap3A_879 = vector.shape_cast %swap3A_878 : vector<1x325x96xf32> to vector<325x96xf32>
    %swap3A_880 = vector.shape_cast %convert_element_type3A_874 : vector<325x96xf32> to vector<1x325x96xf32>
    tpu.vector_store %arg19[%swap3A_875, %swap3A_876, %swap3A_877], %swap3A_880 {strides = array<i32>} : memref<12x325x96xf32, #tpu.memory_space<vmem>>, vector<1x325x96xf32>,
    %mul3A_881 = arith.constant 0.899999976 : f32
    %mul3A_882 = vector.broadcast %mul3A_881 : f32 to vector<325x96xf32>
    %mul3A_883 = arith.mulf %mul3A_882, %add3A_864 : vector<325x96xf32>
    %get3A_884 = arith.constant 10 : index
    %get3A_885 = arith.constant 0 : index
    %get3A_886 = arith.constant 0 : index
    %get3A_887 = vector.load %arg19[%get3A_884, %get3A_885, %get3A_886] : memref<12x325x96xf32, #tpu.memory_space<vmem>>, vector<1x325x96xf32>
    %get3A_888 = vector.shape_cast %get3A_887 : vector<1x325x96xf32> to vector<325x96xf32>
    %add3A_889 = arith.addf %mul3A_883, %get3A_888 : vector<325x96xf32>
    %mul3A_890 = arith.constant 8.000000e-01 : f32
    %mul3A_891 = vector.broadcast %mul3A_890 : f32 to vector<325x96xf32>
    %mul3A_892 = arith.mulf %mul3A_891, %sub3A_869 : vector<325x96xf32>
    %add3A_893 = arith.addf %mul3A_892, %add3A_889 : vector<325x96xf32>
    %sub3A_894 = arith.subf %add3A_893, %convert_element_type3A_874 : vector<325x96xf32>
    %gt3A_895 = arith.constant 1.000000e+00 : f32
    %gt3A_896 = vector.broadcast %gt3A_895 : f32 to vector<325x96xf32>
    %gt3A_897 = arith.cmpf ogt, %sub3A_894, %gt3A_896 : vector<325x96xf32>
    %convert_element_type3A_898 = arith.extui %gt3A_897 : vector<325x96xi1> to vector<325x96xi32>
    %convert_element_type3A_899 = arith.sitofp %convert_element_type3A_898 : vector<325x96xi32> to vector<325x96xf32>
    %swap3A_900 = arith.constant 10 : index
    %swap3A_901 = arith.constant 0 : index
    %swap3A_902 = arith.constant 0 : index
    %swap3A_903 = vector.load %arg19[%swap3A_900, %swap3A_901, %swap3A_902] : memref<12x325x96xf32, #tpu.memory_space<vmem>>, vector<1x325x96xf32>
    %swap3A_904 = vector.shape_cast %swap3A_903 : vector<1x325x96xf32> to vector<325x96xf32>
    %swap3A_905 = vector.shape_cast %convert_element_type3A_899 : vector<325x96xf32> to vector<1x325x96xf32>
    tpu.vector_store %arg19[%swap3A_900, %swap3A_901, %swap3A_902], %swap3A_905 {strides = array<i32>} : memref<12x325x96xf32, #tpu.memory_space<vmem>>, vector<1x325x96xf32>,
    %mul3A_906 = arith.constant 0.899999976 : f32
    %mul3A_907 = vector.broadcast %mul3A_906 : f32 to vector<325x96xf32>
    %mul3A_908 = arith.mulf %mul3A_907, %add3A_889 : vector<325x96xf32>
    %get3A_909 = arith.constant 11 : index
    %get3A_910 = arith.constant 0 : index
    %get3A_911 = arith.constant 0 : index
    %get3A_912 = vector.load %arg19[%get3A_909, %get3A_910, %get3A_911] : memref<12x325x96xf32, #tpu.memory_space<vmem>>, vector<1x325x96xf32>
    %get3A_913 = vector.shape_cast %get3A_912 : vector<1x325x96xf32> to vector<325x96xf32>
    %add3A_914 = arith.addf %mul3A_908, %get3A_913 : vector<325x96xf32>
    %mul3A_915 = arith.constant 8.000000e-01 : f32
    %mul3A_916 = vector.broadcast %mul3A_915 : f32 to vector<325x96xf32>
    %mul3A_917 = arith.mulf %mul3A_916, %sub3A_894 : vector<325x96xf32>
    %add3A_918 = arith.addf %mul3A_917, %add3A_914 : vector<325x96xf32>
    %sub3A_919 = arith.subf %add3A_918, %convert_element_type3A_899 : vector<325x96xf32>
    %gt3A_920 = arith.constant 1.000000e+00 : f32
    %gt3A_921 = vector.broadcast %gt3A_920 : f32 to vector<325x96xf32>
    %gt3A_922 = arith.cmpf ogt, %sub3A_919, %gt3A_921 : vector<325x96xf32>
    %convert_element_type3A_923 = arith.extui %gt3A_922 : vector<325x96xi1> to vector<325x96xi32>
    %convert_element_type3A_924 = arith.sitofp %convert_element_type3A_923 : vector<325x96xi32> to vector<325x96xf32>
    %swap3A_925 = arith.constant 11 : index
    %swap3A_926 = arith.constant 0 : index
    %swap3A_927 = arith.constant 0 : index
    %swap3A_928 = vector.load %arg19[%swap3A_925, %swap3A_926, %swap3A_927] : memref<12x325x96xf32, #tpu.memory_space<vmem>>, vector<1x325x96xf32>
    %swap3A_929 = vector.shape_cast %swap3A_928 : vector<1x325x96xf32> to vector<325x96xf32>
    %swap3A_930 = vector.shape_cast %convert_element_type3A_924 : vector<325x96xf32> to vector<1x325x96xf32>
    tpu.vector_store %arg19[%swap3A_925, %swap3A_926, %swap3A_927], %swap3A_930 {strides = array<i32>} : memref<12x325x96xf32, #tpu.memory_space<vmem>>, vector<1x325x96xf32>,
    %get3A_931 = arith.constant 0 : index
    %get3A_932 = arith.constant 0 : index
    %get3A_933 = arith.constant 0 : index
    %get3A_934 = vector.load %arg19[%get3A_931, %get3A_932, %get3A_933] : memref<12x325x96xf32, #tpu.memory_space<vmem>>, vector<1x325x96xf32>
    %get3A_935 = vector.shape_cast %get3A_934 : vector<1x325x96xf32> to vector<325x96xf32>
    %get3A_936 = arith.constant 1 : index
    %get3A_937 = arith.constant 0 : index
    %get3A_938 = arith.constant 0 : index
    %get3A_939 = vector.load %arg6[%get3A_936, %get3A_937, %get3A_938] : memref<3x96x96xf32, #tpu.memory_space<vmem>>, vector<1x96x96xf32>
    %get3A_940 = vector.shape_cast %get3A_939 : vector<1x96x96xf32> to vector<96x96xf32>
    %dot_general3A_941 = arith.constant dense<0.000000e+00> : vector<325x96xf32>
    %dot_general3A_942 = tpu.matmul %get3A_935, %get3A_940, %dot_general3A_941 {dimension_numbers = #tpu.dot_dimension_numbers<[1], [0], [0], [1], [0, 0, 1, 1], [], []>, transpose_lhs_hint = false} : vector<325x96xf32>, vector<96x96xf32>, vector<325x96xf32> -> vector<325x96xf32>
    %get3A_943 = arith.constant 1 : index
    %get3A_944 = arith.constant 0 : index
    %get3A_945 = vector.load %arg7[%get3A_943, %get3A_944] : memref<3x96xf32, #tpu.memory_space<vmem>>, vector<1x96xf32>
    %get3A_946 = vector.shape_cast %get3A_945 : vector<1x96xf32> to vector<96xf32>
    %broadcast_in_dim3A_947 = vector.shape_cast %get3A_946 : vector<96xf32> to vector<1x96xf32>
    %add3A_948 = vector.broadcast %broadcast_in_dim3A_947 : vector<1x96xf32> to vector<325x96xf32>
    %add3A_949 = arith.addf %dot_general3A_942, %add3A_948 : vector<325x96xf32>
    %swap3A_950 = arith.constant 0 : index
    %swap3A_951 = arith.constant 0 : index
    %swap3A_952 = arith.constant 0 : index
    %swap3A_953 = vector.load %arg18[%swap3A_950, %swap3A_951, %swap3A_952] : memref<12x325x96xf32, #tpu.memory_space<vmem>>, vector<1x325x96xf32>
    %swap3A_954 = vector.shape_cast %swap3A_953 : vector<1x325x96xf32> to vector<325x96xf32>
    %swap3A_955 = vector.shape_cast %add3A_949 : vector<325x96xf32> to vector<1x325x96xf32>
    tpu.vector_store %arg18[%swap3A_950, %swap3A_951, %swap3A_952], %swap3A_955 {strides = array<i32>} : memref<12x325x96xf32, #tpu.memory_space<vmem>>, vector<1x325x96xf32>,
    %get3A_956 = arith.constant 1 : index
    %get3A_957 = arith.constant 0 : index
    %get3A_958 = arith.constant 0 : index
    %get3A_959 = vector.load %arg19[%get3A_956, %get3A_957, %get3A_958] : memref<12x325x96xf32, #tpu.memory_space<vmem>>, vector<1x325x96xf32>
    %get3A_960 = vector.shape_cast %get3A_959 : vector<1x325x96xf32> to vector<325x96xf32>
    %get3A_961 = arith.constant 1 : index
    %get3A_962 = arith.constant 0 : index
    %get3A_963 = arith.constant 0 : index
    %get3A_964 = vector.load %arg6[%get3A_961, %get3A_962, %get3A_963] : memref<3x96x96xf32, #tpu.memory_space<vmem>>, vector<1x96x96xf32>
    %get3A_965 = vector.shape_cast %get3A_964 : vector<1x96x96xf32> to vector<96x96xf32>
    %dot_general3A_966 = arith.constant dense<0.000000e+00> : vector<325x96xf32>
    %dot_general3A_967 = tpu.matmul %get3A_960, %get3A_965, %dot_general3A_966 {dimension_numbers = #tpu.dot_dimension_numbers<[1], [0], [0], [1], [0, 0, 1, 1], [], []>, transpose_lhs_hint = false} : vector<325x96xf32>, vector<96x96xf32>, vector<325x96xf32> -> vector<325x96xf32>
    %get3A_968 = arith.constant 1 : index
    %get3A_969 = arith.constant 0 : index
    %get3A_970 = vector.load %arg7[%get3A_968, %get3A_969] : memref<3x96xf32, #tpu.memory_space<vmem>>, vector<1x96xf32>
    %get3A_971 = vector.shape_cast %get3A_970 : vector<1x96xf32> to vector<96xf32>
    %broadcast_in_dim3A_972 = vector.shape_cast %get3A_971 : vector<96xf32> to vector<1x96xf32>
    %add3A_973 = vector.broadcast %broadcast_in_dim3A_972 : vector<1x96xf32> to vector<325x96xf32>
    %add3A_974 = arith.addf %dot_general3A_967, %add3A_973 : vector<325x96xf32>
    %swap3A_975 = arith.constant 1 : index
    %swap3A_976 = arith.constant 0 : index
    %swap3A_977 = arith.constant 0 : index
    %swap3A_978 = vector.load %arg18[%swap3A_975, %swap3A_976, %swap3A_977] : memref<12x325x96xf32, #tpu.memory_space<vmem>>, vector<1x325x96xf32>
    %swap3A_979 = vector.shape_cast %swap3A_978 : vector<1x325x96xf32> to vector<325x96xf32>
    %swap3A_980 = vector.shape_cast %add3A_974 : vector<325x96xf32> to vector<1x325x96xf32>
    tpu.vector_store %arg18[%swap3A_975, %swap3A_976, %swap3A_977], %swap3A_980 {strides = array<i32>} : memref<12x325x96xf32, #tpu.memory_space<vmem>>, vector<1x325x96xf32>,
    %get3A_981 = arith.constant 2 : index
    %get3A_982 = arith.constant 0 : index
    %get3A_983 = arith.constant 0 : index
    %get3A_984 = vector.load %arg19[%get3A_981, %get3A_982, %get3A_983] : memref<12x325x96xf32, #tpu.memory_space<vmem>>, vector<1x325x96xf32>
    %get3A_985 = vector.shape_cast %get3A_984 : vector<1x325x96xf32> to vector<325x96xf32>
    %get3A_986 = arith.constant 1 : index
    %get3A_987 = arith.constant 0 : index
    %get3A_988 = arith.constant 0 : index
    %get3A_989 = vector.load %arg6[%get3A_986, %get3A_987, %get3A_988] : memref<3x96x96xf32, #tpu.memory_space<vmem>>, vector<1x96x96xf32>
    %get3A_990 = vector.shape_cast %get3A_989 : vector<1x96x96xf32> to vector<96x96xf32>
    %dot_general3A_991 = arith.constant dense<0.000000e+00> : vector<325x96xf32>
    %dot_general3A_992 = tpu.matmul %get3A_985, %get3A_990, %dot_general3A_991 {dimension_numbers = #tpu.dot_dimension_numbers<[1], [0], [0], [1], [0, 0, 1, 1], [], []>, transpose_lhs_hint = false} : vector<325x96xf32>, vector<96x96xf32>, vector<325x96xf32> -> vector<325x96xf32>
    %get3A_993 = arith.constant 1 : index
    %get3A_994 = arith.constant 0 : index
    %get3A_995 = vector.load %arg7[%get3A_993, %get3A_994] : memref<3x96xf32, #tpu.memory_space<vmem>>, vector<1x96xf32>
    %get3A_996 = vector.shape_cast %get3A_995 : vector<1x96xf32> to vector<96xf32>
    %broadcast_in_dim3A_997 = vector.shape_cast %get3A_996 : vector<96xf32> to vector<1x96xf32>
    %add3A_998 = vector.broadcast %broadcast_in_dim3A_997 : vector<1x96xf32> to vector<325x96xf32>
    %add3A_999 = arith.addf %dot_general3A_992, %add3A_998 : vector<325x96xf32>
    %swap3A_1000 = arith.constant 2 : index
    %swap3A_1001 = arith.constant 0 : index
    %swap3A_1002 = arith.constant 0 : index
    %swap3A_1003 = vector.load %arg18[%swap3A_1000, %swap3A_1001, %swap3A_1002] : memref<12x325x96xf32, #tpu.memory_space<vmem>>, vector<1x325x96xf32>
    %swap3A_1004 = vector.shape_cast %swap3A_1003 : vector<1x325x96xf32> to vector<325x96xf32>
    %swap3A_1005 = vector.shape_cast %add3A_999 : vector<325x96xf32> to vector<1x325x96xf32>
    tpu.vector_store %arg18[%swap3A_1000, %swap3A_1001, %swap3A_1002], %swap3A_1005 {strides = array<i32>} : memref<12x325x96xf32, #tpu.memory_space<vmem>>, vector<1x325x96xf32>,
    %get3A_1006 = arith.constant 3 : index
    %get3A_1007 = arith.constant 0 : index
    %get3A_1008 = arith.constant 0 : index
    %get3A_1009 = vector.load %arg19[%get3A_1006, %get3A_1007, %get3A_1008] : memref<12x325x96xf32, #tpu.memory_space<vmem>>, vector<1x325x96xf32>
    %get3A_1010 = vector.shape_cast %get3A_1009 : vector<1x325x96xf32> to vector<325x96xf32>
    %get3A_1011 = arith.constant 1 : index
    %get3A_1012 = arith.constant 0 : index
    %get3A_1013 = arith.constant 0 : index
    %get3A_1014 = vector.load %arg6[%get3A_1011, %get3A_1012, %get3A_1013] : memref<3x96x96xf32, #tpu.memory_space<vmem>>, vector<1x96x96xf32>
    %get3A_1015 = vector.shape_cast %get3A_1014 : vector<1x96x96xf32> to vector<96x96xf32>
    %dot_general3A_1016 = arith.constant dense<0.000000e+00> : vector<325x96xf32>
    %dot_general3A_1017 = tpu.matmul %get3A_1010, %get3A_1015, %dot_general3A_1016 {dimension_numbers = #tpu.dot_dimension_numbers<[1], [0], [0], [1], [0, 0, 1, 1], [], []>, transpose_lhs_hint = false} : vector<325x96xf32>, vector<96x96xf32>, vector<325x96xf32> -> vector<325x96xf32>
    %get3A_1018 = arith.constant 1 : index
    %get3A_1019 = arith.constant 0 : index
    %get3A_1020 = vector.load %arg7[%get3A_1018, %get3A_1019] : memref<3x96xf32, #tpu.memory_space<vmem>>, vector<1x96xf32>
    %get3A_1021 = vector.shape_cast %get3A_1020 : vector<1x96xf32> to vector<96xf32>
    %broadcast_in_dim3A_1022 = vector.shape_cast %get3A_1021 : vector<96xf32> to vector<1x96xf32>
    %add3A_1023 = vector.broadcast %broadcast_in_dim3A_1022 : vector<1x96xf32> to vector<325x96xf32>
    %add3A_1024 = arith.addf %dot_general3A_1017, %add3A_1023 : vector<325x96xf32>
    %swap3A_1025 = arith.constant 3 : index
    %swap3A_1026 = arith.constant 0 : index
    %swap3A_1027 = arith.constant 0 : index
    %swap3A_1028 = vector.load %arg18[%swap3A_1025, %swap3A_1026, %swap3A_1027] : memref<12x325x96xf32, #tpu.memory_space<vmem>>, vector<1x325x96xf32>
    %swap3A_1029 = vector.shape_cast %swap3A_1028 : vector<1x325x96xf32> to vector<325x96xf32>
    %swap3A_1030 = vector.shape_cast %add3A_1024 : vector<325x96xf32> to vector<1x325x96xf32>
    tpu.vector_store %arg18[%swap3A_1025, %swap3A_1026, %swap3A_1027], %swap3A_1030 {strides = array<i32>} : memref<12x325x96xf32, #tpu.memory_space<vmem>>, vector<1x325x96xf32>,
    %get3A_1031 = arith.constant 4 : index
    %get3A_1032 = arith.constant 0 : index
    %get3A_1033 = arith.constant 0 : index
    %get3A_1034 = vector.load %arg19[%get3A_1031, %get3A_1032, %get3A_1033] : memref<12x325x96xf32, #tpu.memory_space<vmem>>, vector<1x325x96xf32>
    %get3A_1035 = vector.shape_cast %get3A_1034 : vector<1x325x96xf32> to vector<325x96xf32>
    %get3A_1036 = arith.constant 1 : index
    %get3A_1037 = arith.constant 0 : index
    %get3A_1038 = arith.constant 0 : index
    %get3A_1039 = vector.load %arg6[%get3A_1036, %get3A_1037, %get3A_1038] : memref<3x96x96xf32, #tpu.memory_space<vmem>>, vector<1x96x96xf32>
    %get3A_1040 = vector.shape_cast %get3A_1039 : vector<1x96x96xf32> to vector<96x96xf32>
    %dot_general3A_1041 = arith.constant dense<0.000000e+00> : vector<325x96xf32>
    %dot_general3A_1042 = tpu.matmul %get3A_1035, %get3A_1040, %dot_general3A_1041 {dimension_numbers = #tpu.dot_dimension_numbers<[1], [0], [0], [1], [0, 0, 1, 1], [], []>, transpose_lhs_hint = false} : vector<325x96xf32>, vector<96x96xf32>, vector<325x96xf32> -> vector<325x96xf32>
    %get3A_1043 = arith.constant 1 : index
    %get3A_1044 = arith.constant 0 : index
    %get3A_1045 = vector.load %arg7[%get3A_1043, %get3A_1044] : memref<3x96xf32, #tpu.memory_space<vmem>>, vector<1x96xf32>
    %get3A_1046 = vector.shape_cast %get3A_1045 : vector<1x96xf32> to vector<96xf32>
    %broadcast_in_dim3A_1047 = vector.shape_cast %get3A_1046 : vector<96xf32> to vector<1x96xf32>
    %add3A_1048 = vector.broadcast %broadcast_in_dim3A_1047 : vector<1x96xf32> to vector<325x96xf32>
    %add3A_1049 = arith.addf %dot_general3A_1042, %add3A_1048 : vector<325x96xf32>
    %swap3A_1050 = arith.constant 4 : index
    %swap3A_1051 = arith.constant 0 : index
    %swap3A_1052 = arith.constant 0 : index
    %swap3A_1053 = vector.load %arg18[%swap3A_1050, %swap3A_1051, %swap3A_1052] : memref<12x325x96xf32, #tpu.memory_space<vmem>>, vector<1x325x96xf32>
    %swap3A_1054 = vector.shape_cast %swap3A_1053 : vector<1x325x96xf32> to vector<325x96xf32>
    %swap3A_1055 = vector.shape_cast %add3A_1049 : vector<325x96xf32> to vector<1x325x96xf32>
    tpu.vector_store %arg18[%swap3A_1050, %swap3A_1051, %swap3A_1052], %swap3A_1055 {strides = array<i32>} : memref<12x325x96xf32, #tpu.memory_space<vmem>>, vector<1x325x96xf32>,
    %get3A_1056 = arith.constant 5 : index
    %get3A_1057 = arith.constant 0 : index
    %get3A_1058 = arith.constant 0 : index
    %get3A_1059 = vector.load %arg19[%get3A_1056, %get3A_1057, %get3A_1058] : memref<12x325x96xf32, #tpu.memory_space<vmem>>, vector<1x325x96xf32>
    %get3A_1060 = vector.shape_cast %get3A_1059 : vector<1x325x96xf32> to vector<325x96xf32>
    %get3A_1061 = arith.constant 1 : index
    %get3A_1062 = arith.constant 0 : index
    %get3A_1063 = arith.constant 0 : index
    %get3A_1064 = vector.load %arg6[%get3A_1061, %get3A_1062, %get3A_1063] : memref<3x96x96xf32, #tpu.memory_space<vmem>>, vector<1x96x96xf32>
    %get3A_1065 = vector.shape_cast %get3A_1064 : vector<1x96x96xf32> to vector<96x96xf32>
    %dot_general3A_1066 = arith.constant dense<0.000000e+00> : vector<325x96xf32>
    %dot_general3A_1067 = tpu.matmul %get3A_1060, %get3A_1065, %dot_general3A_1066 {dimension_numbers = #tpu.dot_dimension_numbers<[1], [0], [0], [1], [0, 0, 1, 1], [], []>, transpose_lhs_hint = false} : vector<325x96xf32>, vector<96x96xf32>, vector<325x96xf32> -> vector<325x96xf32>
    %get3A_1068 = arith.constant 1 : index
    %get3A_1069 = arith.constant 0 : index
    %get3A_1070 = vector.load %arg7[%get3A_1068, %get3A_1069] : memref<3x96xf32, #tpu.memory_space<vmem>>, vector<1x96xf32>
    %get3A_1071 = vector.shape_cast %get3A_1070 : vector<1x96xf32> to vector<96xf32>
    %broadcast_in_dim3A_1072 = vector.shape_cast %get3A_1071 : vector<96xf32> to vector<1x96xf32>
    %add3A_1073 = vector.broadcast %broadcast_in_dim3A_1072 : vector<1x96xf32> to vector<325x96xf32>
    %add3A_1074 = arith.addf %dot_general3A_1067, %add3A_1073 : vector<325x96xf32>
    %swap3A_1075 = arith.constant 5 : index
    %swap3A_1076 = arith.constant 0 : index
    %swap3A_1077 = arith.constant 0 : index
    %swap3A_1078 = vector.load %arg18[%swap3A_1075, %swap3A_1076, %swap3A_1077] : memref<12x325x96xf32, #tpu.memory_space<vmem>>, vector<1x325x96xf32>
    %swap3A_1079 = vector.shape_cast %swap3A_1078 : vector<1x325x96xf32> to vector<325x96xf32>
    %swap3A_1080 = vector.shape_cast %add3A_1074 : vector<325x96xf32> to vector<1x325x96xf32>
    tpu.vector_store %arg18[%swap3A_1075, %swap3A_1076, %swap3A_1077], %swap3A_1080 {strides = array<i32>} : memref<12x325x96xf32, #tpu.memory_space<vmem>>, vector<1x325x96xf32>,
    %get3A_1081 = arith.constant 6 : index
    %get3A_1082 = arith.constant 0 : index
    %get3A_1083 = arith.constant 0 : index
    %get3A_1084 = vector.load %arg19[%get3A_1081, %get3A_1082, %get3A_1083] : memref<12x325x96xf32, #tpu.memory_space<vmem>>, vector<1x325x96xf32>
    %get3A_1085 = vector.shape_cast %get3A_1084 : vector<1x325x96xf32> to vector<325x96xf32>
    %get3A_1086 = arith.constant 1 : index
    %get3A_1087 = arith.constant 0 : index
    %get3A_1088 = arith.constant 0 : index
    %get3A_1089 = vector.load %arg6[%get3A_1086, %get3A_1087, %get3A_1088] : memref<3x96x96xf32, #tpu.memory_space<vmem>>, vector<1x96x96xf32>
    %get3A_1090 = vector.shape_cast %get3A_1089 : vector<1x96x96xf32> to vector<96x96xf32>
    %dot_general3A_1091 = arith.constant dense<0.000000e+00> : vector<325x96xf32>
    %dot_general3A_1092 = tpu.matmul %get3A_1085, %get3A_1090, %dot_general3A_1091 {dimension_numbers = #tpu.dot_dimension_numbers<[1], [0], [0], [1], [0, 0, 1, 1], [], []>, transpose_lhs_hint = false} : vector<325x96xf32>, vector<96x96xf32>, vector<325x96xf32> -> vector<325x96xf32>
    %get3A_1093 = arith.constant 1 : index
    %get3A_1094 = arith.constant 0 : index
    %get3A_1095 = vector.load %arg7[%get3A_1093, %get3A_1094] : memref<3x96xf32, #tpu.memory_space<vmem>>, vector<1x96xf32>
    %get3A_1096 = vector.shape_cast %get3A_1095 : vector<1x96xf32> to vector<96xf32>
    %broadcast_in_dim3A_1097 = vector.shape_cast %get3A_1096 : vector<96xf32> to vector<1x96xf32>
    %add3A_1098 = vector.broadcast %broadcast_in_dim3A_1097 : vector<1x96xf32> to vector<325x96xf32>
    %add3A_1099 = arith.addf %dot_general3A_1092, %add3A_1098 : vector<325x96xf32>
    %swap3A_1100 = arith.constant 6 : index
    %swap3A_1101 = arith.constant 0 : index
    %swap3A_1102 = arith.constant 0 : index
    %swap3A_1103 = vector.load %arg18[%swap3A_1100, %swap3A_1101, %swap3A_1102] : memref<12x325x96xf32, #tpu.memory_space<vmem>>, vector<1x325x96xf32>
    %swap3A_1104 = vector.shape_cast %swap3A_1103 : vector<1x325x96xf32> to vector<325x96xf32>
    %swap3A_1105 = vector.shape_cast %add3A_1099 : vector<325x96xf32> to vector<1x325x96xf32>
    tpu.vector_store %arg18[%swap3A_1100, %swap3A_1101, %swap3A_1102], %swap3A_1105 {strides = array<i32>} : memref<12x325x96xf32, #tpu.memory_space<vmem>>, vector<1x325x96xf32>,
    %get3A_1106 = arith.constant 7 : index
    %get3A_1107 = arith.constant 0 : index
    %get3A_1108 = arith.constant 0 : index
    %get3A_1109 = vector.load %arg19[%get3A_1106, %get3A_1107, %get3A_1108] : memref<12x325x96xf32, #tpu.memory_space<vmem>>, vector<1x325x96xf32>
    %get3A_1110 = vector.shape_cast %get3A_1109 : vector<1x325x96xf32> to vector<325x96xf32>
    %get3A_1111 = arith.constant 1 : index
    %get3A_1112 = arith.constant 0 : index
    %get3A_1113 = arith.constant 0 : index
    %get3A_1114 = vector.load %arg6[%get3A_1111, %get3A_1112, %get3A_1113] : memref<3x96x96xf32, #tpu.memory_space<vmem>>, vector<1x96x96xf32>
    %get3A_1115 = vector.shape_cast %get3A_1114 : vector<1x96x96xf32> to vector<96x96xf32>
    %dot_general3A_1116 = arith.constant dense<0.000000e+00> : vector<325x96xf32>
    %dot_general3A_1117 = tpu.matmul %get3A_1110, %get3A_1115, %dot_general3A_1116 {dimension_numbers = #tpu.dot_dimension_numbers<[1], [0], [0], [1], [0, 0, 1, 1], [], []>, transpose_lhs_hint = false} : vector<325x96xf32>, vector<96x96xf32>, vector<325x96xf32> -> vector<325x96xf32>
    %get3A_1118 = arith.constant 1 : index
    %get3A_1119 = arith.constant 0 : index
    %get3A_1120 = vector.load %arg7[%get3A_1118, %get3A_1119] : memref<3x96xf32, #tpu.memory_space<vmem>>, vector<1x96xf32>
    %get3A_1121 = vector.shape_cast %get3A_1120 : vector<1x96xf32> to vector<96xf32>
    %broadcast_in_dim3A_1122 = vector.shape_cast %get3A_1121 : vector<96xf32> to vector<1x96xf32>
    %add3A_1123 = vector.broadcast %broadcast_in_dim3A_1122 : vector<1x96xf32> to vector<325x96xf32>
    %add3A_1124 = arith.addf %dot_general3A_1117, %add3A_1123 : vector<325x96xf32>
    %swap3A_1125 = arith.constant 7 : index
    %swap3A_1126 = arith.constant 0 : index
    %swap3A_1127 = arith.constant 0 : index
    %swap3A_1128 = vector.load %arg18[%swap3A_1125, %swap3A_1126, %swap3A_1127] : memref<12x325x96xf32, #tpu.memory_space<vmem>>, vector<1x325x96xf32>
    %swap3A_1129 = vector.shape_cast %swap3A_1128 : vector<1x325x96xf32> to vector<325x96xf32>
    %swap3A_1130 = vector.shape_cast %add3A_1124 : vector<325x96xf32> to vector<1x325x96xf32>
    tpu.vector_store %arg18[%swap3A_1125, %swap3A_1126, %swap3A_1127], %swap3A_1130 {strides = array<i32>} : memref<12x325x96xf32, #tpu.memory_space<vmem>>, vector<1x325x96xf32>,
    %get3A_1131 = arith.constant 8 : index
    %get3A_1132 = arith.constant 0 : index
    %get3A_1133 = arith.constant 0 : index
    %get3A_1134 = vector.load %arg19[%get3A_1131, %get3A_1132, %get3A_1133] : memref<12x325x96xf32, #tpu.memory_space<vmem>>, vector<1x325x96xf32>
    %get3A_1135 = vector.shape_cast %get3A_1134 : vector<1x325x96xf32> to vector<325x96xf32>
    %get3A_1136 = arith.constant 1 : index
    %get3A_1137 = arith.constant 0 : index
    %get3A_1138 = arith.constant 0 : index
    %get3A_1139 = vector.load %arg6[%get3A_1136, %get3A_1137, %get3A_1138] : memref<3x96x96xf32, #tpu.memory_space<vmem>>, vector<1x96x96xf32>
    %get3A_1140 = vector.shape_cast %get3A_1139 : vector<1x96x96xf32> to vector<96x96xf32>
    %dot_general3A_1141 = arith.constant dense<0.000000e+00> : vector<325x96xf32>
    %dot_general3A_1142 = tpu.matmul %get3A_1135, %get3A_1140, %dot_general3A_1141 {dimension_numbers = #tpu.dot_dimension_numbers<[1], [0], [0], [1], [0, 0, 1, 1], [], []>, transpose_lhs_hint = false} : vector<325x96xf32>, vector<96x96xf32>, vector<325x96xf32> -> vector<325x96xf32>
    %get3A_1143 = arith.constant 1 : index
    %get3A_1144 = arith.constant 0 : index
    %get3A_1145 = vector.load %arg7[%get3A_1143, %get3A_1144] : memref<3x96xf32, #tpu.memory_space<vmem>>, vector<1x96xf32>
    %get3A_1146 = vector.shape_cast %get3A_1145 : vector<1x96xf32> to vector<96xf32>
    %broadcast_in_dim3A_1147 = vector.shape_cast %get3A_1146 : vector<96xf32> to vector<1x96xf32>
    %add3A_1148 = vector.broadcast %broadcast_in_dim3A_1147 : vector<1x96xf32> to vector<325x96xf32>
    %add3A_1149 = arith.addf %dot_general3A_1142, %add3A_1148 : vector<325x96xf32>
    %swap3A_1150 = arith.constant 8 : index
    %swap3A_1151 = arith.constant 0 : index
    %swap3A_1152 = arith.constant 0 : index
    %swap3A_1153 = vector.load %arg18[%swap3A_1150, %swap3A_1151, %swap3A_1152] : memref<12x325x96xf32, #tpu.memory_space<vmem>>, vector<1x325x96xf32>
    %swap3A_1154 = vector.shape_cast %swap3A_1153 : vector<1x325x96xf32> to vector<325x96xf32>
    %swap3A_1155 = vector.shape_cast %add3A_1149 : vector<325x96xf32> to vector<1x325x96xf32>
    tpu.vector_store %arg18[%swap3A_1150, %swap3A_1151, %swap3A_1152], %swap3A_1155 {strides = array<i32>} : memref<12x325x96xf32, #tpu.memory_space<vmem>>, vector<1x325x96xf32>,
    %get3A_1156 = arith.constant 9 : index
    %get3A_1157 = arith.constant 0 : index
    %get3A_1158 = arith.constant 0 : index
    %get3A_1159 = vector.load %arg19[%get3A_1156, %get3A_1157, %get3A_1158] : memref<12x325x96xf32, #tpu.memory_space<vmem>>, vector<1x325x96xf32>
    %get3A_1160 = vector.shape_cast %get3A_1159 : vector<1x325x96xf32> to vector<325x96xf32>
    %get3A_1161 = arith.constant 1 : index
    %get3A_1162 = arith.constant 0 : index
    %get3A_1163 = arith.constant 0 : index
    %get3A_1164 = vector.load %arg6[%get3A_1161, %get3A_1162, %get3A_1163] : memref<3x96x96xf32, #tpu.memory_space<vmem>>, vector<1x96x96xf32>
    %get3A_1165 = vector.shape_cast %get3A_1164 : vector<1x96x96xf32> to vector<96x96xf32>
    %dot_general3A_1166 = arith.constant dense<0.000000e+00> : vector<325x96xf32>
    %dot_general3A_1167 = tpu.matmul %get3A_1160, %get3A_1165, %dot_general3A_1166 {dimension_numbers = #tpu.dot_dimension_numbers<[1], [0], [0], [1], [0, 0, 1, 1], [], []>, transpose_lhs_hint = false} : vector<325x96xf32>, vector<96x96xf32>, vector<325x96xf32> -> vector<325x96xf32>
    %get3A_1168 = arith.constant 1 : index
    %get3A_1169 = arith.constant 0 : index
    %get3A_1170 = vector.load %arg7[%get3A_1168, %get3A_1169] : memref<3x96xf32, #tpu.memory_space<vmem>>, vector<1x96xf32>
    %get3A_1171 = vector.shape_cast %get3A_1170 : vector<1x96xf32> to vector<96xf32>
    %broadcast_in_dim3A_1172 = vector.shape_cast %get3A_1171 : vector<96xf32> to vector<1x96xf32>
    %add3A_1173 = vector.broadcast %broadcast_in_dim3A_1172 : vector<1x96xf32> to vector<325x96xf32>
    %add3A_1174 = arith.addf %dot_general3A_1167, %add3A_1173 : vector<325x96xf32>
    %swap3A_1175 = arith.constant 9 : index
    %swap3A_1176 = arith.constant 0 : index
    %swap3A_1177 = arith.constant 0 : index
    %swap3A_1178 = vector.load %arg18[%swap3A_1175, %swap3A_1176, %swap3A_1177] : memref<12x325x96xf32, #tpu.memory_space<vmem>>, vector<1x325x96xf32>
    %swap3A_1179 = vector.shape_cast %swap3A_1178 : vector<1x325x96xf32> to vector<325x96xf32>
    %swap3A_1180 = vector.shape_cast %add3A_1174 : vector<325x96xf32> to vector<1x325x96xf32>
    tpu.vector_store %arg18[%swap3A_1175, %swap3A_1176, %swap3A_1177], %swap3A_1180 {strides = array<i32>} : memref<12x325x96xf32, #tpu.memory_space<vmem>>, vector<1x325x96xf32>,
    %get3A_1181 = arith.constant 10 : index
    %get3A_1182 = arith.constant 0 : index
    %get3A_1183 = arith.constant 0 : index
    %get3A_1184 = vector.load %arg19[%get3A_1181, %get3A_1182, %get3A_1183] : memref<12x325x96xf32, #tpu.memory_space<vmem>>, vector<1x325x96xf32>
    %get3A_1185 = vector.shape_cast %get3A_1184 : vector<1x325x96xf32> to vector<325x96xf32>
    %get3A_1186 = arith.constant 1 : index
    %get3A_1187 = arith.constant 0 : index
    %get3A_1188 = arith.constant 0 : index
    %get3A_1189 = vector.load %arg6[%get3A_1186, %get3A_1187, %get3A_1188] : memref<3x96x96xf32, #tpu.memory_space<vmem>>, vector<1x96x96xf32>
    %get3A_1190 = vector.shape_cast %get3A_1189 : vector<1x96x96xf32> to vector<96x96xf32>
    %dot_general3A_1191 = arith.constant dense<0.000000e+00> : vector<325x96xf32>
    %dot_general3A_1192 = tpu.matmul %get3A_1185, %get3A_1190, %dot_general3A_1191 {dimension_numbers = #tpu.dot_dimension_numbers<[1], [0], [0], [1], [0, 0, 1, 1], [], []>, transpose_lhs_hint = false} : vector<325x96xf32>, vector<96x96xf32>, vector<325x96xf32> -> vector<325x96xf32>
    %get3A_1193 = arith.constant 1 : index
    %get3A_1194 = arith.constant 0 : index
    %get3A_1195 = vector.load %arg7[%get3A_1193, %get3A_1194] : memref<3x96xf32, #tpu.memory_space<vmem>>, vector<1x96xf32>
    %get3A_1196 = vector.shape_cast %get3A_1195 : vector<1x96xf32> to vector<96xf32>
    %broadcast_in_dim3A_1197 = vector.shape_cast %get3A_1196 : vector<96xf32> to vector<1x96xf32>
    %add3A_1198 = vector.broadcast %broadcast_in_dim3A_1197 : vector<1x96xf32> to vector<325x96xf32>
    %add3A_1199 = arith.addf %dot_general3A_1192, %add3A_1198 : vector<325x96xf32>
    %swap3A_1200 = arith.constant 10 : index
    %swap3A_1201 = arith.constant 0 : index
    %swap3A_1202 = arith.constant 0 : index
    %swap3A_1203 = vector.load %arg18[%swap3A_1200, %swap3A_1201, %swap3A_1202] : memref<12x325x96xf32, #tpu.memory_space<vmem>>, vector<1x325x96xf32>
    %swap3A_1204 = vector.shape_cast %swap3A_1203 : vector<1x325x96xf32> to vector<325x96xf32>
    %swap3A_1205 = vector.shape_cast %add3A_1199 : vector<325x96xf32> to vector<1x325x96xf32>
    tpu.vector_store %arg18[%swap3A_1200, %swap3A_1201, %swap3A_1202], %swap3A_1205 {strides = array<i32>} : memref<12x325x96xf32, #tpu.memory_space<vmem>>, vector<1x325x96xf32>,
    %get3A_1206 = arith.constant 11 : index
    %get3A_1207 = arith.constant 0 : index
    %get3A_1208 = arith.constant 0 : index
    %get3A_1209 = vector.load %arg19[%get3A_1206, %get3A_1207, %get3A_1208] : memref<12x325x96xf32, #tpu.memory_space<vmem>>, vector<1x325x96xf32>
    %get3A_1210 = vector.shape_cast %get3A_1209 : vector<1x325x96xf32> to vector<325x96xf32>
    %get3A_1211 = arith.constant 1 : index
    %get3A_1212 = arith.constant 0 : index
    %get3A_1213 = arith.constant 0 : index
    %get3A_1214 = vector.load %arg6[%get3A_1211, %get3A_1212, %get3A_1213] : memref<3x96x96xf32, #tpu.memory_space<vmem>>, vector<1x96x96xf32>
    %get3A_1215 = vector.shape_cast %get3A_1214 : vector<1x96x96xf32> to vector<96x96xf32>
    %dot_general3A_1216 = arith.constant dense<0.000000e+00> : vector<325x96xf32>
    %dot_general3A_1217 = tpu.matmul %get3A_1210, %get3A_1215, %dot_general3A_1216 {dimension_numbers = #tpu.dot_dimension_numbers<[1], [0], [0], [1], [0, 0, 1, 1], [], []>, transpose_lhs_hint = false} : vector<325x96xf32>, vector<96x96xf32>, vector<325x96xf32> -> vector<325x96xf32>
    %get3A_1218 = arith.constant 1 : index
    %get3A_1219 = arith.constant 0 : index
    %get3A_1220 = vector.load %arg7[%get3A_1218, %get3A_1219] : memref<3x96xf32, #tpu.memory_space<vmem>>, vector<1x96xf32>
    %get3A_1221 = vector.shape_cast %get3A_1220 : vector<1x96xf32> to vector<96xf32>
    %broadcast_in_dim3A_1222 = vector.shape_cast %get3A_1221 : vector<96xf32> to vector<1x96xf32>
    %add3A_1223 = vector.broadcast %broadcast_in_dim3A_1222 : vector<1x96xf32> to vector<325x96xf32>
    %add3A_1224 = arith.addf %dot_general3A_1217, %add3A_1223 : vector<325x96xf32>
    %swap3A_1225 = arith.constant 11 : index
    %swap3A_1226 = arith.constant 0 : index
    %swap3A_1227 = arith.constant 0 : index
    %swap3A_1228 = vector.load %arg18[%swap3A_1225, %swap3A_1226, %swap3A_1227] : memref<12x325x96xf32, #tpu.memory_space<vmem>>, vector<1x325x96xf32>
    %swap3A_1229 = vector.shape_cast %swap3A_1228 : vector<1x325x96xf32> to vector<325x96xf32>
    %swap3A_1230 = vector.shape_cast %add3A_1224 : vector<325x96xf32> to vector<1x325x96xf32>
    tpu.vector_store %arg18[%swap3A_1225, %swap3A_1226, %swap3A_1227], %swap3A_1230 {strides = array<i32>} : memref<12x325x96xf32, #tpu.memory_space<vmem>>, vector<1x325x96xf32>,
    %broadcast_in_dim3A_1231 = arith.constant 0.000000e+00 : f32
    %broadcast_in_dim3A_1232 = vector.broadcast %broadcast_in_dim3A_1231 : f32 to vector<325x96xf32>
    %broadcast_in_dim3A_1233 = arith.constant 0.000000e+00 : f32
    %broadcast_in_dim3A_1234 = vector.broadcast %broadcast_in_dim3A_1233 : f32 to vector<325x96xf32>
    %broadcast_in_dim3A_1235 = arith.constant 0.000000e+00 : f32
    %broadcast_in_dim3A_1236 = vector.broadcast %broadcast_in_dim3A_1235 : f32 to vector<325x96xf32>
    %mul3A_1237 = arith.constant 0.899999976 : f32
    %mul3A_1238 = vector.broadcast %mul3A_1237 : f32 to vector<325x96xf32>
    %mul3A_1239 = arith.mulf %mul3A_1238, %broadcast_in_dim3A_1232 : vector<325x96xf32>
    %get3A_1240 = arith.constant 0 : index
    %get3A_1241 = arith.constant 0 : index
    %get3A_1242 = arith.constant 0 : index
    %get3A_1243 = vector.load %arg18[%get3A_1240, %get3A_1241, %get3A_1242] : memref<12x325x96xf32, #tpu.memory_space<vmem>>, vector<1x325x96xf32>
    %get3A_1244 = vector.shape_cast %get3A_1243 : vector<1x325x96xf32> to vector<325x96xf32>
    %add3A_1245 = arith.addf %mul3A_1239, %get3A_1244 : vector<325x96xf32>
    %mul3A_1246 = arith.constant 8.000000e-01 : f32
    %mul3A_1247 = vector.broadcast %mul3A_1246 : f32 to vector<325x96xf32>
    %mul3A_1248 = arith.mulf %mul3A_1247, %broadcast_in_dim3A_1234 : vector<325x96xf32>
    %add3A_1249 = arith.addf %mul3A_1248, %add3A_1245 : vector<325x96xf32>
    %sub3A_1250 = arith.subf %add3A_1249, %broadcast_in_dim3A_1236 : vector<325x96xf32>
    %gt3A_1251 = arith.constant 1.000000e+00 : f32
    %gt3A_1252 = vector.broadcast %gt3A_1251 : f32 to vector<325x96xf32>
    %gt3A_1253 = arith.cmpf ogt, %sub3A_1250, %gt3A_1252 : vector<325x96xf32>
    %convert_element_type3A_1254 = arith.extui %gt3A_1253 : vector<325x96xi1> to vector<325x96xi32>
    %convert_element_type3A_1255 = arith.sitofp %convert_element_type3A_1254 : vector<325x96xi32> to vector<325x96xf32>
    %swap3A_1256 = arith.constant 0 : index
    %swap3A_1257 = arith.constant 0 : index
    %swap3A_1258 = arith.constant 0 : index
    %swap3A_1259 = vector.load %arg18[%swap3A_1256, %swap3A_1257, %swap3A_1258] : memref<12x325x96xf32, #tpu.memory_space<vmem>>, vector<1x325x96xf32>
    %swap3A_1260 = vector.shape_cast %swap3A_1259 : vector<1x325x96xf32> to vector<325x96xf32>
    %swap3A_1261 = vector.shape_cast %convert_element_type3A_1255 : vector<325x96xf32> to vector<1x325x96xf32>
    tpu.vector_store %arg18[%swap3A_1256, %swap3A_1257, %swap3A_1258], %swap3A_1261 {strides = array<i32>} : memref<12x325x96xf32, #tpu.memory_space<vmem>>, vector<1x325x96xf32>,
    %mul3A_1262 = arith.constant 0.899999976 : f32
    %mul3A_1263 = vector.broadcast %mul3A_1262 : f32 to vector<325x96xf32>
    %mul3A_1264 = arith.mulf %mul3A_1263, %add3A_1245 : vector<325x96xf32>
    %get3A_1265 = arith.constant 1 : index
    %get3A_1266 = arith.constant 0 : index
    %get3A_1267 = arith.constant 0 : index
    %get3A_1268 = vector.load %arg18[%get3A_1265, %get3A_1266, %get3A_1267] : memref<12x325x96xf32, #tpu.memory_space<vmem>>, vector<1x325x96xf32>
    %get3A_1269 = vector.shape_cast %get3A_1268 : vector<1x325x96xf32> to vector<325x96xf32>
    %add3A_1270 = arith.addf %mul3A_1264, %get3A_1269 : vector<325x96xf32>
    %mul3A_1271 = arith.constant 8.000000e-01 : f32
    %mul3A_1272 = vector.broadcast %mul3A_1271 : f32 to vector<325x96xf32>
    %mul3A_1273 = arith.mulf %mul3A_1272, %sub3A_1250 : vector<325x96xf32>
    %add3A_1274 = arith.addf %mul3A_1273, %add3A_1270 : vector<325x96xf32>
    %sub3A_1275 = arith.subf %add3A_1274, %convert_element_type3A_1255 : vector<325x96xf32>
    %gt3A_1276 = arith.constant 1.000000e+00 : f32
    %gt3A_1277 = vector.broadcast %gt3A_1276 : f32 to vector<325x96xf32>
    %gt3A_1278 = arith.cmpf ogt, %sub3A_1275, %gt3A_1277 : vector<325x96xf32>
    %convert_element_type3A_1279 = arith.extui %gt3A_1278 : vector<325x96xi1> to vector<325x96xi32>
    %convert_element_type3A_1280 = arith.sitofp %convert_element_type3A_1279 : vector<325x96xi32> to vector<325x96xf32>
    %swap3A_1281 = arith.constant 1 : index
    %swap3A_1282 = arith.constant 0 : index
    %swap3A_1283 = arith.constant 0 : index
    %swap3A_1284 = vector.load %arg18[%swap3A_1281, %swap3A_1282, %swap3A_1283] : memref<12x325x96xf32, #tpu.memory_space<vmem>>, vector<1x325x96xf32>
    %swap3A_1285 = vector.shape_cast %swap3A_1284 : vector<1x325x96xf32> to vector<325x96xf32>
    %swap3A_1286 = vector.shape_cast %convert_element_type3A_1280 : vector<325x96xf32> to vector<1x325x96xf32>
    tpu.vector_store %arg18[%swap3A_1281, %swap3A_1282, %swap3A_1283], %swap3A_1286 {strides = array<i32>} : memref<12x325x96xf32, #tpu.memory_space<vmem>>, vector<1x325x96xf32>,
    %mul3A_1287 = arith.constant 0.899999976 : f32
    %mul3A_1288 = vector.broadcast %mul3A_1287 : f32 to vector<325x96xf32>
    %mul3A_1289 = arith.mulf %mul3A_1288, %add3A_1270 : vector<325x96xf32>
    %get3A_1290 = arith.constant 2 : index
    %get3A_1291 = arith.constant 0 : index
    %get3A_1292 = arith.constant 0 : index
    %get3A_1293 = vector.load %arg18[%get3A_1290, %get3A_1291, %get3A_1292] : memref<12x325x96xf32, #tpu.memory_space<vmem>>, vector<1x325x96xf32>
    %get3A_1294 = vector.shape_cast %get3A_1293 : vector<1x325x96xf32> to vector<325x96xf32>
    %add3A_1295 = arith.addf %mul3A_1289, %get3A_1294 : vector<325x96xf32>
    %mul3A_1296 = arith.constant 8.000000e-01 : f32
    %mul3A_1297 = vector.broadcast %mul3A_1296 : f32 to vector<325x96xf32>
    %mul3A_1298 = arith.mulf %mul3A_1297, %sub3A_1275 : vector<325x96xf32>
    %add3A_1299 = arith.addf %mul3A_1298, %add3A_1295 : vector<325x96xf32>
    %sub3A_1300 = arith.subf %add3A_1299, %convert_element_type3A_1280 : vector<325x96xf32>
    %gt3A_1301 = arith.constant 1.000000e+00 : f32
    %gt3A_1302 = vector.broadcast %gt3A_1301 : f32 to vector<325x96xf32>
    %gt3A_1303 = arith.cmpf ogt, %sub3A_1300, %gt3A_1302 : vector<325x96xf32>
    %convert_element_type3A_1304 = arith.extui %gt3A_1303 : vector<325x96xi1> to vector<325x96xi32>
    %convert_element_type3A_1305 = arith.sitofp %convert_element_type3A_1304 : vector<325x96xi32> to vector<325x96xf32>
    %swap3A_1306 = arith.constant 2 : index
    %swap3A_1307 = arith.constant 0 : index
    %swap3A_1308 = arith.constant 0 : index
    %swap3A_1309 = vector.load %arg18[%swap3A_1306, %swap3A_1307, %swap3A_1308] : memref<12x325x96xf32, #tpu.memory_space<vmem>>, vector<1x325x96xf32>
    %swap3A_1310 = vector.shape_cast %swap3A_1309 : vector<1x325x96xf32> to vector<325x96xf32>
    %swap3A_1311 = vector.shape_cast %convert_element_type3A_1305 : vector<325x96xf32> to vector<1x325x96xf32>
    tpu.vector_store %arg18[%swap3A_1306, %swap3A_1307, %swap3A_1308], %swap3A_1311 {strides = array<i32>} : memref<12x325x96xf32, #tpu.memory_space<vmem>>, vector<1x325x96xf32>,
    %mul3A_1312 = arith.constant 0.899999976 : f32
    %mul3A_1313 = vector.broadcast %mul3A_1312 : f32 to vector<325x96xf32>
    %mul3A_1314 = arith.mulf %mul3A_1313, %add3A_1295 : vector<325x96xf32>
    %get3A_1315 = arith.constant 3 : index
    %get3A_1316 = arith.constant 0 : index
    %get3A_1317 = arith.constant 0 : index
    %get3A_1318 = vector.load %arg18[%get3A_1315, %get3A_1316, %get3A_1317] : memref<12x325x96xf32, #tpu.memory_space<vmem>>, vector<1x325x96xf32>
    %get3A_1319 = vector.shape_cast %get3A_1318 : vector<1x325x96xf32> to vector<325x96xf32>
    %add3A_1320 = arith.addf %mul3A_1314, %get3A_1319 : vector<325x96xf32>
    %mul3A_1321 = arith.constant 8.000000e-01 : f32
    %mul3A_1322 = vector.broadcast %mul3A_1321 : f32 to vector<325x96xf32>
    %mul3A_1323 = arith.mulf %mul3A_1322, %sub3A_1300 : vector<325x96xf32>
    %add3A_1324 = arith.addf %mul3A_1323, %add3A_1320 : vector<325x96xf32>
    %sub3A_1325 = arith.subf %add3A_1324, %convert_element_type3A_1305 : vector<325x96xf32>
    %gt3A_1326 = arith.constant 1.000000e+00 : f32
    %gt3A_1327 = vector.broadcast %gt3A_1326 : f32 to vector<325x96xf32>
    %gt3A_1328 = arith.cmpf ogt, %sub3A_1325, %gt3A_1327 : vector<325x96xf32>
    %convert_element_type3A_1329 = arith.extui %gt3A_1328 : vector<325x96xi1> to vector<325x96xi32>
    %convert_element_type3A_1330 = arith.sitofp %convert_element_type3A_1329 : vector<325x96xi32> to vector<325x96xf32>
    %swap3A_1331 = arith.constant 3 : index
    %swap3A_1332 = arith.constant 0 : index
    %swap3A_1333 = arith.constant 0 : index
    %swap3A_1334 = vector.load %arg18[%swap3A_1331, %swap3A_1332, %swap3A_1333] : memref<12x325x96xf32, #tpu.memory_space<vmem>>, vector<1x325x96xf32>
    %swap3A_1335 = vector.shape_cast %swap3A_1334 : vector<1x325x96xf32> to vector<325x96xf32>
    %swap3A_1336 = vector.shape_cast %convert_element_type3A_1330 : vector<325x96xf32> to vector<1x325x96xf32>
    tpu.vector_store %arg18[%swap3A_1331, %swap3A_1332, %swap3A_1333], %swap3A_1336 {strides = array<i32>} : memref<12x325x96xf32, #tpu.memory_space<vmem>>, vector<1x325x96xf32>,
    %mul3A_1337 = arith.constant 0.899999976 : f32
    %mul3A_1338 = vector.broadcast %mul3A_1337 : f32 to vector<325x96xf32>
    %mul3A_1339 = arith.mulf %mul3A_1338, %add3A_1320 : vector<325x96xf32>
    %get3A_1340 = arith.constant 4 : index
    %get3A_1341 = arith.constant 0 : index
    %get3A_1342 = arith.constant 0 : index
    %get3A_1343 = vector.load %arg18[%get3A_1340, %get3A_1341, %get3A_1342] : memref<12x325x96xf32, #tpu.memory_space<vmem>>, vector<1x325x96xf32>
    %get3A_1344 = vector.shape_cast %get3A_1343 : vector<1x325x96xf32> to vector<325x96xf32>
    %add3A_1345 = arith.addf %mul3A_1339, %get3A_1344 : vector<325x96xf32>
    %mul3A_1346 = arith.constant 8.000000e-01 : f32
    %mul3A_1347 = vector.broadcast %mul3A_1346 : f32 to vector<325x96xf32>
    %mul3A_1348 = arith.mulf %mul3A_1347, %sub3A_1325 : vector<325x96xf32>
    %add3A_1349 = arith.addf %mul3A_1348, %add3A_1345 : vector<325x96xf32>
    %sub3A_1350 = arith.subf %add3A_1349, %convert_element_type3A_1330 : vector<325x96xf32>
    %gt3A_1351 = arith.constant 1.000000e+00 : f32
    %gt3A_1352 = vector.broadcast %gt3A_1351 : f32 to vector<325x96xf32>
    %gt3A_1353 = arith.cmpf ogt, %sub3A_1350, %gt3A_1352 : vector<325x96xf32>
    %convert_element_type3A_1354 = arith.extui %gt3A_1353 : vector<325x96xi1> to vector<325x96xi32>
    %convert_element_type3A_1355 = arith.sitofp %convert_element_type3A_1354 : vector<325x96xi32> to vector<325x96xf32>
    %swap3A_1356 = arith.constant 4 : index
    %swap3A_1357 = arith.constant 0 : index
    %swap3A_1358 = arith.constant 0 : index
    %swap3A_1359 = vector.load %arg18[%swap3A_1356, %swap3A_1357, %swap3A_1358] : memref<12x325x96xf32, #tpu.memory_space<vmem>>, vector<1x325x96xf32>
    %swap3A_1360 = vector.shape_cast %swap3A_1359 : vector<1x325x96xf32> to vector<325x96xf32>
    %swap3A_1361 = vector.shape_cast %convert_element_type3A_1355 : vector<325x96xf32> to vector<1x325x96xf32>
    tpu.vector_store %arg18[%swap3A_1356, %swap3A_1357, %swap3A_1358], %swap3A_1361 {strides = array<i32>} : memref<12x325x96xf32, #tpu.memory_space<vmem>>, vector<1x325x96xf32>,
    %mul3A_1362 = arith.constant 0.899999976 : f32
    %mul3A_1363 = vector.broadcast %mul3A_1362 : f32 to vector<325x96xf32>
    %mul3A_1364 = arith.mulf %mul3A_1363, %add3A_1345 : vector<325x96xf32>
    %get3A_1365 = arith.constant 5 : index
    %get3A_1366 = arith.constant 0 : index
    %get3A_1367 = arith.constant 0 : index
    %get3A_1368 = vector.load %arg18[%get3A_1365, %get3A_1366, %get3A_1367] : memref<12x325x96xf32, #tpu.memory_space<vmem>>, vector<1x325x96xf32>
    %get3A_1369 = vector.shape_cast %get3A_1368 : vector<1x325x96xf32> to vector<325x96xf32>
    %add3A_1370 = arith.addf %mul3A_1364, %get3A_1369 : vector<325x96xf32>
    %mul3A_1371 = arith.constant 8.000000e-01 : f32
    %mul3A_1372 = vector.broadcast %mul3A_1371 : f32 to vector<325x96xf32>
    %mul3A_1373 = arith.mulf %mul3A_1372, %sub3A_1350 : vector<325x96xf32>
    %add3A_1374 = arith.addf %mul3A_1373, %add3A_1370 : vector<325x96xf32>
    %sub3A_1375 = arith.subf %add3A_1374, %convert_element_type3A_1355 : vector<325x96xf32>
    %gt3A_1376 = arith.constant 1.000000e+00 : f32
    %gt3A_1377 = vector.broadcast %gt3A_1376 : f32 to vector<325x96xf32>
    %gt3A_1378 = arith.cmpf ogt, %sub3A_1375, %gt3A_1377 : vector<325x96xf32>
    %convert_element_type3A_1379 = arith.extui %gt3A_1378 : vector<325x96xi1> to vector<325x96xi32>
    %convert_element_type3A_1380 = arith.sitofp %convert_element_type3A_1379 : vector<325x96xi32> to vector<325x96xf32>
    %swap3A_1381 = arith.constant 5 : index
    %swap3A_1382 = arith.constant 0 : index
    %swap3A_1383 = arith.constant 0 : index
    %swap3A_1384 = vector.load %arg18[%swap3A_1381, %swap3A_1382, %swap3A_1383] : memref<12x325x96xf32, #tpu.memory_space<vmem>>, vector<1x325x96xf32>
    %swap3A_1385 = vector.shape_cast %swap3A_1384 : vector<1x325x96xf32> to vector<325x96xf32>
    %swap3A_1386 = vector.shape_cast %convert_element_type3A_1380 : vector<325x96xf32> to vector<1x325x96xf32>
    tpu.vector_store %arg18[%swap3A_1381, %swap3A_1382, %swap3A_1383], %swap3A_1386 {strides = array<i32>} : memref<12x325x96xf32, #tpu.memory_space<vmem>>, vector<1x325x96xf32>,
    %mul3A_1387 = arith.constant 0.899999976 : f32
    %mul3A_1388 = vector.broadcast %mul3A_1387 : f32 to vector<325x96xf32>
    %mul3A_1389 = arith.mulf %mul3A_1388, %add3A_1370 : vector<325x96xf32>
    %get3A_1390 = arith.constant 6 : index
    %get3A_1391 = arith.constant 0 : index
    %get3A_1392 = arith.constant 0 : index
    %get3A_1393 = vector.load %arg18[%get3A_1390, %get3A_1391, %get3A_1392] : memref<12x325x96xf32, #tpu.memory_space<vmem>>, vector<1x325x96xf32>
    %get3A_1394 = vector.shape_cast %get3A_1393 : vector<1x325x96xf32> to vector<325x96xf32>
    %add3A_1395 = arith.addf %mul3A_1389, %get3A_1394 : vector<325x96xf32>
    %mul3A_1396 = arith.constant 8.000000e-01 : f32
    %mul3A_1397 = vector.broadcast %mul3A_1396 : f32 to vector<325x96xf32>
    %mul3A_1398 = arith.mulf %mul3A_1397, %sub3A_1375 : vector<325x96xf32>
    %add3A_1399 = arith.addf %mul3A_1398, %add3A_1395 : vector<325x96xf32>
    %sub3A_1400 = arith.subf %add3A_1399, %convert_element_type3A_1380 : vector<325x96xf32>
    %gt3A_1401 = arith.constant 1.000000e+00 : f32
    %gt3A_1402 = vector.broadcast %gt3A_1401 : f32 to vector<325x96xf32>
    %gt3A_1403 = arith.cmpf ogt, %sub3A_1400, %gt3A_1402 : vector<325x96xf32>
    %convert_element_type3A_1404 = arith.extui %gt3A_1403 : vector<325x96xi1> to vector<325x96xi32>
    %convert_element_type3A_1405 = arith.sitofp %convert_element_type3A_1404 : vector<325x96xi32> to vector<325x96xf32>
    %swap3A_1406 = arith.constant 6 : index
    %swap3A_1407 = arith.constant 0 : index
    %swap3A_1408 = arith.constant 0 : index
    %swap3A_1409 = vector.load %arg18[%swap3A_1406, %swap3A_1407, %swap3A_1408] : memref<12x325x96xf32, #tpu.memory_space<vmem>>, vector<1x325x96xf32>
    %swap3A_1410 = vector.shape_cast %swap3A_1409 : vector<1x325x96xf32> to vector<325x96xf32>
    %swap3A_1411 = vector.shape_cast %convert_element_type3A_1405 : vector<325x96xf32> to vector<1x325x96xf32>
    tpu.vector_store %arg18[%swap3A_1406, %swap3A_1407, %swap3A_1408], %swap3A_1411 {strides = array<i32>} : memref<12x325x96xf32, #tpu.memory_space<vmem>>, vector<1x325x96xf32>,
    %mul3A_1412 = arith.constant 0.899999976 : f32
    %mul3A_1413 = vector.broadcast %mul3A_1412 : f32 to vector<325x96xf32>
    %mul3A_1414 = arith.mulf %mul3A_1413, %add3A_1395 : vector<325x96xf32>
    %get3A_1415 = arith.constant 7 : index
    %get3A_1416 = arith.constant 0 : index
    %get3A_1417 = arith.constant 0 : index
    %get3A_1418 = vector.load %arg18[%get3A_1415, %get3A_1416, %get3A_1417] : memref<12x325x96xf32, #tpu.memory_space<vmem>>, vector<1x325x96xf32>
    %get3A_1419 = vector.shape_cast %get3A_1418 : vector<1x325x96xf32> to vector<325x96xf32>
    %add3A_1420 = arith.addf %mul3A_1414, %get3A_1419 : vector<325x96xf32>
    %mul3A_1421 = arith.constant 8.000000e-01 : f32
    %mul3A_1422 = vector.broadcast %mul3A_1421 : f32 to vector<325x96xf32>
    %mul3A_1423 = arith.mulf %mul3A_1422, %sub3A_1400 : vector<325x96xf32>
    %add3A_1424 = arith.addf %mul3A_1423, %add3A_1420 : vector<325x96xf32>
    %sub3A_1425 = arith.subf %add3A_1424, %convert_element_type3A_1405 : vector<325x96xf32>
    %gt3A_1426 = arith.constant 1.000000e+00 : f32
    %gt3A_1427 = vector.broadcast %gt3A_1426 : f32 to vector<325x96xf32>
    %gt3A_1428 = arith.cmpf ogt, %sub3A_1425, %gt3A_1427 : vector<325x96xf32>
    %convert_element_type3A_1429 = arith.extui %gt3A_1428 : vector<325x96xi1> to vector<325x96xi32>
    %convert_element_type3A_1430 = arith.sitofp %convert_element_type3A_1429 : vector<325x96xi32> to vector<325x96xf32>
    %swap3A_1431 = arith.constant 7 : index
    %swap3A_1432 = arith.constant 0 : index
    %swap3A_1433 = arith.constant 0 : index
    %swap3A_1434 = vector.load %arg18[%swap3A_1431, %swap3A_1432, %swap3A_1433] : memref<12x325x96xf32, #tpu.memory_space<vmem>>, vector<1x325x96xf32>
    %swap3A_1435 = vector.shape_cast %swap3A_1434 : vector<1x325x96xf32> to vector<325x96xf32>
    %swap3A_1436 = vector.shape_cast %convert_element_type3A_1430 : vector<325x96xf32> to vector<1x325x96xf32>
    tpu.vector_store %arg18[%swap3A_1431, %swap3A_1432, %swap3A_1433], %swap3A_1436 {strides = array<i32>} : memref<12x325x96xf32, #tpu.memory_space<vmem>>, vector<1x325x96xf32>,
    %mul3A_1437 = arith.constant 0.899999976 : f32
    %mul3A_1438 = vector.broadcast %mul3A_1437 : f32 to vector<325x96xf32>
    %mul3A_1439 = arith.mulf %mul3A_1438, %add3A_1420 : vector<325x96xf32>
    %get3A_1440 = arith.constant 8 : index
    %get3A_1441 = arith.constant 0 : index
    %get3A_1442 = arith.constant 0 : index
    %get3A_1443 = vector.load %arg18[%get3A_1440, %get3A_1441, %get3A_1442] : memref<12x325x96xf32, #tpu.memory_space<vmem>>, vector<1x325x96xf32>
    %get3A_1444 = vector.shape_cast %get3A_1443 : vector<1x325x96xf32> to vector<325x96xf32>
    %add3A_1445 = arith.addf %mul3A_1439, %get3A_1444 : vector<325x96xf32>
    %mul3A_1446 = arith.constant 8.000000e-01 : f32
    %mul3A_1447 = vector.broadcast %mul3A_1446 : f32 to vector<325x96xf32>
    %mul3A_1448 = arith.mulf %mul3A_1447, %sub3A_1425 : vector<325x96xf32>
    %add3A_1449 = arith.addf %mul3A_1448, %add3A_1445 : vector<325x96xf32>
    %sub3A_1450 = arith.subf %add3A_1449, %convert_element_type3A_1430 : vector<325x96xf32>
    %gt3A_1451 = arith.constant 1.000000e+00 : f32
    %gt3A_1452 = vector.broadcast %gt3A_1451 : f32 to vector<325x96xf32>
    %gt3A_1453 = arith.cmpf ogt, %sub3A_1450, %gt3A_1452 : vector<325x96xf32>
    %convert_element_type3A_1454 = arith.extui %gt3A_1453 : vector<325x96xi1> to vector<325x96xi32>
    %convert_element_type3A_1455 = arith.sitofp %convert_element_type3A_1454 : vector<325x96xi32> to vector<325x96xf32>
    %swap3A_1456 = arith.constant 8 : index
    %swap3A_1457 = arith.constant 0 : index
    %swap3A_1458 = arith.constant 0 : index
    %swap3A_1459 = vector.load %arg18[%swap3A_1456, %swap3A_1457, %swap3A_1458] : memref<12x325x96xf32, #tpu.memory_space<vmem>>, vector<1x325x96xf32>
    %swap3A_1460 = vector.shape_cast %swap3A_1459 : vector<1x325x96xf32> to vector<325x96xf32>
    %swap3A_1461 = vector.shape_cast %convert_element_type3A_1455 : vector<325x96xf32> to vector<1x325x96xf32>
    tpu.vector_store %arg18[%swap3A_1456, %swap3A_1457, %swap3A_1458], %swap3A_1461 {strides = array<i32>} : memref<12x325x96xf32, #tpu.memory_space<vmem>>, vector<1x325x96xf32>,
    %mul3A_1462 = arith.constant 0.899999976 : f32
    %mul3A_1463 = vector.broadcast %mul3A_1462 : f32 to vector<325x96xf32>
    %mul3A_1464 = arith.mulf %mul3A_1463, %add3A_1445 : vector<325x96xf32>
    %get3A_1465 = arith.constant 9 : index
    %get3A_1466 = arith.constant 0 : index
    %get3A_1467 = arith.constant 0 : index
    %get3A_1468 = vector.load %arg18[%get3A_1465, %get3A_1466, %get3A_1467] : memref<12x325x96xf32, #tpu.memory_space<vmem>>, vector<1x325x96xf32>
    %get3A_1469 = vector.shape_cast %get3A_1468 : vector<1x325x96xf32> to vector<325x96xf32>
    %add3A_1470 = arith.addf %mul3A_1464, %get3A_1469 : vector<325x96xf32>
    %mul3A_1471 = arith.constant 8.000000e-01 : f32
    %mul3A_1472 = vector.broadcast %mul3A_1471 : f32 to vector<325x96xf32>
    %mul3A_1473 = arith.mulf %mul3A_1472, %sub3A_1450 : vector<325x96xf32>
    %add3A_1474 = arith.addf %mul3A_1473, %add3A_1470 : vector<325x96xf32>
    %sub3A_1475 = arith.subf %add3A_1474, %convert_element_type3A_1455 : vector<325x96xf32>
    %gt3A_1476 = arith.constant 1.000000e+00 : f32
    %gt3A_1477 = vector.broadcast %gt3A_1476 : f32 to vector<325x96xf32>
    %gt3A_1478 = arith.cmpf ogt, %sub3A_1475, %gt3A_1477 : vector<325x96xf32>
    %convert_element_type3A_1479 = arith.extui %gt3A_1478 : vector<325x96xi1> to vector<325x96xi32>
    %convert_element_type3A_1480 = arith.sitofp %convert_element_type3A_1479 : vector<325x96xi32> to vector<325x96xf32>
    %swap3A_1481 = arith.constant 9 : index
    %swap3A_1482 = arith.constant 0 : index
    %swap3A_1483 = arith.constant 0 : index
    %swap3A_1484 = vector.load %arg18[%swap3A_1481, %swap3A_1482, %swap3A_1483] : memref<12x325x96xf32, #tpu.memory_space<vmem>>, vector<1x325x96xf32>
    %swap3A_1485 = vector.shape_cast %swap3A_1484 : vector<1x325x96xf32> to vector<325x96xf32>
    %swap3A_1486 = vector.shape_cast %convert_element_type3A_1480 : vector<325x96xf32> to vector<1x325x96xf32>
    tpu.vector_store %arg18[%swap3A_1481, %swap3A_1482, %swap3A_1483], %swap3A_1486 {strides = array<i32>} : memref<12x325x96xf32, #tpu.memory_space<vmem>>, vector<1x325x96xf32>,
    %mul3A_1487 = arith.constant 0.899999976 : f32
    %mul3A_1488 = vector.broadcast %mul3A_1487 : f32 to vector<325x96xf32>
    %mul3A_1489 = arith.mulf %mul3A_1488, %add3A_1470 : vector<325x96xf32>
    %get3A_1490 = arith.constant 10 : index
    %get3A_1491 = arith.constant 0 : index
    %get3A_1492 = arith.constant 0 : index
    %get3A_1493 = vector.load %arg18[%get3A_1490, %get3A_1491, %get3A_1492] : memref<12x325x96xf32, #tpu.memory_space<vmem>>, vector<1x325x96xf32>
    %get3A_1494 = vector.shape_cast %get3A_1493 : vector<1x325x96xf32> to vector<325x96xf32>
    %add3A_1495 = arith.addf %mul3A_1489, %get3A_1494 : vector<325x96xf32>
    %mul3A_1496 = arith.constant 8.000000e-01 : f32
    %mul3A_1497 = vector.broadcast %mul3A_1496 : f32 to vector<325x96xf32>
    %mul3A_1498 = arith.mulf %mul3A_1497, %sub3A_1475 : vector<325x96xf32>
    %add3A_1499 = arith.addf %mul3A_1498, %add3A_1495 : vector<325x96xf32>
    %sub3A_1500 = arith.subf %add3A_1499, %convert_element_type3A_1480 : vector<325x96xf32>
    %gt3A_1501 = arith.constant 1.000000e+00 : f32
    %gt3A_1502 = vector.broadcast %gt3A_1501 : f32 to vector<325x96xf32>
    %gt3A_1503 = arith.cmpf ogt, %sub3A_1500, %gt3A_1502 : vector<325x96xf32>
    %convert_element_type3A_1504 = arith.extui %gt3A_1503 : vector<325x96xi1> to vector<325x96xi32>
    %convert_element_type3A_1505 = arith.sitofp %convert_element_type3A_1504 : vector<325x96xi32> to vector<325x96xf32>
    %swap3A_1506 = arith.constant 10 : index
    %swap3A_1507 = arith.constant 0 : index
    %swap3A_1508 = arith.constant 0 : index
    %swap3A_1509 = vector.load %arg18[%swap3A_1506, %swap3A_1507, %swap3A_1508] : memref<12x325x96xf32, #tpu.memory_space<vmem>>, vector<1x325x96xf32>
    %swap3A_1510 = vector.shape_cast %swap3A_1509 : vector<1x325x96xf32> to vector<325x96xf32>
    %swap3A_1511 = vector.shape_cast %convert_element_type3A_1505 : vector<325x96xf32> to vector<1x325x96xf32>
    tpu.vector_store %arg18[%swap3A_1506, %swap3A_1507, %swap3A_1508], %swap3A_1511 {strides = array<i32>} : memref<12x325x96xf32, #tpu.memory_space<vmem>>, vector<1x325x96xf32>,
    %mul3A_1512 = arith.constant 0.899999976 : f32
    %mul3A_1513 = vector.broadcast %mul3A_1512 : f32 to vector<325x96xf32>
    %mul3A_1514 = arith.mulf %mul3A_1513, %add3A_1495 : vector<325x96xf32>
    %get3A_1515 = arith.constant 11 : index
    %get3A_1516 = arith.constant 0 : index
    %get3A_1517 = arith.constant 0 : index
    %get3A_1518 = vector.load %arg18[%get3A_1515, %get3A_1516, %get3A_1517] : memref<12x325x96xf32, #tpu.memory_space<vmem>>, vector<1x325x96xf32>
    %get3A_1519 = vector.shape_cast %get3A_1518 : vector<1x325x96xf32> to vector<325x96xf32>
    %add3A_1520 = arith.addf %mul3A_1514, %get3A_1519 : vector<325x96xf32>
    %mul3A_1521 = arith.constant 8.000000e-01 : f32
    %mul3A_1522 = vector.broadcast %mul3A_1521 : f32 to vector<325x96xf32>
    %mul3A_1523 = arith.mulf %mul3A_1522, %sub3A_1500 : vector<325x96xf32>
    %add3A_1524 = arith.addf %mul3A_1523, %add3A_1520 : vector<325x96xf32>
    %sub3A_1525 = arith.subf %add3A_1524, %convert_element_type3A_1505 : vector<325x96xf32>
    %gt3A_1526 = arith.constant 1.000000e+00 : f32
    %gt3A_1527 = vector.broadcast %gt3A_1526 : f32 to vector<325x96xf32>
    %gt3A_1528 = arith.cmpf ogt, %sub3A_1525, %gt3A_1527 : vector<325x96xf32>
    %convert_element_type3A_1529 = arith.extui %gt3A_1528 : vector<325x96xi1> to vector<325x96xi32>
    %convert_element_type3A_1530 = arith.sitofp %convert_element_type3A_1529 : vector<325x96xi32> to vector<325x96xf32>
    %swap3A_1531 = arith.constant 11 : index
    %swap3A_1532 = arith.constant 0 : index
    %swap3A_1533 = arith.constant 0 : index
    %swap3A_1534 = vector.load %arg18[%swap3A_1531, %swap3A_1532, %swap3A_1533] : memref<12x325x96xf32, #tpu.memory_space<vmem>>, vector<1x325x96xf32>
    %swap3A_1535 = vector.shape_cast %swap3A_1534 : vector<1x325x96xf32> to vector<325x96xf32>
    %swap3A_1536 = vector.shape_cast %convert_element_type3A_1530 : vector<325x96xf32> to vector<1x325x96xf32>
    tpu.vector_store %arg18[%swap3A_1531, %swap3A_1532, %swap3A_1533], %swap3A_1536 {strides = array<i32>} : memref<12x325x96xf32, #tpu.memory_space<vmem>>, vector<1x325x96xf32>,
    %get3A_1537 = arith.constant 0 : index
    %get3A_1538 = arith.constant 0 : index
    %get3A_1539 = arith.constant 0 : index
    %get3A_1540 = vector.load %arg18[%get3A_1537, %get3A_1538, %get3A_1539] : memref<12x325x96xf32, #tpu.memory_space<vmem>>, vector<1x325x96xf32>
    %get3A_1541 = vector.shape_cast %get3A_1540 : vector<1x325x96xf32> to vector<325x96xf32>
    %get3A_1542 = arith.constant 2 : index
    %get3A_1543 = arith.constant 0 : index
    %get3A_1544 = arith.constant 0 : index
    %get3A_1545 = vector.load %arg6[%get3A_1542, %get3A_1543, %get3A_1544] : memref<3x96x96xf32, #tpu.memory_space<vmem>>, vector<1x96x96xf32>
    %get3A_1546 = vector.shape_cast %get3A_1545 : vector<1x96x96xf32> to vector<96x96xf32>
    %dot_general3A_1547 = arith.constant dense<0.000000e+00> : vector<325x96xf32>
    %dot_general3A_1548 = tpu.matmul %get3A_1541, %get3A_1546, %dot_general3A_1547 {dimension_numbers = #tpu.dot_dimension_numbers<[1], [0], [0], [1], [0, 0, 1, 1], [], []>, transpose_lhs_hint = false} : vector<325x96xf32>, vector<96x96xf32>, vector<325x96xf32> -> vector<325x96xf32>
    %get3A_1549 = arith.constant 2 : index
    %get3A_1550 = arith.constant 0 : index
    %get3A_1551 = vector.load %arg7[%get3A_1549, %get3A_1550] : memref<3x96xf32, #tpu.memory_space<vmem>>, vector<1x96xf32>
    %get3A_1552 = vector.shape_cast %get3A_1551 : vector<1x96xf32> to vector<96xf32>
    %broadcast_in_dim3A_1553 = vector.shape_cast %get3A_1552 : vector<96xf32> to vector<1x96xf32>
    %add3A_1554 = vector.broadcast %broadcast_in_dim3A_1553 : vector<1x96xf32> to vector<325x96xf32>
    %add3A_1555 = arith.addf %dot_general3A_1548, %add3A_1554 : vector<325x96xf32>
    %swap3A_1556 = arith.constant 0 : index
    %swap3A_1557 = arith.constant 0 : index
    %swap3A_1558 = arith.constant 0 : index
    %swap3A_1559 = vector.load %arg19[%swap3A_1556, %swap3A_1557, %swap3A_1558] : memref<12x325x96xf32, #tpu.memory_space<vmem>>, vector<1x325x96xf32>
    %swap3A_1560 = vector.shape_cast %swap3A_1559 : vector<1x325x96xf32> to vector<325x96xf32>
    %swap3A_1561 = vector.shape_cast %add3A_1555 : vector<325x96xf32> to vector<1x325x96xf32>
    tpu.vector_store %arg19[%swap3A_1556, %swap3A_1557, %swap3A_1558], %swap3A_1561 {strides = array<i32>} : memref<12x325x96xf32, #tpu.memory_space<vmem>>, vector<1x325x96xf32>,
    %get3A_1562 = arith.constant 1 : index
    %get3A_1563 = arith.constant 0 : index
    %get3A_1564 = arith.constant 0 : index
    %get3A_1565 = vector.load %arg18[%get3A_1562, %get3A_1563, %get3A_1564] : memref<12x325x96xf32, #tpu.memory_space<vmem>>, vector<1x325x96xf32>
    %get3A_1566 = vector.shape_cast %get3A_1565 : vector<1x325x96xf32> to vector<325x96xf32>
    %get3A_1567 = arith.constant 2 : index
    %get3A_1568 = arith.constant 0 : index
    %get3A_1569 = arith.constant 0 : index
    %get3A_1570 = vector.load %arg6[%get3A_1567, %get3A_1568, %get3A_1569] : memref<3x96x96xf32, #tpu.memory_space<vmem>>, vector<1x96x96xf32>
    %get3A_1571 = vector.shape_cast %get3A_1570 : vector<1x96x96xf32> to vector<96x96xf32>
    %dot_general3A_1572 = arith.constant dense<0.000000e+00> : vector<325x96xf32>
    %dot_general3A_1573 = tpu.matmul %get3A_1566, %get3A_1571, %dot_general3A_1572 {dimension_numbers = #tpu.dot_dimension_numbers<[1], [0], [0], [1], [0, 0, 1, 1], [], []>, transpose_lhs_hint = false} : vector<325x96xf32>, vector<96x96xf32>, vector<325x96xf32> -> vector<325x96xf32>
    %get3A_1574 = arith.constant 2 : index
    %get3A_1575 = arith.constant 0 : index
    %get3A_1576 = vector.load %arg7[%get3A_1574, %get3A_1575] : memref<3x96xf32, #tpu.memory_space<vmem>>, vector<1x96xf32>
    %get3A_1577 = vector.shape_cast %get3A_1576 : vector<1x96xf32> to vector<96xf32>
    %broadcast_in_dim3A_1578 = vector.shape_cast %get3A_1577 : vector<96xf32> to vector<1x96xf32>
    %add3A_1579 = vector.broadcast %broadcast_in_dim3A_1578 : vector<1x96xf32> to vector<325x96xf32>
    %add3A_1580 = arith.addf %dot_general3A_1573, %add3A_1579 : vector<325x96xf32>
    %swap3A_1581 = arith.constant 1 : index
    %swap3A_1582 = arith.constant 0 : index
    %swap3A_1583 = arith.constant 0 : index
    %swap3A_1584 = vector.load %arg19[%swap3A_1581, %swap3A_1582, %swap3A_1583] : memref<12x325x96xf32, #tpu.memory_space<vmem>>, vector<1x325x96xf32>
    %swap3A_1585 = vector.shape_cast %swap3A_1584 : vector<1x325x96xf32> to vector<325x96xf32>
    %swap3A_1586 = vector.shape_cast %add3A_1580 : vector<325x96xf32> to vector<1x325x96xf32>
    tpu.vector_store %arg19[%swap3A_1581, %swap3A_1582, %swap3A_1583], %swap3A_1586 {strides = array<i32>} : memref<12x325x96xf32, #tpu.memory_space<vmem>>, vector<1x325x96xf32>,
    %get3A_1587 = arith.constant 2 : index
    %get3A_1588 = arith.constant 0 : index
    %get3A_1589 = arith.constant 0 : index
    %get3A_1590 = vector.load %arg18[%get3A_1587, %get3A_1588, %get3A_1589] : memref<12x325x96xf32, #tpu.memory_space<vmem>>, vector<1x325x96xf32>
    %get3A_1591 = vector.shape_cast %get3A_1590 : vector<1x325x96xf32> to vector<325x96xf32>
    %get3A_1592 = arith.constant 2 : index
    %get3A_1593 = arith.constant 0 : index
    %get3A_1594 = arith.constant 0 : index
    %get3A_1595 = vector.load %arg6[%get3A_1592, %get3A_1593, %get3A_1594] : memref<3x96x96xf32, #tpu.memory_space<vmem>>, vector<1x96x96xf32>
    %get3A_1596 = vector.shape_cast %get3A_1595 : vector<1x96x96xf32> to vector<96x96xf32>
    %dot_general3A_1597 = arith.constant dense<0.000000e+00> : vector<325x96xf32>
    %dot_general3A_1598 = tpu.matmul %get3A_1591, %get3A_1596, %dot_general3A_1597 {dimension_numbers = #tpu.dot_dimension_numbers<[1], [0], [0], [1], [0, 0, 1, 1], [], []>, transpose_lhs_hint = false} : vector<325x96xf32>, vector<96x96xf32>, vector<325x96xf32> -> vector<325x96xf32>
    %get3A_1599 = arith.constant 2 : index
    %get3A_1600 = arith.constant 0 : index
    %get3A_1601 = vector.load %arg7[%get3A_1599, %get3A_1600] : memref<3x96xf32, #tpu.memory_space<vmem>>, vector<1x96xf32>
    %get3A_1602 = vector.shape_cast %get3A_1601 : vector<1x96xf32> to vector<96xf32>
    %broadcast_in_dim3A_1603 = vector.shape_cast %get3A_1602 : vector<96xf32> to vector<1x96xf32>
    %add3A_1604 = vector.broadcast %broadcast_in_dim3A_1603 : vector<1x96xf32> to vector<325x96xf32>
    %add3A_1605 = arith.addf %dot_general3A_1598, %add3A_1604 : vector<325x96xf32>
    %swap3A_1606 = arith.constant 2 : index
    %swap3A_1607 = arith.constant 0 : index
    %swap3A_1608 = arith.constant 0 : index
    %swap3A_1609 = vector.load %arg19[%swap3A_1606, %swap3A_1607, %swap3A_1608] : memref<12x325x96xf32, #tpu.memory_space<vmem>>, vector<1x325x96xf32>
    %swap3A_1610 = vector.shape_cast %swap3A_1609 : vector<1x325x96xf32> to vector<325x96xf32>
    %swap3A_1611 = vector.shape_cast %add3A_1605 : vector<325x96xf32> to vector<1x325x96xf32>
    tpu.vector_store %arg19[%swap3A_1606, %swap3A_1607, %swap3A_1608], %swap3A_1611 {strides = array<i32>} : memref<12x325x96xf32, #tpu.memory_space<vmem>>, vector<1x325x96xf32>,
    %get3A_1612 = arith.constant 3 : index
    %get3A_1613 = arith.constant 0 : index
    %get3A_1614 = arith.constant 0 : index
    %get3A_1615 = vector.load %arg18[%get3A_1612, %get3A_1613, %get3A_1614] : memref<12x325x96xf32, #tpu.memory_space<vmem>>, vector<1x325x96xf32>
    %get3A_1616 = vector.shape_cast %get3A_1615 : vector<1x325x96xf32> to vector<325x96xf32>
    %get3A_1617 = arith.constant 2 : index
    %get3A_1618 = arith.constant 0 : index
    %get3A_1619 = arith.constant 0 : index
    %get3A_1620 = vector.load %arg6[%get3A_1617, %get3A_1618, %get3A_1619] : memref<3x96x96xf32, #tpu.memory_space<vmem>>, vector<1x96x96xf32>
    %get3A_1621 = vector.shape_cast %get3A_1620 : vector<1x96x96xf32> to vector<96x96xf32>
    %dot_general3A_1622 = arith.constant dense<0.000000e+00> : vector<325x96xf32>
    %dot_general3A_1623 = tpu.matmul %get3A_1616, %get3A_1621, %dot_general3A_1622 {dimension_numbers = #tpu.dot_dimension_numbers<[1], [0], [0], [1], [0, 0, 1, 1], [], []>, transpose_lhs_hint = false} : vector<325x96xf32>, vector<96x96xf32>, vector<325x96xf32> -> vector<325x96xf32>
    %get3A_1624 = arith.constant 2 : index
    %get3A_1625 = arith.constant 0 : index
    %get3A_1626 = vector.load %arg7[%get3A_1624, %get3A_1625] : memref<3x96xf32, #tpu.memory_space<vmem>>, vector<1x96xf32>
    %get3A_1627 = vector.shape_cast %get3A_1626 : vector<1x96xf32> to vector<96xf32>
    %broadcast_in_dim3A_1628 = vector.shape_cast %get3A_1627 : vector<96xf32> to vector<1x96xf32>
    %add3A_1629 = vector.broadcast %broadcast_in_dim3A_1628 : vector<1x96xf32> to vector<325x96xf32>
    %add3A_1630 = arith.addf %dot_general3A_1623, %add3A_1629 : vector<325x96xf32>
    %swap3A_1631 = arith.constant 3 : index
    %swap3A_1632 = arith.constant 0 : index
    %swap3A_1633 = arith.constant 0 : index
    %swap3A_1634 = vector.load %arg19[%swap3A_1631, %swap3A_1632, %swap3A_1633] : memref<12x325x96xf32, #tpu.memory_space<vmem>>, vector<1x325x96xf32>
    %swap3A_1635 = vector.shape_cast %swap3A_1634 : vector<1x325x96xf32> to vector<325x96xf32>
    %swap3A_1636 = vector.shape_cast %add3A_1630 : vector<325x96xf32> to vector<1x325x96xf32>
    tpu.vector_store %arg19[%swap3A_1631, %swap3A_1632, %swap3A_1633], %swap3A_1636 {strides = array<i32>} : memref<12x325x96xf32, #tpu.memory_space<vmem>>, vector<1x325x96xf32>,
    %get3A_1637 = arith.constant 4 : index
    %get3A_1638 = arith.constant 0 : index
    %get3A_1639 = arith.constant 0 : index
    %get3A_1640 = vector.load %arg18[%get3A_1637, %get3A_1638, %get3A_1639] : memref<12x325x96xf32, #tpu.memory_space<vmem>>, vector<1x325x96xf32>
    %get3A_1641 = vector.shape_cast %get3A_1640 : vector<1x325x96xf32> to vector<325x96xf32>
    %get3A_1642 = arith.constant 2 : index
    %get3A_1643 = arith.constant 0 : index
    %get3A_1644 = arith.constant 0 : index
    %get3A_1645 = vector.load %arg6[%get3A_1642, %get3A_1643, %get3A_1644] : memref<3x96x96xf32, #tpu.memory_space<vmem>>, vector<1x96x96xf32>
    %get3A_1646 = vector.shape_cast %get3A_1645 : vector<1x96x96xf32> to vector<96x96xf32>
    %dot_general3A_1647 = arith.constant dense<0.000000e+00> : vector<325x96xf32>
    %dot_general3A_1648 = tpu.matmul %get3A_1641, %get3A_1646, %dot_general3A_1647 {dimension_numbers = #tpu.dot_dimension_numbers<[1], [0], [0], [1], [0, 0, 1, 1], [], []>, transpose_lhs_hint = false} : vector<325x96xf32>, vector<96x96xf32>, vector<325x96xf32> -> vector<325x96xf32>
    %get3A_1649 = arith.constant 2 : index
    %get3A_1650 = arith.constant 0 : index
    %get3A_1651 = vector.load %arg7[%get3A_1649, %get3A_1650] : memref<3x96xf32, #tpu.memory_space<vmem>>, vector<1x96xf32>
    %get3A_1652 = vector.shape_cast %get3A_1651 : vector<1x96xf32> to vector<96xf32>
    %broadcast_in_dim3A_1653 = vector.shape_cast %get3A_1652 : vector<96xf32> to vector<1x96xf32>
    %add3A_1654 = vector.broadcast %broadcast_in_dim3A_1653 : vector<1x96xf32> to vector<325x96xf32>
    %add3A_1655 = arith.addf %dot_general3A_1648, %add3A_1654 : vector<325x96xf32>
    %swap3A_1656 = arith.constant 4 : index
    %swap3A_1657 = arith.constant 0 : index
    %swap3A_1658 = arith.constant 0 : index
    %swap3A_1659 = vector.load %arg19[%swap3A_1656, %swap3A_1657, %swap3A_1658] : memref<12x325x96xf32, #tpu.memory_space<vmem>>, vector<1x325x96xf32>
    %swap3A_1660 = vector.shape_cast %swap3A_1659 : vector<1x325x96xf32> to vector<325x96xf32>
    %swap3A_1661 = vector.shape_cast %add3A_1655 : vector<325x96xf32> to vector<1x325x96xf32>
    tpu.vector_store %arg19[%swap3A_1656, %swap3A_1657, %swap3A_1658], %swap3A_1661 {strides = array<i32>} : memref<12x325x96xf32, #tpu.memory_space<vmem>>, vector<1x325x96xf32>,
    %get3A_1662 = arith.constant 5 : index
    %get3A_1663 = arith.constant 0 : index
    %get3A_1664 = arith.constant 0 : index
    %get3A_1665 = vector.load %arg18[%get3A_1662, %get3A_1663, %get3A_1664] : memref<12x325x96xf32, #tpu.memory_space<vmem>>, vector<1x325x96xf32>
    %get3A_1666 = vector.shape_cast %get3A_1665 : vector<1x325x96xf32> to vector<325x96xf32>
    %get3A_1667 = arith.constant 2 : index
    %get3A_1668 = arith.constant 0 : index
    %get3A_1669 = arith.constant 0 : index
    %get3A_1670 = vector.load %arg6[%get3A_1667, %get3A_1668, %get3A_1669] : memref<3x96x96xf32, #tpu.memory_space<vmem>>, vector<1x96x96xf32>
    %get3A_1671 = vector.shape_cast %get3A_1670 : vector<1x96x96xf32> to vector<96x96xf32>
    %dot_general3A_1672 = arith.constant dense<0.000000e+00> : vector<325x96xf32>
    %dot_general3A_1673 = tpu.matmul %get3A_1666, %get3A_1671, %dot_general3A_1672 {dimension_numbers = #tpu.dot_dimension_numbers<[1], [0], [0], [1], [0, 0, 1, 1], [], []>, transpose_lhs_hint = false} : vector<325x96xf32>, vector<96x96xf32>, vector<325x96xf32> -> vector<325x96xf32>
    %get3A_1674 = arith.constant 2 : index
    %get3A_1675 = arith.constant 0 : index
    %get3A_1676 = vector.load %arg7[%get3A_1674, %get3A_1675] : memref<3x96xf32, #tpu.memory_space<vmem>>, vector<1x96xf32>
    %get3A_1677 = vector.shape_cast %get3A_1676 : vector<1x96xf32> to vector<96xf32>
    %broadcast_in_dim3A_1678 = vector.shape_cast %get3A_1677 : vector<96xf32> to vector<1x96xf32>
    %add3A_1679 = vector.broadcast %broadcast_in_dim3A_1678 : vector<1x96xf32> to vector<325x96xf32>
    %add3A_1680 = arith.addf %dot_general3A_1673, %add3A_1679 : vector<325x96xf32>
    %swap3A_1681 = arith.constant 5 : index
    %swap3A_1682 = arith.constant 0 : index
    %swap3A_1683 = arith.constant 0 : index
    %swap3A_1684 = vector.load %arg19[%swap3A_1681, %swap3A_1682, %swap3A_1683] : memref<12x325x96xf32, #tpu.memory_space<vmem>>, vector<1x325x96xf32>
    %swap3A_1685 = vector.shape_cast %swap3A_1684 : vector<1x325x96xf32> to vector<325x96xf32>
    %swap3A_1686 = vector.shape_cast %add3A_1680 : vector<325x96xf32> to vector<1x325x96xf32>
    tpu.vector_store %arg19[%swap3A_1681, %swap3A_1682, %swap3A_1683], %swap3A_1686 {strides = array<i32>} : memref<12x325x96xf32, #tpu.memory_space<vmem>>, vector<1x325x96xf32>,
    %get3A_1687 = arith.constant 6 : index
    %get3A_1688 = arith.constant 0 : index
    %get3A_1689 = arith.constant 0 : index
    %get3A_1690 = vector.load %arg18[%get3A_1687, %get3A_1688, %get3A_1689] : memref<12x325x96xf32, #tpu.memory_space<vmem>>, vector<1x325x96xf32>
    %get3A_1691 = vector.shape_cast %get3A_1690 : vector<1x325x96xf32> to vector<325x96xf32>
    %get3A_1692 = arith.constant 2 : index
    %get3A_1693 = arith.constant 0 : index
    %get3A_1694 = arith.constant 0 : index
    %get3A_1695 = vector.load %arg6[%get3A_1692, %get3A_1693, %get3A_1694] : memref<3x96x96xf32, #tpu.memory_space<vmem>>, vector<1x96x96xf32>
    %get3A_1696 = vector.shape_cast %get3A_1695 : vector<1x96x96xf32> to vector<96x96xf32>
    %dot_general3A_1697 = arith.constant dense<0.000000e+00> : vector<325x96xf32>
    %dot_general3A_1698 = tpu.matmul %get3A_1691, %get3A_1696, %dot_general3A_1697 {dimension_numbers = #tpu.dot_dimension_numbers<[1], [0], [0], [1], [0, 0, 1, 1], [], []>, transpose_lhs_hint = false} : vector<325x96xf32>, vector<96x96xf32>, vector<325x96xf32> -> vector<325x96xf32>
    %get3A_1699 = arith.constant 2 : index
    %get3A_1700 = arith.constant 0 : index
    %get3A_1701 = vector.load %arg7[%get3A_1699, %get3A_1700] : memref<3x96xf32, #tpu.memory_space<vmem>>, vector<1x96xf32>
    %get3A_1702 = vector.shape_cast %get3A_1701 : vector<1x96xf32> to vector<96xf32>
    %broadcast_in_dim3A_1703 = vector.shape_cast %get3A_1702 : vector<96xf32> to vector<1x96xf32>
    %add3A_1704 = vector.broadcast %broadcast_in_dim3A_1703 : vector<1x96xf32> to vector<325x96xf32>
    %add3A_1705 = arith.addf %dot_general3A_1698, %add3A_1704 : vector<325x96xf32>
    %swap3A_1706 = arith.constant 6 : index
    %swap3A_1707 = arith.constant 0 : index
    %swap3A_1708 = arith.constant 0 : index
    %swap3A_1709 = vector.load %arg19[%swap3A_1706, %swap3A_1707, %swap3A_1708] : memref<12x325x96xf32, #tpu.memory_space<vmem>>, vector<1x325x96xf32>
    %swap3A_1710 = vector.shape_cast %swap3A_1709 : vector<1x325x96xf32> to vector<325x96xf32>
    %swap3A_1711 = vector.shape_cast %add3A_1705 : vector<325x96xf32> to vector<1x325x96xf32>
    tpu.vector_store %arg19[%swap3A_1706, %swap3A_1707, %swap3A_1708], %swap3A_1711 {strides = array<i32>} : memref<12x325x96xf32, #tpu.memory_space<vmem>>, vector<1x325x96xf32>,
    %get3A_1712 = arith.constant 7 : index
    %get3A_1713 = arith.constant 0 : index
    %get3A_1714 = arith.constant 0 : index
    %get3A_1715 = vector.load %arg18[%get3A_1712, %get3A_1713, %get3A_1714] : memref<12x325x96xf32, #tpu.memory_space<vmem>>, vector<1x325x96xf32>
    %get3A_1716 = vector.shape_cast %get3A_1715 : vector<1x325x96xf32> to vector<325x96xf32>
    %get3A_1717 = arith.constant 2 : index
    %get3A_1718 = arith.constant 0 : index
    %get3A_1719 = arith.constant 0 : index
    %get3A_1720 = vector.load %arg6[%get3A_1717, %get3A_1718, %get3A_1719] : memref<3x96x96xf32, #tpu.memory_space<vmem>>, vector<1x96x96xf32>
    %get3A_1721 = vector.shape_cast %get3A_1720 : vector<1x96x96xf32> to vector<96x96xf32>
    %dot_general3A_1722 = arith.constant dense<0.000000e+00> : vector<325x96xf32>
    %dot_general3A_1723 = tpu.matmul %get3A_1716, %get3A_1721, %dot_general3A_1722 {dimension_numbers = #tpu.dot_dimension_numbers<[1], [0], [0], [1], [0, 0, 1, 1], [], []>, transpose_lhs_hint = false} : vector<325x96xf32>, vector<96x96xf32>, vector<325x96xf32> -> vector<325x96xf32>
    %get3A_1724 = arith.constant 2 : index
    %get3A_1725 = arith.constant 0 : index
    %get3A_1726 = vector.load %arg7[%get3A_1724, %get3A_1725] : memref<3x96xf32, #tpu.memory_space<vmem>>, vector<1x96xf32>
    %get3A_1727 = vector.shape_cast %get3A_1726 : vector<1x96xf32> to vector<96xf32>
    %broadcast_in_dim3A_1728 = vector.shape_cast %get3A_1727 : vector<96xf32> to vector<1x96xf32>
    %add3A_1729 = vector.broadcast %broadcast_in_dim3A_1728 : vector<1x96xf32> to vector<325x96xf32>
    %add3A_1730 = arith.addf %dot_general3A_1723, %add3A_1729 : vector<325x96xf32>
    %swap3A_1731 = arith.constant 7 : index
    %swap3A_1732 = arith.constant 0 : index
    %swap3A_1733 = arith.constant 0 : index
    %swap3A_1734 = vector.load %arg19[%swap3A_1731, %swap3A_1732, %swap3A_1733] : memref<12x325x96xf32, #tpu.memory_space<vmem>>, vector<1x325x96xf32>
    %swap3A_1735 = vector.shape_cast %swap3A_1734 : vector<1x325x96xf32> to vector<325x96xf32>
    %swap3A_1736 = vector.shape_cast %add3A_1730 : vector<325x96xf32> to vector<1x325x96xf32>
    tpu.vector_store %arg19[%swap3A_1731, %swap3A_1732, %swap3A_1733], %swap3A_1736 {strides = array<i32>} : memref<12x325x96xf32, #tpu.memory_space<vmem>>, vector<1x325x96xf32>,
    %get3A_1737 = arith.constant 8 : index
    %get3A_1738 = arith.constant 0 : index
    %get3A_1739 = arith.constant 0 : index
    %get3A_1740 = vector.load %arg18[%get3A_1737, %get3A_1738, %get3A_1739] : memref<12x325x96xf32, #tpu.memory_space<vmem>>, vector<1x325x96xf32>
    %get3A_1741 = vector.shape_cast %get3A_1740 : vector<1x325x96xf32> to vector<325x96xf32>
    %get3A_1742 = arith.constant 2 : index
    %get3A_1743 = arith.constant 0 : index
    %get3A_1744 = arith.constant 0 : index
    %get3A_1745 = vector.load %arg6[%get3A_1742, %get3A_1743, %get3A_1744] : memref<3x96x96xf32, #tpu.memory_space<vmem>>, vector<1x96x96xf32>
    %get3A_1746 = vector.shape_cast %get3A_1745 : vector<1x96x96xf32> to vector<96x96xf32>
    %dot_general3A_1747 = arith.constant dense<0.000000e+00> : vector<325x96xf32>
    %dot_general3A_1748 = tpu.matmul %get3A_1741, %get3A_1746, %dot_general3A_1747 {dimension_numbers = #tpu.dot_dimension_numbers<[1], [0], [0], [1], [0, 0, 1, 1], [], []>, transpose_lhs_hint = false} : vector<325x96xf32>, vector<96x96xf32>, vector<325x96xf32> -> vector<325x96xf32>
    %get3A_1749 = arith.constant 2 : index
    %get3A_1750 = arith.constant 0 : index
    %get3A_1751 = vector.load %arg7[%get3A_1749, %get3A_1750] : memref<3x96xf32, #tpu.memory_space<vmem>>, vector<1x96xf32>
    %get3A_1752 = vector.shape_cast %get3A_1751 : vector<1x96xf32> to vector<96xf32>
    %broadcast_in_dim3A_1753 = vector.shape_cast %get3A_1752 : vector<96xf32> to vector<1x96xf32>
    %add3A_1754 = vector.broadcast %broadcast_in_dim3A_1753 : vector<1x96xf32> to vector<325x96xf32>
    %add3A_1755 = arith.addf %dot_general3A_1748, %add3A_1754 : vector<325x96xf32>
    %swap3A_1756 = arith.constant 8 : index
    %swap3A_1757 = arith.constant 0 : index
    %swap3A_1758 = arith.constant 0 : index
    %swap3A_1759 = vector.load %arg19[%swap3A_1756, %swap3A_1757, %swap3A_1758] : memref<12x325x96xf32, #tpu.memory_space<vmem>>, vector<1x325x96xf32>
    %swap3A_1760 = vector.shape_cast %swap3A_1759 : vector<1x325x96xf32> to vector<325x96xf32>
    %swap3A_1761 = vector.shape_cast %add3A_1755 : vector<325x96xf32> to vector<1x325x96xf32>
    tpu.vector_store %arg19[%swap3A_1756, %swap3A_1757, %swap3A_1758], %swap3A_1761 {strides = array<i32>} : memref<12x325x96xf32, #tpu.memory_space<vmem>>, vector<1x325x96xf32>,
    %get3A_1762 = arith.constant 9 : index
    %get3A_1763 = arith.constant 0 : index
    %get3A_1764 = arith.constant 0 : index
    %get3A_1765 = vector.load %arg18[%get3A_1762, %get3A_1763, %get3A_1764] : memref<12x325x96xf32, #tpu.memory_space<vmem>>, vector<1x325x96xf32>
    %get3A_1766 = vector.shape_cast %get3A_1765 : vector<1x325x96xf32> to vector<325x96xf32>
    %get3A_1767 = arith.constant 2 : index
    %get3A_1768 = arith.constant 0 : index
    %get3A_1769 = arith.constant 0 : index
    %get3A_1770 = vector.load %arg6[%get3A_1767, %get3A_1768, %get3A_1769] : memref<3x96x96xf32, #tpu.memory_space<vmem>>, vector<1x96x96xf32>
    %get3A_1771 = vector.shape_cast %get3A_1770 : vector<1x96x96xf32> to vector<96x96xf32>
    %dot_general3A_1772 = arith.constant dense<0.000000e+00> : vector<325x96xf32>
    %dot_general3A_1773 = tpu.matmul %get3A_1766, %get3A_1771, %dot_general3A_1772 {dimension_numbers = #tpu.dot_dimension_numbers<[1], [0], [0], [1], [0, 0, 1, 1], [], []>, transpose_lhs_hint = false} : vector<325x96xf32>, vector<96x96xf32>, vector<325x96xf32> -> vector<325x96xf32>
    %get3A_1774 = arith.constant 2 : index
    %get3A_1775 = arith.constant 0 : index
    %get3A_1776 = vector.load %arg7[%get3A_1774, %get3A_1775] : memref<3x96xf32, #tpu.memory_space<vmem>>, vector<1x96xf32>
    %get3A_1777 = vector.shape_cast %get3A_1776 : vector<1x96xf32> to vector<96xf32>
    %broadcast_in_dim3A_1778 = vector.shape_cast %get3A_1777 : vector<96xf32> to vector<1x96xf32>
    %add3A_1779 = vector.broadcast %broadcast_in_dim3A_1778 : vector<1x96xf32> to vector<325x96xf32>
    %add3A_1780 = arith.addf %dot_general3A_1773, %add3A_1779 : vector<325x96xf32>
    %swap3A_1781 = arith.constant 9 : index
    %swap3A_1782 = arith.constant 0 : index
    %swap3A_1783 = arith.constant 0 : index
    %swap3A_1784 = vector.load %arg19[%swap3A_1781, %swap3A_1782, %swap3A_1783] : memref<12x325x96xf32, #tpu.memory_space<vmem>>, vector<1x325x96xf32>
    %swap3A_1785 = vector.shape_cast %swap3A_1784 : vector<1x325x96xf32> to vector<325x96xf32>
    %swap3A_1786 = vector.shape_cast %add3A_1780 : vector<325x96xf32> to vector<1x325x96xf32>
    tpu.vector_store %arg19[%swap3A_1781, %swap3A_1782, %swap3A_1783], %swap3A_1786 {strides = array<i32>} : memref<12x325x96xf32, #tpu.memory_space<vmem>>, vector<1x325x96xf32>,
    %get3A_1787 = arith.constant 10 : index
    %get3A_1788 = arith.constant 0 : index
    %get3A_1789 = arith.constant 0 : index
    %get3A_1790 = vector.load %arg18[%get3A_1787, %get3A_1788, %get3A_1789] : memref<12x325x96xf32, #tpu.memory_space<vmem>>, vector<1x325x96xf32>
    %get3A_1791 = vector.shape_cast %get3A_1790 : vector<1x325x96xf32> to vector<325x96xf32>
    %get3A_1792 = arith.constant 2 : index
    %get3A_1793 = arith.constant 0 : index
    %get3A_1794 = arith.constant 0 : index
    %get3A_1795 = vector.load %arg6[%get3A_1792, %get3A_1793, %get3A_1794] : memref<3x96x96xf32, #tpu.memory_space<vmem>>, vector<1x96x96xf32>
    %get3A_1796 = vector.shape_cast %get3A_1795 : vector<1x96x96xf32> to vector<96x96xf32>
    %dot_general3A_1797 = arith.constant dense<0.000000e+00> : vector<325x96xf32>
    %dot_general3A_1798 = tpu.matmul %get3A_1791, %get3A_1796, %dot_general3A_1797 {dimension_numbers = #tpu.dot_dimension_numbers<[1], [0], [0], [1], [0, 0, 1, 1], [], []>, transpose_lhs_hint = false} : vector<325x96xf32>, vector<96x96xf32>, vector<325x96xf32> -> vector<325x96xf32>
    %get3A_1799 = arith.constant 2 : index
    %get3A_1800 = arith.constant 0 : index
    %get3A_1801 = vector.load %arg7[%get3A_1799, %get3A_1800] : memref<3x96xf32, #tpu.memory_space<vmem>>, vector<1x96xf32>
    %get3A_1802 = vector.shape_cast %get3A_1801 : vector<1x96xf32> to vector<96xf32>
    %broadcast_in_dim3A_1803 = vector.shape_cast %get3A_1802 : vector<96xf32> to vector<1x96xf32>
    %add3A_1804 = vector.broadcast %broadcast_in_dim3A_1803 : vector<1x96xf32> to vector<325x96xf32>
    %add3A_1805 = arith.addf %dot_general3A_1798, %add3A_1804 : vector<325x96xf32>
    %swap3A_1806 = arith.constant 10 : index
    %swap3A_1807 = arith.constant 0 : index
    %swap3A_1808 = arith.constant 0 : index
    %swap3A_1809 = vector.load %arg19[%swap3A_1806, %swap3A_1807, %swap3A_1808] : memref<12x325x96xf32, #tpu.memory_space<vmem>>, vector<1x325x96xf32>
    %swap3A_1810 = vector.shape_cast %swap3A_1809 : vector<1x325x96xf32> to vector<325x96xf32>
    %swap3A_1811 = vector.shape_cast %add3A_1805 : vector<325x96xf32> to vector<1x325x96xf32>
    tpu.vector_store %arg19[%swap3A_1806, %swap3A_1807, %swap3A_1808], %swap3A_1811 {strides = array<i32>} : memref<12x325x96xf32, #tpu.memory_space<vmem>>, vector<1x325x96xf32>,
    %get3A_1812 = arith.constant 11 : index
    %get3A_1813 = arith.constant 0 : index
    %get3A_1814 = arith.constant 0 : index
    %get3A_1815 = vector.load %arg18[%get3A_1812, %get3A_1813, %get3A_1814] : memref<12x325x96xf32, #tpu.memory_space<vmem>>, vector<1x325x96xf32>
    %get3A_1816 = vector.shape_cast %get3A_1815 : vector<1x325x96xf32> to vector<325x96xf32>
    %get3A_1817 = arith.constant 2 : index
    %get3A_1818 = arith.constant 0 : index
    %get3A_1819 = arith.constant 0 : index
    %get3A_1820 = vector.load %arg6[%get3A_1817, %get3A_1818, %get3A_1819] : memref<3x96x96xf32, #tpu.memory_space<vmem>>, vector<1x96x96xf32>
    %get3A_1821 = vector.shape_cast %get3A_1820 : vector<1x96x96xf32> to vector<96x96xf32>
    %dot_general3A_1822 = arith.constant dense<0.000000e+00> : vector<325x96xf32>
    %dot_general3A_1823 = tpu.matmul %get3A_1816, %get3A_1821, %dot_general3A_1822 {dimension_numbers = #tpu.dot_dimension_numbers<[1], [0], [0], [1], [0, 0, 1, 1], [], []>, transpose_lhs_hint = false} : vector<325x96xf32>, vector<96x96xf32>, vector<325x96xf32> -> vector<325x96xf32>
    %get3A_1824 = arith.constant 2 : index
    %get3A_1825 = arith.constant 0 : index
    %get3A_1826 = vector.load %arg7[%get3A_1824, %get3A_1825] : memref<3x96xf32, #tpu.memory_space<vmem>>, vector<1x96xf32>
    %get3A_1827 = vector.shape_cast %get3A_1826 : vector<1x96xf32> to vector<96xf32>
    %broadcast_in_dim3A_1828 = vector.shape_cast %get3A_1827 : vector<96xf32> to vector<1x96xf32>
    %add3A_1829 = vector.broadcast %broadcast_in_dim3A_1828 : vector<1x96xf32> to vector<325x96xf32>
    %add3A_1830 = arith.addf %dot_general3A_1823, %add3A_1829 : vector<325x96xf32>
    %swap3A_1831 = arith.constant 11 : index
    %swap3A_1832 = arith.constant 0 : index
    %swap3A_1833 = arith.constant 0 : index
    %swap3A_1834 = vector.load %arg19[%swap3A_1831, %swap3A_1832, %swap3A_1833] : memref<12x325x96xf32, #tpu.memory_space<vmem>>, vector<1x325x96xf32>
    %swap3A_1835 = vector.shape_cast %swap3A_1834 : vector<1x325x96xf32> to vector<325x96xf32>
    %swap3A_1836 = vector.shape_cast %add3A_1830 : vector<325x96xf32> to vector<1x325x96xf32>
    tpu.vector_store %arg19[%swap3A_1831, %swap3A_1832, %swap3A_1833], %swap3A_1836 {strides = array<i32>} : memref<12x325x96xf32, #tpu.memory_space<vmem>>, vector<1x325x96xf32>,
    %broadcast_in_dim3A_1837 = arith.constant 0.000000e+00 : f32
    %broadcast_in_dim3A_1838 = vector.broadcast %broadcast_in_dim3A_1837 : f32 to vector<325x96xf32>
    %broadcast_in_dim3A_1839 = arith.constant 0.000000e+00 : f32
    %broadcast_in_dim3A_1840 = vector.broadcast %broadcast_in_dim3A_1839 : f32 to vector<325x96xf32>
    %broadcast_in_dim3A_1841 = arith.constant 0.000000e+00 : f32
    %broadcast_in_dim3A_1842 = vector.broadcast %broadcast_in_dim3A_1841 : f32 to vector<325x96xf32>
    %mul3A_1843 = arith.constant 0.899999976 : f32
    %mul3A_1844 = vector.broadcast %mul3A_1843 : f32 to vector<325x96xf32>
    %mul3A_1845 = arith.mulf %mul3A_1844, %broadcast_in_dim3A_1838 : vector<325x96xf32>
    %get3A_1846 = arith.constant 0 : index
    %get3A_1847 = arith.constant 0 : index
    %get3A_1848 = arith.constant 0 : index
    %get3A_1849 = vector.load %arg19[%get3A_1846, %get3A_1847, %get3A_1848] : memref<12x325x96xf32, #tpu.memory_space<vmem>>, vector<1x325x96xf32>
    %get3A_1850 = vector.shape_cast %get3A_1849 : vector<1x325x96xf32> to vector<325x96xf32>
    %add3A_1851 = arith.addf %mul3A_1845, %get3A_1850 : vector<325x96xf32>
    %mul3A_1852 = arith.constant 8.000000e-01 : f32
    %mul3A_1853 = vector.broadcast %mul3A_1852 : f32 to vector<325x96xf32>
    %mul3A_1854 = arith.mulf %mul3A_1853, %broadcast_in_dim3A_1840 : vector<325x96xf32>
    %add3A_1855 = arith.addf %mul3A_1854, %add3A_1851 : vector<325x96xf32>
    %sub3A_1856 = arith.subf %add3A_1855, %broadcast_in_dim3A_1842 : vector<325x96xf32>
    %gt3A_1857 = arith.constant 1.000000e+00 : f32
    %gt3A_1858 = vector.broadcast %gt3A_1857 : f32 to vector<325x96xf32>
    %gt3A_1859 = arith.cmpf ogt, %sub3A_1856, %gt3A_1858 : vector<325x96xf32>
    %convert_element_type3A_1860 = arith.extui %gt3A_1859 : vector<325x96xi1> to vector<325x96xi32>
    %convert_element_type3A_1861 = arith.sitofp %convert_element_type3A_1860 : vector<325x96xi32> to vector<325x96xf32>
    %swap3A_1862 = arith.constant 0 : index
    %swap3A_1863 = arith.constant 0 : index
    %swap3A_1864 = arith.constant 0 : index
    %swap3A_1865 = vector.load %arg19[%swap3A_1862, %swap3A_1863, %swap3A_1864] : memref<12x325x96xf32, #tpu.memory_space<vmem>>, vector<1x325x96xf32>
    %swap3A_1866 = vector.shape_cast %swap3A_1865 : vector<1x325x96xf32> to vector<325x96xf32>
    %swap3A_1867 = vector.shape_cast %convert_element_type3A_1861 : vector<325x96xf32> to vector<1x325x96xf32>
    tpu.vector_store %arg19[%swap3A_1862, %swap3A_1863, %swap3A_1864], %swap3A_1867 {strides = array<i32>} : memref<12x325x96xf32, #tpu.memory_space<vmem>>, vector<1x325x96xf32>,
    %mul3A_1868 = arith.constant 0.899999976 : f32
    %mul3A_1869 = vector.broadcast %mul3A_1868 : f32 to vector<325x96xf32>
    %mul3A_1870 = arith.mulf %mul3A_1869, %add3A_1851 : vector<325x96xf32>
    %get3A_1871 = arith.constant 1 : index
    %get3A_1872 = arith.constant 0 : index
    %get3A_1873 = arith.constant 0 : index
    %get3A_1874 = vector.load %arg19[%get3A_1871, %get3A_1872, %get3A_1873] : memref<12x325x96xf32, #tpu.memory_space<vmem>>, vector<1x325x96xf32>
    %get3A_1875 = vector.shape_cast %get3A_1874 : vector<1x325x96xf32> to vector<325x96xf32>
    %add3A_1876 = arith.addf %mul3A_1870, %get3A_1875 : vector<325x96xf32>
    %mul3A_1877 = arith.constant 8.000000e-01 : f32
    %mul3A_1878 = vector.broadcast %mul3A_1877 : f32 to vector<325x96xf32>
    %mul3A_1879 = arith.mulf %mul3A_1878, %sub3A_1856 : vector<325x96xf32>
    %add3A_1880 = arith.addf %mul3A_1879, %add3A_1876 : vector<325x96xf32>
    %sub3A_1881 = arith.subf %add3A_1880, %convert_element_type3A_1861 : vector<325x96xf32>
    %gt3A_1882 = arith.constant 1.000000e+00 : f32
    %gt3A_1883 = vector.broadcast %gt3A_1882 : f32 to vector<325x96xf32>
    %gt3A_1884 = arith.cmpf ogt, %sub3A_1881, %gt3A_1883 : vector<325x96xf32>
    %convert_element_type3A_1885 = arith.extui %gt3A_1884 : vector<325x96xi1> to vector<325x96xi32>
    %convert_element_type3A_1886 = arith.sitofp %convert_element_type3A_1885 : vector<325x96xi32> to vector<325x96xf32>
    %swap3A_1887 = arith.constant 1 : index
    %swap3A_1888 = arith.constant 0 : index
    %swap3A_1889 = arith.constant 0 : index
    %swap3A_1890 = vector.load %arg19[%swap3A_1887, %swap3A_1888, %swap3A_1889] : memref<12x325x96xf32, #tpu.memory_space<vmem>>, vector<1x325x96xf32>
    %swap3A_1891 = vector.shape_cast %swap3A_1890 : vector<1x325x96xf32> to vector<325x96xf32>
    %swap3A_1892 = vector.shape_cast %convert_element_type3A_1886 : vector<325x96xf32> to vector<1x325x96xf32>
    tpu.vector_store %arg19[%swap3A_1887, %swap3A_1888, %swap3A_1889], %swap3A_1892 {strides = array<i32>} : memref<12x325x96xf32, #tpu.memory_space<vmem>>, vector<1x325x96xf32>,
    %mul3A_1893 = arith.constant 0.899999976 : f32
    %mul3A_1894 = vector.broadcast %mul3A_1893 : f32 to vector<325x96xf32>
    %mul3A_1895 = arith.mulf %mul3A_1894, %add3A_1876 : vector<325x96xf32>
    %get3A_1896 = arith.constant 2 : index
    %get3A_1897 = arith.constant 0 : index
    %get3A_1898 = arith.constant 0 : index
    %get3A_1899 = vector.load %arg19[%get3A_1896, %get3A_1897, %get3A_1898] : memref<12x325x96xf32, #tpu.memory_space<vmem>>, vector<1x325x96xf32>
    %get3A_1900 = vector.shape_cast %get3A_1899 : vector<1x325x96xf32> to vector<325x96xf32>
    %add3A_1901 = arith.addf %mul3A_1895, %get3A_1900 : vector<325x96xf32>
    %mul3A_1902 = arith.constant 8.000000e-01 : f32
    %mul3A_1903 = vector.broadcast %mul3A_1902 : f32 to vector<325x96xf32>
    %mul3A_1904 = arith.mulf %mul3A_1903, %sub3A_1881 : vector<325x96xf32>
    %add3A_1905 = arith.addf %mul3A_1904, %add3A_1901 : vector<325x96xf32>
    %sub3A_1906 = arith.subf %add3A_1905, %convert_element_type3A_1886 : vector<325x96xf32>
    %gt3A_1907 = arith.constant 1.000000e+00 : f32
    %gt3A_1908 = vector.broadcast %gt3A_1907 : f32 to vector<325x96xf32>
    %gt3A_1909 = arith.cmpf ogt, %sub3A_1906, %gt3A_1908 : vector<325x96xf32>
    %convert_element_type3A_1910 = arith.extui %gt3A_1909 : vector<325x96xi1> to vector<325x96xi32>
    %convert_element_type3A_1911 = arith.sitofp %convert_element_type3A_1910 : vector<325x96xi32> to vector<325x96xf32>
    %swap3A_1912 = arith.constant 2 : index
    %swap3A_1913 = arith.constant 0 : index
    %swap3A_1914 = arith.constant 0 : index
    %swap3A_1915 = vector.load %arg19[%swap3A_1912, %swap3A_1913, %swap3A_1914] : memref<12x325x96xf32, #tpu.memory_space<vmem>>, vector<1x325x96xf32>
    %swap3A_1916 = vector.shape_cast %swap3A_1915 : vector<1x325x96xf32> to vector<325x96xf32>
    %swap3A_1917 = vector.shape_cast %convert_element_type3A_1911 : vector<325x96xf32> to vector<1x325x96xf32>
    tpu.vector_store %arg19[%swap3A_1912, %swap3A_1913, %swap3A_1914], %swap3A_1917 {strides = array<i32>} : memref<12x325x96xf32, #tpu.memory_space<vmem>>, vector<1x325x96xf32>,
    %mul3A_1918 = arith.constant 0.899999976 : f32
    %mul3A_1919 = vector.broadcast %mul3A_1918 : f32 to vector<325x96xf32>
    %mul3A_1920 = arith.mulf %mul3A_1919, %add3A_1901 : vector<325x96xf32>
    %get3A_1921 = arith.constant 3 : index
    %get3A_1922 = arith.constant 0 : index
    %get3A_1923 = arith.constant 0 : index
    %get3A_1924 = vector.load %arg19[%get3A_1921, %get3A_1922, %get3A_1923] : memref<12x325x96xf32, #tpu.memory_space<vmem>>, vector<1x325x96xf32>
    %get3A_1925 = vector.shape_cast %get3A_1924 : vector<1x325x96xf32> to vector<325x96xf32>
    %add3A_1926 = arith.addf %mul3A_1920, %get3A_1925 : vector<325x96xf32>
    %mul3A_1927 = arith.constant 8.000000e-01 : f32
    %mul3A_1928 = vector.broadcast %mul3A_1927 : f32 to vector<325x96xf32>
    %mul3A_1929 = arith.mulf %mul3A_1928, %sub3A_1906 : vector<325x96xf32>
    %add3A_1930 = arith.addf %mul3A_1929, %add3A_1926 : vector<325x96xf32>
    %sub3A_1931 = arith.subf %add3A_1930, %convert_element_type3A_1911 : vector<325x96xf32>
    %gt3A_1932 = arith.constant 1.000000e+00 : f32
    %gt3A_1933 = vector.broadcast %gt3A_1932 : f32 to vector<325x96xf32>
    %gt3A_1934 = arith.cmpf ogt, %sub3A_1931, %gt3A_1933 : vector<325x96xf32>
    %convert_element_type3A_1935 = arith.extui %gt3A_1934 : vector<325x96xi1> to vector<325x96xi32>
    %convert_element_type3A_1936 = arith.sitofp %convert_element_type3A_1935 : vector<325x96xi32> to vector<325x96xf32>
    %swap3A_1937 = arith.constant 3 : index
    %swap3A_1938 = arith.constant 0 : index
    %swap3A_1939 = arith.constant 0 : index
    %swap3A_1940 = vector.load %arg19[%swap3A_1937, %swap3A_1938, %swap3A_1939] : memref<12x325x96xf32, #tpu.memory_space<vmem>>, vector<1x325x96xf32>
    %swap3A_1941 = vector.shape_cast %swap3A_1940 : vector<1x325x96xf32> to vector<325x96xf32>
    %swap3A_1942 = vector.shape_cast %convert_element_type3A_1936 : vector<325x96xf32> to vector<1x325x96xf32>
    tpu.vector_store %arg19[%swap3A_1937, %swap3A_1938, %swap3A_1939], %swap3A_1942 {strides = array<i32>} : memref<12x325x96xf32, #tpu.memory_space<vmem>>, vector<1x325x96xf32>,
    %mul3A_1943 = arith.constant 0.899999976 : f32
    %mul3A_1944 = vector.broadcast %mul3A_1943 : f32 to vector<325x96xf32>
    %mul3A_1945 = arith.mulf %mul3A_1944, %add3A_1926 : vector<325x96xf32>
    %get3A_1946 = arith.constant 4 : index
    %get3A_1947 = arith.constant 0 : index
    %get3A_1948 = arith.constant 0 : index
    %get3A_1949 = vector.load %arg19[%get3A_1946, %get3A_1947, %get3A_1948] : memref<12x325x96xf32, #tpu.memory_space<vmem>>, vector<1x325x96xf32>
    %get3A_1950 = vector.shape_cast %get3A_1949 : vector<1x325x96xf32> to vector<325x96xf32>
    %add3A_1951 = arith.addf %mul3A_1945, %get3A_1950 : vector<325x96xf32>
    %mul3A_1952 = arith.constant 8.000000e-01 : f32
    %mul3A_1953 = vector.broadcast %mul3A_1952 : f32 to vector<325x96xf32>
    %mul3A_1954 = arith.mulf %mul3A_1953, %sub3A_1931 : vector<325x96xf32>
    %add3A_1955 = arith.addf %mul3A_1954, %add3A_1951 : vector<325x96xf32>
    %sub3A_1956 = arith.subf %add3A_1955, %convert_element_type3A_1936 : vector<325x96xf32>
    %gt3A_1957 = arith.constant 1.000000e+00 : f32
    %gt3A_1958 = vector.broadcast %gt3A_1957 : f32 to vector<325x96xf32>
    %gt3A_1959 = arith.cmpf ogt, %sub3A_1956, %gt3A_1958 : vector<325x96xf32>
    %convert_element_type3A_1960 = arith.extui %gt3A_1959 : vector<325x96xi1> to vector<325x96xi32>
    %convert_element_type3A_1961 = arith.sitofp %convert_element_type3A_1960 : vector<325x96xi32> to vector<325x96xf32>
    %swap3A_1962 = arith.constant 4 : index
    %swap3A_1963 = arith.constant 0 : index
    %swap3A_1964 = arith.constant 0 : index
    %swap3A_1965 = vector.load %arg19[%swap3A_1962, %swap3A_1963, %swap3A_1964] : memref<12x325x96xf32, #tpu.memory_space<vmem>>, vector<1x325x96xf32>
    %swap3A_1966 = vector.shape_cast %swap3A_1965 : vector<1x325x96xf32> to vector<325x96xf32>
    %swap3A_1967 = vector.shape_cast %convert_element_type3A_1961 : vector<325x96xf32> to vector<1x325x96xf32>
    tpu.vector_store %arg19[%swap3A_1962, %swap3A_1963, %swap3A_1964], %swap3A_1967 {strides = array<i32>} : memref<12x325x96xf32, #tpu.memory_space<vmem>>, vector<1x325x96xf32>,
    %mul3A_1968 = arith.constant 0.899999976 : f32
    %mul3A_1969 = vector.broadcast %mul3A_1968 : f32 to vector<325x96xf32>
    %mul3A_1970 = arith.mulf %mul3A_1969, %add3A_1951 : vector<325x96xf32>
    %get3A_1971 = arith.constant 5 : index
    %get3A_1972 = arith.constant 0 : index
    %get3A_1973 = arith.constant 0 : index
    %get3A_1974 = vector.load %arg19[%get3A_1971, %get3A_1972, %get3A_1973] : memref<12x325x96xf32, #tpu.memory_space<vmem>>, vector<1x325x96xf32>
    %get3A_1975 = vector.shape_cast %get3A_1974 : vector<1x325x96xf32> to vector<325x96xf32>
    %add3A_1976 = arith.addf %mul3A_1970, %get3A_1975 : vector<325x96xf32>
    %mul3A_1977 = arith.constant 8.000000e-01 : f32
    %mul3A_1978 = vector.broadcast %mul3A_1977 : f32 to vector<325x96xf32>
    %mul3A_1979 = arith.mulf %mul3A_1978, %sub3A_1956 : vector<325x96xf32>
    %add3A_1980 = arith.addf %mul3A_1979, %add3A_1976 : vector<325x96xf32>
    %sub3A_1981 = arith.subf %add3A_1980, %convert_element_type3A_1961 : vector<325x96xf32>
    %gt3A_1982 = arith.constant 1.000000e+00 : f32
    %gt3A_1983 = vector.broadcast %gt3A_1982 : f32 to vector<325x96xf32>
    %gt3A_1984 = arith.cmpf ogt, %sub3A_1981, %gt3A_1983 : vector<325x96xf32>
    %convert_element_type3A_1985 = arith.extui %gt3A_1984 : vector<325x96xi1> to vector<325x96xi32>
    %convert_element_type3A_1986 = arith.sitofp %convert_element_type3A_1985 : vector<325x96xi32> to vector<325x96xf32>
    %swap3A_1987 = arith.constant 5 : index
    %swap3A_1988 = arith.constant 0 : index
    %swap3A_1989 = arith.constant 0 : index
    %swap3A_1990 = vector.load %arg19[%swap3A_1987, %swap3A_1988, %swap3A_1989] : memref<12x325x96xf32, #tpu.memory_space<vmem>>, vector<1x325x96xf32>
    %swap3A_1991 = vector.shape_cast %swap3A_1990 : vector<1x325x96xf32> to vector<325x96xf32>
    %swap3A_1992 = vector.shape_cast %convert_element_type3A_1986 : vector<325x96xf32> to vector<1x325x96xf32>
    tpu.vector_store %arg19[%swap3A_1987, %swap3A_1988, %swap3A_1989], %swap3A_1992 {strides = array<i32>} : memref<12x325x96xf32, #tpu.memory_space<vmem>>, vector<1x325x96xf32>,
    %mul3A_1993 = arith.constant 0.899999976 : f32
    %mul3A_1994 = vector.broadcast %mul3A_1993 : f32 to vector<325x96xf32>
    %mul3A_1995 = arith.mulf %mul3A_1994, %add3A_1976 : vector<325x96xf32>
    %get3A_1996 = arith.constant 6 : index
    %get3A_1997 = arith.constant 0 : index
    %get3A_1998 = arith.constant 0 : index
    %get3A_1999 = vector.load %arg19[%get3A_1996, %get3A_1997, %get3A_1998] : memref<12x325x96xf32, #tpu.memory_space<vmem>>, vector<1x325x96xf32>
    %get3A_2000 = vector.shape_cast %get3A_1999 : vector<1x325x96xf32> to vector<325x96xf32>
    %add3A_2001 = arith.addf %mul3A_1995, %get3A_2000 : vector<325x96xf32>
    %mul3A_2002 = arith.constant 8.000000e-01 : f32
    %mul3A_2003 = vector.broadcast %mul3A_2002 : f32 to vector<325x96xf32>
    %mul3A_2004 = arith.mulf %mul3A_2003, %sub3A_1981 : vector<325x96xf32>
    %add3A_2005 = arith.addf %mul3A_2004, %add3A_2001 : vector<325x96xf32>
    %sub3A_2006 = arith.subf %add3A_2005, %convert_element_type3A_1986 : vector<325x96xf32>
    %gt3A_2007 = arith.constant 1.000000e+00 : f32
    %gt3A_2008 = vector.broadcast %gt3A_2007 : f32 to vector<325x96xf32>
    %gt3A_2009 = arith.cmpf ogt, %sub3A_2006, %gt3A_2008 : vector<325x96xf32>
    %convert_element_type3A_2010 = arith.extui %gt3A_2009 : vector<325x96xi1> to vector<325x96xi32>
    %convert_element_type3A_2011 = arith.sitofp %convert_element_type3A_2010 : vector<325x96xi32> to vector<325x96xf32>
    %swap3A_2012 = arith.constant 6 : index
    %swap3A_2013 = arith.constant 0 : index
    %swap3A_2014 = arith.constant 0 : index
    %swap3A_2015 = vector.load %arg19[%swap3A_2012, %swap3A_2013, %swap3A_2014] : memref<12x325x96xf32, #tpu.memory_space<vmem>>, vector<1x325x96xf32>
    %swap3A_2016 = vector.shape_cast %swap3A_2015 : vector<1x325x96xf32> to vector<325x96xf32>
    %swap3A_2017 = vector.shape_cast %convert_element_type3A_2011 : vector<325x96xf32> to vector<1x325x96xf32>
    tpu.vector_store %arg19[%swap3A_2012, %swap3A_2013, %swap3A_2014], %swap3A_2017 {strides = array<i32>} : memref<12x325x96xf32, #tpu.memory_space<vmem>>, vector<1x325x96xf32>,
    %mul3A_2018 = arith.constant 0.899999976 : f32
    %mul3A_2019 = vector.broadcast %mul3A_2018 : f32 to vector<325x96xf32>
    %mul3A_2020 = arith.mulf %mul3A_2019, %add3A_2001 : vector<325x96xf32>
    %get3A_2021 = arith.constant 7 : index
    %get3A_2022 = arith.constant 0 : index
    %get3A_2023 = arith.constant 0 : index
    %get3A_2024 = vector.load %arg19[%get3A_2021, %get3A_2022, %get3A_2023] : memref<12x325x96xf32, #tpu.memory_space<vmem>>, vector<1x325x96xf32>
    %get3A_2025 = vector.shape_cast %get3A_2024 : vector<1x325x96xf32> to vector<325x96xf32>
    %add3A_2026 = arith.addf %mul3A_2020, %get3A_2025 : vector<325x96xf32>
    %mul3A_2027 = arith.constant 8.000000e-01 : f32
    %mul3A_2028 = vector.broadcast %mul3A_2027 : f32 to vector<325x96xf32>
    %mul3A_2029 = arith.mulf %mul3A_2028, %sub3A_2006 : vector<325x96xf32>
    %add3A_2030 = arith.addf %mul3A_2029, %add3A_2026 : vector<325x96xf32>
    %sub3A_2031 = arith.subf %add3A_2030, %convert_element_type3A_2011 : vector<325x96xf32>
    %gt3A_2032 = arith.constant 1.000000e+00 : f32
    %gt3A_2033 = vector.broadcast %gt3A_2032 : f32 to vector<325x96xf32>
    %gt3A_2034 = arith.cmpf ogt, %sub3A_2031, %gt3A_2033 : vector<325x96xf32>
    %convert_element_type3A_2035 = arith.extui %gt3A_2034 : vector<325x96xi1> to vector<325x96xi32>
    %convert_element_type3A_2036 = arith.sitofp %convert_element_type3A_2035 : vector<325x96xi32> to vector<325x96xf32>
    %swap3A_2037 = arith.constant 7 : index
    %swap3A_2038 = arith.constant 0 : index
    %swap3A_2039 = arith.constant 0 : index
    %swap3A_2040 = vector.load %arg19[%swap3A_2037, %swap3A_2038, %swap3A_2039] : memref<12x325x96xf32, #tpu.memory_space<vmem>>, vector<1x325x96xf32>
    %swap3A_2041 = vector.shape_cast %swap3A_2040 : vector<1x325x96xf32> to vector<325x96xf32>
    %swap3A_2042 = vector.shape_cast %convert_element_type3A_2036 : vector<325x96xf32> to vector<1x325x96xf32>
    tpu.vector_store %arg19[%swap3A_2037, %swap3A_2038, %swap3A_2039], %swap3A_2042 {strides = array<i32>} : memref<12x325x96xf32, #tpu.memory_space<vmem>>, vector<1x325x96xf32>,
    %mul3A_2043 = arith.constant 0.899999976 : f32
    %mul3A_2044 = vector.broadcast %mul3A_2043 : f32 to vector<325x96xf32>
    %mul3A_2045 = arith.mulf %mul3A_2044, %add3A_2026 : vector<325x96xf32>
    %get3A_2046 = arith.constant 8 : index
    %get3A_2047 = arith.constant 0 : index
    %get3A_2048 = arith.constant 0 : index
    %get3A_2049 = vector.load %arg19[%get3A_2046, %get3A_2047, %get3A_2048] : memref<12x325x96xf32, #tpu.memory_space<vmem>>, vector<1x325x96xf32>
    %get3A_2050 = vector.shape_cast %get3A_2049 : vector<1x325x96xf32> to vector<325x96xf32>
    %add3A_2051 = arith.addf %mul3A_2045, %get3A_2050 : vector<325x96xf32>
    %mul3A_2052 = arith.constant 8.000000e-01 : f32
    %mul3A_2053 = vector.broadcast %mul3A_2052 : f32 to vector<325x96xf32>
    %mul3A_2054 = arith.mulf %mul3A_2053, %sub3A_2031 : vector<325x96xf32>
    %add3A_2055 = arith.addf %mul3A_2054, %add3A_2051 : vector<325x96xf32>
    %sub3A_2056 = arith.subf %add3A_2055, %convert_element_type3A_2036 : vector<325x96xf32>
    %gt3A_2057 = arith.constant 1.000000e+00 : f32
    %gt3A_2058 = vector.broadcast %gt3A_2057 : f32 to vector<325x96xf32>
    %gt3A_2059 = arith.cmpf ogt, %sub3A_2056, %gt3A_2058 : vector<325x96xf32>
    %convert_element_type3A_2060 = arith.extui %gt3A_2059 : vector<325x96xi1> to vector<325x96xi32>
    %convert_element_type3A_2061 = arith.sitofp %convert_element_type3A_2060 : vector<325x96xi32> to vector<325x96xf32>
    %swap3A_2062 = arith.constant 8 : index
    %swap3A_2063 = arith.constant 0 : index
    %swap3A_2064 = arith.constant 0 : index
    %swap3A_2065 = vector.load %arg19[%swap3A_2062, %swap3A_2063, %swap3A_2064] : memref<12x325x96xf32, #tpu.memory_space<vmem>>, vector<1x325x96xf32>
    %swap3A_2066 = vector.shape_cast %swap3A_2065 : vector<1x325x96xf32> to vector<325x96xf32>
    %swap3A_2067 = vector.shape_cast %convert_element_type3A_2061 : vector<325x96xf32> to vector<1x325x96xf32>
    tpu.vector_store %arg19[%swap3A_2062, %swap3A_2063, %swap3A_2064], %swap3A_2067 {strides = array<i32>} : memref<12x325x96xf32, #tpu.memory_space<vmem>>, vector<1x325x96xf32>,
    %mul3A_2068 = arith.constant 0.899999976 : f32
    %mul3A_2069 = vector.broadcast %mul3A_2068 : f32 to vector<325x96xf32>
    %mul3A_2070 = arith.mulf %mul3A_2069, %add3A_2051 : vector<325x96xf32>
    %get3A_2071 = arith.constant 9 : index
    %get3A_2072 = arith.constant 0 : index
    %get3A_2073 = arith.constant 0 : index
    %get3A_2074 = vector.load %arg19[%get3A_2071, %get3A_2072, %get3A_2073] : memref<12x325x96xf32, #tpu.memory_space<vmem>>, vector<1x325x96xf32>
    %get3A_2075 = vector.shape_cast %get3A_2074 : vector<1x325x96xf32> to vector<325x96xf32>
    %add3A_2076 = arith.addf %mul3A_2070, %get3A_2075 : vector<325x96xf32>
    %mul3A_2077 = arith.constant 8.000000e-01 : f32
    %mul3A_2078 = vector.broadcast %mul3A_2077 : f32 to vector<325x96xf32>
    %mul3A_2079 = arith.mulf %mul3A_2078, %sub3A_2056 : vector<325x96xf32>
    %add3A_2080 = arith.addf %mul3A_2079, %add3A_2076 : vector<325x96xf32>
    %sub3A_2081 = arith.subf %add3A_2080, %convert_element_type3A_2061 : vector<325x96xf32>
    %gt3A_2082 = arith.constant 1.000000e+00 : f32
    %gt3A_2083 = vector.broadcast %gt3A_2082 : f32 to vector<325x96xf32>
    %gt3A_2084 = arith.cmpf ogt, %sub3A_2081, %gt3A_2083 : vector<325x96xf32>
    %convert_element_type3A_2085 = arith.extui %gt3A_2084 : vector<325x96xi1> to vector<325x96xi32>
    %convert_element_type3A_2086 = arith.sitofp %convert_element_type3A_2085 : vector<325x96xi32> to vector<325x96xf32>
    %swap3A_2087 = arith.constant 9 : index
    %swap3A_2088 = arith.constant 0 : index
    %swap3A_2089 = arith.constant 0 : index
    %swap3A_2090 = vector.load %arg19[%swap3A_2087, %swap3A_2088, %swap3A_2089] : memref<12x325x96xf32, #tpu.memory_space<vmem>>, vector<1x325x96xf32>
    %swap3A_2091 = vector.shape_cast %swap3A_2090 : vector<1x325x96xf32> to vector<325x96xf32>
    %swap3A_2092 = vector.shape_cast %convert_element_type3A_2086 : vector<325x96xf32> to vector<1x325x96xf32>
    tpu.vector_store %arg19[%swap3A_2087, %swap3A_2088, %swap3A_2089], %swap3A_2092 {strides = array<i32>} : memref<12x325x96xf32, #tpu.memory_space<vmem>>, vector<1x325x96xf32>,
    %mul3A_2093 = arith.constant 0.899999976 : f32
    %mul3A_2094 = vector.broadcast %mul3A_2093 : f32 to vector<325x96xf32>
    %mul3A_2095 = arith.mulf %mul3A_2094, %add3A_2076 : vector<325x96xf32>
    %get3A_2096 = arith.constant 10 : index
    %get3A_2097 = arith.constant 0 : index
    %get3A_2098 = arith.constant 0 : index
    %get3A_2099 = vector.load %arg19[%get3A_2096, %get3A_2097, %get3A_2098] : memref<12x325x96xf32, #tpu.memory_space<vmem>>, vector<1x325x96xf32>
    %get3A_2100 = vector.shape_cast %get3A_2099 : vector<1x325x96xf32> to vector<325x96xf32>
    %add3A_2101 = arith.addf %mul3A_2095, %get3A_2100 : vector<325x96xf32>
    %mul3A_2102 = arith.constant 8.000000e-01 : f32
    %mul3A_2103 = vector.broadcast %mul3A_2102 : f32 to vector<325x96xf32>
    %mul3A_2104 = arith.mulf %mul3A_2103, %sub3A_2081 : vector<325x96xf32>
    %add3A_2105 = arith.addf %mul3A_2104, %add3A_2101 : vector<325x96xf32>
    %sub3A_2106 = arith.subf %add3A_2105, %convert_element_type3A_2086 : vector<325x96xf32>
    %gt3A_2107 = arith.constant 1.000000e+00 : f32
    %gt3A_2108 = vector.broadcast %gt3A_2107 : f32 to vector<325x96xf32>
    %gt3A_2109 = arith.cmpf ogt, %sub3A_2106, %gt3A_2108 : vector<325x96xf32>
    %convert_element_type3A_2110 = arith.extui %gt3A_2109 : vector<325x96xi1> to vector<325x96xi32>
    %convert_element_type3A_2111 = arith.sitofp %convert_element_type3A_2110 : vector<325x96xi32> to vector<325x96xf32>
    %swap3A_2112 = arith.constant 10 : index
    %swap3A_2113 = arith.constant 0 : index
    %swap3A_2114 = arith.constant 0 : index
    %swap3A_2115 = vector.load %arg19[%swap3A_2112, %swap3A_2113, %swap3A_2114] : memref<12x325x96xf32, #tpu.memory_space<vmem>>, vector<1x325x96xf32>
    %swap3A_2116 = vector.shape_cast %swap3A_2115 : vector<1x325x96xf32> to vector<325x96xf32>
    %swap3A_2117 = vector.shape_cast %convert_element_type3A_2111 : vector<325x96xf32> to vector<1x325x96xf32>
    tpu.vector_store %arg19[%swap3A_2112, %swap3A_2113, %swap3A_2114], %swap3A_2117 {strides = array<i32>} : memref<12x325x96xf32, #tpu.memory_space<vmem>>, vector<1x325x96xf32>,
    %mul3A_2118 = arith.constant 0.899999976 : f32
    %mul3A_2119 = vector.broadcast %mul3A_2118 : f32 to vector<325x96xf32>
    %mul3A_2120 = arith.mulf %mul3A_2119, %add3A_2101 : vector<325x96xf32>
    %get3A_2121 = arith.constant 11 : index
    %get3A_2122 = arith.constant 0 : index
    %get3A_2123 = arith.constant 0 : index
    %get3A_2124 = vector.load %arg19[%get3A_2121, %get3A_2122, %get3A_2123] : memref<12x325x96xf32, #tpu.memory_space<vmem>>, vector<1x325x96xf32>
    %get3A_2125 = vector.shape_cast %get3A_2124 : vector<1x325x96xf32> to vector<325x96xf32>
    %add3A_2126 = arith.addf %mul3A_2120, %get3A_2125 : vector<325x96xf32>
    %mul3A_2127 = arith.constant 8.000000e-01 : f32
    %mul3A_2128 = vector.broadcast %mul3A_2127 : f32 to vector<325x96xf32>
    %mul3A_2129 = arith.mulf %mul3A_2128, %sub3A_2106 : vector<325x96xf32>
    %add3A_2130 = arith.addf %mul3A_2129, %add3A_2126 : vector<325x96xf32>
    %sub3A_2131 = arith.subf %add3A_2130, %convert_element_type3A_2111 : vector<325x96xf32>
    %gt3A_2132 = arith.constant 1.000000e+00 : f32
    %gt3A_2133 = vector.broadcast %gt3A_2132 : f32 to vector<325x96xf32>
    %gt3A_2134 = arith.cmpf ogt, %sub3A_2131, %gt3A_2133 : vector<325x96xf32>
    %convert_element_type3A_2135 = arith.extui %gt3A_2134 : vector<325x96xi1> to vector<325x96xi32>
    %convert_element_type3A_2136 = arith.sitofp %convert_element_type3A_2135 : vector<325x96xi32> to vector<325x96xf32>
    %swap3A_2137 = arith.constant 11 : index
    %swap3A_2138 = arith.constant 0 : index
    %swap3A_2139 = arith.constant 0 : index
    %swap3A_2140 = vector.load %arg19[%swap3A_2137, %swap3A_2138, %swap3A_2139] : memref<12x325x96xf32, #tpu.memory_space<vmem>>, vector<1x325x96xf32>
    %swap3A_2141 = vector.shape_cast %swap3A_2140 : vector<1x325x96xf32> to vector<325x96xf32>
    %swap3A_2142 = vector.shape_cast %convert_element_type3A_2136 : vector<325x96xf32> to vector<1x325x96xf32>
    tpu.vector_store %arg19[%swap3A_2137, %swap3A_2138, %swap3A_2139], %swap3A_2142 {strides = array<i32>} : memref<12x325x96xf32, #tpu.memory_space<vmem>>, vector<1x325x96xf32>,
    %get3A_2143 = arith.constant 11 : index
    %get3A_2144 = arith.constant 0 : index
    %get3A_2145 = arith.constant 0 : index
    %get3A_2146 = vector.load %arg19[%get3A_2143, %get3A_2144, %get3A_2145] : memref<12x325x96xf32, #tpu.memory_space<vmem>>, vector<1x325x96xf32>
    %get3A_2147 = vector.shape_cast %get3A_2146 : vector<1x325x96xf32> to vector<325x96xf32>
    %get3A_2148 = arith.constant 0 : index
    %get3A_2149 = arith.constant 0 : index
    %get3A_2150 = vector.load %arg8[%get3A_2148, %get3A_2149] : memref<96x64xf32, #tpu.memory_space<vmem>>, vector<96x64xf32>
    %dot_general3A_2151 = arith.constant dense<0.000000e+00> : vector<325x64xf32>
    %dot_general3A_2152 = tpu.matmul %get3A_2147, %get3A_2150, %dot_general3A_2151 {dimension_numbers = #tpu.dot_dimension_numbers<[1], [0], [0], [1], [0, 0, 1, 1], [], []>, transpose_lhs_hint = false} : vector<325x96xf32>, vector<96x64xf32>, vector<325x64xf32> -> vector<325x64xf32>
    %get3A_2153 = arith.constant 0 : index
    %get3A_2154 = arith.constant 0 : index
    %get3A_2155 = vector.load %arg9[%get3A_2153, %get3A_2154] : memref<1x64xf32, #tpu.memory_space<vmem>>, vector<1x64xf32>
    %add3A_2156 = vector.broadcast %get3A_2155 : vector<1x64xf32> to vector<325x64xf32>
    %add3A_2157 = arith.addf %dot_general3A_2152, %add3A_2156 : vector<325x64xf32>
    %swap3A_2158 = arith.constant 0 : index
    %swap3A_2159 = arith.constant 0 : index
    %swap3A_2160 = arith.constant 0 : index
    %swap3A_2161 = vector.load %arg16[%swap3A_2158, %swap3A_2159, %swap3A_2160] : memref<1x325x64xf32, #tpu.memory_space<vmem>>, vector<1x325x64xf32>
    %swap3A_2162 = vector.shape_cast %swap3A_2161 : vector<1x325x64xf32> to vector<325x64xf32>
    %swap3A_2163 = vector.shape_cast %add3A_2157 : vector<325x64xf32> to vector<1x325x64xf32>
    tpu.vector_store %arg16[%swap3A_2158, %swap3A_2159, %swap3A_2160], %swap3A_2163 {strides = array<i32>} : memref<1x325x64xf32, #tpu.memory_space<vmem>>, vector<1x325x64xf32>,
    %broadcast_in_dim3A_2164 = arith.constant 0.000000e+00 : f32
    %broadcast_in_dim3A_2165 = vector.broadcast %broadcast_in_dim3A_2164 : f32 to vector<96xf32>
    %broadcast_in_dim3A_2166 = arith.constant 0.000000e+00 : f32
    %broadcast_in_dim3A_2167 = vector.broadcast %broadcast_in_dim3A_2166 : f32 to vector<96xf32>
    %get3A_2168 = arith.constant 0 : index
    %get3A_2169 = arith.constant 0 : index
    %get3A_2170 = arith.constant 0 : index
    %get3A_2171 = vector.load %arg19[%get3A_2168, %get3A_2169, %get3A_2170] : memref<12x325x96xf32, #tpu.memory_space<vmem>>, vector<1x325x96xf32>
    %get3A_2172 = vector.shape_cast %get3A_2171 : vector<1x325x96xf32> to vector<325x96xf32>
    %get3A_2173 = arith.constant 0 : index
    %get3A_2174 = arith.constant 0 : index
    %get3A_2175 = arith.constant 0 : index
    %get3A_2176 = vector.load %arg10[%get3A_2173, %get3A_2174, %get3A_2175] : memref<3x325x325xf32, #tpu.memory_space<vmem>>, vector<1x325x325xf32>
    %get3A_2177 = vector.shape_cast %get3A_2176 : vector<1x325x325xf32> to vector<325x325xf32>
    %dot_general3A_2178 = arith.constant dense<0.000000e+00> : vector<325x96xf32>
    %dot_general3A_2179 = tpu.matmul %get3A_2177, %get3A_2172, %dot_general3A_2178 {dimension_numbers = #tpu.dot_dimension_numbers<[1], [0], [0], [1], [0, 0, 1, 1], [], []>, precision = #tpu.contract_precision<fp32>, transpose_lhs_hint = false} : vector<325x325xf32>, vector<325x96xf32>, vector<325x96xf32> -> vector<325x96xf32>
    %get3A_2180 = arith.constant 0 : index
    %get3A_2181 = arith.constant 0 : index
    %get3A_2182 = arith.constant 0 : index
    %get3A_2183 = vector.load %arg10[%get3A_2180, %get3A_2181, %get3A_2182] : memref<3x325x325xf32, #tpu.memory_space<vmem>>, vector<1x325x325xf32>
    %get3A_2184 = vector.shape_cast %get3A_2183 : vector<1x325x325xf32> to vector<325x325xf32>
    %dot_general3A_2185 = arith.constant dense<0.000000e+00> : vector<325x96xf32>
    %dot_general3A_2186 = tpu.matmul %get3A_2184, %dot_general3A_2179, %dot_general3A_2185 {dimension_numbers = #tpu.dot_dimension_numbers<[1], [0], [0], [1], [0, 0, 1, 1], [], []>, precision = #tpu.contract_precision<fp32>, transpose_lhs_hint = false} : vector<325x325xf32>, vector<325x96xf32>, vector<325x96xf32> -> vector<325x96xf32>
    %get3A_2187 = arith.constant 1 : index
    %get3A_2188 = arith.constant 0 : index
    %get3A_2189 = arith.constant 0 : index
    %get3A_2190 = vector.load %arg10[%get3A_2187, %get3A_2188, %get3A_2189] : memref<3x325x325xf32, #tpu.memory_space<vmem>>, vector<1x325x325xf32>
    %get3A_2191 = vector.shape_cast %get3A_2190 : vector<1x325x325xf32> to vector<325x325xf32>
    %dot_general3A_2192 = arith.constant dense<0.000000e+00> : vector<325x96xf32>
    %dot_general3A_2193 = tpu.matmul %get3A_2191, %get3A_2172, %dot_general3A_2192 {dimension_numbers = #tpu.dot_dimension_numbers<[1], [0], [0], [1], [0, 0, 1, 1], [], []>, precision = #tpu.contract_precision<fp32>, transpose_lhs_hint = false} : vector<325x325xf32>, vector<325x96xf32>, vector<325x96xf32> -> vector<325x96xf32>
    %get3A_2194 = arith.constant 1 : index
    %get3A_2195 = arith.constant 0 : index
    %get3A_2196 = arith.constant 0 : index
    %get3A_2197 = vector.load %arg10[%get3A_2194, %get3A_2195, %get3A_2196] : memref<3x325x325xf32, #tpu.memory_space<vmem>>, vector<1x325x325xf32>
    %get3A_2198 = vector.shape_cast %get3A_2197 : vector<1x325x325xf32> to vector<325x325xf32>
    %dot_general3A_2199 = arith.constant dense<0.000000e+00> : vector<325x96xf32>
    %dot_general3A_2200 = tpu.matmul %get3A_2198, %dot_general3A_2193, %dot_general3A_2199 {dimension_numbers = #tpu.dot_dimension_numbers<[1], [0], [0], [1], [0, 0, 1, 1], [], []>, precision = #tpu.contract_precision<fp32>, transpose_lhs_hint = false} : vector<325x325xf32>, vector<325x96xf32>, vector<325x96xf32> -> vector<325x96xf32>
    %get3A_2201 = arith.constant 2 : index
    %get3A_2202 = arith.constant 0 : index
    %get3A_2203 = arith.constant 0 : index
    %get3A_2204 = vector.load %arg10[%get3A_2201, %get3A_2202, %get3A_2203] : memref<3x325x325xf32, #tpu.memory_space<vmem>>, vector<1x325x325xf32>
    %get3A_2205 = vector.shape_cast %get3A_2204 : vector<1x325x325xf32> to vector<325x325xf32>
    %dot_general3A_2206 = arith.constant dense<0.000000e+00> : vector<325x96xf32>
    %dot_general3A_2207 = tpu.matmul %get3A_2205, %get3A_2172, %dot_general3A_2206 {dimension_numbers = #tpu.dot_dimension_numbers<[1], [0], [0], [1], [0, 0, 1, 1], [], []>, transpose_lhs_hint = false} : vector<325x325xf32>, vector<325x96xf32>, vector<325x96xf32> -> vector<325x96xf32>
    %get3A_2208 = arith.constant 2 : index
    %get3A_2209 = arith.constant 0 : index
    %get3A_2210 = arith.constant 0 : index
    %get3A_2211 = vector.load %arg10[%get3A_2208, %get3A_2209, %get3A_2210] : memref<3x325x325xf32, #tpu.memory_space<vmem>>, vector<1x325x325xf32>
    %get3A_2212 = vector.shape_cast %get3A_2211 : vector<1x325x325xf32> to vector<325x325xf32>
    %dot_general3A_2213 = arith.constant dense<0.000000e+00> : vector<325x96xf32>
    %dot_general3A_2214 = tpu.matmul %get3A_2212, %dot_general3A_2207, %dot_general3A_2213 {dimension_numbers = #tpu.dot_dimension_numbers<[1], [0], [0], [1], [0, 0, 1, 1], [], []>, transpose_lhs_hint = false} : vector<325x325xf32>, vector<325x96xf32>, vector<325x96xf32> -> vector<325x96xf32>
    %concatenate3A_2215 = tpu.concatenate %get3A_2172, %dot_general3A_2179, %dot_general3A_2186, %dot_general3A_2193, %dot_general3A_2200 in 1 : vector<325x96xf32>, vector<325x96xf32>, vector<325x96xf32>, vector<325x96xf32>, vector<325x96xf32> -> vector<325x480xf32>
    %get3A_2216 = arith.constant 0 : index
    %get3A_2217 = arith.constant 0 : index
    %get3A_2218 = vector.load %arg11[%get3A_2216, %get3A_2217] : memref<480x96xf32, #tpu.memory_space<vmem>>, vector<480x96xf32>
    %dot_general3A_2219 = arith.constant dense<0.000000e+00> : vector<325x96xf32>
    %dot_general3A_2220 = tpu.matmul %concatenate3A_2215, %get3A_2218, %dot_general3A_2219 {dimension_numbers = #tpu.dot_dimension_numbers<[1], [0], [0], [1], [0, 0, 1, 1], [], []>, transpose_lhs_hint = false} : vector<325x480xf32>, vector<480x96xf32>, vector<325x96xf32> -> vector<325x96xf32>
    %get3A_2221 = arith.constant 0 : index
    %get3A_2222 = arith.constant 0 : index
    %get3A_2223 = vector.load %arg12[%get3A_2221, %get3A_2222] : memref<1x96xf32, #tpu.memory_space<vmem>>, vector<1x96xf32>
    %add3A_2224 = vector.broadcast %get3A_2223 : vector<1x96xf32> to vector<325x96xf32>
    %add3A_2225 = arith.addf %dot_general3A_2220, %add3A_2224 : vector<325x96xf32>
    %concatenate3A_2226 = tpu.concatenate %dot_general3A_2207, %dot_general3A_2214 in 1 : vector<325x96xf32>, vector<325x96xf32> -> vector<325x192xf32>
    %get3A_2227 = arith.constant 0 : index
    %get3A_2228 = arith.constant 0 : index
    %get3A_2229 = vector.load %arg13[%get3A_2227, %get3A_2228] : memref<192x96xf32, #tpu.memory_space<vmem>>, vector<192x96xf32>
    %dot_general3A_2230 = arith.constant dense<0.000000e+00> : vector<325x96xf32>
    %dot_general3A_2231 = tpu.matmul %concatenate3A_2226, %get3A_2229, %dot_general3A_2230 {dimension_numbers = #tpu.dot_dimension_numbers<[1], [0], [0], [1], [0, 0, 1, 1], [], []>, transpose_lhs_hint = false} : vector<325x192xf32>, vector<192x96xf32>, vector<325x96xf32> -> vector<325x96xf32>
    %get3A_2232 = arith.constant 0 : index
    %get3A_2233 = arith.constant 0 : index
    %get3A_2234 = vector.load %arg14[%get3A_2232, %get3A_2233] : memref<1x96xf32, #tpu.memory_space<vmem>>, vector<1x96xf32>
    %add3A_2235 = vector.broadcast %get3A_2234 : vector<1x96xf32> to vector<325x96xf32>
    %add3A_2236 = arith.addf %dot_general3A_2231, %add3A_2235 : vector<325x96xf32>
    %add3A_2237 = arith.addf %add3A_2225, %add3A_2236 : vector<325x96xf32>
    %get3A_2238 = arith.constant 0 : index
    %get3A_2239 = arith.constant 0 : index
    %get3A_2240 = arith.constant 0 : index
    %get3A_2241 = vector.load %arg20[%get3A_2238, %get3A_2239, %get3A_2240] : memref<12x325x96xf32, #tpu.memory_space<vmem>>, vector<1x325x96xf32>
    %get3A_2242 = vector.shape_cast %get3A_2241 : vector<1x325x96xf32> to vector<325x96xf32>
    %add3A_2243 = arith.addf %add3A_2237, %get3A_2242 : vector<325x96xf32>
    %swap3A_2244 = arith.constant 0 : index
    %swap3A_2245 = arith.constant 0 : index
    %swap3A_2246 = arith.constant 0 : index
    %swap3A_2247 = arith.constant 0 : index
    %swap3A_2248 = vector.load %arg15[%swap3A_2244, %swap3A_2245, %swap3A_2246, %swap3A_2247] : memref<1x12x325x96xf32, #tpu.memory_space<vmem>>, vector<1x1x325x96xf32>
    %swap3A_2249 = vector.shape_cast %swap3A_2248 : vector<1x1x325x96xf32> to vector<325x96xf32>
    %swap3A_2250 = vector.shape_cast %add3A_2243 : vector<325x96xf32> to vector<1x1x325x96xf32>
    tpu.vector_store %arg15[%swap3A_2244, %swap3A_2245, %swap3A_2246, %swap3A_2247], %swap3A_2250 {strides = array<i32>} : memref<1x12x325x96xf32, #tpu.memory_space<vmem>>, vector<1x1x325x96xf32>,
    %reduce_sum3A = arith.constant dense<0.000000e+00> : vector<96xf32>
    %reduce_sum3A_2251 = vector.multi_reduction <add>, %add3A_2243, %reduce_sum3A [0] : vector<325x96xf32> to vector<96xf32>
    %add3A_2252 = arith.addf %broadcast_in_dim3A_2165, %reduce_sum3A_2251 : vector<96xf32>
    %mul3A_2253 = arith.mulf %add3A_2243, %add3A_2243 : vector<325x96xf32>
    %reduce_sum3A_2254 = arith.constant dense<0.000000e+00> : vector<96xf32>
    %reduce_sum3A_2255 = vector.multi_reduction <add>, %mul3A_2253, %reduce_sum3A_2254 [0] : vector<325x96xf32> to vector<96xf32>
    %add3A_2256 = arith.addf %broadcast_in_dim3A_2167, %reduce_sum3A_2255 : vector<96xf32>
    %get3A_2257 = arith.constant 1 : index
    %get3A_2258 = arith.constant 0 : index
    %get3A_2259 = arith.constant 0 : index
    %get3A_2260 = vector.load %arg19[%get3A_2257, %get3A_2258, %get3A_2259] : memref<12x325x96xf32, #tpu.memory_space<vmem>>, vector<1x325x96xf32>
    %get3A_2261 = vector.shape_cast %get3A_2260 : vector<1x325x96xf32> to vector<325x96xf32>
    %get3A_2262 = arith.constant 0 : index
    %get3A_2263 = arith.constant 0 : index
    %get3A_2264 = arith.constant 0 : index
    %get3A_2265 = vector.load %arg10[%get3A_2262, %get3A_2263, %get3A_2264] : memref<3x325x325xf32, #tpu.memory_space<vmem>>, vector<1x325x325xf32>
    %get3A_2266 = vector.shape_cast %get3A_2265 : vector<1x325x325xf32> to vector<325x325xf32>
    %dot_general3A_2267 = arith.constant dense<0.000000e+00> : vector<325x96xf32>
    %dot_general3A_2268 = tpu.matmul %get3A_2266, %get3A_2261, %dot_general3A_2267 {dimension_numbers = #tpu.dot_dimension_numbers<[1], [0], [0], [1], [0, 0, 1, 1], [], []>, precision = #tpu.contract_precision<fp32>, transpose_lhs_hint = false} : vector<325x325xf32>, vector<325x96xf32>, vector<325x96xf32> -> vector<325x96xf32>
    %get3A_2269 = arith.constant 0 : index
    %get3A_2270 = arith.constant 0 : index
    %get3A_2271 = arith.constant 0 : index
    %get3A_2272 = vector.load %arg10[%get3A_2269, %get3A_2270, %get3A_2271] : memref<3x325x325xf32, #tpu.memory_space<vmem>>, vector<1x325x325xf32>
    %get3A_2273 = vector.shape_cast %get3A_2272 : vector<1x325x325xf32> to vector<325x325xf32>
    %dot_general3A_2274 = arith.constant dense<0.000000e+00> : vector<325x96xf32>
    %dot_general3A_2275 = tpu.matmul %get3A_2273, %dot_general3A_2268, %dot_general3A_2274 {dimension_numbers = #tpu.dot_dimension_numbers<[1], [0], [0], [1], [0, 0, 1, 1], [], []>, precision = #tpu.contract_precision<fp32>, transpose_lhs_hint = false} : vector<325x325xf32>, vector<325x96xf32>, vector<325x96xf32> -> vector<325x96xf32>
    %get3A_2276 = arith.constant 1 : index
    %get3A_2277 = arith.constant 0 : index
    %get3A_2278 = arith.constant 0 : index
    %get3A_2279 = vector.load %arg10[%get3A_2276, %get3A_2277, %get3A_2278] : memref<3x325x325xf32, #tpu.memory_space<vmem>>, vector<1x325x325xf32>
    %get3A_2280 = vector.shape_cast %get3A_2279 : vector<1x325x325xf32> to vector<325x325xf32>
    %dot_general3A_2281 = arith.constant dense<0.000000e+00> : vector<325x96xf32>
    %dot_general3A_2282 = tpu.matmul %get3A_2280, %get3A_2261, %dot_general3A_2281 {dimension_numbers = #tpu.dot_dimension_numbers<[1], [0], [0], [1], [0, 0, 1, 1], [], []>, precision = #tpu.contract_precision<fp32>, transpose_lhs_hint = false} : vector<325x325xf32>, vector<325x96xf32>, vector<325x96xf32> -> vector<325x96xf32>
    %get3A_2283 = arith.constant 1 : index
    %get3A_2284 = arith.constant 0 : index
    %get3A_2285 = arith.constant 0 : index
    %get3A_2286 = vector.load %arg10[%get3A_2283, %get3A_2284, %get3A_2285] : memref<3x325x325xf32, #tpu.memory_space<vmem>>, vector<1x325x325xf32>
    %get3A_2287 = vector.shape_cast %get3A_2286 : vector<1x325x325xf32> to vector<325x325xf32>
    %dot_general3A_2288 = arith.constant dense<0.000000e+00> : vector<325x96xf32>
    %dot_general3A_2289 = tpu.matmul %get3A_2287, %dot_general3A_2282, %dot_general3A_2288 {dimension_numbers = #tpu.dot_dimension_numbers<[1], [0], [0], [1], [0, 0, 1, 1], [], []>, precision = #tpu.contract_precision<fp32>, transpose_lhs_hint = false} : vector<325x325xf32>, vector<325x96xf32>, vector<325x96xf32> -> vector<325x96xf32>
    %get3A_2290 = arith.constant 2 : index
    %get3A_2291 = arith.constant 0 : index
    %get3A_2292 = arith.constant 0 : index
    %get3A_2293 = vector.load %arg10[%get3A_2290, %get3A_2291, %get3A_2292] : memref<3x325x325xf32, #tpu.memory_space<vmem>>, vector<1x325x325xf32>
    %get3A_2294 = vector.shape_cast %get3A_2293 : vector<1x325x325xf32> to vector<325x325xf32>
    %dot_general3A_2295 = arith.constant dense<0.000000e+00> : vector<325x96xf32>
    %dot_general3A_2296 = tpu.matmul %get3A_2294, %get3A_2261, %dot_general3A_2295 {dimension_numbers = #tpu.dot_dimension_numbers<[1], [0], [0], [1], [0, 0, 1, 1], [], []>, transpose_lhs_hint = false} : vector<325x325xf32>, vector<325x96xf32>, vector<325x96xf32> -> vector<325x96xf32>
    %get3A_2297 = arith.constant 2 : index
    %get3A_2298 = arith.constant 0 : index
    %get3A_2299 = arith.constant 0 : index
    %get3A_2300 = vector.load %arg10[%get3A_2297, %get3A_2298, %get3A_2299] : memref<3x325x325xf32, #tpu.memory_space<vmem>>, vector<1x325x325xf32>
    %get3A_2301 = vector.shape_cast %get3A_2300 : vector<1x325x325xf32> to vector<325x325xf32>
    %dot_general3A_2302 = arith.constant dense<0.000000e+00> : vector<325x96xf32>
    %dot_general3A_2303 = tpu.matmul %get3A_2301, %dot_general3A_2296, %dot_general3A_2302 {dimension_numbers = #tpu.dot_dimension_numbers<[1], [0], [0], [1], [0, 0, 1, 1], [], []>, transpose_lhs_hint = false} : vector<325x325xf32>, vector<325x96xf32>, vector<325x96xf32> -> vector<325x96xf32>
    %concatenate3A_2304 = tpu.concatenate %get3A_2261, %dot_general3A_2268, %dot_general3A_2275, %dot_general3A_2282, %dot_general3A_2289 in 1 : vector<325x96xf32>, vector<325x96xf32>, vector<325x96xf32>, vector<325x96xf32>, vector<325x96xf32> -> vector<325x480xf32>
    %get3A_2305 = arith.constant 0 : index
    %get3A_2306 = arith.constant 0 : index
    %get3A_2307 = vector.load %arg11[%get3A_2305, %get3A_2306] : memref<480x96xf32, #tpu.memory_space<vmem>>, vector<480x96xf32>
    %dot_general3A_2308 = arith.constant dense<0.000000e+00> : vector<325x96xf32>
    %dot_general3A_2309 = tpu.matmul %concatenate3A_2304, %get3A_2307, %dot_general3A_2308 {dimension_numbers = #tpu.dot_dimension_numbers<[1], [0], [0], [1], [0, 0, 1, 1], [], []>, transpose_lhs_hint = false} : vector<325x480xf32>, vector<480x96xf32>, vector<325x96xf32> -> vector<325x96xf32>
    %get3A_2310 = arith.constant 0 : index
    %get3A_2311 = arith.constant 0 : index
    %get3A_2312 = vector.load %arg12[%get3A_2310, %get3A_2311] : memref<1x96xf32, #tpu.memory_space<vmem>>, vector<1x96xf32>
    %add3A_2313 = vector.broadcast %get3A_2312 : vector<1x96xf32> to vector<325x96xf32>
    %add3A_2314 = arith.addf %dot_general3A_2309, %add3A_2313 : vector<325x96xf32>
    %concatenate3A_2315 = tpu.concatenate %dot_general3A_2296, %dot_general3A_2303 in 1 : vector<325x96xf32>, vector<325x96xf32> -> vector<325x192xf32>
    %get3A_2316 = arith.constant 0 : index
    %get3A_2317 = arith.constant 0 : index
    %get3A_2318 = vector.load %arg13[%get3A_2316, %get3A_2317] : memref<192x96xf32, #tpu.memory_space<vmem>>, vector<192x96xf32>
    %dot_general3A_2319 = arith.constant dense<0.000000e+00> : vector<325x96xf32>
    %dot_general3A_2320 = tpu.matmul %concatenate3A_2315, %get3A_2318, %dot_general3A_2319 {dimension_numbers = #tpu.dot_dimension_numbers<[1], [0], [0], [1], [0, 0, 1, 1], [], []>, transpose_lhs_hint = false} : vector<325x192xf32>, vector<192x96xf32>, vector<325x96xf32> -> vector<325x96xf32>
    %get3A_2321 = arith.constant 0 : index
    %get3A_2322 = arith.constant 0 : index
    %get3A_2323 = vector.load %arg14[%get3A_2321, %get3A_2322] : memref<1x96xf32, #tpu.memory_space<vmem>>, vector<1x96xf32>
    %add3A_2324 = vector.broadcast %get3A_2323 : vector<1x96xf32> to vector<325x96xf32>
    %add3A_2325 = arith.addf %dot_general3A_2320, %add3A_2324 : vector<325x96xf32>
    %add3A_2326 = arith.addf %add3A_2314, %add3A_2325 : vector<325x96xf32>
    %get3A_2327 = arith.constant 1 : index
    %get3A_2328 = arith.constant 0 : index
    %get3A_2329 = arith.constant 0 : index
    %get3A_2330 = vector.load %arg20[%get3A_2327, %get3A_2328, %get3A_2329] : memref<12x325x96xf32, #tpu.memory_space<vmem>>, vector<1x325x96xf32>
    %get3A_2331 = vector.shape_cast %get3A_2330 : vector<1x325x96xf32> to vector<325x96xf32>
    %add3A_2332 = arith.addf %add3A_2326, %get3A_2331 : vector<325x96xf32>
    %swap3A_2333 = arith.constant 0 : index
    %swap3A_2334 = arith.constant 1 : index
    %swap3A_2335 = arith.constant 0 : index
    %swap3A_2336 = arith.constant 0 : index
    %swap3A_2337 = vector.load %arg15[%swap3A_2333, %swap3A_2334, %swap3A_2335, %swap3A_2336] : memref<1x12x325x96xf32, #tpu.memory_space<vmem>>, vector<1x1x325x96xf32>
    %swap3A_2338 = vector.shape_cast %swap3A_2337 : vector<1x1x325x96xf32> to vector<325x96xf32>
    %swap3A_2339 = vector.shape_cast %add3A_2332 : vector<325x96xf32> to vector<1x1x325x96xf32>
    tpu.vector_store %arg15[%swap3A_2333, %swap3A_2334, %swap3A_2335, %swap3A_2336], %swap3A_2339 {strides = array<i32>} : memref<1x12x325x96xf32, #tpu.memory_space<vmem>>, vector<1x1x325x96xf32>,
    %reduce_sum3A_2340 = arith.constant dense<0.000000e+00> : vector<96xf32>
    %reduce_sum3A_2341 = vector.multi_reduction <add>, %add3A_2332, %reduce_sum3A_2340 [0] : vector<325x96xf32> to vector<96xf32>
    %add3A_2342 = arith.addf %add3A_2252, %reduce_sum3A_2341 : vector<96xf32>
    %mul3A_2343 = arith.mulf %add3A_2332, %add3A_2332 : vector<325x96xf32>
    %reduce_sum3A_2344 = arith.constant dense<0.000000e+00> : vector<96xf32>
    %reduce_sum3A_2345 = vector.multi_reduction <add>, %mul3A_2343, %reduce_sum3A_2344 [0] : vector<325x96xf32> to vector<96xf32>
    %add3A_2346 = arith.addf %add3A_2256, %reduce_sum3A_2345 : vector<96xf32>
    %get3A_2347 = arith.constant 2 : index
    %get3A_2348 = arith.constant 0 : index
    %get3A_2349 = arith.constant 0 : index
    %get3A_2350 = vector.load %arg19[%get3A_2347, %get3A_2348, %get3A_2349] : memref<12x325x96xf32, #tpu.memory_space<vmem>>, vector<1x325x96xf32>
    %get3A_2351 = vector.shape_cast %get3A_2350 : vector<1x325x96xf32> to vector<325x96xf32>
    %get3A_2352 = arith.constant 0 : index
    %get3A_2353 = arith.constant 0 : index
    %get3A_2354 = arith.constant 0 : index
    %get3A_2355 = vector.load %arg10[%get3A_2352, %get3A_2353, %get3A_2354] : memref<3x325x325xf32, #tpu.memory_space<vmem>>, vector<1x325x325xf32>
    %get3A_2356 = vector.shape_cast %get3A_2355 : vector<1x325x325xf32> to vector<325x325xf32>
    %dot_general3A_2357 = arith.constant dense<0.000000e+00> : vector<325x96xf32>
    %dot_general3A_2358 = tpu.matmul %get3A_2356, %get3A_2351, %dot_general3A_2357 {dimension_numbers = #tpu.dot_dimension_numbers<[1], [0], [0], [1], [0, 0, 1, 1], [], []>, precision = #tpu.contract_precision<fp32>, transpose_lhs_hint = false} : vector<325x325xf32>, vector<325x96xf32>, vector<325x96xf32> -> vector<325x96xf32>
    %get3A_2359 = arith.constant 0 : index
    %get3A_2360 = arith.constant 0 : index
    %get3A_2361 = arith.constant 0 : index
    %get3A_2362 = vector.load %arg10[%get3A_2359, %get3A_2360, %get3A_2361] : memref<3x325x325xf32, #tpu.memory_space<vmem>>, vector<1x325x325xf32>
    %get3A_2363 = vector.shape_cast %get3A_2362 : vector<1x325x325xf32> to vector<325x325xf32>
    %dot_general3A_2364 = arith.constant dense<0.000000e+00> : vector<325x96xf32>
    %dot_general3A_2365 = tpu.matmul %get3A_2363, %dot_general3A_2358, %dot_general3A_2364 {dimension_numbers = #tpu.dot_dimension_numbers<[1], [0], [0], [1], [0, 0, 1, 1], [], []>, precision = #tpu.contract_precision<fp32>, transpose_lhs_hint = false} : vector<325x325xf32>, vector<325x96xf32>, vector<325x96xf32> -> vector<325x96xf32>
    %get3A_2366 = arith.constant 1 : index
    %get3A_2367 = arith.constant 0 : index
    %get3A_2368 = arith.constant 0 : index
    %get3A_2369 = vector.load %arg10[%get3A_2366, %get3A_2367, %get3A_2368] : memref<3x325x325xf32, #tpu.memory_space<vmem>>, vector<1x325x325xf32>
    %get3A_2370 = vector.shape_cast %get3A_2369 : vector<1x325x325xf32> to vector<325x325xf32>
    %dot_general3A_2371 = arith.constant dense<0.000000e+00> : vector<325x96xf32>
    %dot_general3A_2372 = tpu.matmul %get3A_2370, %get3A_2351, %dot_general3A_2371 {dimension_numbers = #tpu.dot_dimension_numbers<[1], [0], [0], [1], [0, 0, 1, 1], [], []>, precision = #tpu.contract_precision<fp32>, transpose_lhs_hint = false} : vector<325x325xf32>, vector<325x96xf32>, vector<325x96xf32> -> vector<325x96xf32>
    %get3A_2373 = arith.constant 1 : index
    %get3A_2374 = arith.constant 0 : index
    %get3A_2375 = arith.constant 0 : index
    %get3A_2376 = vector.load %arg10[%get3A_2373, %get3A_2374, %get3A_2375] : memref<3x325x325xf32, #tpu.memory_space<vmem>>, vector<1x325x325xf32>
    %get3A_2377 = vector.shape_cast %get3A_2376 : vector<1x325x325xf32> to vector<325x325xf32>
    %dot_general3A_2378 = arith.constant dense<0.000000e+00> : vector<325x96xf32>
    %dot_general3A_2379 = tpu.matmul %get3A_2377, %dot_general3A_2372, %dot_general3A_2378 {dimension_numbers = #tpu.dot_dimension_numbers<[1], [0], [0], [1], [0, 0, 1, 1], [], []>, precision = #tpu.contract_precision<fp32>, transpose_lhs_hint = false} : vector<325x325xf32>, vector<325x96xf32>, vector<325x96xf32> -> vector<325x96xf32>
    %get3A_2380 = arith.constant 2 : index
    %get3A_2381 = arith.constant 0 : index
    %get3A_2382 = arith.constant 0 : index
    %get3A_2383 = vector.load %arg10[%get3A_2380, %get3A_2381, %get3A_2382] : memref<3x325x325xf32, #tpu.memory_space<vmem>>, vector<1x325x325xf32>
    %get3A_2384 = vector.shape_cast %get3A_2383 : vector<1x325x325xf32> to vector<325x325xf32>
    %dot_general3A_2385 = arith.constant dense<0.000000e+00> : vector<325x96xf32>
    %dot_general3A_2386 = tpu.matmul %get3A_2384, %get3A_2351, %dot_general3A_2385 {dimension_numbers = #tpu.dot_dimension_numbers<[1], [0], [0], [1], [0, 0, 1, 1], [], []>, transpose_lhs_hint = false} : vector<325x325xf32>, vector<325x96xf32>, vector<325x96xf32> -> vector<325x96xf32>
    %get3A_2387 = arith.constant 2 : index
    %get3A_2388 = arith.constant 0 : index
    %get3A_2389 = arith.constant 0 : index
    %get3A_2390 = vector.load %arg10[%get3A_2387, %get3A_2388, %get3A_2389] : memref<3x325x325xf32, #tpu.memory_space<vmem>>, vector<1x325x325xf32>
    %get3A_2391 = vector.shape_cast %get3A_2390 : vector<1x325x325xf32> to vector<325x325xf32>
    %dot_general3A_2392 = arith.constant dense<0.000000e+00> : vector<325x96xf32>
    %dot_general3A_2393 = tpu.matmul %get3A_2391, %dot_general3A_2386, %dot_general3A_2392 {dimension_numbers = #tpu.dot_dimension_numbers<[1], [0], [0], [1], [0, 0, 1, 1], [], []>, transpose_lhs_hint = false} : vector<325x325xf32>, vector<325x96xf32>, vector<325x96xf32> -> vector<325x96xf32>
    %concatenate3A_2394 = tpu.concatenate %get3A_2351, %dot_general3A_2358, %dot_general3A_2365, %dot_general3A_2372, %dot_general3A_2379 in 1 : vector<325x96xf32>, vector<325x96xf32>, vector<325x96xf32>, vector<325x96xf32>, vector<325x96xf32> -> vector<325x480xf32>
    %get3A_2395 = arith.constant 0 : index
    %get3A_2396 = arith.constant 0 : index
    %get3A_2397 = vector.load %arg11[%get3A_2395, %get3A_2396] : memref<480x96xf32, #tpu.memory_space<vmem>>, vector<480x96xf32>
    %dot_general3A_2398 = arith.constant dense<0.000000e+00> : vector<325x96xf32>
    %dot_general3A_2399 = tpu.matmul %concatenate3A_2394, %get3A_2397, %dot_general3A_2398 {dimension_numbers = #tpu.dot_dimension_numbers<[1], [0], [0], [1], [0, 0, 1, 1], [], []>, transpose_lhs_hint = false} : vector<325x480xf32>, vector<480x96xf32>, vector<325x96xf32> -> vector<325x96xf32>
    %get3A_2400 = arith.constant 0 : index
    %get3A_2401 = arith.constant 0 : index
    %get3A_2402 = vector.load %arg12[%get3A_2400, %get3A_2401] : memref<1x96xf32, #tpu.memory_space<vmem>>, vector<1x96xf32>
    %add3A_2403 = vector.broadcast %get3A_2402 : vector<1x96xf32> to vector<325x96xf32>
    %add3A_2404 = arith.addf %dot_general3A_2399, %add3A_2403 : vector<325x96xf32>
    %concatenate3A_2405 = tpu.concatenate %dot_general3A_2386, %dot_general3A_2393 in 1 : vector<325x96xf32>, vector<325x96xf32> -> vector<325x192xf32>
    %get3A_2406 = arith.constant 0 : index
    %get3A_2407 = arith.constant 0 : index
    %get3A_2408 = vector.load %arg13[%get3A_2406, %get3A_2407] : memref<192x96xf32, #tpu.memory_space<vmem>>, vector<192x96xf32>
    %dot_general3A_2409 = arith.constant dense<0.000000e+00> : vector<325x96xf32>
    %dot_general3A_2410 = tpu.matmul %concatenate3A_2405, %get3A_2408, %dot_general3A_2409 {dimension_numbers = #tpu.dot_dimension_numbers<[1], [0], [0], [1], [0, 0, 1, 1], [], []>, transpose_lhs_hint = false} : vector<325x192xf32>, vector<192x96xf32>, vector<325x96xf32> -> vector<325x96xf32>
    %get3A_2411 = arith.constant 0 : index
    %get3A_2412 = arith.constant 0 : index
    %get3A_2413 = vector.load %arg14[%get3A_2411, %get3A_2412] : memref<1x96xf32, #tpu.memory_space<vmem>>, vector<1x96xf32>
    %add3A_2414 = vector.broadcast %get3A_2413 : vector<1x96xf32> to vector<325x96xf32>
    %add3A_2415 = arith.addf %dot_general3A_2410, %add3A_2414 : vector<325x96xf32>
    %add3A_2416 = arith.addf %add3A_2404, %add3A_2415 : vector<325x96xf32>
    %get3A_2417 = arith.constant 2 : index
    %get3A_2418 = arith.constant 0 : index
    %get3A_2419 = arith.constant 0 : index
    %get3A_2420 = vector.load %arg20[%get3A_2417, %get3A_2418, %get3A_2419] : memref<12x325x96xf32, #tpu.memory_space<vmem>>, vector<1x325x96xf32>
    %get3A_2421 = vector.shape_cast %get3A_2420 : vector<1x325x96xf32> to vector<325x96xf32>
    %add3A_2422 = arith.addf %add3A_2416, %get3A_2421 : vector<325x96xf32>
    %swap3A_2423 = arith.constant 0 : index
    %swap3A_2424 = arith.constant 2 : index
    %swap3A_2425 = arith.constant 0 : index
    %swap3A_2426 = arith.constant 0 : index
    %swap3A_2427 = vector.load %arg15[%swap3A_2423, %swap3A_2424, %swap3A_2425, %swap3A_2426] : memref<1x12x325x96xf32, #tpu.memory_space<vmem>>, vector<1x1x325x96xf32>
    %swap3A_2428 = vector.shape_cast %swap3A_2427 : vector<1x1x325x96xf32> to vector<325x96xf32>
    %swap3A_2429 = vector.shape_cast %add3A_2422 : vector<325x96xf32> to vector<1x1x325x96xf32>
    tpu.vector_store %arg15[%swap3A_2423, %swap3A_2424, %swap3A_2425, %swap3A_2426], %swap3A_2429 {strides = array<i32>} : memref<1x12x325x96xf32, #tpu.memory_space<vmem>>, vector<1x1x325x96xf32>,
    %reduce_sum3A_2430 = arith.constant dense<0.000000e+00> : vector<96xf32>
    %reduce_sum3A_2431 = vector.multi_reduction <add>, %add3A_2422, %reduce_sum3A_2430 [0] : vector<325x96xf32> to vector<96xf32>
    %add3A_2432 = arith.addf %add3A_2342, %reduce_sum3A_2431 : vector<96xf32>
    %mul3A_2433 = arith.mulf %add3A_2422, %add3A_2422 : vector<325x96xf32>
    %reduce_sum3A_2434 = arith.constant dense<0.000000e+00> : vector<96xf32>
    %reduce_sum3A_2435 = vector.multi_reduction <add>, %mul3A_2433, %reduce_sum3A_2434 [0] : vector<325x96xf32> to vector<96xf32>
    %add3A_2436 = arith.addf %add3A_2346, %reduce_sum3A_2435 : vector<96xf32>
    %get3A_2437 = arith.constant 3 : index
    %get3A_2438 = arith.constant 0 : index
    %get3A_2439 = arith.constant 0 : index
    %get3A_2440 = vector.load %arg19[%get3A_2437, %get3A_2438, %get3A_2439] : memref<12x325x96xf32, #tpu.memory_space<vmem>>, vector<1x325x96xf32>
    %get3A_2441 = vector.shape_cast %get3A_2440 : vector<1x325x96xf32> to vector<325x96xf32>
    %get3A_2442 = arith.constant 0 : index
    %get3A_2443 = arith.constant 0 : index
    %get3A_2444 = arith.constant 0 : index
    %get3A_2445 = vector.load %arg10[%get3A_2442, %get3A_2443, %get3A_2444] : memref<3x325x325xf32, #tpu.memory_space<vmem>>, vector<1x325x325xf32>
    %get3A_2446 = vector.shape_cast %get3A_2445 : vector<1x325x325xf32> to vector<325x325xf32>
    %dot_general3A_2447 = arith.constant dense<0.000000e+00> : vector<325x96xf32>
    %dot_general3A_2448 = tpu.matmul %get3A_2446, %get3A_2441, %dot_general3A_2447 {dimension_numbers = #tpu.dot_dimension_numbers<[1], [0], [0], [1], [0, 0, 1, 1], [], []>, precision = #tpu.contract_precision<fp32>, transpose_lhs_hint = false} : vector<325x325xf32>, vector<325x96xf32>, vector<325x96xf32> -> vector<325x96xf32>
    %get3A_2449 = arith.constant 0 : index
    %get3A_2450 = arith.constant 0 : index
    %get3A_2451 = arith.constant 0 : index
    %get3A_2452 = vector.load %arg10[%get3A_2449, %get3A_2450, %get3A_2451] : memref<3x325x325xf32, #tpu.memory_space<vmem>>, vector<1x325x325xf32>
    %get3A_2453 = vector.shape_cast %get3A_2452 : vector<1x325x325xf32> to vector<325x325xf32>
    %dot_general3A_2454 = arith.constant dense<0.000000e+00> : vector<325x96xf32>
    %dot_general3A_2455 = tpu.matmul %get3A_2453, %dot_general3A_2448, %dot_general3A_2454 {dimension_numbers = #tpu.dot_dimension_numbers<[1], [0], [0], [1], [0, 0, 1, 1], [], []>, precision = #tpu.contract_precision<fp32>, transpose_lhs_hint = false} : vector<325x325xf32>, vector<325x96xf32>, vector<325x96xf32> -> vector<325x96xf32>
    %get3A_2456 = arith.constant 1 : index
    %get3A_2457 = arith.constant 0 : index
    %get3A_2458 = arith.constant 0 : index
    %get3A_2459 = vector.load %arg10[%get3A_2456, %get3A_2457, %get3A_2458] : memref<3x325x325xf32, #tpu.memory_space<vmem>>, vector<1x325x325xf32>
    %get3A_2460 = vector.shape_cast %get3A_2459 : vector<1x325x325xf32> to vector<325x325xf32>
    %dot_general3A_2461 = arith.constant dense<0.000000e+00> : vector<325x96xf32>
    %dot_general3A_2462 = tpu.matmul %get3A_2460, %get3A_2441, %dot_general3A_2461 {dimension_numbers = #tpu.dot_dimension_numbers<[1], [0], [0], [1], [0, 0, 1, 1], [], []>, precision = #tpu.contract_precision<fp32>, transpose_lhs_hint = false} : vector<325x325xf32>, vector<325x96xf32>, vector<325x96xf32> -> vector<325x96xf32>
    %get3A_2463 = arith.constant 1 : index
    %get3A_2464 = arith.constant 0 : index
    %get3A_2465 = arith.constant 0 : index
    %get3A_2466 = vector.load %arg10[%get3A_2463, %get3A_2464, %get3A_2465] : memref<3x325x325xf32, #tpu.memory_space<vmem>>, vector<1x325x325xf32>
    %get3A_2467 = vector.shape_cast %get3A_2466 : vector<1x325x325xf32> to vector<325x325xf32>
    %dot_general3A_2468 = arith.constant dense<0.000000e+00> : vector<325x96xf32>
    %dot_general3A_2469 = tpu.matmul %get3A_2467, %dot_general3A_2462, %dot_general3A_2468 {dimension_numbers = #tpu.dot_dimension_numbers<[1], [0], [0], [1], [0, 0, 1, 1], [], []>, precision = #tpu.contract_precision<fp32>, transpose_lhs_hint = false} : vector<325x325xf32>, vector<325x96xf32>, vector<325x96xf32> -> vector<325x96xf32>
    %get3A_2470 = arith.constant 2 : index
    %get3A_2471 = arith.constant 0 : index
    %get3A_2472 = arith.constant 0 : index
    %get3A_2473 = vector.load %arg10[%get3A_2470, %get3A_2471, %get3A_2472] : memref<3x325x325xf32, #tpu.memory_space<vmem>>, vector<1x325x325xf32>
    %get3A_2474 = vector.shape_cast %get3A_2473 : vector<1x325x325xf32> to vector<325x325xf32>
    %dot_general3A_2475 = arith.constant dense<0.000000e+00> : vector<325x96xf32>
    %dot_general3A_2476 = tpu.matmul %get3A_2474, %get3A_2441, %dot_general3A_2475 {dimension_numbers = #tpu.dot_dimension_numbers<[1], [0], [0], [1], [0, 0, 1, 1], [], []>, transpose_lhs_hint = false} : vector<325x325xf32>, vector<325x96xf32>, vector<325x96xf32> -> vector<325x96xf32>
    %get3A_2477 = arith.constant 2 : index
    %get3A_2478 = arith.constant 0 : index
    %get3A_2479 = arith.constant 0 : index
    %get3A_2480 = vector.load %arg10[%get3A_2477, %get3A_2478, %get3A_2479] : memref<3x325x325xf32, #tpu.memory_space<vmem>>, vector<1x325x325xf32>
    %get3A_2481 = vector.shape_cast %get3A_2480 : vector<1x325x325xf32> to vector<325x325xf32>
    %dot_general3A_2482 = arith.constant dense<0.000000e+00> : vector<325x96xf32>
    %dot_general3A_2483 = tpu.matmul %get3A_2481, %dot_general3A_2476, %dot_general3A_2482 {dimension_numbers = #tpu.dot_dimension_numbers<[1], [0], [0], [1], [0, 0, 1, 1], [], []>, transpose_lhs_hint = false} : vector<325x325xf32>, vector<325x96xf32>, vector<325x96xf32> -> vector<325x96xf32>
    %concatenate3A_2484 = tpu.concatenate %get3A_2441, %dot_general3A_2448, %dot_general3A_2455, %dot_general3A_2462, %dot_general3A_2469 in 1 : vector<325x96xf32>, vector<325x96xf32>, vector<325x96xf32>, vector<325x96xf32>, vector<325x96xf32> -> vector<325x480xf32>
    %get3A_2485 = arith.constant 0 : index
    %get3A_2486 = arith.constant 0 : index
    %get3A_2487 = vector.load %arg11[%get3A_2485, %get3A_2486] : memref<480x96xf32, #tpu.memory_space<vmem>>, vector<480x96xf32>
    %dot_general3A_2488 = arith.constant dense<0.000000e+00> : vector<325x96xf32>
    %dot_general3A_2489 = tpu.matmul %concatenate3A_2484, %get3A_2487, %dot_general3A_2488 {dimension_numbers = #tpu.dot_dimension_numbers<[1], [0], [0], [1], [0, 0, 1, 1], [], []>, transpose_lhs_hint = false} : vector<325x480xf32>, vector<480x96xf32>, vector<325x96xf32> -> vector<325x96xf32>
    %get3A_2490 = arith.constant 0 : index
    %get3A_2491 = arith.constant 0 : index
    %get3A_2492 = vector.load %arg12[%get3A_2490, %get3A_2491] : memref<1x96xf32, #tpu.memory_space<vmem>>, vector<1x96xf32>
    %add3A_2493 = vector.broadcast %get3A_2492 : vector<1x96xf32> to vector<325x96xf32>
    %add3A_2494 = arith.addf %dot_general3A_2489, %add3A_2493 : vector<325x96xf32>
    %concatenate3A_2495 = tpu.concatenate %dot_general3A_2476, %dot_general3A_2483 in 1 : vector<325x96xf32>, vector<325x96xf32> -> vector<325x192xf32>
    %get3A_2496 = arith.constant 0 : index
    %get3A_2497 = arith.constant 0 : index
    %get3A_2498 = vector.load %arg13[%get3A_2496, %get3A_2497] : memref<192x96xf32, #tpu.memory_space<vmem>>, vector<192x96xf32>
    %dot_general3A_2499 = arith.constant dense<0.000000e+00> : vector<325x96xf32>
    %dot_general3A_2500 = tpu.matmul %concatenate3A_2495, %get3A_2498, %dot_general3A_2499 {dimension_numbers = #tpu.dot_dimension_numbers<[1], [0], [0], [1], [0, 0, 1, 1], [], []>, transpose_lhs_hint = false} : vector<325x192xf32>, vector<192x96xf32>, vector<325x96xf32> -> vector<325x96xf32>
    %get3A_2501 = arith.constant 0 : index
    %get3A_2502 = arith.constant 0 : index
    %get3A_2503 = vector.load %arg14[%get3A_2501, %get3A_2502] : memref<1x96xf32, #tpu.memory_space<vmem>>, vector<1x96xf32>
    %add3A_2504 = vector.broadcast %get3A_2503 : vector<1x96xf32> to vector<325x96xf32>
    %add3A_2505 = arith.addf %dot_general3A_2500, %add3A_2504 : vector<325x96xf32>
    %add3A_2506 = arith.addf %add3A_2494, %add3A_2505 : vector<325x96xf32>
    %get3A_2507 = arith.constant 3 : index
    %get3A_2508 = arith.constant 0 : index
    %get3A_2509 = arith.constant 0 : index
    %get3A_2510 = vector.load %arg20[%get3A_2507, %get3A_2508, %get3A_2509] : memref<12x325x96xf32, #tpu.memory_space<vmem>>, vector<1x325x96xf32>
    %get3A_2511 = vector.shape_cast %get3A_2510 : vector<1x325x96xf32> to vector<325x96xf32>
    %add3A_2512 = arith.addf %add3A_2506, %get3A_2511 : vector<325x96xf32>
    %swap3A_2513 = arith.constant 0 : index
    %swap3A_2514 = arith.constant 3 : index
    %swap3A_2515 = arith.constant 0 : index
    %swap3A_2516 = arith.constant 0 : index
    %swap3A_2517 = vector.load %arg15[%swap3A_2513, %swap3A_2514, %swap3A_2515, %swap3A_2516] : memref<1x12x325x96xf32, #tpu.memory_space<vmem>>, vector<1x1x325x96xf32>
    %swap3A_2518 = vector.shape_cast %swap3A_2517 : vector<1x1x325x96xf32> to vector<325x96xf32>
    %swap3A_2519 = vector.shape_cast %add3A_2512 : vector<325x96xf32> to vector<1x1x325x96xf32>
    tpu.vector_store %arg15[%swap3A_2513, %swap3A_2514, %swap3A_2515, %swap3A_2516], %swap3A_2519 {strides = array<i32>} : memref<1x12x325x96xf32, #tpu.memory_space<vmem>>, vector<1x1x325x96xf32>,
    %reduce_sum3A_2520 = arith.constant dense<0.000000e+00> : vector<96xf32>
    %reduce_sum3A_2521 = vector.multi_reduction <add>, %add3A_2512, %reduce_sum3A_2520 [0] : vector<325x96xf32> to vector<96xf32>
    %add3A_2522 = arith.addf %add3A_2432, %reduce_sum3A_2521 : vector<96xf32>
    %mul3A_2523 = arith.mulf %add3A_2512, %add3A_2512 : vector<325x96xf32>
    %reduce_sum3A_2524 = arith.constant dense<0.000000e+00> : vector<96xf32>
    %reduce_sum3A_2525 = vector.multi_reduction <add>, %mul3A_2523, %reduce_sum3A_2524 [0] : vector<325x96xf32> to vector<96xf32>
    %add3A_2526 = arith.addf %add3A_2436, %reduce_sum3A_2525 : vector<96xf32>
    %get3A_2527 = arith.constant 4 : index
    %get3A_2528 = arith.constant 0 : index
    %get3A_2529 = arith.constant 0 : index
    %get3A_2530 = vector.load %arg19[%get3A_2527, %get3A_2528, %get3A_2529] : memref<12x325x96xf32, #tpu.memory_space<vmem>>, vector<1x325x96xf32>
    %get3A_2531 = vector.shape_cast %get3A_2530 : vector<1x325x96xf32> to vector<325x96xf32>
    %get3A_2532 = arith.constant 0 : index
    %get3A_2533 = arith.constant 0 : index
    %get3A_2534 = arith.constant 0 : index
    %get3A_2535 = vector.load %arg10[%get3A_2532, %get3A_2533, %get3A_2534] : memref<3x325x325xf32, #tpu.memory_space<vmem>>, vector<1x325x325xf32>
    %get3A_2536 = vector.shape_cast %get3A_2535 : vector<1x325x325xf32> to vector<325x325xf32>
    %dot_general3A_2537 = arith.constant dense<0.000000e+00> : vector<325x96xf32>
    %dot_general3A_2538 = tpu.matmul %get3A_2536, %get3A_2531, %dot_general3A_2537 {dimension_numbers = #tpu.dot_dimension_numbers<[1], [0], [0], [1], [0, 0, 1, 1], [], []>, precision = #tpu.contract_precision<fp32>, transpose_lhs_hint = false} : vector<325x325xf32>, vector<325x96xf32>, vector<325x96xf32> -> vector<325x96xf32>
    %get3A_2539 = arith.constant 0 : index
    %get3A_2540 = arith.constant 0 : index
    %get3A_2541 = arith.constant 0 : index
    %get3A_2542 = vector.load %arg10[%get3A_2539, %get3A_2540, %get3A_2541] : memref<3x325x325xf32, #tpu.memory_space<vmem>>, vector<1x325x325xf32>
    %get3A_2543 = vector.shape_cast %get3A_2542 : vector<1x325x325xf32> to vector<325x325xf32>
    %dot_general3A_2544 = arith.constant dense<0.000000e+00> : vector<325x96xf32>
    %dot_general3A_2545 = tpu.matmul %get3A_2543, %dot_general3A_2538, %dot_general3A_2544 {dimension_numbers = #tpu.dot_dimension_numbers<[1], [0], [0], [1], [0, 0, 1, 1], [], []>, precision = #tpu.contract_precision<fp32>, transpose_lhs_hint = false} : vector<325x325xf32>, vector<325x96xf32>, vector<325x96xf32> -> vector<325x96xf32>
    %get3A_2546 = arith.constant 1 : index
    %get3A_2547 = arith.constant 0 : index
    %get3A_2548 = arith.constant 0 : index
    %get3A_2549 = vector.load %arg10[%get3A_2546, %get3A_2547, %get3A_2548] : memref<3x325x325xf32, #tpu.memory_space<vmem>>, vector<1x325x325xf32>
    %get3A_2550 = vector.shape_cast %get3A_2549 : vector<1x325x325xf32> to vector<325x325xf32>
    %dot_general3A_2551 = arith.constant dense<0.000000e+00> : vector<325x96xf32>
    %dot_general3A_2552 = tpu.matmul %get3A_2550, %get3A_2531, %dot_general3A_2551 {dimension_numbers = #tpu.dot_dimension_numbers<[1], [0], [0], [1], [0, 0, 1, 1], [], []>, precision = #tpu.contract_precision<fp32>, transpose_lhs_hint = false} : vector<325x325xf32>, vector<325x96xf32>, vector<325x96xf32> -> vector<325x96xf32>
    %get3A_2553 = arith.constant 1 : index
    %get3A_2554 = arith.constant 0 : index
    %get3A_2555 = arith.constant 0 : index
    %get3A_2556 = vector.load %arg10[%get3A_2553, %get3A_2554, %get3A_2555] : memref<3x325x325xf32, #tpu.memory_space<vmem>>, vector<1x325x325xf32>
    %get3A_2557 = vector.shape_cast %get3A_2556 : vector<1x325x325xf32> to vector<325x325xf32>
    %dot_general3A_2558 = arith.constant dense<0.000000e+00> : vector<325x96xf32>
    %dot_general3A_2559 = tpu.matmul %get3A_2557, %dot_general3A_2552, %dot_general3A_2558 {dimension_numbers = #tpu.dot_dimension_numbers<[1], [0], [0], [1], [0, 0, 1, 1], [], []>, precision = #tpu.contract_precision<fp32>, transpose_lhs_hint = false} : vector<325x325xf32>, vector<325x96xf32>, vector<325x96xf32> -> vector<325x96xf32>
    %get3A_2560 = arith.constant 2 : index
    %get3A_2561 = arith.constant 0 : index
    %get3A_2562 = arith.constant 0 : index
    %get3A_2563 = vector.load %arg10[%get3A_2560, %get3A_2561, %get3A_2562] : memref<3x325x325xf32, #tpu.memory_space<vmem>>, vector<1x325x325xf32>
    %get3A_2564 = vector.shape_cast %get3A_2563 : vector<1x325x325xf32> to vector<325x325xf32>
    %dot_general3A_2565 = arith.constant dense<0.000000e+00> : vector<325x96xf32>
    %dot_general3A_2566 = tpu.matmul %get3A_2564, %get3A_2531, %dot_general3A_2565 {dimension_numbers = #tpu.dot_dimension_numbers<[1], [0], [0], [1], [0, 0, 1, 1], [], []>, transpose_lhs_hint = false} : vector<325x325xf32>, vector<325x96xf32>, vector<325x96xf32> -> vector<325x96xf32>
    %get3A_2567 = arith.constant 2 : index
    %get3A_2568 = arith.constant 0 : index
    %get3A_2569 = arith.constant 0 : index
    %get3A_2570 = vector.load %arg10[%get3A_2567, %get3A_2568, %get3A_2569] : memref<3x325x325xf32, #tpu.memory_space<vmem>>, vector<1x325x325xf32>
    %get3A_2571 = vector.shape_cast %get3A_2570 : vector<1x325x325xf32> to vector<325x325xf32>
    %dot_general3A_2572 = arith.constant dense<0.000000e+00> : vector<325x96xf32>
    %dot_general3A_2573 = tpu.matmul %get3A_2571, %dot_general3A_2566, %dot_general3A_2572 {dimension_numbers = #tpu.dot_dimension_numbers<[1], [0], [0], [1], [0, 0, 1, 1], [], []>, transpose_lhs_hint = false} : vector<325x325xf32>, vector<325x96xf32>, vector<325x96xf32> -> vector<325x96xf32>
    %concatenate3A_2574 = tpu.concatenate %get3A_2531, %dot_general3A_2538, %dot_general3A_2545, %dot_general3A_2552, %dot_general3A_2559 in 1 : vector<325x96xf32>, vector<325x96xf32>, vector<325x96xf32>, vector<325x96xf32>, vector<325x96xf32> -> vector<325x480xf32>
    %get3A_2575 = arith.constant 0 : index
    %get3A_2576 = arith.constant 0 : index
    %get3A_2577 = vector.load %arg11[%get3A_2575, %get3A_2576] : memref<480x96xf32, #tpu.memory_space<vmem>>, vector<480x96xf32>
    %dot_general3A_2578 = arith.constant dense<0.000000e+00> : vector<325x96xf32>
    %dot_general3A_2579 = tpu.matmul %concatenate3A_2574, %get3A_2577, %dot_general3A_2578 {dimension_numbers = #tpu.dot_dimension_numbers<[1], [0], [0], [1], [0, 0, 1, 1], [], []>, transpose_lhs_hint = false} : vector<325x480xf32>, vector<480x96xf32>, vector<325x96xf32> -> vector<325x96xf32>
    %get3A_2580 = arith.constant 0 : index
    %get3A_2581 = arith.constant 0 : index
    %get3A_2582 = vector.load %arg12[%get3A_2580, %get3A_2581] : memref<1x96xf32, #tpu.memory_space<vmem>>, vector<1x96xf32>
    %add3A_2583 = vector.broadcast %get3A_2582 : vector<1x96xf32> to vector<325x96xf32>
    %add3A_2584 = arith.addf %dot_general3A_2579, %add3A_2583 : vector<325x96xf32>
    %concatenate3A_2585 = tpu.concatenate %dot_general3A_2566, %dot_general3A_2573 in 1 : vector<325x96xf32>, vector<325x96xf32> -> vector<325x192xf32>
    %get3A_2586 = arith.constant 0 : index
    %get3A_2587 = arith.constant 0 : index
    %get3A_2588 = vector.load %arg13[%get3A_2586, %get3A_2587] : memref<192x96xf32, #tpu.memory_space<vmem>>, vector<192x96xf32>
    %dot_general3A_2589 = arith.constant dense<0.000000e+00> : vector<325x96xf32>
    %dot_general3A_2590 = tpu.matmul %concatenate3A_2585, %get3A_2588, %dot_general3A_2589 {dimension_numbers = #tpu.dot_dimension_numbers<[1], [0], [0], [1], [0, 0, 1, 1], [], []>, transpose_lhs_hint = false} : vector<325x192xf32>, vector<192x96xf32>, vector<325x96xf32> -> vector<325x96xf32>
    %get3A_2591 = arith.constant 0 : index
    %get3A_2592 = arith.constant 0 : index
    %get3A_2593 = vector.load %arg14[%get3A_2591, %get3A_2592] : memref<1x96xf32, #tpu.memory_space<vmem>>, vector<1x96xf32>
    %add3A_2594 = vector.broadcast %get3A_2593 : vector<1x96xf32> to vector<325x96xf32>
    %add3A_2595 = arith.addf %dot_general3A_2590, %add3A_2594 : vector<325x96xf32>
    %add3A_2596 = arith.addf %add3A_2584, %add3A_2595 : vector<325x96xf32>
    %get3A_2597 = arith.constant 4 : index
    %get3A_2598 = arith.constant 0 : index
    %get3A_2599 = arith.constant 0 : index
    %get3A_2600 = vector.load %arg20[%get3A_2597, %get3A_2598, %get3A_2599] : memref<12x325x96xf32, #tpu.memory_space<vmem>>, vector<1x325x96xf32>
    %get3A_2601 = vector.shape_cast %get3A_2600 : vector<1x325x96xf32> to vector<325x96xf32>
    %add3A_2602 = arith.addf %add3A_2596, %get3A_2601 : vector<325x96xf32>
    %swap3A_2603 = arith.constant 0 : index
    %swap3A_2604 = arith.constant 4 : index
    %swap3A_2605 = arith.constant 0 : index
    %swap3A_2606 = arith.constant 0 : index
    %swap3A_2607 = vector.load %arg15[%swap3A_2603, %swap3A_2604, %swap3A_2605, %swap3A_2606] : memref<1x12x325x96xf32, #tpu.memory_space<vmem>>, vector<1x1x325x96xf32>
    %swap3A_2608 = vector.shape_cast %swap3A_2607 : vector<1x1x325x96xf32> to vector<325x96xf32>
    %swap3A_2609 = vector.shape_cast %add3A_2602 : vector<325x96xf32> to vector<1x1x325x96xf32>
    tpu.vector_store %arg15[%swap3A_2603, %swap3A_2604, %swap3A_2605, %swap3A_2606], %swap3A_2609 {strides = array<i32>} : memref<1x12x325x96xf32, #tpu.memory_space<vmem>>, vector<1x1x325x96xf32>,
    %reduce_sum3A_2610 = arith.constant dense<0.000000e+00> : vector<96xf32>
    %reduce_sum3A_2611 = vector.multi_reduction <add>, %add3A_2602, %reduce_sum3A_2610 [0] : vector<325x96xf32> to vector<96xf32>
    %add3A_2612 = arith.addf %add3A_2522, %reduce_sum3A_2611 : vector<96xf32>
    %mul3A_2613 = arith.mulf %add3A_2602, %add3A_2602 : vector<325x96xf32>
    %reduce_sum3A_2614 = arith.constant dense<0.000000e+00> : vector<96xf32>
    %reduce_sum3A_2615 = vector.multi_reduction <add>, %mul3A_2613, %reduce_sum3A_2614 [0] : vector<325x96xf32> to vector<96xf32>
    %add3A_2616 = arith.addf %add3A_2526, %reduce_sum3A_2615 : vector<96xf32>
    %get3A_2617 = arith.constant 5 : index
    %get3A_2618 = arith.constant 0 : index
    %get3A_2619 = arith.constant 0 : index
    %get3A_2620 = vector.load %arg19[%get3A_2617, %get3A_2618, %get3A_2619] : memref<12x325x96xf32, #tpu.memory_space<vmem>>, vector<1x325x96xf32>
    %get3A_2621 = vector.shape_cast %get3A_2620 : vector<1x325x96xf32> to vector<325x96xf32>
    %get3A_2622 = arith.constant 0 : index
    %get3A_2623 = arith.constant 0 : index
    %get3A_2624 = arith.constant 0 : index
    %get3A_2625 = vector.load %arg10[%get3A_2622, %get3A_2623, %get3A_2624] : memref<3x325x325xf32, #tpu.memory_space<vmem>>, vector<1x325x325xf32>
    %get3A_2626 = vector.shape_cast %get3A_2625 : vector<1x325x325xf32> to vector<325x325xf32>
    %dot_general3A_2627 = arith.constant dense<0.000000e+00> : vector<325x96xf32>
    %dot_general3A_2628 = tpu.matmul %get3A_2626, %get3A_2621, %dot_general3A_2627 {dimension_numbers = #tpu.dot_dimension_numbers<[1], [0], [0], [1], [0, 0, 1, 1], [], []>, precision = #tpu.contract_precision<fp32>, transpose_lhs_hint = false} : vector<325x325xf32>, vector<325x96xf32>, vector<325x96xf32> -> vector<325x96xf32>
    %get3A_2629 = arith.constant 0 : index
    %get3A_2630 = arith.constant 0 : index
    %get3A_2631 = arith.constant 0 : index
    %get3A_2632 = vector.load %arg10[%get3A_2629, %get3A_2630, %get3A_2631] : memref<3x325x325xf32, #tpu.memory_space<vmem>>, vector<1x325x325xf32>
    %get3A_2633 = vector.shape_cast %get3A_2632 : vector<1x325x325xf32> to vector<325x325xf32>
    %dot_general3A_2634 = arith.constant dense<0.000000e+00> : vector<325x96xf32>
    %dot_general3A_2635 = tpu.matmul %get3A_2633, %dot_general3A_2628, %dot_general3A_2634 {dimension_numbers = #tpu.dot_dimension_numbers<[1], [0], [0], [1], [0, 0, 1, 1], [], []>, precision = #tpu.contract_precision<fp32>, transpose_lhs_hint = false} : vector<325x325xf32>, vector<325x96xf32>, vector<325x96xf32> -> vector<325x96xf32>
    %get3A_2636 = arith.constant 1 : index
    %get3A_2637 = arith.constant 0 : index
    %get3A_2638 = arith.constant 0 : index
    %get3A_2639 = vector.load %arg10[%get3A_2636, %get3A_2637, %get3A_2638] : memref<3x325x325xf32, #tpu.memory_space<vmem>>, vector<1x325x325xf32>
    %get3A_2640 = vector.shape_cast %get3A_2639 : vector<1x325x325xf32> to vector<325x325xf32>
    %dot_general3A_2641 = arith.constant dense<0.000000e+00> : vector<325x96xf32>
    %dot_general3A_2642 = tpu.matmul %get3A_2640, %get3A_2621, %dot_general3A_2641 {dimension_numbers = #tpu.dot_dimension_numbers<[1], [0], [0], [1], [0, 0, 1, 1], [], []>, precision = #tpu.contract_precision<fp32>, transpose_lhs_hint = false} : vector<325x325xf32>, vector<325x96xf32>, vector<325x96xf32> -> vector<325x96xf32>
    %get3A_2643 = arith.constant 1 : index
    %get3A_2644 = arith.constant 0 : index
    %get3A_2645 = arith.constant 0 : index
    %get3A_2646 = vector.load %arg10[%get3A_2643, %get3A_2644, %get3A_2645] : memref<3x325x325xf32, #tpu.memory_space<vmem>>, vector<1x325x325xf32>
    %get3A_2647 = vector.shape_cast %get3A_2646 : vector<1x325x325xf32> to vector<325x325xf32>
    %dot_general3A_2648 = arith.constant dense<0.000000e+00> : vector<325x96xf32>
    %dot_general3A_2649 = tpu.matmul %get3A_2647, %dot_general3A_2642, %dot_general3A_2648 {dimension_numbers = #tpu.dot_dimension_numbers<[1], [0], [0], [1], [0, 0, 1, 1], [], []>, precision = #tpu.contract_precision<fp32>, transpose_lhs_hint = false} : vector<325x325xf32>, vector<325x96xf32>, vector<325x96xf32> -> vector<325x96xf32>
    %get3A_2650 = arith.constant 2 : index
    %get3A_2651 = arith.constant 0 : index
    %get3A_2652 = arith.constant 0 : index
    %get3A_2653 = vector.load %arg10[%get3A_2650, %get3A_2651, %get3A_2652] : memref<3x325x325xf32, #tpu.memory_space<vmem>>, vector<1x325x325xf32>
    %get3A_2654 = vector.shape_cast %get3A_2653 : vector<1x325x325xf32> to vector<325x325xf32>
    %dot_general3A_2655 = arith.constant dense<0.000000e+00> : vector<325x96xf32>
    %dot_general3A_2656 = tpu.matmul %get3A_2654, %get3A_2621, %dot_general3A_2655 {dimension_numbers = #tpu.dot_dimension_numbers<[1], [0], [0], [1], [0, 0, 1, 1], [], []>, transpose_lhs_hint = false} : vector<325x325xf32>, vector<325x96xf32>, vector<325x96xf32> -> vector<325x96xf32>
    %get3A_2657 = arith.constant 2 : index
    %get3A_2658 = arith.constant 0 : index
    %get3A_2659 = arith.constant 0 : index
    %get3A_2660 = vector.load %arg10[%get3A_2657, %get3A_2658, %get3A_2659] : memref<3x325x325xf32, #tpu.memory_space<vmem>>, vector<1x325x325xf32>
    %get3A_2661 = vector.shape_cast %get3A_2660 : vector<1x325x325xf32> to vector<325x325xf32>
    %dot_general3A_2662 = arith.constant dense<0.000000e+00> : vector<325x96xf32>
    %dot_general3A_2663 = tpu.matmul %get3A_2661, %dot_general3A_2656, %dot_general3A_2662 {dimension_numbers = #tpu.dot_dimension_numbers<[1], [0], [0], [1], [0, 0, 1, 1], [], []>, transpose_lhs_hint = false} : vector<325x325xf32>, vector<325x96xf32>, vector<325x96xf32> -> vector<325x96xf32>
    %concatenate3A_2664 = tpu.concatenate %get3A_2621, %dot_general3A_2628, %dot_general3A_2635, %dot_general3A_2642, %dot_general3A_2649 in 1 : vector<325x96xf32>, vector<325x96xf32>, vector<325x96xf32>, vector<325x96xf32>, vector<325x96xf32> -> vector<325x480xf32>
    %get3A_2665 = arith.constant 0 : index
    %get3A_2666 = arith.constant 0 : index
    %get3A_2667 = vector.load %arg11[%get3A_2665, %get3A_2666] : memref<480x96xf32, #tpu.memory_space<vmem>>, vector<480x96xf32>
    %dot_general3A_2668 = arith.constant dense<0.000000e+00> : vector<325x96xf32>
    %dot_general3A_2669 = tpu.matmul %concatenate3A_2664, %get3A_2667, %dot_general3A_2668 {dimension_numbers = #tpu.dot_dimension_numbers<[1], [0], [0], [1], [0, 0, 1, 1], [], []>, transpose_lhs_hint = false} : vector<325x480xf32>, vector<480x96xf32>, vector<325x96xf32> -> vector<325x96xf32>
    %get3A_2670 = arith.constant 0 : index
    %get3A_2671 = arith.constant 0 : index
    %get3A_2672 = vector.load %arg12[%get3A_2670, %get3A_2671] : memref<1x96xf32, #tpu.memory_space<vmem>>, vector<1x96xf32>
    %add3A_2673 = vector.broadcast %get3A_2672 : vector<1x96xf32> to vector<325x96xf32>
    %add3A_2674 = arith.addf %dot_general3A_2669, %add3A_2673 : vector<325x96xf32>
    %concatenate3A_2675 = tpu.concatenate %dot_general3A_2656, %dot_general3A_2663 in 1 : vector<325x96xf32>, vector<325x96xf32> -> vector<325x192xf32>
    %get3A_2676 = arith.constant 0 : index
    %get3A_2677 = arith.constant 0 : index
    %get3A_2678 = vector.load %arg13[%get3A_2676, %get3A_2677] : memref<192x96xf32, #tpu.memory_space<vmem>>, vector<192x96xf32>
    %dot_general3A_2679 = arith.constant dense<0.000000e+00> : vector<325x96xf32>
    %dot_general3A_2680 = tpu.matmul %concatenate3A_2675, %get3A_2678, %dot_general3A_2679 {dimension_numbers = #tpu.dot_dimension_numbers<[1], [0], [0], [1], [0, 0, 1, 1], [], []>, transpose_lhs_hint = false} : vector<325x192xf32>, vector<192x96xf32>, vector<325x96xf32> -> vector<325x96xf32>
    %get3A_2681 = arith.constant 0 : index
    %get3A_2682 = arith.constant 0 : index
    %get3A_2683 = vector.load %arg14[%get3A_2681, %get3A_2682] : memref<1x96xf32, #tpu.memory_space<vmem>>, vector<1x96xf32>
    %add3A_2684 = vector.broadcast %get3A_2683 : vector<1x96xf32> to vector<325x96xf32>
    %add3A_2685 = arith.addf %dot_general3A_2680, %add3A_2684 : vector<325x96xf32>
    %add3A_2686 = arith.addf %add3A_2674, %add3A_2685 : vector<325x96xf32>
    %get3A_2687 = arith.constant 5 : index
    %get3A_2688 = arith.constant 0 : index
    %get3A_2689 = arith.constant 0 : index
    %get3A_2690 = vector.load %arg20[%get3A_2687, %get3A_2688, %get3A_2689] : memref<12x325x96xf32, #tpu.memory_space<vmem>>, vector<1x325x96xf32>
    %get3A_2691 = vector.shape_cast %get3A_2690 : vector<1x325x96xf32> to vector<325x96xf32>
    %add3A_2692 = arith.addf %add3A_2686, %get3A_2691 : vector<325x96xf32>
    %swap3A_2693 = arith.constant 0 : index
    %swap3A_2694 = arith.constant 5 : index
    %swap3A_2695 = arith.constant 0 : index
    %swap3A_2696 = arith.constant 0 : index
    %swap3A_2697 = vector.load %arg15[%swap3A_2693, %swap3A_2694, %swap3A_2695, %swap3A_2696] : memref<1x12x325x96xf32, #tpu.memory_space<vmem>>, vector<1x1x325x96xf32>
    %swap3A_2698 = vector.shape_cast %swap3A_2697 : vector<1x1x325x96xf32> to vector<325x96xf32>
    %swap3A_2699 = vector.shape_cast %add3A_2692 : vector<325x96xf32> to vector<1x1x325x96xf32>
    tpu.vector_store %arg15[%swap3A_2693, %swap3A_2694, %swap3A_2695, %swap3A_2696], %swap3A_2699 {strides = array<i32>} : memref<1x12x325x96xf32, #tpu.memory_space<vmem>>, vector<1x1x325x96xf32>,
    %reduce_sum3A_2700 = arith.constant dense<0.000000e+00> : vector<96xf32>
    %reduce_sum3A_2701 = vector.multi_reduction <add>, %add3A_2692, %reduce_sum3A_2700 [0] : vector<325x96xf32> to vector<96xf32>
    %add3A_2702 = arith.addf %add3A_2612, %reduce_sum3A_2701 : vector<96xf32>
    %mul3A_2703 = arith.mulf %add3A_2692, %add3A_2692 : vector<325x96xf32>
    %reduce_sum3A_2704 = arith.constant dense<0.000000e+00> : vector<96xf32>
    %reduce_sum3A_2705 = vector.multi_reduction <add>, %mul3A_2703, %reduce_sum3A_2704 [0] : vector<325x96xf32> to vector<96xf32>
    %add3A_2706 = arith.addf %add3A_2616, %reduce_sum3A_2705 : vector<96xf32>
    %get3A_2707 = arith.constant 6 : index
    %get3A_2708 = arith.constant 0 : index
    %get3A_2709 = arith.constant 0 : index
    %get3A_2710 = vector.load %arg19[%get3A_2707, %get3A_2708, %get3A_2709] : memref<12x325x96xf32, #tpu.memory_space<vmem>>, vector<1x325x96xf32>
    %get3A_2711 = vector.shape_cast %get3A_2710 : vector<1x325x96xf32> to vector<325x96xf32>
    %get3A_2712 = arith.constant 0 : index
    %get3A_2713 = arith.constant 0 : index
    %get3A_2714 = arith.constant 0 : index
    %get3A_2715 = vector.load %arg10[%get3A_2712, %get3A_2713, %get3A_2714] : memref<3x325x325xf32, #tpu.memory_space<vmem>>, vector<1x325x325xf32>
    %get3A_2716 = vector.shape_cast %get3A_2715 : vector<1x325x325xf32> to vector<325x325xf32>
    %dot_general3A_2717 = arith.constant dense<0.000000e+00> : vector<325x96xf32>
    %dot_general3A_2718 = tpu.matmul %get3A_2716, %get3A_2711, %dot_general3A_2717 {dimension_numbers = #tpu.dot_dimension_numbers<[1], [0], [0], [1], [0, 0, 1, 1], [], []>, precision = #tpu.contract_precision<fp32>, transpose_lhs_hint = false} : vector<325x325xf32>, vector<325x96xf32>, vector<325x96xf32> -> vector<325x96xf32>
    %get3A_2719 = arith.constant 0 : index
    %get3A_2720 = arith.constant 0 : index
    %get3A_2721 = arith.constant 0 : index
    %get3A_2722 = vector.load %arg10[%get3A_2719, %get3A_2720, %get3A_2721] : memref<3x325x325xf32, #tpu.memory_space<vmem>>, vector<1x325x325xf32>
    %get3A_2723 = vector.shape_cast %get3A_2722 : vector<1x325x325xf32> to vector<325x325xf32>
    %dot_general3A_2724 = arith.constant dense<0.000000e+00> : vector<325x96xf32>
    %dot_general3A_2725 = tpu.matmul %get3A_2723, %dot_general3A_2718, %dot_general3A_2724 {dimension_numbers = #tpu.dot_dimension_numbers<[1], [0], [0], [1], [0, 0, 1, 1], [], []>, precision = #tpu.contract_precision<fp32>, transpose_lhs_hint = false} : vector<325x325xf32>, vector<325x96xf32>, vector<325x96xf32> -> vector<325x96xf32>
    %get3A_2726 = arith.constant 1 : index
    %get3A_2727 = arith.constant 0 : index
    %get3A_2728 = arith.constant 0 : index
    %get3A_2729 = vector.load %arg10[%get3A_2726, %get3A_2727, %get3A_2728] : memref<3x325x325xf32, #tpu.memory_space<vmem>>, vector<1x325x325xf32>
    %get3A_2730 = vector.shape_cast %get3A_2729 : vector<1x325x325xf32> to vector<325x325xf32>
    %dot_general3A_2731 = arith.constant dense<0.000000e+00> : vector<325x96xf32>
    %dot_general3A_2732 = tpu.matmul %get3A_2730, %get3A_2711, %dot_general3A_2731 {dimension_numbers = #tpu.dot_dimension_numbers<[1], [0], [0], [1], [0, 0, 1, 1], [], []>, precision = #tpu.contract_precision<fp32>, transpose_lhs_hint = false} : vector<325x325xf32>, vector<325x96xf32>, vector<325x96xf32> -> vector<325x96xf32>
    %get3A_2733 = arith.constant 1 : index
    %get3A_2734 = arith.constant 0 : index
    %get3A_2735 = arith.constant 0 : index
    %get3A_2736 = vector.load %arg10[%get3A_2733, %get3A_2734, %get3A_2735] : memref<3x325x325xf32, #tpu.memory_space<vmem>>, vector<1x325x325xf32>
    %get3A_2737 = vector.shape_cast %get3A_2736 : vector<1x325x325xf32> to vector<325x325xf32>
    %dot_general3A_2738 = arith.constant dense<0.000000e+00> : vector<325x96xf32>
    %dot_general3A_2739 = tpu.matmul %get3A_2737, %dot_general3A_2732, %dot_general3A_2738 {dimension_numbers = #tpu.dot_dimension_numbers<[1], [0], [0], [1], [0, 0, 1, 1], [], []>, precision = #tpu.contract_precision<fp32>, transpose_lhs_hint = false} : vector<325x325xf32>, vector<325x96xf32>, vector<325x96xf32> -> vector<325x96xf32>
    %get3A_2740 = arith.constant 2 : index
    %get3A_2741 = arith.constant 0 : index
    %get3A_2742 = arith.constant 0 : index
    %get3A_2743 = vector.load %arg10[%get3A_2740, %get3A_2741, %get3A_2742] : memref<3x325x325xf32, #tpu.memory_space<vmem>>, vector<1x325x325xf32>
    %get3A_2744 = vector.shape_cast %get3A_2743 : vector<1x325x325xf32> to vector<325x325xf32>
    %dot_general3A_2745 = arith.constant dense<0.000000e+00> : vector<325x96xf32>
    %dot_general3A_2746 = tpu.matmul %get3A_2744, %get3A_2711, %dot_general3A_2745 {dimension_numbers = #tpu.dot_dimension_numbers<[1], [0], [0], [1], [0, 0, 1, 1], [], []>, transpose_lhs_hint = false} : vector<325x325xf32>, vector<325x96xf32>, vector<325x96xf32> -> vector<325x96xf32>
    %get3A_2747 = arith.constant 2 : index
    %get3A_2748 = arith.constant 0 : index
    %get3A_2749 = arith.constant 0 : index
    %get3A_2750 = vector.load %arg10[%get3A_2747, %get3A_2748, %get3A_2749] : memref<3x325x325xf32, #tpu.memory_space<vmem>>, vector<1x325x325xf32>
    %get3A_2751 = vector.shape_cast %get3A_2750 : vector<1x325x325xf32> to vector<325x325xf32>
    %dot_general3A_2752 = arith.constant dense<0.000000e+00> : vector<325x96xf32>
    %dot_general3A_2753 = tpu.matmul %get3A_2751, %dot_general3A_2746, %dot_general3A_2752 {dimension_numbers = #tpu.dot_dimension_numbers<[1], [0], [0], [1], [0, 0, 1, 1], [], []>, transpose_lhs_hint = false} : vector<325x325xf32>, vector<325x96xf32>, vector<325x96xf32> -> vector<325x96xf32>
    %concatenate3A_2754 = tpu.concatenate %get3A_2711, %dot_general3A_2718, %dot_general3A_2725, %dot_general3A_2732, %dot_general3A_2739 in 1 : vector<325x96xf32>, vector<325x96xf32>, vector<325x96xf32>, vector<325x96xf32>, vector<325x96xf32> -> vector<325x480xf32>
    %get3A_2755 = arith.constant 0 : index
    %get3A_2756 = arith.constant 0 : index
    %get3A_2757 = vector.load %arg11[%get3A_2755, %get3A_2756] : memref<480x96xf32, #tpu.memory_space<vmem>>, vector<480x96xf32>
    %dot_general3A_2758 = arith.constant dense<0.000000e+00> : vector<325x96xf32>
    %dot_general3A_2759 = tpu.matmul %concatenate3A_2754, %get3A_2757, %dot_general3A_2758 {dimension_numbers = #tpu.dot_dimension_numbers<[1], [0], [0], [1], [0, 0, 1, 1], [], []>, transpose_lhs_hint = false} : vector<325x480xf32>, vector<480x96xf32>, vector<325x96xf32> -> vector<325x96xf32>
    %get3A_2760 = arith.constant 0 : index
    %get3A_2761 = arith.constant 0 : index
    %get3A_2762 = vector.load %arg12[%get3A_2760, %get3A_2761] : memref<1x96xf32, #tpu.memory_space<vmem>>, vector<1x96xf32>
    %add3A_2763 = vector.broadcast %get3A_2762 : vector<1x96xf32> to vector<325x96xf32>
    %add3A_2764 = arith.addf %dot_general3A_2759, %add3A_2763 : vector<325x96xf32>
    %concatenate3A_2765 = tpu.concatenate %dot_general3A_2746, %dot_general3A_2753 in 1 : vector<325x96xf32>, vector<325x96xf32> -> vector<325x192xf32>
    %get3A_2766 = arith.constant 0 : index
    %get3A_2767 = arith.constant 0 : index
    %get3A_2768 = vector.load %arg13[%get3A_2766, %get3A_2767] : memref<192x96xf32, #tpu.memory_space<vmem>>, vector<192x96xf32>
    %dot_general3A_2769 = arith.constant dense<0.000000e+00> : vector<325x96xf32>
    %dot_general3A_2770 = tpu.matmul %concatenate3A_2765, %get3A_2768, %dot_general3A_2769 {dimension_numbers = #tpu.dot_dimension_numbers<[1], [0], [0], [1], [0, 0, 1, 1], [], []>, transpose_lhs_hint = false} : vector<325x192xf32>, vector<192x96xf32>, vector<325x96xf32> -> vector<325x96xf32>
    %get3A_2771 = arith.constant 0 : index
    %get3A_2772 = arith.constant 0 : index
    %get3A_2773 = vector.load %arg14[%get3A_2771, %get3A_2772] : memref<1x96xf32, #tpu.memory_space<vmem>>, vector<1x96xf32>
    %add3A_2774 = vector.broadcast %get3A_2773 : vector<1x96xf32> to vector<325x96xf32>
    %add3A_2775 = arith.addf %dot_general3A_2770, %add3A_2774 : vector<325x96xf32>
    %add3A_2776 = arith.addf %add3A_2764, %add3A_2775 : vector<325x96xf32>
    %get3A_2777 = arith.constant 6 : index
    %get3A_2778 = arith.constant 0 : index
    %get3A_2779 = arith.constant 0 : index
    %get3A_2780 = vector.load %arg20[%get3A_2777, %get3A_2778, %get3A_2779] : memref<12x325x96xf32, #tpu.memory_space<vmem>>, vector<1x325x96xf32>
    %get3A_2781 = vector.shape_cast %get3A_2780 : vector<1x325x96xf32> to vector<325x96xf32>
    %add3A_2782 = arith.addf %add3A_2776, %get3A_2781 : vector<325x96xf32>
    %swap3A_2783 = arith.constant 0 : index
    %swap3A_2784 = arith.constant 6 : index
    %swap3A_2785 = arith.constant 0 : index
    %swap3A_2786 = arith.constant 0 : index
    %swap3A_2787 = vector.load %arg15[%swap3A_2783, %swap3A_2784, %swap3A_2785, %swap3A_2786] : memref<1x12x325x96xf32, #tpu.memory_space<vmem>>, vector<1x1x325x96xf32>
    %swap3A_2788 = vector.shape_cast %swap3A_2787 : vector<1x1x325x96xf32> to vector<325x96xf32>
    %swap3A_2789 = vector.shape_cast %add3A_2782 : vector<325x96xf32> to vector<1x1x325x96xf32>
    tpu.vector_store %arg15[%swap3A_2783, %swap3A_2784, %swap3A_2785, %swap3A_2786], %swap3A_2789 {strides = array<i32>} : memref<1x12x325x96xf32, #tpu.memory_space<vmem>>, vector<1x1x325x96xf32>,
    %reduce_sum3A_2790 = arith.constant dense<0.000000e+00> : vector<96xf32>
    %reduce_sum3A_2791 = vector.multi_reduction <add>, %add3A_2782, %reduce_sum3A_2790 [0] : vector<325x96xf32> to vector<96xf32>
    %add3A_2792 = arith.addf %add3A_2702, %reduce_sum3A_2791 : vector<96xf32>
    %mul3A_2793 = arith.mulf %add3A_2782, %add3A_2782 : vector<325x96xf32>
    %reduce_sum3A_2794 = arith.constant dense<0.000000e+00> : vector<96xf32>
    %reduce_sum3A_2795 = vector.multi_reduction <add>, %mul3A_2793, %reduce_sum3A_2794 [0] : vector<325x96xf32> to vector<96xf32>
    %add3A_2796 = arith.addf %add3A_2706, %reduce_sum3A_2795 : vector<96xf32>
    %get3A_2797 = arith.constant 7 : index
    %get3A_2798 = arith.constant 0 : index
    %get3A_2799 = arith.constant 0 : index
    %get3A_2800 = vector.load %arg19[%get3A_2797, %get3A_2798, %get3A_2799] : memref<12x325x96xf32, #tpu.memory_space<vmem>>, vector<1x325x96xf32>
    %get3A_2801 = vector.shape_cast %get3A_2800 : vector<1x325x96xf32> to vector<325x96xf32>
    %get3A_2802 = arith.constant 0 : index
    %get3A_2803 = arith.constant 0 : index
    %get3A_2804 = arith.constant 0 : index
    %get3A_2805 = vector.load %arg10[%get3A_2802, %get3A_2803, %get3A_2804] : memref<3x325x325xf32, #tpu.memory_space<vmem>>, vector<1x325x325xf32>
    %get3A_2806 = vector.shape_cast %get3A_2805 : vector<1x325x325xf32> to vector<325x325xf32>
    %dot_general3A_2807 = arith.constant dense<0.000000e+00> : vector<325x96xf32>
    %dot_general3A_2808 = tpu.matmul %get3A_2806, %get3A_2801, %dot_general3A_2807 {dimension_numbers = #tpu.dot_dimension_numbers<[1], [0], [0], [1], [0, 0, 1, 1], [], []>, precision = #tpu.contract_precision<fp32>, transpose_lhs_hint = false} : vector<325x325xf32>, vector<325x96xf32>, vector<325x96xf32> -> vector<325x96xf32>
    %get3A_2809 = arith.constant 0 : index
    %get3A_2810 = arith.constant 0 : index
    %get3A_2811 = arith.constant 0 : index
    %get3A_2812 = vector.load %arg10[%get3A_2809, %get3A_2810, %get3A_2811] : memref<3x325x325xf32, #tpu.memory_space<vmem>>, vector<1x325x325xf32>
    %get3A_2813 = vector.shape_cast %get3A_2812 : vector<1x325x325xf32> to vector<325x325xf32>
    %dot_general3A_2814 = arith.constant dense<0.000000e+00> : vector<325x96xf32>
    %dot_general3A_2815 = tpu.matmul %get3A_2813, %dot_general3A_2808, %dot_general3A_2814 {dimension_numbers = #tpu.dot_dimension_numbers<[1], [0], [0], [1], [0, 0, 1, 1], [], []>, precision = #tpu.contract_precision<fp32>, transpose_lhs_hint = false} : vector<325x325xf32>, vector<325x96xf32>, vector<325x96xf32> -> vector<325x96xf32>
    %get3A_2816 = arith.constant 1 : index
    %get3A_2817 = arith.constant 0 : index
    %get3A_2818 = arith.constant 0 : index
    %get3A_2819 = vector.load %arg10[%get3A_2816, %get3A_2817, %get3A_2818] : memref<3x325x325xf32, #tpu.memory_space<vmem>>, vector<1x325x325xf32>
    %get3A_2820 = vector.shape_cast %get3A_2819 : vector<1x325x325xf32> to vector<325x325xf32>
    %dot_general3A_2821 = arith.constant dense<0.000000e+00> : vector<325x96xf32>
    %dot_general3A_2822 = tpu.matmul %get3A_2820, %get3A_2801, %dot_general3A_2821 {dimension_numbers = #tpu.dot_dimension_numbers<[1], [0], [0], [1], [0, 0, 1, 1], [], []>, precision = #tpu.contract_precision<fp32>, transpose_lhs_hint = false} : vector<325x325xf32>, vector<325x96xf32>, vector<325x96xf32> -> vector<325x96xf32>
    %get3A_2823 = arith.constant 1 : index
    %get3A_2824 = arith.constant 0 : index
    %get3A_2825 = arith.constant 0 : index
    %get3A_2826 = vector.load %arg10[%get3A_2823, %get3A_2824, %get3A_2825] : memref<3x325x325xf32, #tpu.memory_space<vmem>>, vector<1x325x325xf32>
    %get3A_2827 = vector.shape_cast %get3A_2826 : vector<1x325x325xf32> to vector<325x325xf32>
    %dot_general3A_2828 = arith.constant dense<0.000000e+00> : vector<325x96xf32>
    %dot_general3A_2829 = tpu.matmul %get3A_2827, %dot_general3A_2822, %dot_general3A_2828 {dimension_numbers = #tpu.dot_dimension_numbers<[1], [0], [0], [1], [0, 0, 1, 1], [], []>, precision = #tpu.contract_precision<fp32>, transpose_lhs_hint = false} : vector<325x325xf32>, vector<325x96xf32>, vector<325x96xf32> -> vector<325x96xf32>
    %get3A_2830 = arith.constant 2 : index
    %get3A_2831 = arith.constant 0 : index
    %get3A_2832 = arith.constant 0 : index
    %get3A_2833 = vector.load %arg10[%get3A_2830, %get3A_2831, %get3A_2832] : memref<3x325x325xf32, #tpu.memory_space<vmem>>, vector<1x325x325xf32>
    %get3A_2834 = vector.shape_cast %get3A_2833 : vector<1x325x325xf32> to vector<325x325xf32>
    %dot_general3A_2835 = arith.constant dense<0.000000e+00> : vector<325x96xf32>
    %dot_general3A_2836 = tpu.matmul %get3A_2834, %get3A_2801, %dot_general3A_2835 {dimension_numbers = #tpu.dot_dimension_numbers<[1], [0], [0], [1], [0, 0, 1, 1], [], []>, transpose_lhs_hint = false} : vector<325x325xf32>, vector<325x96xf32>, vector<325x96xf32> -> vector<325x96xf32>
    %get3A_2837 = arith.constant 2 : index
    %get3A_2838 = arith.constant 0 : index
    %get3A_2839 = arith.constant 0 : index
    %get3A_2840 = vector.load %arg10[%get3A_2837, %get3A_2838, %get3A_2839] : memref<3x325x325xf32, #tpu.memory_space<vmem>>, vector<1x325x325xf32>
    %get3A_2841 = vector.shape_cast %get3A_2840 : vector<1x325x325xf32> to vector<325x325xf32>
    %dot_general3A_2842 = arith.constant dense<0.000000e+00> : vector<325x96xf32>
    %dot_general3A_2843 = tpu.matmul %get3A_2841, %dot_general3A_2836, %dot_general3A_2842 {dimension_numbers = #tpu.dot_dimension_numbers<[1], [0], [0], [1], [0, 0, 1, 1], [], []>, transpose_lhs_hint = false} : vector<325x325xf32>, vector<325x96xf32>, vector<325x96xf32> -> vector<325x96xf32>
    %concatenate3A_2844 = tpu.concatenate %get3A_2801, %dot_general3A_2808, %dot_general3A_2815, %dot_general3A_2822, %dot_general3A_2829 in 1 : vector<325x96xf32>, vector<325x96xf32>, vector<325x96xf32>, vector<325x96xf32>, vector<325x96xf32> -> vector<325x480xf32>
    %get3A_2845 = arith.constant 0 : index
    %get3A_2846 = arith.constant 0 : index
    %get3A_2847 = vector.load %arg11[%get3A_2845, %get3A_2846] : memref<480x96xf32, #tpu.memory_space<vmem>>, vector<480x96xf32>
    %dot_general3A_2848 = arith.constant dense<0.000000e+00> : vector<325x96xf32>
    %dot_general3A_2849 = tpu.matmul %concatenate3A_2844, %get3A_2847, %dot_general3A_2848 {dimension_numbers = #tpu.dot_dimension_numbers<[1], [0], [0], [1], [0, 0, 1, 1], [], []>, transpose_lhs_hint = false} : vector<325x480xf32>, vector<480x96xf32>, vector<325x96xf32> -> vector<325x96xf32>
    %get3A_2850 = arith.constant 0 : index
    %get3A_2851 = arith.constant 0 : index
    %get3A_2852 = vector.load %arg12[%get3A_2850, %get3A_2851] : memref<1x96xf32, #tpu.memory_space<vmem>>, vector<1x96xf32>
    %add3A_2853 = vector.broadcast %get3A_2852 : vector<1x96xf32> to vector<325x96xf32>
    %add3A_2854 = arith.addf %dot_general3A_2849, %add3A_2853 : vector<325x96xf32>
    %concatenate3A_2855 = tpu.concatenate %dot_general3A_2836, %dot_general3A_2843 in 1 : vector<325x96xf32>, vector<325x96xf32> -> vector<325x192xf32>
    %get3A_2856 = arith.constant 0 : index
    %get3A_2857 = arith.constant 0 : index
    %get3A_2858 = vector.load %arg13[%get3A_2856, %get3A_2857] : memref<192x96xf32, #tpu.memory_space<vmem>>, vector<192x96xf32>
    %dot_general3A_2859 = arith.constant dense<0.000000e+00> : vector<325x96xf32>
    %dot_general3A_2860 = tpu.matmul %concatenate3A_2855, %get3A_2858, %dot_general3A_2859 {dimension_numbers = #tpu.dot_dimension_numbers<[1], [0], [0], [1], [0, 0, 1, 1], [], []>, transpose_lhs_hint = false} : vector<325x192xf32>, vector<192x96xf32>, vector<325x96xf32> -> vector<325x96xf32>
    %get3A_2861 = arith.constant 0 : index
    %get3A_2862 = arith.constant 0 : index
    %get3A_2863 = vector.load %arg14[%get3A_2861, %get3A_2862] : memref<1x96xf32, #tpu.memory_space<vmem>>, vector<1x96xf32>
    %add3A_2864 = vector.broadcast %get3A_2863 : vector<1x96xf32> to vector<325x96xf32>
    %add3A_2865 = arith.addf %dot_general3A_2860, %add3A_2864 : vector<325x96xf32>
    %add3A_2866 = arith.addf %add3A_2854, %add3A_2865 : vector<325x96xf32>
    %get3A_2867 = arith.constant 7 : index
    %get3A_2868 = arith.constant 0 : index
    %get3A_2869 = arith.constant 0 : index
    %get3A_2870 = vector.load %arg20[%get3A_2867, %get3A_2868, %get3A_2869] : memref<12x325x96xf32, #tpu.memory_space<vmem>>, vector<1x325x96xf32>
    %get3A_2871 = vector.shape_cast %get3A_2870 : vector<1x325x96xf32> to vector<325x96xf32>
    %add3A_2872 = arith.addf %add3A_2866, %get3A_2871 : vector<325x96xf32>
    %swap3A_2873 = arith.constant 0 : index
    %swap3A_2874 = arith.constant 7 : index
    %swap3A_2875 = arith.constant 0 : index
    %swap3A_2876 = arith.constant 0 : index
    %swap3A_2877 = vector.load %arg15[%swap3A_2873, %swap3A_2874, %swap3A_2875, %swap3A_2876] : memref<1x12x325x96xf32, #tpu.memory_space<vmem>>, vector<1x1x325x96xf32>
    %swap3A_2878 = vector.shape_cast %swap3A_2877 : vector<1x1x325x96xf32> to vector<325x96xf32>
    %swap3A_2879 = vector.shape_cast %add3A_2872 : vector<325x96xf32> to vector<1x1x325x96xf32>
    tpu.vector_store %arg15[%swap3A_2873, %swap3A_2874, %swap3A_2875, %swap3A_2876], %swap3A_2879 {strides = array<i32>} : memref<1x12x325x96xf32, #tpu.memory_space<vmem>>, vector<1x1x325x96xf32>,
    %reduce_sum3A_2880 = arith.constant dense<0.000000e+00> : vector<96xf32>
    %reduce_sum3A_2881 = vector.multi_reduction <add>, %add3A_2872, %reduce_sum3A_2880 [0] : vector<325x96xf32> to vector<96xf32>
    %add3A_2882 = arith.addf %add3A_2792, %reduce_sum3A_2881 : vector<96xf32>
    %mul3A_2883 = arith.mulf %add3A_2872, %add3A_2872 : vector<325x96xf32>
    %reduce_sum3A_2884 = arith.constant dense<0.000000e+00> : vector<96xf32>
    %reduce_sum3A_2885 = vector.multi_reduction <add>, %mul3A_2883, %reduce_sum3A_2884 [0] : vector<325x96xf32> to vector<96xf32>
    %add3A_2886 = arith.addf %add3A_2796, %reduce_sum3A_2885 : vector<96xf32>
    %get3A_2887 = arith.constant 8 : index
    %get3A_2888 = arith.constant 0 : index
    %get3A_2889 = arith.constant 0 : index
    %get3A_2890 = vector.load %arg19[%get3A_2887, %get3A_2888, %get3A_2889] : memref<12x325x96xf32, #tpu.memory_space<vmem>>, vector<1x325x96xf32>
    %get3A_2891 = vector.shape_cast %get3A_2890 : vector<1x325x96xf32> to vector<325x96xf32>
    %get3A_2892 = arith.constant 0 : index
    %get3A_2893 = arith.constant 0 : index
    %get3A_2894 = arith.constant 0 : index
    %get3A_2895 = vector.load %arg10[%get3A_2892, %get3A_2893, %get3A_2894] : memref<3x325x325xf32, #tpu.memory_space<vmem>>, vector<1x325x325xf32>
    %get3A_2896 = vector.shape_cast %get3A_2895 : vector<1x325x325xf32> to vector<325x325xf32>
    %dot_general3A_2897 = arith.constant dense<0.000000e+00> : vector<325x96xf32>
    %dot_general3A_2898 = tpu.matmul %get3A_2896, %get3A_2891, %dot_general3A_2897 {dimension_numbers = #tpu.dot_dimension_numbers<[1], [0], [0], [1], [0, 0, 1, 1], [], []>, precision = #tpu.contract_precision<fp32>, transpose_lhs_hint = false} : vector<325x325xf32>, vector<325x96xf32>, vector<325x96xf32> -> vector<325x96xf32>
    %get3A_2899 = arith.constant 0 : index
    %get3A_2900 = arith.constant 0 : index
    %get3A_2901 = arith.constant 0 : index
    %get3A_2902 = vector.load %arg10[%get3A_2899, %get3A_2900, %get3A_2901] : memref<3x325x325xf32, #tpu.memory_space<vmem>>, vector<1x325x325xf32>
    %get3A_2903 = vector.shape_cast %get3A_2902 : vector<1x325x325xf32> to vector<325x325xf32>
    %dot_general3A_2904 = arith.constant dense<0.000000e+00> : vector<325x96xf32>
    %dot_general3A_2905 = tpu.matmul %get3A_2903, %dot_general3A_2898, %dot_general3A_2904 {dimension_numbers = #tpu.dot_dimension_numbers<[1], [0], [0], [1], [0, 0, 1, 1], [], []>, precision = #tpu.contract_precision<fp32>, transpose_lhs_hint = false} : vector<325x325xf32>, vector<325x96xf32>, vector<325x96xf32> -> vector<325x96xf32>
    %get3A_2906 = arith.constant 1 : index
    %get3A_2907 = arith.constant 0 : index
    %get3A_2908 = arith.constant 0 : index
    %get3A_2909 = vector.load %arg10[%get3A_2906, %get3A_2907, %get3A_2908] : memref<3x325x325xf32, #tpu.memory_space<vmem>>, vector<1x325x325xf32>
    %get3A_2910 = vector.shape_cast %get3A_2909 : vector<1x325x325xf32> to vector<325x325xf32>
    %dot_general3A_2911 = arith.constant dense<0.000000e+00> : vector<325x96xf32>
    %dot_general3A_2912 = tpu.matmul %get3A_2910, %get3A_2891, %dot_general3A_2911 {dimension_numbers = #tpu.dot_dimension_numbers<[1], [0], [0], [1], [0, 0, 1, 1], [], []>, precision = #tpu.contract_precision<fp32>, transpose_lhs_hint = false} : vector<325x325xf32>, vector<325x96xf32>, vector<325x96xf32> -> vector<325x96xf32>
    %get3A_2913 = arith.constant 1 : index
    %get3A_2914 = arith.constant 0 : index
    %get3A_2915 = arith.constant 0 : index
    %get3A_2916 = vector.load %arg10[%get3A_2913, %get3A_2914, %get3A_2915] : memref<3x325x325xf32, #tpu.memory_space<vmem>>, vector<1x325x325xf32>
    %get3A_2917 = vector.shape_cast %get3A_2916 : vector<1x325x325xf32> to vector<325x325xf32>
    %dot_general3A_2918 = arith.constant dense<0.000000e+00> : vector<325x96xf32>
    %dot_general3A_2919 = tpu.matmul %get3A_2917, %dot_general3A_2912, %dot_general3A_2918 {dimension_numbers = #tpu.dot_dimension_numbers<[1], [0], [0], [1], [0, 0, 1, 1], [], []>, precision = #tpu.contract_precision<fp32>, transpose_lhs_hint = false} : vector<325x325xf32>, vector<325x96xf32>, vector<325x96xf32> -> vector<325x96xf32>
    %get3A_2920 = arith.constant 2 : index
    %get3A_2921 = arith.constant 0 : index
    %get3A_2922 = arith.constant 0 : index
    %get3A_2923 = vector.load %arg10[%get3A_2920, %get3A_2921, %get3A_2922] : memref<3x325x325xf32, #tpu.memory_space<vmem>>, vector<1x325x325xf32>
    %get3A_2924 = vector.shape_cast %get3A_2923 : vector<1x325x325xf32> to vector<325x325xf32>
    %dot_general3A_2925 = arith.constant dense<0.000000e+00> : vector<325x96xf32>
    %dot_general3A_2926 = tpu.matmul %get3A_2924, %get3A_2891, %dot_general3A_2925 {dimension_numbers = #tpu.dot_dimension_numbers<[1], [0], [0], [1], [0, 0, 1, 1], [], []>, transpose_lhs_hint = false} : vector<325x325xf32>, vector<325x96xf32>, vector<325x96xf32> -> vector<325x96xf32>
    %get3A_2927 = arith.constant 2 : index
    %get3A_2928 = arith.constant 0 : index
    %get3A_2929 = arith.constant 0 : index
    %get3A_2930 = vector.load %arg10[%get3A_2927, %get3A_2928, %get3A_2929] : memref<3x325x325xf32, #tpu.memory_space<vmem>>, vector<1x325x325xf32>
    %get3A_2931 = vector.shape_cast %get3A_2930 : vector<1x325x325xf32> to vector<325x325xf32>
    %dot_general3A_2932 = arith.constant dense<0.000000e+00> : vector<325x96xf32>
    %dot_general3A_2933 = tpu.matmul %get3A_2931, %dot_general3A_2926, %dot_general3A_2932 {dimension_numbers = #tpu.dot_dimension_numbers<[1], [0], [0], [1], [0, 0, 1, 1], [], []>, transpose_lhs_hint = false} : vector<325x325xf32>, vector<325x96xf32>, vector<325x96xf32> -> vector<325x96xf32>
    %concatenate3A_2934 = tpu.concatenate %get3A_2891, %dot_general3A_2898, %dot_general3A_2905, %dot_general3A_2912, %dot_general3A_2919 in 1 : vector<325x96xf32>, vector<325x96xf32>, vector<325x96xf32>, vector<325x96xf32>, vector<325x96xf32> -> vector<325x480xf32>
    %get3A_2935 = arith.constant 0 : index
    %get3A_2936 = arith.constant 0 : index
    %get3A_2937 = vector.load %arg11[%get3A_2935, %get3A_2936] : memref<480x96xf32, #tpu.memory_space<vmem>>, vector<480x96xf32>
    %dot_general3A_2938 = arith.constant dense<0.000000e+00> : vector<325x96xf32>
    %dot_general3A_2939 = tpu.matmul %concatenate3A_2934, %get3A_2937, %dot_general3A_2938 {dimension_numbers = #tpu.dot_dimension_numbers<[1], [0], [0], [1], [0, 0, 1, 1], [], []>, transpose_lhs_hint = false} : vector<325x480xf32>, vector<480x96xf32>, vector<325x96xf32> -> vector<325x96xf32>
    %get3A_2940 = arith.constant 0 : index
    %get3A_2941 = arith.constant 0 : index
    %get3A_2942 = vector.load %arg12[%get3A_2940, %get3A_2941] : memref<1x96xf32, #tpu.memory_space<vmem>>, vector<1x96xf32>
    %add3A_2943 = vector.broadcast %get3A_2942 : vector<1x96xf32> to vector<325x96xf32>
    %add3A_2944 = arith.addf %dot_general3A_2939, %add3A_2943 : vector<325x96xf32>
    %concatenate3A_2945 = tpu.concatenate %dot_general3A_2926, %dot_general3A_2933 in 1 : vector<325x96xf32>, vector<325x96xf32> -> vector<325x192xf32>
    %get3A_2946 = arith.constant 0 : index
    %get3A_2947 = arith.constant 0 : index
    %get3A_2948 = vector.load %arg13[%get3A_2946, %get3A_2947] : memref<192x96xf32, #tpu.memory_space<vmem>>, vector<192x96xf32>
    %dot_general3A_2949 = arith.constant dense<0.000000e+00> : vector<325x96xf32>
    %dot_general3A_2950 = tpu.matmul %concatenate3A_2945, %get3A_2948, %dot_general3A_2949 {dimension_numbers = #tpu.dot_dimension_numbers<[1], [0], [0], [1], [0, 0, 1, 1], [], []>, transpose_lhs_hint = false} : vector<325x192xf32>, vector<192x96xf32>, vector<325x96xf32> -> vector<325x96xf32>
    %get3A_2951 = arith.constant 0 : index
    %get3A_2952 = arith.constant 0 : index
    %get3A_2953 = vector.load %arg14[%get3A_2951, %get3A_2952] : memref<1x96xf32, #tpu.memory_space<vmem>>, vector<1x96xf32>
    %add3A_2954 = vector.broadcast %get3A_2953 : vector<1x96xf32> to vector<325x96xf32>
    %add3A_2955 = arith.addf %dot_general3A_2950, %add3A_2954 : vector<325x96xf32>
    %add3A_2956 = arith.addf %add3A_2944, %add3A_2955 : vector<325x96xf32>
    %get3A_2957 = arith.constant 8 : index
    %get3A_2958 = arith.constant 0 : index
    %get3A_2959 = arith.constant 0 : index
    %get3A_2960 = vector.load %arg20[%get3A_2957, %get3A_2958, %get3A_2959] : memref<12x325x96xf32, #tpu.memory_space<vmem>>, vector<1x325x96xf32>
    %get3A_2961 = vector.shape_cast %get3A_2960 : vector<1x325x96xf32> to vector<325x96xf32>
    %add3A_2962 = arith.addf %add3A_2956, %get3A_2961 : vector<325x96xf32>
    %swap3A_2963 = arith.constant 0 : index
    %swap3A_2964 = arith.constant 8 : index
    %swap3A_2965 = arith.constant 0 : index
    %swap3A_2966 = arith.constant 0 : index
    %swap3A_2967 = vector.load %arg15[%swap3A_2963, %swap3A_2964, %swap3A_2965, %swap3A_2966] : memref<1x12x325x96xf32, #tpu.memory_space<vmem>>, vector<1x1x325x96xf32>
    %swap3A_2968 = vector.shape_cast %swap3A_2967 : vector<1x1x325x96xf32> to vector<325x96xf32>
    %swap3A_2969 = vector.shape_cast %add3A_2962 : vector<325x96xf32> to vector<1x1x325x96xf32>
    tpu.vector_store %arg15[%swap3A_2963, %swap3A_2964, %swap3A_2965, %swap3A_2966], %swap3A_2969 {strides = array<i32>} : memref<1x12x325x96xf32, #tpu.memory_space<vmem>>, vector<1x1x325x96xf32>,
    %reduce_sum3A_2970 = arith.constant dense<0.000000e+00> : vector<96xf32>
    %reduce_sum3A_2971 = vector.multi_reduction <add>, %add3A_2962, %reduce_sum3A_2970 [0] : vector<325x96xf32> to vector<96xf32>
    %add3A_2972 = arith.addf %add3A_2882, %reduce_sum3A_2971 : vector<96xf32>
    %mul3A_2973 = arith.mulf %add3A_2962, %add3A_2962 : vector<325x96xf32>
    %reduce_sum3A_2974 = arith.constant dense<0.000000e+00> : vector<96xf32>
    %reduce_sum3A_2975 = vector.multi_reduction <add>, %mul3A_2973, %reduce_sum3A_2974 [0] : vector<325x96xf32> to vector<96xf32>
    %add3A_2976 = arith.addf %add3A_2886, %reduce_sum3A_2975 : vector<96xf32>
    %get3A_2977 = arith.constant 9 : index
    %get3A_2978 = arith.constant 0 : index
    %get3A_2979 = arith.constant 0 : index
    %get3A_2980 = vector.load %arg19[%get3A_2977, %get3A_2978, %get3A_2979] : memref<12x325x96xf32, #tpu.memory_space<vmem>>, vector<1x325x96xf32>
    %get3A_2981 = vector.shape_cast %get3A_2980 : vector<1x325x96xf32> to vector<325x96xf32>
    %get3A_2982 = arith.constant 0 : index
    %get3A_2983 = arith.constant 0 : index
    %get3A_2984 = arith.constant 0 : index
    %get3A_2985 = vector.load %arg10[%get3A_2982, %get3A_2983, %get3A_2984] : memref<3x325x325xf32, #tpu.memory_space<vmem>>, vector<1x325x325xf32>
    %get3A_2986 = vector.shape_cast %get3A_2985 : vector<1x325x325xf32> to vector<325x325xf32>
    %dot_general3A_2987 = arith.constant dense<0.000000e+00> : vector<325x96xf32>
    %dot_general3A_2988 = tpu.matmul %get3A_2986, %get3A_2981, %dot_general3A_2987 {dimension_numbers = #tpu.dot_dimension_numbers<[1], [0], [0], [1], [0, 0, 1, 1], [], []>, precision = #tpu.contract_precision<fp32>, transpose_lhs_hint = false} : vector<325x325xf32>, vector<325x96xf32>, vector<325x96xf32> -> vector<325x96xf32>
    %get3A_2989 = arith.constant 0 : index
    %get3A_2990 = arith.constant 0 : index
    %get3A_2991 = arith.constant 0 : index
    %get3A_2992 = vector.load %arg10[%get3A_2989, %get3A_2990, %get3A_2991] : memref<3x325x325xf32, #tpu.memory_space<vmem>>, vector<1x325x325xf32>
    %get3A_2993 = vector.shape_cast %get3A_2992 : vector<1x325x325xf32> to vector<325x325xf32>
    %dot_general3A_2994 = arith.constant dense<0.000000e+00> : vector<325x96xf32>
    %dot_general3A_2995 = tpu.matmul %get3A_2993, %dot_general3A_2988, %dot_general3A_2994 {dimension_numbers = #tpu.dot_dimension_numbers<[1], [0], [0], [1], [0, 0, 1, 1], [], []>, precision = #tpu.contract_precision<fp32>, transpose_lhs_hint = false} : vector<325x325xf32>, vector<325x96xf32>, vector<325x96xf32> -> vector<325x96xf32>
    %get3A_2996 = arith.constant 1 : index
    %get3A_2997 = arith.constant 0 : index
    %get3A_2998 = arith.constant 0 : index
    %get3A_2999 = vector.load %arg10[%get3A_2996, %get3A_2997, %get3A_2998] : memref<3x325x325xf32, #tpu.memory_space<vmem>>, vector<1x325x325xf32>
    %get3A_3000 = vector.shape_cast %get3A_2999 : vector<1x325x325xf32> to vector<325x325xf32>
    %dot_general3A_3001 = arith.constant dense<0.000000e+00> : vector<325x96xf32>
    %dot_general3A_3002 = tpu.matmul %get3A_3000, %get3A_2981, %dot_general3A_3001 {dimension_numbers = #tpu.dot_dimension_numbers<[1], [0], [0], [1], [0, 0, 1, 1], [], []>, precision = #tpu.contract_precision<fp32>, transpose_lhs_hint = false} : vector<325x325xf32>, vector<325x96xf32>, vector<325x96xf32> -> vector<325x96xf32>
    %get3A_3003 = arith.constant 1 : index
    %get3A_3004 = arith.constant 0 : index
    %get3A_3005 = arith.constant 0 : index
    %get3A_3006 = vector.load %arg10[%get3A_3003, %get3A_3004, %get3A_3005] : memref<3x325x325xf32, #tpu.memory_space<vmem>>, vector<1x325x325xf32>
    %get3A_3007 = vector.shape_cast %get3A_3006 : vector<1x325x325xf32> to vector<325x325xf32>
    %dot_general3A_3008 = arith.constant dense<0.000000e+00> : vector<325x96xf32>
    %dot_general3A_3009 = tpu.matmul %get3A_3007, %dot_general3A_3002, %dot_general3A_3008 {dimension_numbers = #tpu.dot_dimension_numbers<[1], [0], [0], [1], [0, 0, 1, 1], [], []>, precision = #tpu.contract_precision<fp32>, transpose_lhs_hint = false} : vector<325x325xf32>, vector<325x96xf32>, vector<325x96xf32> -> vector<325x96xf32>
    %get3A_3010 = arith.constant 2 : index
    %get3A_3011 = arith.constant 0 : index
    %get3A_3012 = arith.constant 0 : index
    %get3A_3013 = vector.load %arg10[%get3A_3010, %get3A_3011, %get3A_3012] : memref<3x325x325xf32, #tpu.memory_space<vmem>>, vector<1x325x325xf32>
    %get3A_3014 = vector.shape_cast %get3A_3013 : vector<1x325x325xf32> to vector<325x325xf32>
    %dot_general3A_3015 = arith.constant dense<0.000000e+00> : vector<325x96xf32>
    %dot_general3A_3016 = tpu.matmul %get3A_3014, %get3A_2981, %dot_general3A_3015 {dimension_numbers = #tpu.dot_dimension_numbers<[1], [0], [0], [1], [0, 0, 1, 1], [], []>, transpose_lhs_hint = false} : vector<325x325xf32>, vector<325x96xf32>, vector<325x96xf32> -> vector<325x96xf32>
    %get3A_3017 = arith.constant 2 : index
    %get3A_3018 = arith.constant 0 : index
    %get3A_3019 = arith.constant 0 : index
    %get3A_3020 = vector.load %arg10[%get3A_3017, %get3A_3018, %get3A_3019] : memref<3x325x325xf32, #tpu.memory_space<vmem>>, vector<1x325x325xf32>
    %get3A_3021 = vector.shape_cast %get3A_3020 : vector<1x325x325xf32> to vector<325x325xf32>
    %dot_general3A_3022 = arith.constant dense<0.000000e+00> : vector<325x96xf32>
    %dot_general3A_3023 = tpu.matmul %get3A_3021, %dot_general3A_3016, %dot_general3A_3022 {dimension_numbers = #tpu.dot_dimension_numbers<[1], [0], [0], [1], [0, 0, 1, 1], [], []>, transpose_lhs_hint = false} : vector<325x325xf32>, vector<325x96xf32>, vector<325x96xf32> -> vector<325x96xf32>
    %concatenate3A_3024 = tpu.concatenate %get3A_2981, %dot_general3A_2988, %dot_general3A_2995, %dot_general3A_3002, %dot_general3A_3009 in 1 : vector<325x96xf32>, vector<325x96xf32>, vector<325x96xf32>, vector<325x96xf32>, vector<325x96xf32> -> vector<325x480xf32>
    %get3A_3025 = arith.constant 0 : index
    %get3A_3026 = arith.constant 0 : index
    %get3A_3027 = vector.load %arg11[%get3A_3025, %get3A_3026] : memref<480x96xf32, #tpu.memory_space<vmem>>, vector<480x96xf32>
    %dot_general3A_3028 = arith.constant dense<0.000000e+00> : vector<325x96xf32>
    %dot_general3A_3029 = tpu.matmul %concatenate3A_3024, %get3A_3027, %dot_general3A_3028 {dimension_numbers = #tpu.dot_dimension_numbers<[1], [0], [0], [1], [0, 0, 1, 1], [], []>, transpose_lhs_hint = false} : vector<325x480xf32>, vector<480x96xf32>, vector<325x96xf32> -> vector<325x96xf32>
    %get3A_3030 = arith.constant 0 : index
    %get3A_3031 = arith.constant 0 : index
    %get3A_3032 = vector.load %arg12[%get3A_3030, %get3A_3031] : memref<1x96xf32, #tpu.memory_space<vmem>>, vector<1x96xf32>
    %add3A_3033 = vector.broadcast %get3A_3032 : vector<1x96xf32> to vector<325x96xf32>
    %add3A_3034 = arith.addf %dot_general3A_3029, %add3A_3033 : vector<325x96xf32>
    %concatenate3A_3035 = tpu.concatenate %dot_general3A_3016, %dot_general3A_3023 in 1 : vector<325x96xf32>, vector<325x96xf32> -> vector<325x192xf32>
    %get3A_3036 = arith.constant 0 : index
    %get3A_3037 = arith.constant 0 : index
    %get3A_3038 = vector.load %arg13[%get3A_3036, %get3A_3037] : memref<192x96xf32, #tpu.memory_space<vmem>>, vector<192x96xf32>
    %dot_general3A_3039 = arith.constant dense<0.000000e+00> : vector<325x96xf32>
    %dot_general3A_3040 = tpu.matmul %concatenate3A_3035, %get3A_3038, %dot_general3A_3039 {dimension_numbers = #tpu.dot_dimension_numbers<[1], [0], [0], [1], [0, 0, 1, 1], [], []>, transpose_lhs_hint = false} : vector<325x192xf32>, vector<192x96xf32>, vector<325x96xf32> -> vector<325x96xf32>
    %get3A_3041 = arith.constant 0 : index
    %get3A_3042 = arith.constant 0 : index
    %get3A_3043 = vector.load %arg14[%get3A_3041, %get3A_3042] : memref<1x96xf32, #tpu.memory_space<vmem>>, vector<1x96xf32>
    %add3A_3044 = vector.broadcast %get3A_3043 : vector<1x96xf32> to vector<325x96xf32>
    %add3A_3045 = arith.addf %dot_general3A_3040, %add3A_3044 : vector<325x96xf32>
    %add3A_3046 = arith.addf %add3A_3034, %add3A_3045 : vector<325x96xf32>
    %get3A_3047 = arith.constant 9 : index
    %get3A_3048 = arith.constant 0 : index
    %get3A_3049 = arith.constant 0 : index
    %get3A_3050 = vector.load %arg20[%get3A_3047, %get3A_3048, %get3A_3049] : memref<12x325x96xf32, #tpu.memory_space<vmem>>, vector<1x325x96xf32>
    %get3A_3051 = vector.shape_cast %get3A_3050 : vector<1x325x96xf32> to vector<325x96xf32>
    %add3A_3052 = arith.addf %add3A_3046, %get3A_3051 : vector<325x96xf32>
    %swap3A_3053 = arith.constant 0 : index
    %swap3A_3054 = arith.constant 9 : index
    %swap3A_3055 = arith.constant 0 : index
    %swap3A_3056 = arith.constant 0 : index
    %swap3A_3057 = vector.load %arg15[%swap3A_3053, %swap3A_3054, %swap3A_3055, %swap3A_3056] : memref<1x12x325x96xf32, #tpu.memory_space<vmem>>, vector<1x1x325x96xf32>
    %swap3A_3058 = vector.shape_cast %swap3A_3057 : vector<1x1x325x96xf32> to vector<325x96xf32>
    %swap3A_3059 = vector.shape_cast %add3A_3052 : vector<325x96xf32> to vector<1x1x325x96xf32>
    tpu.vector_store %arg15[%swap3A_3053, %swap3A_3054, %swap3A_3055, %swap3A_3056], %swap3A_3059 {strides = array<i32>} : memref<1x12x325x96xf32, #tpu.memory_space<vmem>>, vector<1x1x325x96xf32>,
    %reduce_sum3A_3060 = arith.constant dense<0.000000e+00> : vector<96xf32>
    %reduce_sum3A_3061 = vector.multi_reduction <add>, %add3A_3052, %reduce_sum3A_3060 [0] : vector<325x96xf32> to vector<96xf32>
    %add3A_3062 = arith.addf %add3A_2972, %reduce_sum3A_3061 : vector<96xf32>
    %mul3A_3063 = arith.mulf %add3A_3052, %add3A_3052 : vector<325x96xf32>
    %reduce_sum3A_3064 = arith.constant dense<0.000000e+00> : vector<96xf32>
    %reduce_sum3A_3065 = vector.multi_reduction <add>, %mul3A_3063, %reduce_sum3A_3064 [0] : vector<325x96xf32> to vector<96xf32>
    %add3A_3066 = arith.addf %add3A_2976, %reduce_sum3A_3065 : vector<96xf32>
    %get3A_3067 = arith.constant 10 : index
    %get3A_3068 = arith.constant 0 : index
    %get3A_3069 = arith.constant 0 : index
    %get3A_3070 = vector.load %arg19[%get3A_3067, %get3A_3068, %get3A_3069] : memref<12x325x96xf32, #tpu.memory_space<vmem>>, vector<1x325x96xf32>
    %get3A_3071 = vector.shape_cast %get3A_3070 : vector<1x325x96xf32> to vector<325x96xf32>
    %get3A_3072 = arith.constant 0 : index
    %get3A_3073 = arith.constant 0 : index
    %get3A_3074 = arith.constant 0 : index
    %get3A_3075 = vector.load %arg10[%get3A_3072, %get3A_3073, %get3A_3074] : memref<3x325x325xf32, #tpu.memory_space<vmem>>, vector<1x325x325xf32>
    %get3A_3076 = vector.shape_cast %get3A_3075 : vector<1x325x325xf32> to vector<325x325xf32>
    %dot_general3A_3077 = arith.constant dense<0.000000e+00> : vector<325x96xf32>
    %dot_general3A_3078 = tpu.matmul %get3A_3076, %get3A_3071, %dot_general3A_3077 {dimension_numbers = #tpu.dot_dimension_numbers<[1], [0], [0], [1], [0, 0, 1, 1], [], []>, precision = #tpu.contract_precision<fp32>, transpose_lhs_hint = false} : vector<325x325xf32>, vector<325x96xf32>, vector<325x96xf32> -> vector<325x96xf32>
    %get3A_3079 = arith.constant 0 : index
    %get3A_3080 = arith.constant 0 : index
    %get3A_3081 = arith.constant 0 : index
    %get3A_3082 = vector.load %arg10[%get3A_3079, %get3A_3080, %get3A_3081] : memref<3x325x325xf32, #tpu.memory_space<vmem>>, vector<1x325x325xf32>
    %get3A_3083 = vector.shape_cast %get3A_3082 : vector<1x325x325xf32> to vector<325x325xf32>
    %dot_general3A_3084 = arith.constant dense<0.000000e+00> : vector<325x96xf32>
    %dot_general3A_3085 = tpu.matmul %get3A_3083, %dot_general3A_3078, %dot_general3A_3084 {dimension_numbers = #tpu.dot_dimension_numbers<[1], [0], [0], [1], [0, 0, 1, 1], [], []>, precision = #tpu.contract_precision<fp32>, transpose_lhs_hint = false} : vector<325x325xf32>, vector<325x96xf32>, vector<325x96xf32> -> vector<325x96xf32>
    %get3A_3086 = arith.constant 1 : index
    %get3A_3087 = arith.constant 0 : index
    %get3A_3088 = arith.constant 0 : index
    %get3A_3089 = vector.load %arg10[%get3A_3086, %get3A_3087, %get3A_3088] : memref<3x325x325xf32, #tpu.memory_space<vmem>>, vector<1x325x325xf32>
    %get3A_3090 = vector.shape_cast %get3A_3089 : vector<1x325x325xf32> to vector<325x325xf32>
    %dot_general3A_3091 = arith.constant dense<0.000000e+00> : vector<325x96xf32>
    %dot_general3A_3092 = tpu.matmul %get3A_3090, %get3A_3071, %dot_general3A_3091 {dimension_numbers = #tpu.dot_dimension_numbers<[1], [0], [0], [1], [0, 0, 1, 1], [], []>, precision = #tpu.contract_precision<fp32>, transpose_lhs_hint = false} : vector<325x325xf32>, vector<325x96xf32>, vector<325x96xf32> -> vector<325x96xf32>
    %get3A_3093 = arith.constant 1 : index
    %get3A_3094 = arith.constant 0 : index
    %get3A_3095 = arith.constant 0 : index
    %get3A_3096 = vector.load %arg10[%get3A_3093, %get3A_3094, %get3A_3095] : memref<3x325x325xf32, #tpu.memory_space<vmem>>, vector<1x325x325xf32>
    %get3A_3097 = vector.shape_cast %get3A_3096 : vector<1x325x325xf32> to vector<325x325xf32>
    %dot_general3A_3098 = arith.constant dense<0.000000e+00> : vector<325x96xf32>
    %dot_general3A_3099 = tpu.matmul %get3A_3097, %dot_general3A_3092, %dot_general3A_3098 {dimension_numbers = #tpu.dot_dimension_numbers<[1], [0], [0], [1], [0, 0, 1, 1], [], []>, precision = #tpu.contract_precision<fp32>, transpose_lhs_hint = false} : vector<325x325xf32>, vector<325x96xf32>, vector<325x96xf32> -> vector<325x96xf32>
    %get3A_3100 = arith.constant 2 : index
    %get3A_3101 = arith.constant 0 : index
    %get3A_3102 = arith.constant 0 : index
    %get3A_3103 = vector.load %arg10[%get3A_3100, %get3A_3101, %get3A_3102] : memref<3x325x325xf32, #tpu.memory_space<vmem>>, vector<1x325x325xf32>
    %get3A_3104 = vector.shape_cast %get3A_3103 : vector<1x325x325xf32> to vector<325x325xf32>
    %dot_general3A_3105 = arith.constant dense<0.000000e+00> : vector<325x96xf32>
    %dot_general3A_3106 = tpu.matmul %get3A_3104, %get3A_3071, %dot_general3A_3105 {dimension_numbers = #tpu.dot_dimension_numbers<[1], [0], [0], [1], [0, 0, 1, 1], [], []>, transpose_lhs_hint = false} : vector<325x325xf32>, vector<325x96xf32>, vector<325x96xf32> -> vector<325x96xf32>
    %get3A_3107 = arith.constant 2 : index
    %get3A_3108 = arith.constant 0 : index
    %get3A_3109 = arith.constant 0 : index
    %get3A_3110 = vector.load %arg10[%get3A_3107, %get3A_3108, %get3A_3109] : memref<3x325x325xf32, #tpu.memory_space<vmem>>, vector<1x325x325xf32>
    %get3A_3111 = vector.shape_cast %get3A_3110 : vector<1x325x325xf32> to vector<325x325xf32>
    %dot_general3A_3112 = arith.constant dense<0.000000e+00> : vector<325x96xf32>
    %dot_general3A_3113 = tpu.matmul %get3A_3111, %dot_general3A_3106, %dot_general3A_3112 {dimension_numbers = #tpu.dot_dimension_numbers<[1], [0], [0], [1], [0, 0, 1, 1], [], []>, transpose_lhs_hint = false} : vector<325x325xf32>, vector<325x96xf32>, vector<325x96xf32> -> vector<325x96xf32>
    %concatenate3A_3114 = tpu.concatenate %get3A_3071, %dot_general3A_3078, %dot_general3A_3085, %dot_general3A_3092, %dot_general3A_3099 in 1 : vector<325x96xf32>, vector<325x96xf32>, vector<325x96xf32>, vector<325x96xf32>, vector<325x96xf32> -> vector<325x480xf32>
    %get3A_3115 = arith.constant 0 : index
    %get3A_3116 = arith.constant 0 : index
    %get3A_3117 = vector.load %arg11[%get3A_3115, %get3A_3116] : memref<480x96xf32, #tpu.memory_space<vmem>>, vector<480x96xf32>
    %dot_general3A_3118 = arith.constant dense<0.000000e+00> : vector<325x96xf32>
    %dot_general3A_3119 = tpu.matmul %concatenate3A_3114, %get3A_3117, %dot_general3A_3118 {dimension_numbers = #tpu.dot_dimension_numbers<[1], [0], [0], [1], [0, 0, 1, 1], [], []>, transpose_lhs_hint = false} : vector<325x480xf32>, vector<480x96xf32>, vector<325x96xf32> -> vector<325x96xf32>
    %get3A_3120 = arith.constant 0 : index
    %get3A_3121 = arith.constant 0 : index
    %get3A_3122 = vector.load %arg12[%get3A_3120, %get3A_3121] : memref<1x96xf32, #tpu.memory_space<vmem>>, vector<1x96xf32>
    %add3A_3123 = vector.broadcast %get3A_3122 : vector<1x96xf32> to vector<325x96xf32>
    %add3A_3124 = arith.addf %dot_general3A_3119, %add3A_3123 : vector<325x96xf32>
    %concatenate3A_3125 = tpu.concatenate %dot_general3A_3106, %dot_general3A_3113 in 1 : vector<325x96xf32>, vector<325x96xf32> -> vector<325x192xf32>
    %get3A_3126 = arith.constant 0 : index
    %get3A_3127 = arith.constant 0 : index
    %get3A_3128 = vector.load %arg13[%get3A_3126, %get3A_3127] : memref<192x96xf32, #tpu.memory_space<vmem>>, vector<192x96xf32>
    %dot_general3A_3129 = arith.constant dense<0.000000e+00> : vector<325x96xf32>
    %dot_general3A_3130 = tpu.matmul %concatenate3A_3125, %get3A_3128, %dot_general3A_3129 {dimension_numbers = #tpu.dot_dimension_numbers<[1], [0], [0], [1], [0, 0, 1, 1], [], []>, transpose_lhs_hint = false} : vector<325x192xf32>, vector<192x96xf32>, vector<325x96xf32> -> vector<325x96xf32>
    %get3A_3131 = arith.constant 0 : index
    %get3A_3132 = arith.constant 0 : index
    %get3A_3133 = vector.load %arg14[%get3A_3131, %get3A_3132] : memref<1x96xf32, #tpu.memory_space<vmem>>, vector<1x96xf32>
    %add3A_3134 = vector.broadcast %get3A_3133 : vector<1x96xf32> to vector<325x96xf32>
    %add3A_3135 = arith.addf %dot_general3A_3130, %add3A_3134 : vector<325x96xf32>
    %add3A_3136 = arith.addf %add3A_3124, %add3A_3135 : vector<325x96xf32>
    %get3A_3137 = arith.constant 10 : index
    %get3A_3138 = arith.constant 0 : index
    %get3A_3139 = arith.constant 0 : index
    %get3A_3140 = vector.load %arg20[%get3A_3137, %get3A_3138, %get3A_3139] : memref<12x325x96xf32, #tpu.memory_space<vmem>>, vector<1x325x96xf32>
    %get3A_3141 = vector.shape_cast %get3A_3140 : vector<1x325x96xf32> to vector<325x96xf32>
    %add3A_3142 = arith.addf %add3A_3136, %get3A_3141 : vector<325x96xf32>
    %swap3A_3143 = arith.constant 0 : index
    %swap3A_3144 = arith.constant 10 : index
    %swap3A_3145 = arith.constant 0 : index
    %swap3A_3146 = arith.constant 0 : index
    %swap3A_3147 = vector.load %arg15[%swap3A_3143, %swap3A_3144, %swap3A_3145, %swap3A_3146] : memref<1x12x325x96xf32, #tpu.memory_space<vmem>>, vector<1x1x325x96xf32>
    %swap3A_3148 = vector.shape_cast %swap3A_3147 : vector<1x1x325x96xf32> to vector<325x96xf32>
    %swap3A_3149 = vector.shape_cast %add3A_3142 : vector<325x96xf32> to vector<1x1x325x96xf32>
    tpu.vector_store %arg15[%swap3A_3143, %swap3A_3144, %swap3A_3145, %swap3A_3146], %swap3A_3149 {strides = array<i32>} : memref<1x12x325x96xf32, #tpu.memory_space<vmem>>, vector<1x1x325x96xf32>,
    %reduce_sum3A_3150 = arith.constant dense<0.000000e+00> : vector<96xf32>
    %reduce_sum3A_3151 = vector.multi_reduction <add>, %add3A_3142, %reduce_sum3A_3150 [0] : vector<325x96xf32> to vector<96xf32>
    %add3A_3152 = arith.addf %add3A_3062, %reduce_sum3A_3151 : vector<96xf32>
    %mul3A_3153 = arith.mulf %add3A_3142, %add3A_3142 : vector<325x96xf32>
    %reduce_sum3A_3154 = arith.constant dense<0.000000e+00> : vector<96xf32>
    %reduce_sum3A_3155 = vector.multi_reduction <add>, %mul3A_3153, %reduce_sum3A_3154 [0] : vector<325x96xf32> to vector<96xf32>
    %add3A_3156 = arith.addf %add3A_3066, %reduce_sum3A_3155 : vector<96xf32>
    %get3A_3157 = arith.constant 11 : index
    %get3A_3158 = arith.constant 0 : index
    %get3A_3159 = arith.constant 0 : index
    %get3A_3160 = vector.load %arg19[%get3A_3157, %get3A_3158, %get3A_3159] : memref<12x325x96xf32, #tpu.memory_space<vmem>>, vector<1x325x96xf32>
    %get3A_3161 = vector.shape_cast %get3A_3160 : vector<1x325x96xf32> to vector<325x96xf32>
    %get3A_3162 = arith.constant 0 : index
    %get3A_3163 = arith.constant 0 : index
    %get3A_3164 = arith.constant 0 : index
    %get3A_3165 = vector.load %arg10[%get3A_3162, %get3A_3163, %get3A_3164] : memref<3x325x325xf32, #tpu.memory_space<vmem>>, vector<1x325x325xf32>
    %get3A_3166 = vector.shape_cast %get3A_3165 : vector<1x325x325xf32> to vector<325x325xf32>
    %dot_general3A_3167 = arith.constant dense<0.000000e+00> : vector<325x96xf32>
    %dot_general3A_3168 = tpu.matmul %get3A_3166, %get3A_3161, %dot_general3A_3167 {dimension_numbers = #tpu.dot_dimension_numbers<[1], [0], [0], [1], [0, 0, 1, 1], [], []>, precision = #tpu.contract_precision<fp32>, transpose_lhs_hint = false} : vector<325x325xf32>, vector<325x96xf32>, vector<325x96xf32> -> vector<325x96xf32>
    %get3A_3169 = arith.constant 0 : index
    %get3A_3170 = arith.constant 0 : index
    %get3A_3171 = arith.constant 0 : index
    %get3A_3172 = vector.load %arg10[%get3A_3169, %get3A_3170, %get3A_3171] : memref<3x325x325xf32, #tpu.memory_space<vmem>>, vector<1x325x325xf32>
    %get3A_3173 = vector.shape_cast %get3A_3172 : vector<1x325x325xf32> to vector<325x325xf32>
    %dot_general3A_3174 = arith.constant dense<0.000000e+00> : vector<325x96xf32>
    %dot_general3A_3175 = tpu.matmul %get3A_3173, %dot_general3A_3168, %dot_general3A_3174 {dimension_numbers = #tpu.dot_dimension_numbers<[1], [0], [0], [1], [0, 0, 1, 1], [], []>, precision = #tpu.contract_precision<fp32>, transpose_lhs_hint = false} : vector<325x325xf32>, vector<325x96xf32>, vector<325x96xf32> -> vector<325x96xf32>
    %get3A_3176 = arith.constant 1 : index
    %get3A_3177 = arith.constant 0 : index
    %get3A_3178 = arith.constant 0 : index
    %get3A_3179 = vector.load %arg10[%get3A_3176, %get3A_3177, %get3A_3178] : memref<3x325x325xf32, #tpu.memory_space<vmem>>, vector<1x325x325xf32>
    %get3A_3180 = vector.shape_cast %get3A_3179 : vector<1x325x325xf32> to vector<325x325xf32>
    %dot_general3A_3181 = arith.constant dense<0.000000e+00> : vector<325x96xf32>
    %dot_general3A_3182 = tpu.matmul %get3A_3180, %get3A_3161, %dot_general3A_3181 {dimension_numbers = #tpu.dot_dimension_numbers<[1], [0], [0], [1], [0, 0, 1, 1], [], []>, precision = #tpu.contract_precision<fp32>, transpose_lhs_hint = false} : vector<325x325xf32>, vector<325x96xf32>, vector<325x96xf32> -> vector<325x96xf32>
    %get3A_3183 = arith.constant 1 : index
    %get3A_3184 = arith.constant 0 : index
    %get3A_3185 = arith.constant 0 : index
    %get3A_3186 = vector.load %arg10[%get3A_3183, %get3A_3184, %get3A_3185] : memref<3x325x325xf32, #tpu.memory_space<vmem>>, vector<1x325x325xf32>
    %get3A_3187 = vector.shape_cast %get3A_3186 : vector<1x325x325xf32> to vector<325x325xf32>
    %dot_general3A_3188 = arith.constant dense<0.000000e+00> : vector<325x96xf32>
    %dot_general3A_3189 = tpu.matmul %get3A_3187, %dot_general3A_3182, %dot_general3A_3188 {dimension_numbers = #tpu.dot_dimension_numbers<[1], [0], [0], [1], [0, 0, 1, 1], [], []>, precision = #tpu.contract_precision<fp32>, transpose_lhs_hint = false} : vector<325x325xf32>, vector<325x96xf32>, vector<325x96xf32> -> vector<325x96xf32>
    %get3A_3190 = arith.constant 2 : index
    %get3A_3191 = arith.constant 0 : index
    %get3A_3192 = arith.constant 0 : index
    %get3A_3193 = vector.load %arg10[%get3A_3190, %get3A_3191, %get3A_3192] : memref<3x325x325xf32, #tpu.memory_space<vmem>>, vector<1x325x325xf32>
    %get3A_3194 = vector.shape_cast %get3A_3193 : vector<1x325x325xf32> to vector<325x325xf32>
    %dot_general3A_3195 = arith.constant dense<0.000000e+00> : vector<325x96xf32>
    %dot_general3A_3196 = tpu.matmul %get3A_3194, %get3A_3161, %dot_general3A_3195 {dimension_numbers = #tpu.dot_dimension_numbers<[1], [0], [0], [1], [0, 0, 1, 1], [], []>, transpose_lhs_hint = false} : vector<325x325xf32>, vector<325x96xf32>, vector<325x96xf32> -> vector<325x96xf32>
    %get3A_3197 = arith.constant 2 : index
    %get3A_3198 = arith.constant 0 : index
    %get3A_3199 = arith.constant 0 : index
    %get3A_3200 = vector.load %arg10[%get3A_3197, %get3A_3198, %get3A_3199] : memref<3x325x325xf32, #tpu.memory_space<vmem>>, vector<1x325x325xf32>
    %get3A_3201 = vector.shape_cast %get3A_3200 : vector<1x325x325xf32> to vector<325x325xf32>
    %dot_general3A_3202 = arith.constant dense<0.000000e+00> : vector<325x96xf32>
    %dot_general3A_3203 = tpu.matmul %get3A_3201, %dot_general3A_3196, %dot_general3A_3202 {dimension_numbers = #tpu.dot_dimension_numbers<[1], [0], [0], [1], [0, 0, 1, 1], [], []>, transpose_lhs_hint = false} : vector<325x325xf32>, vector<325x96xf32>, vector<325x96xf32> -> vector<325x96xf32>
    %concatenate3A_3204 = tpu.concatenate %get3A_3161, %dot_general3A_3168, %dot_general3A_3175, %dot_general3A_3182, %dot_general3A_3189 in 1 : vector<325x96xf32>, vector<325x96xf32>, vector<325x96xf32>, vector<325x96xf32>, vector<325x96xf32> -> vector<325x480xf32>
    %get3A_3205 = arith.constant 0 : index
    %get3A_3206 = arith.constant 0 : index
    %get3A_3207 = vector.load %arg11[%get3A_3205, %get3A_3206] : memref<480x96xf32, #tpu.memory_space<vmem>>, vector<480x96xf32>
    %dot_general3A_3208 = arith.constant dense<0.000000e+00> : vector<325x96xf32>
    %dot_general3A_3209 = tpu.matmul %concatenate3A_3204, %get3A_3207, %dot_general3A_3208 {dimension_numbers = #tpu.dot_dimension_numbers<[1], [0], [0], [1], [0, 0, 1, 1], [], []>, transpose_lhs_hint = false} : vector<325x480xf32>, vector<480x96xf32>, vector<325x96xf32> -> vector<325x96xf32>
    %get3A_3210 = arith.constant 0 : index
    %get3A_3211 = arith.constant 0 : index
    %get3A_3212 = vector.load %arg12[%get3A_3210, %get3A_3211] : memref<1x96xf32, #tpu.memory_space<vmem>>, vector<1x96xf32>
    %add3A_3213 = vector.broadcast %get3A_3212 : vector<1x96xf32> to vector<325x96xf32>
    %add3A_3214 = arith.addf %dot_general3A_3209, %add3A_3213 : vector<325x96xf32>
    %concatenate3A_3215 = tpu.concatenate %dot_general3A_3196, %dot_general3A_3203 in 1 : vector<325x96xf32>, vector<325x96xf32> -> vector<325x192xf32>
    %get3A_3216 = arith.constant 0 : index
    %get3A_3217 = arith.constant 0 : index
    %get3A_3218 = vector.load %arg13[%get3A_3216, %get3A_3217] : memref<192x96xf32, #tpu.memory_space<vmem>>, vector<192x96xf32>
    %dot_general3A_3219 = arith.constant dense<0.000000e+00> : vector<325x96xf32>
    %dot_general3A_3220 = tpu.matmul %concatenate3A_3215, %get3A_3218, %dot_general3A_3219 {dimension_numbers = #tpu.dot_dimension_numbers<[1], [0], [0], [1], [0, 0, 1, 1], [], []>, transpose_lhs_hint = false} : vector<325x192xf32>, vector<192x96xf32>, vector<325x96xf32> -> vector<325x96xf32>
    %get3A_3221 = arith.constant 0 : index
    %get3A_3222 = arith.constant 0 : index
    %get3A_3223 = vector.load %arg14[%get3A_3221, %get3A_3222] : memref<1x96xf32, #tpu.memory_space<vmem>>, vector<1x96xf32>
    %add3A_3224 = vector.broadcast %get3A_3223 : vector<1x96xf32> to vector<325x96xf32>
    %add3A_3225 = arith.addf %dot_general3A_3220, %add3A_3224 : vector<325x96xf32>
    %add3A_3226 = arith.addf %add3A_3214, %add3A_3225 : vector<325x96xf32>
    %get3A_3227 = arith.constant 11 : index
    %get3A_3228 = arith.constant 0 : index
    %get3A_3229 = arith.constant 0 : index
    %get3A_3230 = vector.load %arg20[%get3A_3227, %get3A_3228, %get3A_3229] : memref<12x325x96xf32, #tpu.memory_space<vmem>>, vector<1x325x96xf32>
    %get3A_3231 = vector.shape_cast %get3A_3230 : vector<1x325x96xf32> to vector<325x96xf32>
    %add3A_3232 = arith.addf %add3A_3226, %get3A_3231 : vector<325x96xf32>
    %swap3A_3233 = arith.constant 0 : index
    %swap3A_3234 = arith.constant 11 : index
    %swap3A_3235 = arith.constant 0 : index
    %swap3A_3236 = arith.constant 0 : index
    %swap3A_3237 = vector.load %arg15[%swap3A_3233, %swap3A_3234, %swap3A_3235, %swap3A_3236] : memref<1x12x325x96xf32, #tpu.memory_space<vmem>>, vector<1x1x325x96xf32>
    %swap3A_3238 = vector.shape_cast %swap3A_3237 : vector<1x1x325x96xf32> to vector<325x96xf32>
    %swap3A_3239 = vector.shape_cast %add3A_3232 : vector<325x96xf32> to vector<1x1x325x96xf32>
    tpu.vector_store %arg15[%swap3A_3233, %swap3A_3234, %swap3A_3235, %swap3A_3236], %swap3A_3239 {strides = array<i32>} : memref<1x12x325x96xf32, #tpu.memory_space<vmem>>, vector<1x1x325x96xf32>,
    %reduce_sum3A_3240 = arith.constant dense<0.000000e+00> : vector<96xf32>
    %reduce_sum3A_3241 = vector.multi_reduction <add>, %add3A_3232, %reduce_sum3A_3240 [0] : vector<325x96xf32> to vector<96xf32>
    %add3A_3242 = arith.addf %add3A_3152, %reduce_sum3A_3241 : vector<96xf32>
    %mul3A_3243 = arith.mulf %add3A_3232, %add3A_3232 : vector<325x96xf32>
    %reduce_sum3A_3244 = arith.constant dense<0.000000e+00> : vector<96xf32>
    %reduce_sum3A_3245 = vector.multi_reduction <add>, %mul3A_3243, %reduce_sum3A_3244 [0] : vector<325x96xf32> to vector<96xf32>
    %add3A_3246 = arith.addf %add3A_3156, %reduce_sum3A_3245 : vector<96xf32>
    %stack3A = vector.shape_cast %add3A_3242 : vector<96xf32> to vector<1x96xf32>
    %stack3A_3247 = vector.shape_cast %add3A_3246 : vector<96xf32> to vector<1x96xf32>
    %stack3A_3248 = tpu.concatenate %stack3A, %stack3A_3247 in 0 : vector<1x96xf32>, vector<1x96xf32> -> vector<2x96xf32>
    %eq3A = arith.constant 0 : i32
    %eq3A_3249 = arith.cmpi eq, %arg0, %eq3A : i32
    %convert_element_type3A_3250 = arith.extui %eq3A_3249 : i1 to i32
    %cond3A = arith.constant 0 : i32
    %cond3A_3251 = arith.cmpi ne, %convert_element_type3A_3250, %cond3A : i32
    scf.if %cond3A_3251 {
      %swap3A_3256 = arith.constant 0 : index
      %swap3A_3257 = arith.constant 0 : index
      %swap3A_3258 = vector.load %arg17[%swap3A_3256, %swap3A_3257] : memref<2x96xf32, #tpu.memory_space<vmem>>, vector<2x96xf32>
      tpu.vector_store %arg17[%swap3A_3256, %swap3A_3257], %stack3A_3248 {strides = array<i32>} : memref<2x96xf32, #tpu.memory_space<vmem>>, vector<2x96xf32>,
    } else {
    }
    %ne3A = arith.constant 0 : i32
    %ne3A_3252 = arith.cmpi ne, %arg0, %ne3A : i32
    %convert_element_type3A_3253 = arith.extui %ne3A_3252 : i1 to i32
    %cond3A_3254 = arith.constant 0 : i32
    %cond3A_3255 = arith.cmpi ne, %convert_element_type3A_3253, %cond3A_3254 : i32
    scf.if %cond3A_3255 {
      %get3A_3256 = arith.constant 0 : index
      %get3A_3257 = arith.constant 0 : index
      %get3A_3258 = vector.load %arg17[%get3A_3256, %get3A_3257] : memref<2x96xf32, #tpu.memory_space<vmem>>, vector<2x96xf32>
      %add3A_3259 = arith.addf %get3A_3258, %stack3A_3248 : vector<2x96xf32>
      %swap3A_3260 = arith.constant 0 : index
      %swap3A_3261 = arith.constant 0 : index
      %swap3A_3262 = vector.load %arg17[%swap3A_3260, %swap3A_3261] : memref<2x96xf32, #tpu.memory_space<vmem>>, vector<2x96xf32>
      tpu.vector_store %arg17[%swap3A_3260, %swap3A_3261], %add3A_3259 {strides = array<i32>} : memref<2x96xf32, #tpu.memory_space<vmem>>, vector<2x96xf32>,
    } else {
    }
    return
  }
  func.func @transform_0(%arg0: i32) -> (i32, i32, i32, i32) {
    %c0_i32 = arith.constant 0 : i32
    %c0_i32_0 = arith.constant 0 : i32
    %c0_i32_1 = arith.constant 0 : i32
    %c0_i32_2 = arith.constant 0 : i32
    return %arg0, %c0_i32, %c0_i32_0, %c0_i32_1 : i32, i32, i32, i32
  }
  func.func @transform_1(%arg0: i32) -> (i32, i32) {
    %c0_i32 = arith.constant 0 : i32
    %c0_i32_0 = arith.constant 0 : i32
    %c0_i32_1 = arith.constant 0 : i32
    return %c0_i32, %c0_i32_0 : i32, i32
  }
  func.func @transform_2(%arg0: i32) -> (i32, i32) {
    %c0_i32 = arith.constant 0 : i32
    %c0_i32_0 = arith.constant 0 : i32
    %c0_i32_1 = arith.constant 0 : i32
    return %c0_i32, %c0_i32_0 : i32, i32
  }
  func.func @transform_3(%arg0: i32) -> (i32, i32) {
    %c0_i32 = arith.constant 0 : i32
    %c0_i32_0 = arith.constant 0 : i32
    %c0_i32_1 = arith.constant 0 : i32
    return %c0_i32, %c0_i32_0 : i32, i32
  }
  func.func @transform_4(%arg0: i32) -> (i32, i32) {
    %c0_i32 = arith.constant 0 : i32
    %c0_i32_0 = arith.constant 0 : i32
    %c0_i32_1 = arith.constant 0 : i32
    return %c0_i32, %c0_i32_0 : i32, i32
  }
  func.func @transform_5(%arg0: i32) -> (i32, i32, i32) {
    %c0_i32 = arith.constant 0 : i32
    %c0_i32_0 = arith.constant 0 : i32
    %c0_i32_1 = arith.constant 0 : i32
    %c0_i32_2 = arith.constant 0 : i32
    return %c0_i32, %c0_i32_0, %c0_i32_1 : i32, i32, i32
  }
  func.func @transform_6(%arg0: i32) -> (i32, i32) {
    %c0_i32 = arith.constant 0 : i32
    %c0_i32_0 = arith.constant 0 : i32
    %c0_i32_1 = arith.constant 0 : i32
    return %c0_i32, %c0_i32_0 : i32, i32
  }
  func.func @transform_7(%arg0: i32) -> (i32, i32) {
    %c0_i32 = arith.constant 0 : i32
    %c0_i32_0 = arith.constant 0 : i32
    %c0_i32_1 = arith.constant 0 : i32
    return %c0_i32, %c0_i32_0 : i32, i32
  }
  func.func @transform_8(%arg0: i32) -> (i32, i32) {
    %c0_i32 = arith.constant 0 : i32
    %c0_i32_0 = arith.constant 0 : i32
    %c0_i32_1 = arith.constant 0 : i32
    return %c0_i32, %c0_i32_0 : i32, i32
  }
  func.func @transform_9(%arg0: i32) -> (i32, i32, i32) {
    %c0_i32 = arith.constant 0 : i32
    %c0_i32_0 = arith.constant 0 : i32
    %c0_i32_1 = arith.constant 0 : i32
    %c0_i32_2 = arith.constant 0 : i32
    return %c0_i32, %c0_i32_0, %c0_i32_1 : i32, i32, i32
  }
  func.func @transform_10(%arg0: i32) -> (i32, i32) {
    %c0_i32 = arith.constant 0 : i32
    %c0_i32_0 = arith.constant 0 : i32
    %c0_i32_1 = arith.constant 0 : i32
    return %c0_i32, %c0_i32_0 : i32, i32
  }
  func.func @transform_11(%arg0: i32) -> (i32, i32) {
    %c0_i32 = arith.constant 0 : i32
    %c0_i32_0 = arith.constant 0 : i32
    %c0_i32_1 = arith.constant 0 : i32
    return %c0_i32, %c0_i32_0 : i32, i32
  }
  func.func @transform_12(%arg0: i32) -> (i32, i32) {
    %c0_i32 = arith.constant 0 : i32
    %c0_i32_0 = arith.constant 0 : i32
    %c0_i32_1 = arith.constant 0 : i32
    return %c0_i32, %c0_i32_0 : i32, i32
  }
  func.func @transform_13(%arg0: i32) -> (i32, i32) {
    %c0_i32 = arith.constant 0 : i32
    %c0_i32_0 = arith.constant 0 : i32
    %c0_i32_1 = arith.constant 0 : i32
    return %c0_i32, %c0_i32_0 : i32, i32
  }
  func.func @transform_14(%arg0: i32) -> (i32, i32, i32, i32) {
    %c0_i32 = arith.constant 0 : i32
    %c0_i32_0 = arith.constant 0 : i32
    %c0_i32_1 = arith.constant 0 : i32
    %c0_i32_2 = arith.constant 0 : i32
    return %arg0, %c0_i32, %c0_i32_0, %c0_i32_1 : i32, i32, i32, i32
  }
  func.func @transform_15(%arg0: i32) -> (i32, i32, i32) {
    %c0_i32 = arith.constant 0 : i32
    %c0_i32_0 = arith.constant 0 : i32
    %c0_i32_1 = arith.constant 0 : i32
    return %arg0, %c0_i32, %c0_i32_0 : i32, i32, i32
  }
  func.func @transform_16(%arg0: i32) -> (i32, i32) {
    %c0_i32 = arith.constant 0 : i32
    %c0_i32_0 = arith.constant 0 : i32
    %c0_i32_1 = arith.constant 0 : i32
    return %c0_i32, %c0_i32_0 : i32, i32
  }
}

module attributes {stable_mosaic.version = 14 : i64} {
  func.func @_block2_body(%arg0: i32, %arg1: memref<1x12x325x96xf32, #tpu.memory_space<vmem>>, %arg2: memref<2x96xf32, #tpu.memory_space<vmem>>, %arg3: memref<1x96xf32, #tpu.memory_space<vmem>>, %arg4: memref<1x96xf32, #tpu.memory_space<vmem>>, %arg5: memref<325x32xf32, #tpu.memory_space<vmem>>, %arg6: memref<3x128x128xf32, #tpu.memory_space<vmem>>, %arg7: memref<3x128xf32, #tpu.memory_space<vmem>>, %arg8: memref<128x64xf32, #tpu.memory_space<vmem>>, %arg9: memref<1x64xf32, #tpu.memory_space<vmem>>, %arg10: memref<1x325x64xf32, #tpu.memory_space<vmem>>, %arg11: memref<64x128xf32, #tpu.memory_space<vmem>>, %arg12: memref<1x128xf32, #tpu.memory_space<vmem>>, %arg13: memref<128x24xf32, #tpu.memory_space<vmem>>, %arg14: memref<1x24xf32, #tpu.memory_space<vmem>>, %arg15: memref<1x325x24xf32, #tpu.memory_space<vmem>>, %arg16: memref<12x325x128xf32, #tpu.memory_space<vmem>>, %arg17: memref<12x325x128xf32, #tpu.memory_space<vmem>>) attributes {dimension_semantics = [#tpu.dimension_semantics<arbitrary>], iteration_bounds = array<i64: 16>, scalar_prefetch = 0 : i64, scratch_operands = 2 : i64, tpu.core_type = #tpu.core_type<tc>, window_params = [{transform_indices = @transform_0, window_bounds = array<i64: 1, 12, 325, 96>}, {pipeline_mode = #tpu.pipeline_mode<synchronous>, transform_indices = @transform_1, window_bounds = array<i64: 2, 96>}, {pipeline_mode = #tpu.pipeline_mode<synchronous>, transform_indices = @transform_2, window_bounds = array<i64: 1, 96>}, {pipeline_mode = #tpu.pipeline_mode<synchronous>, transform_indices = @transform_3, window_bounds = array<i64: 1, 96>}, {pipeline_mode = #tpu.pipeline_mode<synchronous>, transform_indices = @transform_4, window_bounds = array<i64: 325, 32>}, {pipeline_mode = #tpu.pipeline_mode<synchronous>, transform_indices = @transform_5, window_bounds = array<i64: 3, 128, 128>}, {pipeline_mode = #tpu.pipeline_mode<synchronous>, transform_indices = @transform_6, window_bounds = array<i64: 3, 128>}, {pipeline_mode = #tpu.pipeline_mode<synchronous>, transform_indices = @transform_7, window_bounds = array<i64: 128, 64>}, {pipeline_mode = #tpu.pipeline_mode<synchronous>, transform_indices = @transform_8, window_bounds = array<i64: 1, 64>}, {transform_indices = @transform_9, window_bounds = array<i64: 1, 325, 64>}, {pipeline_mode = #tpu.pipeline_mode<synchronous>, transform_indices = @transform_10, window_bounds = array<i64: 64, 128>}, {pipeline_mode = #tpu.pipeline_mode<synchronous>, transform_indices = @transform_11, window_bounds = array<i64: 1, 128>}, {pipeline_mode = #tpu.pipeline_mode<synchronous>, transform_indices = @transform_12, window_bounds = array<i64: 128, 24>}, {pipeline_mode = #tpu.pipeline_mode<synchronous>, transform_indices = @transform_13, window_bounds = array<i64: 1, 24>}, {transform_indices = @transform_14, window_bounds = array<i64: 1, 325, 24>}]} {
    %get3A = arith.constant 0 : index
    %get3A_0 = arith.constant 0 : index
    %get3A_1 = vector.load %arg2[%get3A, %get3A_0] : memref<2x96xf32, #tpu.memory_space<vmem>>, vector<1x96xf32>
    %get3A_2 = vector.shape_cast %get3A_1 : vector<1x96xf32> to vector<96xf32>
    %div3A = arith.constant 6.240000e+04 : f32
    %div3A_3 = vector.broadcast %div3A : f32 to vector<96xf32>
    %div3A_4 = arith.divf %get3A_2, %div3A_3 : vector<96xf32>
    %get3A_5 = arith.constant 1 : index
    %get3A_6 = arith.constant 0 : index
    %get3A_7 = vector.load %arg2[%get3A_5, %get3A_6] : memref<2x96xf32, #tpu.memory_space<vmem>>, vector<1x96xf32>
    %get3A_8 = vector.shape_cast %get3A_7 : vector<1x96xf32> to vector<96xf32>
    %div3A_9 = arith.constant 6.240000e+04 : f32
    %div3A_10 = vector.broadcast %div3A_9 : f32 to vector<96xf32>
    %div3A_11 = arith.divf %get3A_8, %div3A_10 : vector<96xf32>
    %mul3A = arith.mulf %div3A_4, %div3A_4 : vector<96xf32>
    %sub3A = arith.subf %div3A_11, %mul3A : vector<96xf32>
    %add3A = arith.constant 9.99999974E-6 : f32
    %add3A_12 = vector.broadcast %add3A : f32 to vector<96xf32>
    %add3A_13 = arith.addf %sub3A, %add3A_12 : vector<96xf32>
    %sqrt3A = math.sqrt %add3A_13 : vector<96xf32>
    %get3A_14 = arith.constant 0 : index
    %get3A_15 = arith.constant 0 : index
    %get3A_16 = vector.load %arg3[%get3A_14, %get3A_15] : memref<1x96xf32, #tpu.memory_space<vmem>>, vector<1x96xf32>
    %get3A_17 = vector.shape_cast %get3A_16 : vector<1x96xf32> to vector<96xf32>
    %get3A_18 = arith.constant 0 : index
    %get3A_19 = arith.constant 0 : index
    %get3A_20 = vector.load %arg4[%get3A_18, %get3A_19] : memref<1x96xf32, #tpu.memory_space<vmem>>, vector<1x96xf32>
    %get3A_21 = vector.shape_cast %get3A_20 : vector<1x96xf32> to vector<96xf32>
    %get3A_22 = arith.constant 0 : index
    %get3A_23 = arith.constant 0 : index
    %get3A_24 = vector.load %arg5[%get3A_22, %get3A_23] : memref<325x32xf32, #tpu.memory_space<vmem>>, vector<325x32xf32>
    %get3A_25 = arith.constant 0 : index
    %get3A_26 = arith.constant 0 : index
    %get3A_27 = arith.constant 0 : index
    %get3A_28 = arith.constant 0 : index
    %get3A_29 = vector.load %arg1[%get3A_25, %get3A_26, %get3A_27, %get3A_28] : memref<1x12x325x96xf32, #tpu.memory_space<vmem>>, vector<1x1x325x96xf32>
    %get3A_30 = vector.shape_cast %get3A_29 : vector<1x1x325x96xf32> to vector<325x96xf32>
    %broadcast_in_dim3A = vector.shape_cast %div3A_4 : vector<96xf32> to vector<1x96xf32>
    %sub3A_31 = vector.broadcast %broadcast_in_dim3A : vector<1x96xf32> to vector<325x96xf32>
    %sub3A_32 = arith.subf %get3A_30, %sub3A_31 : vector<325x96xf32>
    %broadcast_in_dim3A_33 = vector.shape_cast %sqrt3A : vector<96xf32> to vector<1x96xf32>
    %div3A_34 = vector.broadcast %broadcast_in_dim3A_33 : vector<1x96xf32> to vector<325x96xf32>
    %div3A_35 = arith.divf %sub3A_32, %div3A_34 : vector<325x96xf32>
    %broadcast_in_dim3A_36 = vector.shape_cast %get3A_17 : vector<96xf32> to vector<1x96xf32>
    %mul3A_37 = vector.broadcast %broadcast_in_dim3A_36 : vector<1x96xf32> to vector<325x96xf32>
    %mul3A_38 = arith.mulf %div3A_35, %mul3A_37 : vector<325x96xf32>
    %broadcast_in_dim3A_39 = vector.shape_cast %get3A_21 : vector<96xf32> to vector<1x96xf32>
    %add3A_40 = vector.broadcast %broadcast_in_dim3A_39 : vector<1x96xf32> to vector<325x96xf32>
    %add3A_41 = arith.addf %mul3A_38, %add3A_40 : vector<325x96xf32>
    %concatenate3A = tpu.concatenate %add3A_41, %get3A_24 in 1 : vector<325x96xf32>, vector<325x32xf32> -> vector<325x128xf32>
    %get3A_42 = arith.constant 0 : index
    %get3A_43 = arith.constant 0 : index
    %get3A_44 = arith.constant 0 : index
    %get3A_45 = vector.load %arg6[%get3A_42, %get3A_43, %get3A_44] : memref<3x128x128xf32, #tpu.memory_space<vmem>>, vector<1x128x128xf32>
    %get3A_46 = vector.shape_cast %get3A_45 : vector<1x128x128xf32> to vector<128x128xf32>
    %dot_general3A = arith.constant dense<0.000000e+00> : vector<325x128xf32>
    %dot_general3A_47 = tpu.matmul %concatenate3A, %get3A_46, %dot_general3A {dimension_numbers = #tpu.dot_dimension_numbers<[1], [0], [0], [1], [0, 0, 1, 1], [], []>, transpose_lhs_hint = false} : vector<325x128xf32>, vector<128x128xf32>, vector<325x128xf32> -> vector<325x128xf32>
    %get3A_48 = arith.constant 0 : index
    %get3A_49 = arith.constant 0 : index
    %get3A_50 = vector.load %arg7[%get3A_48, %get3A_49] : memref<3x128xf32, #tpu.memory_space<vmem>>, vector<1x128xf32>
    %get3A_51 = vector.shape_cast %get3A_50 : vector<1x128xf32> to vector<128xf32>
    %broadcast_in_dim3A_52 = vector.shape_cast %get3A_51 : vector<128xf32> to vector<1x128xf32>
    %add3A_53 = vector.broadcast %broadcast_in_dim3A_52 : vector<1x128xf32> to vector<325x128xf32>
    %add3A_54 = arith.addf %dot_general3A_47, %add3A_53 : vector<325x128xf32>
    %swap3A = arith.constant 0 : index
    %swap3A_55 = arith.constant 0 : index
    %swap3A_56 = arith.constant 0 : index
    %swap3A_57 = vector.load %arg16[%swap3A, %swap3A_55, %swap3A_56] : memref<12x325x128xf32, #tpu.memory_space<vmem>>, vector<1x325x128xf32>
    %swap3A_58 = vector.shape_cast %swap3A_57 : vector<1x325x128xf32> to vector<325x128xf32>
    %swap3A_59 = vector.shape_cast %add3A_54 : vector<325x128xf32> to vector<1x325x128xf32>
    tpu.vector_store %arg16[%swap3A, %swap3A_55, %swap3A_56], %swap3A_59 {strides = array<i32>} : memref<12x325x128xf32, #tpu.memory_space<vmem>>, vector<1x325x128xf32>,
    %get3A_60 = arith.constant 0 : index
    %get3A_61 = arith.constant 1 : index
    %get3A_62 = arith.constant 0 : index
    %get3A_63 = arith.constant 0 : index
    %get3A_64 = vector.load %arg1[%get3A_60, %get3A_61, %get3A_62, %get3A_63] : memref<1x12x325x96xf32, #tpu.memory_space<vmem>>, vector<1x1x325x96xf32>
    %get3A_65 = vector.shape_cast %get3A_64 : vector<1x1x325x96xf32> to vector<325x96xf32>
    %broadcast_in_dim3A_66 = vector.shape_cast %div3A_4 : vector<96xf32> to vector<1x96xf32>
    %sub3A_67 = vector.broadcast %broadcast_in_dim3A_66 : vector<1x96xf32> to vector<325x96xf32>
    %sub3A_68 = arith.subf %get3A_65, %sub3A_67 : vector<325x96xf32>
    %broadcast_in_dim3A_69 = vector.shape_cast %sqrt3A : vector<96xf32> to vector<1x96xf32>
    %div3A_70 = vector.broadcast %broadcast_in_dim3A_69 : vector<1x96xf32> to vector<325x96xf32>
    %div3A_71 = arith.divf %sub3A_68, %div3A_70 : vector<325x96xf32>
    %broadcast_in_dim3A_72 = vector.shape_cast %get3A_17 : vector<96xf32> to vector<1x96xf32>
    %mul3A_73 = vector.broadcast %broadcast_in_dim3A_72 : vector<1x96xf32> to vector<325x96xf32>
    %mul3A_74 = arith.mulf %div3A_71, %mul3A_73 : vector<325x96xf32>
    %broadcast_in_dim3A_75 = vector.shape_cast %get3A_21 : vector<96xf32> to vector<1x96xf32>
    %add3A_76 = vector.broadcast %broadcast_in_dim3A_75 : vector<1x96xf32> to vector<325x96xf32>
    %add3A_77 = arith.addf %mul3A_74, %add3A_76 : vector<325x96xf32>
    %concatenate3A_78 = tpu.concatenate %add3A_77, %get3A_24 in 1 : vector<325x96xf32>, vector<325x32xf32> -> vector<325x128xf32>
    %get3A_79 = arith.constant 0 : index
    %get3A_80 = arith.constant 0 : index
    %get3A_81 = arith.constant 0 : index
    %get3A_82 = vector.load %arg6[%get3A_79, %get3A_80, %get3A_81] : memref<3x128x128xf32, #tpu.memory_space<vmem>>, vector<1x128x128xf32>
    %get3A_83 = vector.shape_cast %get3A_82 : vector<1x128x128xf32> to vector<128x128xf32>
    %dot_general3A_84 = arith.constant dense<0.000000e+00> : vector<325x128xf32>
    %dot_general3A_85 = tpu.matmul %concatenate3A_78, %get3A_83, %dot_general3A_84 {dimension_numbers = #tpu.dot_dimension_numbers<[1], [0], [0], [1], [0, 0, 1, 1], [], []>, transpose_lhs_hint = false} : vector<325x128xf32>, vector<128x128xf32>, vector<325x128xf32> -> vector<325x128xf32>
    %get3A_86 = arith.constant 0 : index
    %get3A_87 = arith.constant 0 : index
    %get3A_88 = vector.load %arg7[%get3A_86, %get3A_87] : memref<3x128xf32, #tpu.memory_space<vmem>>, vector<1x128xf32>
    %get3A_89 = vector.shape_cast %get3A_88 : vector<1x128xf32> to vector<128xf32>
    %broadcast_in_dim3A_90 = vector.shape_cast %get3A_89 : vector<128xf32> to vector<1x128xf32>
    %add3A_91 = vector.broadcast %broadcast_in_dim3A_90 : vector<1x128xf32> to vector<325x128xf32>
    %add3A_92 = arith.addf %dot_general3A_85, %add3A_91 : vector<325x128xf32>
    %swap3A_93 = arith.constant 1 : index
    %swap3A_94 = arith.constant 0 : index
    %swap3A_95 = arith.constant 0 : index
    %swap3A_96 = vector.load %arg16[%swap3A_93, %swap3A_94, %swap3A_95] : memref<12x325x128xf32, #tpu.memory_space<vmem>>, vector<1x325x128xf32>
    %swap3A_97 = vector.shape_cast %swap3A_96 : vector<1x325x128xf32> to vector<325x128xf32>
    %swap3A_98 = vector.shape_cast %add3A_92 : vector<325x128xf32> to vector<1x325x128xf32>
    tpu.vector_store %arg16[%swap3A_93, %swap3A_94, %swap3A_95], %swap3A_98 {strides = array<i32>} : memref<12x325x128xf32, #tpu.memory_space<vmem>>, vector<1x325x128xf32>,
    %get3A_99 = arith.constant 0 : index
    %get3A_100 = arith.constant 2 : index
    %get3A_101 = arith.constant 0 : index
    %get3A_102 = arith.constant 0 : index
    %get3A_103 = vector.load %arg1[%get3A_99, %get3A_100, %get3A_101, %get3A_102] : memref<1x12x325x96xf32, #tpu.memory_space<vmem>>, vector<1x1x325x96xf32>
    %get3A_104 = vector.shape_cast %get3A_103 : vector<1x1x325x96xf32> to vector<325x96xf32>
    %broadcast_in_dim3A_105 = vector.shape_cast %div3A_4 : vector<96xf32> to vector<1x96xf32>
    %sub3A_106 = vector.broadcast %broadcast_in_dim3A_105 : vector<1x96xf32> to vector<325x96xf32>
    %sub3A_107 = arith.subf %get3A_104, %sub3A_106 : vector<325x96xf32>
    %broadcast_in_dim3A_108 = vector.shape_cast %sqrt3A : vector<96xf32> to vector<1x96xf32>
    %div3A_109 = vector.broadcast %broadcast_in_dim3A_108 : vector<1x96xf32> to vector<325x96xf32>
    %div3A_110 = arith.divf %sub3A_107, %div3A_109 : vector<325x96xf32>
    %broadcast_in_dim3A_111 = vector.shape_cast %get3A_17 : vector<96xf32> to vector<1x96xf32>
    %mul3A_112 = vector.broadcast %broadcast_in_dim3A_111 : vector<1x96xf32> to vector<325x96xf32>
    %mul3A_113 = arith.mulf %div3A_110, %mul3A_112 : vector<325x96xf32>
    %broadcast_in_dim3A_114 = vector.shape_cast %get3A_21 : vector<96xf32> to vector<1x96xf32>
    %add3A_115 = vector.broadcast %broadcast_in_dim3A_114 : vector<1x96xf32> to vector<325x96xf32>
    %add3A_116 = arith.addf %mul3A_113, %add3A_115 : vector<325x96xf32>
    %concatenate3A_117 = tpu.concatenate %add3A_116, %get3A_24 in 1 : vector<325x96xf32>, vector<325x32xf32> -> vector<325x128xf32>
    %get3A_118 = arith.constant 0 : index
    %get3A_119 = arith.constant 0 : index
    %get3A_120 = arith.constant 0 : index
    %get3A_121 = vector.load %arg6[%get3A_118, %get3A_119, %get3A_120] : memref<3x128x128xf32, #tpu.memory_space<vmem>>, vector<1x128x128xf32>
    %get3A_122 = vector.shape_cast %get3A_121 : vector<1x128x128xf32> to vector<128x128xf32>
    %dot_general3A_123 = arith.constant dense<0.000000e+00> : vector<325x128xf32>
    %dot_general3A_124 = tpu.matmul %concatenate3A_117, %get3A_122, %dot_general3A_123 {dimension_numbers = #tpu.dot_dimension_numbers<[1], [0], [0], [1], [0, 0, 1, 1], [], []>, transpose_lhs_hint = false} : vector<325x128xf32>, vector<128x128xf32>, vector<325x128xf32> -> vector<325x128xf32>
    %get3A_125 = arith.constant 0 : index
    %get3A_126 = arith.constant 0 : index
    %get3A_127 = vector.load %arg7[%get3A_125, %get3A_126] : memref<3x128xf32, #tpu.memory_space<vmem>>, vector<1x128xf32>
    %get3A_128 = vector.shape_cast %get3A_127 : vector<1x128xf32> to vector<128xf32>
    %broadcast_in_dim3A_129 = vector.shape_cast %get3A_128 : vector<128xf32> to vector<1x128xf32>
    %add3A_130 = vector.broadcast %broadcast_in_dim3A_129 : vector<1x128xf32> to vector<325x128xf32>
    %add3A_131 = arith.addf %dot_general3A_124, %add3A_130 : vector<325x128xf32>
    %swap3A_132 = arith.constant 2 : index
    %swap3A_133 = arith.constant 0 : index
    %swap3A_134 = arith.constant 0 : index
    %swap3A_135 = vector.load %arg16[%swap3A_132, %swap3A_133, %swap3A_134] : memref<12x325x128xf32, #tpu.memory_space<vmem>>, vector<1x325x128xf32>
    %swap3A_136 = vector.shape_cast %swap3A_135 : vector<1x325x128xf32> to vector<325x128xf32>
    %swap3A_137 = vector.shape_cast %add3A_131 : vector<325x128xf32> to vector<1x325x128xf32>
    tpu.vector_store %arg16[%swap3A_132, %swap3A_133, %swap3A_134], %swap3A_137 {strides = array<i32>} : memref<12x325x128xf32, #tpu.memory_space<vmem>>, vector<1x325x128xf32>,
    %get3A_138 = arith.constant 0 : index
    %get3A_139 = arith.constant 3 : index
    %get3A_140 = arith.constant 0 : index
    %get3A_141 = arith.constant 0 : index
    %get3A_142 = vector.load %arg1[%get3A_138, %get3A_139, %get3A_140, %get3A_141] : memref<1x12x325x96xf32, #tpu.memory_space<vmem>>, vector<1x1x325x96xf32>
    %get3A_143 = vector.shape_cast %get3A_142 : vector<1x1x325x96xf32> to vector<325x96xf32>
    %broadcast_in_dim3A_144 = vector.shape_cast %div3A_4 : vector<96xf32> to vector<1x96xf32>
    %sub3A_145 = vector.broadcast %broadcast_in_dim3A_144 : vector<1x96xf32> to vector<325x96xf32>
    %sub3A_146 = arith.subf %get3A_143, %sub3A_145 : vector<325x96xf32>
    %broadcast_in_dim3A_147 = vector.shape_cast %sqrt3A : vector<96xf32> to vector<1x96xf32>
    %div3A_148 = vector.broadcast %broadcast_in_dim3A_147 : vector<1x96xf32> to vector<325x96xf32>
    %div3A_149 = arith.divf %sub3A_146, %div3A_148 : vector<325x96xf32>
    %broadcast_in_dim3A_150 = vector.shape_cast %get3A_17 : vector<96xf32> to vector<1x96xf32>
    %mul3A_151 = vector.broadcast %broadcast_in_dim3A_150 : vector<1x96xf32> to vector<325x96xf32>
    %mul3A_152 = arith.mulf %div3A_149, %mul3A_151 : vector<325x96xf32>
    %broadcast_in_dim3A_153 = vector.shape_cast %get3A_21 : vector<96xf32> to vector<1x96xf32>
    %add3A_154 = vector.broadcast %broadcast_in_dim3A_153 : vector<1x96xf32> to vector<325x96xf32>
    %add3A_155 = arith.addf %mul3A_152, %add3A_154 : vector<325x96xf32>
    %concatenate3A_156 = tpu.concatenate %add3A_155, %get3A_24 in 1 : vector<325x96xf32>, vector<325x32xf32> -> vector<325x128xf32>
    %get3A_157 = arith.constant 0 : index
    %get3A_158 = arith.constant 0 : index
    %get3A_159 = arith.constant 0 : index
    %get3A_160 = vector.load %arg6[%get3A_157, %get3A_158, %get3A_159] : memref<3x128x128xf32, #tpu.memory_space<vmem>>, vector<1x128x128xf32>
    %get3A_161 = vector.shape_cast %get3A_160 : vector<1x128x128xf32> to vector<128x128xf32>
    %dot_general3A_162 = arith.constant dense<0.000000e+00> : vector<325x128xf32>
    %dot_general3A_163 = tpu.matmul %concatenate3A_156, %get3A_161, %dot_general3A_162 {dimension_numbers = #tpu.dot_dimension_numbers<[1], [0], [0], [1], [0, 0, 1, 1], [], []>, transpose_lhs_hint = false} : vector<325x128xf32>, vector<128x128xf32>, vector<325x128xf32> -> vector<325x128xf32>
    %get3A_164 = arith.constant 0 : index
    %get3A_165 = arith.constant 0 : index
    %get3A_166 = vector.load %arg7[%get3A_164, %get3A_165] : memref<3x128xf32, #tpu.memory_space<vmem>>, vector<1x128xf32>
    %get3A_167 = vector.shape_cast %get3A_166 : vector<1x128xf32> to vector<128xf32>
    %broadcast_in_dim3A_168 = vector.shape_cast %get3A_167 : vector<128xf32> to vector<1x128xf32>
    %add3A_169 = vector.broadcast %broadcast_in_dim3A_168 : vector<1x128xf32> to vector<325x128xf32>
    %add3A_170 = arith.addf %dot_general3A_163, %add3A_169 : vector<325x128xf32>
    %swap3A_171 = arith.constant 3 : index
    %swap3A_172 = arith.constant 0 : index
    %swap3A_173 = arith.constant 0 : index
    %swap3A_174 = vector.load %arg16[%swap3A_171, %swap3A_172, %swap3A_173] : memref<12x325x128xf32, #tpu.memory_space<vmem>>, vector<1x325x128xf32>
    %swap3A_175 = vector.shape_cast %swap3A_174 : vector<1x325x128xf32> to vector<325x128xf32>
    %swap3A_176 = vector.shape_cast %add3A_170 : vector<325x128xf32> to vector<1x325x128xf32>
    tpu.vector_store %arg16[%swap3A_171, %swap3A_172, %swap3A_173], %swap3A_176 {strides = array<i32>} : memref<12x325x128xf32, #tpu.memory_space<vmem>>, vector<1x325x128xf32>,
    %get3A_177 = arith.constant 0 : index
    %get3A_178 = arith.constant 4 : index
    %get3A_179 = arith.constant 0 : index
    %get3A_180 = arith.constant 0 : index
    %get3A_181 = vector.load %arg1[%get3A_177, %get3A_178, %get3A_179, %get3A_180] : memref<1x12x325x96xf32, #tpu.memory_space<vmem>>, vector<1x1x325x96xf32>
    %get3A_182 = vector.shape_cast %get3A_181 : vector<1x1x325x96xf32> to vector<325x96xf32>
    %broadcast_in_dim3A_183 = vector.shape_cast %div3A_4 : vector<96xf32> to vector<1x96xf32>
    %sub3A_184 = vector.broadcast %broadcast_in_dim3A_183 : vector<1x96xf32> to vector<325x96xf32>
    %sub3A_185 = arith.subf %get3A_182, %sub3A_184 : vector<325x96xf32>
    %broadcast_in_dim3A_186 = vector.shape_cast %sqrt3A : vector<96xf32> to vector<1x96xf32>
    %div3A_187 = vector.broadcast %broadcast_in_dim3A_186 : vector<1x96xf32> to vector<325x96xf32>
    %div3A_188 = arith.divf %sub3A_185, %div3A_187 : vector<325x96xf32>
    %broadcast_in_dim3A_189 = vector.shape_cast %get3A_17 : vector<96xf32> to vector<1x96xf32>
    %mul3A_190 = vector.broadcast %broadcast_in_dim3A_189 : vector<1x96xf32> to vector<325x96xf32>
    %mul3A_191 = arith.mulf %div3A_188, %mul3A_190 : vector<325x96xf32>
    %broadcast_in_dim3A_192 = vector.shape_cast %get3A_21 : vector<96xf32> to vector<1x96xf32>
    %add3A_193 = vector.broadcast %broadcast_in_dim3A_192 : vector<1x96xf32> to vector<325x96xf32>
    %add3A_194 = arith.addf %mul3A_191, %add3A_193 : vector<325x96xf32>
    %concatenate3A_195 = tpu.concatenate %add3A_194, %get3A_24 in 1 : vector<325x96xf32>, vector<325x32xf32> -> vector<325x128xf32>
    %get3A_196 = arith.constant 0 : index
    %get3A_197 = arith.constant 0 : index
    %get3A_198 = arith.constant 0 : index
    %get3A_199 = vector.load %arg6[%get3A_196, %get3A_197, %get3A_198] : memref<3x128x128xf32, #tpu.memory_space<vmem>>, vector<1x128x128xf32>
    %get3A_200 = vector.shape_cast %get3A_199 : vector<1x128x128xf32> to vector<128x128xf32>
    %dot_general3A_201 = arith.constant dense<0.000000e+00> : vector<325x128xf32>
    %dot_general3A_202 = tpu.matmul %concatenate3A_195, %get3A_200, %dot_general3A_201 {dimension_numbers = #tpu.dot_dimension_numbers<[1], [0], [0], [1], [0, 0, 1, 1], [], []>, transpose_lhs_hint = false} : vector<325x128xf32>, vector<128x128xf32>, vector<325x128xf32> -> vector<325x128xf32>
    %get3A_203 = arith.constant 0 : index
    %get3A_204 = arith.constant 0 : index
    %get3A_205 = vector.load %arg7[%get3A_203, %get3A_204] : memref<3x128xf32, #tpu.memory_space<vmem>>, vector<1x128xf32>
    %get3A_206 = vector.shape_cast %get3A_205 : vector<1x128xf32> to vector<128xf32>
    %broadcast_in_dim3A_207 = vector.shape_cast %get3A_206 : vector<128xf32> to vector<1x128xf32>
    %add3A_208 = vector.broadcast %broadcast_in_dim3A_207 : vector<1x128xf32> to vector<325x128xf32>
    %add3A_209 = arith.addf %dot_general3A_202, %add3A_208 : vector<325x128xf32>
    %swap3A_210 = arith.constant 4 : index
    %swap3A_211 = arith.constant 0 : index
    %swap3A_212 = arith.constant 0 : index
    %swap3A_213 = vector.load %arg16[%swap3A_210, %swap3A_211, %swap3A_212] : memref<12x325x128xf32, #tpu.memory_space<vmem>>, vector<1x325x128xf32>
    %swap3A_214 = vector.shape_cast %swap3A_213 : vector<1x325x128xf32> to vector<325x128xf32>
    %swap3A_215 = vector.shape_cast %add3A_209 : vector<325x128xf32> to vector<1x325x128xf32>
    tpu.vector_store %arg16[%swap3A_210, %swap3A_211, %swap3A_212], %swap3A_215 {strides = array<i32>} : memref<12x325x128xf32, #tpu.memory_space<vmem>>, vector<1x325x128xf32>,
    %get3A_216 = arith.constant 0 : index
    %get3A_217 = arith.constant 5 : index
    %get3A_218 = arith.constant 0 : index
    %get3A_219 = arith.constant 0 : index
    %get3A_220 = vector.load %arg1[%get3A_216, %get3A_217, %get3A_218, %get3A_219] : memref<1x12x325x96xf32, #tpu.memory_space<vmem>>, vector<1x1x325x96xf32>
    %get3A_221 = vector.shape_cast %get3A_220 : vector<1x1x325x96xf32> to vector<325x96xf32>
    %broadcast_in_dim3A_222 = vector.shape_cast %div3A_4 : vector<96xf32> to vector<1x96xf32>
    %sub3A_223 = vector.broadcast %broadcast_in_dim3A_222 : vector<1x96xf32> to vector<325x96xf32>
    %sub3A_224 = arith.subf %get3A_221, %sub3A_223 : vector<325x96xf32>
    %broadcast_in_dim3A_225 = vector.shape_cast %sqrt3A : vector<96xf32> to vector<1x96xf32>
    %div3A_226 = vector.broadcast %broadcast_in_dim3A_225 : vector<1x96xf32> to vector<325x96xf32>
    %div3A_227 = arith.divf %sub3A_224, %div3A_226 : vector<325x96xf32>
    %broadcast_in_dim3A_228 = vector.shape_cast %get3A_17 : vector<96xf32> to vector<1x96xf32>
    %mul3A_229 = vector.broadcast %broadcast_in_dim3A_228 : vector<1x96xf32> to vector<325x96xf32>
    %mul3A_230 = arith.mulf %div3A_227, %mul3A_229 : vector<325x96xf32>
    %broadcast_in_dim3A_231 = vector.shape_cast %get3A_21 : vector<96xf32> to vector<1x96xf32>
    %add3A_232 = vector.broadcast %broadcast_in_dim3A_231 : vector<1x96xf32> to vector<325x96xf32>
    %add3A_233 = arith.addf %mul3A_230, %add3A_232 : vector<325x96xf32>
    %concatenate3A_234 = tpu.concatenate %add3A_233, %get3A_24 in 1 : vector<325x96xf32>, vector<325x32xf32> -> vector<325x128xf32>
    %get3A_235 = arith.constant 0 : index
    %get3A_236 = arith.constant 0 : index
    %get3A_237 = arith.constant 0 : index
    %get3A_238 = vector.load %arg6[%get3A_235, %get3A_236, %get3A_237] : memref<3x128x128xf32, #tpu.memory_space<vmem>>, vector<1x128x128xf32>
    %get3A_239 = vector.shape_cast %get3A_238 : vector<1x128x128xf32> to vector<128x128xf32>
    %dot_general3A_240 = arith.constant dense<0.000000e+00> : vector<325x128xf32>
    %dot_general3A_241 = tpu.matmul %concatenate3A_234, %get3A_239, %dot_general3A_240 {dimension_numbers = #tpu.dot_dimension_numbers<[1], [0], [0], [1], [0, 0, 1, 1], [], []>, transpose_lhs_hint = false} : vector<325x128xf32>, vector<128x128xf32>, vector<325x128xf32> -> vector<325x128xf32>
    %get3A_242 = arith.constant 0 : index
    %get3A_243 = arith.constant 0 : index
    %get3A_244 = vector.load %arg7[%get3A_242, %get3A_243] : memref<3x128xf32, #tpu.memory_space<vmem>>, vector<1x128xf32>
    %get3A_245 = vector.shape_cast %get3A_244 : vector<1x128xf32> to vector<128xf32>
    %broadcast_in_dim3A_246 = vector.shape_cast %get3A_245 : vector<128xf32> to vector<1x128xf32>
    %add3A_247 = vector.broadcast %broadcast_in_dim3A_246 : vector<1x128xf32> to vector<325x128xf32>
    %add3A_248 = arith.addf %dot_general3A_241, %add3A_247 : vector<325x128xf32>
    %swap3A_249 = arith.constant 5 : index
    %swap3A_250 = arith.constant 0 : index
    %swap3A_251 = arith.constant 0 : index
    %swap3A_252 = vector.load %arg16[%swap3A_249, %swap3A_250, %swap3A_251] : memref<12x325x128xf32, #tpu.memory_space<vmem>>, vector<1x325x128xf32>
    %swap3A_253 = vector.shape_cast %swap3A_252 : vector<1x325x128xf32> to vector<325x128xf32>
    %swap3A_254 = vector.shape_cast %add3A_248 : vector<325x128xf32> to vector<1x325x128xf32>
    tpu.vector_store %arg16[%swap3A_249, %swap3A_250, %swap3A_251], %swap3A_254 {strides = array<i32>} : memref<12x325x128xf32, #tpu.memory_space<vmem>>, vector<1x325x128xf32>,
    %get3A_255 = arith.constant 0 : index
    %get3A_256 = arith.constant 6 : index
    %get3A_257 = arith.constant 0 : index
    %get3A_258 = arith.constant 0 : index
    %get3A_259 = vector.load %arg1[%get3A_255, %get3A_256, %get3A_257, %get3A_258] : memref<1x12x325x96xf32, #tpu.memory_space<vmem>>, vector<1x1x325x96xf32>
    %get3A_260 = vector.shape_cast %get3A_259 : vector<1x1x325x96xf32> to vector<325x96xf32>
    %broadcast_in_dim3A_261 = vector.shape_cast %div3A_4 : vector<96xf32> to vector<1x96xf32>
    %sub3A_262 = vector.broadcast %broadcast_in_dim3A_261 : vector<1x96xf32> to vector<325x96xf32>
    %sub3A_263 = arith.subf %get3A_260, %sub3A_262 : vector<325x96xf32>
    %broadcast_in_dim3A_264 = vector.shape_cast %sqrt3A : vector<96xf32> to vector<1x96xf32>
    %div3A_265 = vector.broadcast %broadcast_in_dim3A_264 : vector<1x96xf32> to vector<325x96xf32>
    %div3A_266 = arith.divf %sub3A_263, %div3A_265 : vector<325x96xf32>
    %broadcast_in_dim3A_267 = vector.shape_cast %get3A_17 : vector<96xf32> to vector<1x96xf32>
    %mul3A_268 = vector.broadcast %broadcast_in_dim3A_267 : vector<1x96xf32> to vector<325x96xf32>
    %mul3A_269 = arith.mulf %div3A_266, %mul3A_268 : vector<325x96xf32>
    %broadcast_in_dim3A_270 = vector.shape_cast %get3A_21 : vector<96xf32> to vector<1x96xf32>
    %add3A_271 = vector.broadcast %broadcast_in_dim3A_270 : vector<1x96xf32> to vector<325x96xf32>
    %add3A_272 = arith.addf %mul3A_269, %add3A_271 : vector<325x96xf32>
    %concatenate3A_273 = tpu.concatenate %add3A_272, %get3A_24 in 1 : vector<325x96xf32>, vector<325x32xf32> -> vector<325x128xf32>
    %get3A_274 = arith.constant 0 : index
    %get3A_275 = arith.constant 0 : index
    %get3A_276 = arith.constant 0 : index
    %get3A_277 = vector.load %arg6[%get3A_274, %get3A_275, %get3A_276] : memref<3x128x128xf32, #tpu.memory_space<vmem>>, vector<1x128x128xf32>
    %get3A_278 = vector.shape_cast %get3A_277 : vector<1x128x128xf32> to vector<128x128xf32>
    %dot_general3A_279 = arith.constant dense<0.000000e+00> : vector<325x128xf32>
    %dot_general3A_280 = tpu.matmul %concatenate3A_273, %get3A_278, %dot_general3A_279 {dimension_numbers = #tpu.dot_dimension_numbers<[1], [0], [0], [1], [0, 0, 1, 1], [], []>, transpose_lhs_hint = false} : vector<325x128xf32>, vector<128x128xf32>, vector<325x128xf32> -> vector<325x128xf32>
    %get3A_281 = arith.constant 0 : index
    %get3A_282 = arith.constant 0 : index
    %get3A_283 = vector.load %arg7[%get3A_281, %get3A_282] : memref<3x128xf32, #tpu.memory_space<vmem>>, vector<1x128xf32>
    %get3A_284 = vector.shape_cast %get3A_283 : vector<1x128xf32> to vector<128xf32>
    %broadcast_in_dim3A_285 = vector.shape_cast %get3A_284 : vector<128xf32> to vector<1x128xf32>
    %add3A_286 = vector.broadcast %broadcast_in_dim3A_285 : vector<1x128xf32> to vector<325x128xf32>
    %add3A_287 = arith.addf %dot_general3A_280, %add3A_286 : vector<325x128xf32>
    %swap3A_288 = arith.constant 6 : index
    %swap3A_289 = arith.constant 0 : index
    %swap3A_290 = arith.constant 0 : index
    %swap3A_291 = vector.load %arg16[%swap3A_288, %swap3A_289, %swap3A_290] : memref<12x325x128xf32, #tpu.memory_space<vmem>>, vector<1x325x128xf32>
    %swap3A_292 = vector.shape_cast %swap3A_291 : vector<1x325x128xf32> to vector<325x128xf32>
    %swap3A_293 = vector.shape_cast %add3A_287 : vector<325x128xf32> to vector<1x325x128xf32>
    tpu.vector_store %arg16[%swap3A_288, %swap3A_289, %swap3A_290], %swap3A_293 {strides = array<i32>} : memref<12x325x128xf32, #tpu.memory_space<vmem>>, vector<1x325x128xf32>,
    %get3A_294 = arith.constant 0 : index
    %get3A_295 = arith.constant 7 : index
    %get3A_296 = arith.constant 0 : index
    %get3A_297 = arith.constant 0 : index
    %get3A_298 = vector.load %arg1[%get3A_294, %get3A_295, %get3A_296, %get3A_297] : memref<1x12x325x96xf32, #tpu.memory_space<vmem>>, vector<1x1x325x96xf32>
    %get3A_299 = vector.shape_cast %get3A_298 : vector<1x1x325x96xf32> to vector<325x96xf32>
    %broadcast_in_dim3A_300 = vector.shape_cast %div3A_4 : vector<96xf32> to vector<1x96xf32>
    %sub3A_301 = vector.broadcast %broadcast_in_dim3A_300 : vector<1x96xf32> to vector<325x96xf32>
    %sub3A_302 = arith.subf %get3A_299, %sub3A_301 : vector<325x96xf32>
    %broadcast_in_dim3A_303 = vector.shape_cast %sqrt3A : vector<96xf32> to vector<1x96xf32>
    %div3A_304 = vector.broadcast %broadcast_in_dim3A_303 : vector<1x96xf32> to vector<325x96xf32>
    %div3A_305 = arith.divf %sub3A_302, %div3A_304 : vector<325x96xf32>
    %broadcast_in_dim3A_306 = vector.shape_cast %get3A_17 : vector<96xf32> to vector<1x96xf32>
    %mul3A_307 = vector.broadcast %broadcast_in_dim3A_306 : vector<1x96xf32> to vector<325x96xf32>
    %mul3A_308 = arith.mulf %div3A_305, %mul3A_307 : vector<325x96xf32>
    %broadcast_in_dim3A_309 = vector.shape_cast %get3A_21 : vector<96xf32> to vector<1x96xf32>
    %add3A_310 = vector.broadcast %broadcast_in_dim3A_309 : vector<1x96xf32> to vector<325x96xf32>
    %add3A_311 = arith.addf %mul3A_308, %add3A_310 : vector<325x96xf32>
    %concatenate3A_312 = tpu.concatenate %add3A_311, %get3A_24 in 1 : vector<325x96xf32>, vector<325x32xf32> -> vector<325x128xf32>
    %get3A_313 = arith.constant 0 : index
    %get3A_314 = arith.constant 0 : index
    %get3A_315 = arith.constant 0 : index
    %get3A_316 = vector.load %arg6[%get3A_313, %get3A_314, %get3A_315] : memref<3x128x128xf32, #tpu.memory_space<vmem>>, vector<1x128x128xf32>
    %get3A_317 = vector.shape_cast %get3A_316 : vector<1x128x128xf32> to vector<128x128xf32>
    %dot_general3A_318 = arith.constant dense<0.000000e+00> : vector<325x128xf32>
    %dot_general3A_319 = tpu.matmul %concatenate3A_312, %get3A_317, %dot_general3A_318 {dimension_numbers = #tpu.dot_dimension_numbers<[1], [0], [0], [1], [0, 0, 1, 1], [], []>, transpose_lhs_hint = false} : vector<325x128xf32>, vector<128x128xf32>, vector<325x128xf32> -> vector<325x128xf32>
    %get3A_320 = arith.constant 0 : index
    %get3A_321 = arith.constant 0 : index
    %get3A_322 = vector.load %arg7[%get3A_320, %get3A_321] : memref<3x128xf32, #tpu.memory_space<vmem>>, vector<1x128xf32>
    %get3A_323 = vector.shape_cast %get3A_322 : vector<1x128xf32> to vector<128xf32>
    %broadcast_in_dim3A_324 = vector.shape_cast %get3A_323 : vector<128xf32> to vector<1x128xf32>
    %add3A_325 = vector.broadcast %broadcast_in_dim3A_324 : vector<1x128xf32> to vector<325x128xf32>
    %add3A_326 = arith.addf %dot_general3A_319, %add3A_325 : vector<325x128xf32>
    %swap3A_327 = arith.constant 7 : index
    %swap3A_328 = arith.constant 0 : index
    %swap3A_329 = arith.constant 0 : index
    %swap3A_330 = vector.load %arg16[%swap3A_327, %swap3A_328, %swap3A_329] : memref<12x325x128xf32, #tpu.memory_space<vmem>>, vector<1x325x128xf32>
    %swap3A_331 = vector.shape_cast %swap3A_330 : vector<1x325x128xf32> to vector<325x128xf32>
    %swap3A_332 = vector.shape_cast %add3A_326 : vector<325x128xf32> to vector<1x325x128xf32>
    tpu.vector_store %arg16[%swap3A_327, %swap3A_328, %swap3A_329], %swap3A_332 {strides = array<i32>} : memref<12x325x128xf32, #tpu.memory_space<vmem>>, vector<1x325x128xf32>,
    %get3A_333 = arith.constant 0 : index
    %get3A_334 = arith.constant 8 : index
    %get3A_335 = arith.constant 0 : index
    %get3A_336 = arith.constant 0 : index
    %get3A_337 = vector.load %arg1[%get3A_333, %get3A_334, %get3A_335, %get3A_336] : memref<1x12x325x96xf32, #tpu.memory_space<vmem>>, vector<1x1x325x96xf32>
    %get3A_338 = vector.shape_cast %get3A_337 : vector<1x1x325x96xf32> to vector<325x96xf32>
    %broadcast_in_dim3A_339 = vector.shape_cast %div3A_4 : vector<96xf32> to vector<1x96xf32>
    %sub3A_340 = vector.broadcast %broadcast_in_dim3A_339 : vector<1x96xf32> to vector<325x96xf32>
    %sub3A_341 = arith.subf %get3A_338, %sub3A_340 : vector<325x96xf32>
    %broadcast_in_dim3A_342 = vector.shape_cast %sqrt3A : vector<96xf32> to vector<1x96xf32>
    %div3A_343 = vector.broadcast %broadcast_in_dim3A_342 : vector<1x96xf32> to vector<325x96xf32>
    %div3A_344 = arith.divf %sub3A_341, %div3A_343 : vector<325x96xf32>
    %broadcast_in_dim3A_345 = vector.shape_cast %get3A_17 : vector<96xf32> to vector<1x96xf32>
    %mul3A_346 = vector.broadcast %broadcast_in_dim3A_345 : vector<1x96xf32> to vector<325x96xf32>
    %mul3A_347 = arith.mulf %div3A_344, %mul3A_346 : vector<325x96xf32>
    %broadcast_in_dim3A_348 = vector.shape_cast %get3A_21 : vector<96xf32> to vector<1x96xf32>
    %add3A_349 = vector.broadcast %broadcast_in_dim3A_348 : vector<1x96xf32> to vector<325x96xf32>
    %add3A_350 = arith.addf %mul3A_347, %add3A_349 : vector<325x96xf32>
    %concatenate3A_351 = tpu.concatenate %add3A_350, %get3A_24 in 1 : vector<325x96xf32>, vector<325x32xf32> -> vector<325x128xf32>
    %get3A_352 = arith.constant 0 : index
    %get3A_353 = arith.constant 0 : index
    %get3A_354 = arith.constant 0 : index
    %get3A_355 = vector.load %arg6[%get3A_352, %get3A_353, %get3A_354] : memref<3x128x128xf32, #tpu.memory_space<vmem>>, vector<1x128x128xf32>
    %get3A_356 = vector.shape_cast %get3A_355 : vector<1x128x128xf32> to vector<128x128xf32>
    %dot_general3A_357 = arith.constant dense<0.000000e+00> : vector<325x128xf32>
    %dot_general3A_358 = tpu.matmul %concatenate3A_351, %get3A_356, %dot_general3A_357 {dimension_numbers = #tpu.dot_dimension_numbers<[1], [0], [0], [1], [0, 0, 1, 1], [], []>, transpose_lhs_hint = false} : vector<325x128xf32>, vector<128x128xf32>, vector<325x128xf32> -> vector<325x128xf32>
    %get3A_359 = arith.constant 0 : index
    %get3A_360 = arith.constant 0 : index
    %get3A_361 = vector.load %arg7[%get3A_359, %get3A_360] : memref<3x128xf32, #tpu.memory_space<vmem>>, vector<1x128xf32>
    %get3A_362 = vector.shape_cast %get3A_361 : vector<1x128xf32> to vector<128xf32>
    %broadcast_in_dim3A_363 = vector.shape_cast %get3A_362 : vector<128xf32> to vector<1x128xf32>
    %add3A_364 = vector.broadcast %broadcast_in_dim3A_363 : vector<1x128xf32> to vector<325x128xf32>
    %add3A_365 = arith.addf %dot_general3A_358, %add3A_364 : vector<325x128xf32>
    %swap3A_366 = arith.constant 8 : index
    %swap3A_367 = arith.constant 0 : index
    %swap3A_368 = arith.constant 0 : index
    %swap3A_369 = vector.load %arg16[%swap3A_366, %swap3A_367, %swap3A_368] : memref<12x325x128xf32, #tpu.memory_space<vmem>>, vector<1x325x128xf32>
    %swap3A_370 = vector.shape_cast %swap3A_369 : vector<1x325x128xf32> to vector<325x128xf32>
    %swap3A_371 = vector.shape_cast %add3A_365 : vector<325x128xf32> to vector<1x325x128xf32>
    tpu.vector_store %arg16[%swap3A_366, %swap3A_367, %swap3A_368], %swap3A_371 {strides = array<i32>} : memref<12x325x128xf32, #tpu.memory_space<vmem>>, vector<1x325x128xf32>,
    %get3A_372 = arith.constant 0 : index
    %get3A_373 = arith.constant 9 : index
    %get3A_374 = arith.constant 0 : index
    %get3A_375 = arith.constant 0 : index
    %get3A_376 = vector.load %arg1[%get3A_372, %get3A_373, %get3A_374, %get3A_375] : memref<1x12x325x96xf32, #tpu.memory_space<vmem>>, vector<1x1x325x96xf32>
    %get3A_377 = vector.shape_cast %get3A_376 : vector<1x1x325x96xf32> to vector<325x96xf32>
    %broadcast_in_dim3A_378 = vector.shape_cast %div3A_4 : vector<96xf32> to vector<1x96xf32>
    %sub3A_379 = vector.broadcast %broadcast_in_dim3A_378 : vector<1x96xf32> to vector<325x96xf32>
    %sub3A_380 = arith.subf %get3A_377, %sub3A_379 : vector<325x96xf32>
    %broadcast_in_dim3A_381 = vector.shape_cast %sqrt3A : vector<96xf32> to vector<1x96xf32>
    %div3A_382 = vector.broadcast %broadcast_in_dim3A_381 : vector<1x96xf32> to vector<325x96xf32>
    %div3A_383 = arith.divf %sub3A_380, %div3A_382 : vector<325x96xf32>
    %broadcast_in_dim3A_384 = vector.shape_cast %get3A_17 : vector<96xf32> to vector<1x96xf32>
    %mul3A_385 = vector.broadcast %broadcast_in_dim3A_384 : vector<1x96xf32> to vector<325x96xf32>
    %mul3A_386 = arith.mulf %div3A_383, %mul3A_385 : vector<325x96xf32>
    %broadcast_in_dim3A_387 = vector.shape_cast %get3A_21 : vector<96xf32> to vector<1x96xf32>
    %add3A_388 = vector.broadcast %broadcast_in_dim3A_387 : vector<1x96xf32> to vector<325x96xf32>
    %add3A_389 = arith.addf %mul3A_386, %add3A_388 : vector<325x96xf32>
    %concatenate3A_390 = tpu.concatenate %add3A_389, %get3A_24 in 1 : vector<325x96xf32>, vector<325x32xf32> -> vector<325x128xf32>
    %get3A_391 = arith.constant 0 : index
    %get3A_392 = arith.constant 0 : index
    %get3A_393 = arith.constant 0 : index
    %get3A_394 = vector.load %arg6[%get3A_391, %get3A_392, %get3A_393] : memref<3x128x128xf32, #tpu.memory_space<vmem>>, vector<1x128x128xf32>
    %get3A_395 = vector.shape_cast %get3A_394 : vector<1x128x128xf32> to vector<128x128xf32>
    %dot_general3A_396 = arith.constant dense<0.000000e+00> : vector<325x128xf32>
    %dot_general3A_397 = tpu.matmul %concatenate3A_390, %get3A_395, %dot_general3A_396 {dimension_numbers = #tpu.dot_dimension_numbers<[1], [0], [0], [1], [0, 0, 1, 1], [], []>, transpose_lhs_hint = false} : vector<325x128xf32>, vector<128x128xf32>, vector<325x128xf32> -> vector<325x128xf32>
    %get3A_398 = arith.constant 0 : index
    %get3A_399 = arith.constant 0 : index
    %get3A_400 = vector.load %arg7[%get3A_398, %get3A_399] : memref<3x128xf32, #tpu.memory_space<vmem>>, vector<1x128xf32>
    %get3A_401 = vector.shape_cast %get3A_400 : vector<1x128xf32> to vector<128xf32>
    %broadcast_in_dim3A_402 = vector.shape_cast %get3A_401 : vector<128xf32> to vector<1x128xf32>
    %add3A_403 = vector.broadcast %broadcast_in_dim3A_402 : vector<1x128xf32> to vector<325x128xf32>
    %add3A_404 = arith.addf %dot_general3A_397, %add3A_403 : vector<325x128xf32>
    %swap3A_405 = arith.constant 9 : index
    %swap3A_406 = arith.constant 0 : index
    %swap3A_407 = arith.constant 0 : index
    %swap3A_408 = vector.load %arg16[%swap3A_405, %swap3A_406, %swap3A_407] : memref<12x325x128xf32, #tpu.memory_space<vmem>>, vector<1x325x128xf32>
    %swap3A_409 = vector.shape_cast %swap3A_408 : vector<1x325x128xf32> to vector<325x128xf32>
    %swap3A_410 = vector.shape_cast %add3A_404 : vector<325x128xf32> to vector<1x325x128xf32>
    tpu.vector_store %arg16[%swap3A_405, %swap3A_406, %swap3A_407], %swap3A_410 {strides = array<i32>} : memref<12x325x128xf32, #tpu.memory_space<vmem>>, vector<1x325x128xf32>,
    %get3A_411 = arith.constant 0 : index
    %get3A_412 = arith.constant 10 : index
    %get3A_413 = arith.constant 0 : index
    %get3A_414 = arith.constant 0 : index
    %get3A_415 = vector.load %arg1[%get3A_411, %get3A_412, %get3A_413, %get3A_414] : memref<1x12x325x96xf32, #tpu.memory_space<vmem>>, vector<1x1x325x96xf32>
    %get3A_416 = vector.shape_cast %get3A_415 : vector<1x1x325x96xf32> to vector<325x96xf32>
    %broadcast_in_dim3A_417 = vector.shape_cast %div3A_4 : vector<96xf32> to vector<1x96xf32>
    %sub3A_418 = vector.broadcast %broadcast_in_dim3A_417 : vector<1x96xf32> to vector<325x96xf32>
    %sub3A_419 = arith.subf %get3A_416, %sub3A_418 : vector<325x96xf32>
    %broadcast_in_dim3A_420 = vector.shape_cast %sqrt3A : vector<96xf32> to vector<1x96xf32>
    %div3A_421 = vector.broadcast %broadcast_in_dim3A_420 : vector<1x96xf32> to vector<325x96xf32>
    %div3A_422 = arith.divf %sub3A_419, %div3A_421 : vector<325x96xf32>
    %broadcast_in_dim3A_423 = vector.shape_cast %get3A_17 : vector<96xf32> to vector<1x96xf32>
    %mul3A_424 = vector.broadcast %broadcast_in_dim3A_423 : vector<1x96xf32> to vector<325x96xf32>
    %mul3A_425 = arith.mulf %div3A_422, %mul3A_424 : vector<325x96xf32>
    %broadcast_in_dim3A_426 = vector.shape_cast %get3A_21 : vector<96xf32> to vector<1x96xf32>
    %add3A_427 = vector.broadcast %broadcast_in_dim3A_426 : vector<1x96xf32> to vector<325x96xf32>
    %add3A_428 = arith.addf %mul3A_425, %add3A_427 : vector<325x96xf32>
    %concatenate3A_429 = tpu.concatenate %add3A_428, %get3A_24 in 1 : vector<325x96xf32>, vector<325x32xf32> -> vector<325x128xf32>
    %get3A_430 = arith.constant 0 : index
    %get3A_431 = arith.constant 0 : index
    %get3A_432 = arith.constant 0 : index
    %get3A_433 = vector.load %arg6[%get3A_430, %get3A_431, %get3A_432] : memref<3x128x128xf32, #tpu.memory_space<vmem>>, vector<1x128x128xf32>
    %get3A_434 = vector.shape_cast %get3A_433 : vector<1x128x128xf32> to vector<128x128xf32>
    %dot_general3A_435 = arith.constant dense<0.000000e+00> : vector<325x128xf32>
    %dot_general3A_436 = tpu.matmul %concatenate3A_429, %get3A_434, %dot_general3A_435 {dimension_numbers = #tpu.dot_dimension_numbers<[1], [0], [0], [1], [0, 0, 1, 1], [], []>, transpose_lhs_hint = false} : vector<325x128xf32>, vector<128x128xf32>, vector<325x128xf32> -> vector<325x128xf32>
    %get3A_437 = arith.constant 0 : index
    %get3A_438 = arith.constant 0 : index
    %get3A_439 = vector.load %arg7[%get3A_437, %get3A_438] : memref<3x128xf32, #tpu.memory_space<vmem>>, vector<1x128xf32>
    %get3A_440 = vector.shape_cast %get3A_439 : vector<1x128xf32> to vector<128xf32>
    %broadcast_in_dim3A_441 = vector.shape_cast %get3A_440 : vector<128xf32> to vector<1x128xf32>
    %add3A_442 = vector.broadcast %broadcast_in_dim3A_441 : vector<1x128xf32> to vector<325x128xf32>
    %add3A_443 = arith.addf %dot_general3A_436, %add3A_442 : vector<325x128xf32>
    %swap3A_444 = arith.constant 10 : index
    %swap3A_445 = arith.constant 0 : index
    %swap3A_446 = arith.constant 0 : index
    %swap3A_447 = vector.load %arg16[%swap3A_444, %swap3A_445, %swap3A_446] : memref<12x325x128xf32, #tpu.memory_space<vmem>>, vector<1x325x128xf32>
    %swap3A_448 = vector.shape_cast %swap3A_447 : vector<1x325x128xf32> to vector<325x128xf32>
    %swap3A_449 = vector.shape_cast %add3A_443 : vector<325x128xf32> to vector<1x325x128xf32>
    tpu.vector_store %arg16[%swap3A_444, %swap3A_445, %swap3A_446], %swap3A_449 {strides = array<i32>} : memref<12x325x128xf32, #tpu.memory_space<vmem>>, vector<1x325x128xf32>,
    %get3A_450 = arith.constant 0 : index
    %get3A_451 = arith.constant 11 : index
    %get3A_452 = arith.constant 0 : index
    %get3A_453 = arith.constant 0 : index
    %get3A_454 = vector.load %arg1[%get3A_450, %get3A_451, %get3A_452, %get3A_453] : memref<1x12x325x96xf32, #tpu.memory_space<vmem>>, vector<1x1x325x96xf32>
    %get3A_455 = vector.shape_cast %get3A_454 : vector<1x1x325x96xf32> to vector<325x96xf32>
    %broadcast_in_dim3A_456 = vector.shape_cast %div3A_4 : vector<96xf32> to vector<1x96xf32>
    %sub3A_457 = vector.broadcast %broadcast_in_dim3A_456 : vector<1x96xf32> to vector<325x96xf32>
    %sub3A_458 = arith.subf %get3A_455, %sub3A_457 : vector<325x96xf32>
    %broadcast_in_dim3A_459 = vector.shape_cast %sqrt3A : vector<96xf32> to vector<1x96xf32>
    %div3A_460 = vector.broadcast %broadcast_in_dim3A_459 : vector<1x96xf32> to vector<325x96xf32>
    %div3A_461 = arith.divf %sub3A_458, %div3A_460 : vector<325x96xf32>
    %broadcast_in_dim3A_462 = vector.shape_cast %get3A_17 : vector<96xf32> to vector<1x96xf32>
    %mul3A_463 = vector.broadcast %broadcast_in_dim3A_462 : vector<1x96xf32> to vector<325x96xf32>
    %mul3A_464 = arith.mulf %div3A_461, %mul3A_463 : vector<325x96xf32>
    %broadcast_in_dim3A_465 = vector.shape_cast %get3A_21 : vector<96xf32> to vector<1x96xf32>
    %add3A_466 = vector.broadcast %broadcast_in_dim3A_465 : vector<1x96xf32> to vector<325x96xf32>
    %add3A_467 = arith.addf %mul3A_464, %add3A_466 : vector<325x96xf32>
    %concatenate3A_468 = tpu.concatenate %add3A_467, %get3A_24 in 1 : vector<325x96xf32>, vector<325x32xf32> -> vector<325x128xf32>
    %get3A_469 = arith.constant 0 : index
    %get3A_470 = arith.constant 0 : index
    %get3A_471 = arith.constant 0 : index
    %get3A_472 = vector.load %arg6[%get3A_469, %get3A_470, %get3A_471] : memref<3x128x128xf32, #tpu.memory_space<vmem>>, vector<1x128x128xf32>
    %get3A_473 = vector.shape_cast %get3A_472 : vector<1x128x128xf32> to vector<128x128xf32>
    %dot_general3A_474 = arith.constant dense<0.000000e+00> : vector<325x128xf32>
    %dot_general3A_475 = tpu.matmul %concatenate3A_468, %get3A_473, %dot_general3A_474 {dimension_numbers = #tpu.dot_dimension_numbers<[1], [0], [0], [1], [0, 0, 1, 1], [], []>, transpose_lhs_hint = false} : vector<325x128xf32>, vector<128x128xf32>, vector<325x128xf32> -> vector<325x128xf32>
    %get3A_476 = arith.constant 0 : index
    %get3A_477 = arith.constant 0 : index
    %get3A_478 = vector.load %arg7[%get3A_476, %get3A_477] : memref<3x128xf32, #tpu.memory_space<vmem>>, vector<1x128xf32>
    %get3A_479 = vector.shape_cast %get3A_478 : vector<1x128xf32> to vector<128xf32>
    %broadcast_in_dim3A_480 = vector.shape_cast %get3A_479 : vector<128xf32> to vector<1x128xf32>
    %add3A_481 = vector.broadcast %broadcast_in_dim3A_480 : vector<1x128xf32> to vector<325x128xf32>
    %add3A_482 = arith.addf %dot_general3A_475, %add3A_481 : vector<325x128xf32>
    %swap3A_483 = arith.constant 11 : index
    %swap3A_484 = arith.constant 0 : index
    %swap3A_485 = arith.constant 0 : index
    %swap3A_486 = vector.load %arg16[%swap3A_483, %swap3A_484, %swap3A_485] : memref<12x325x128xf32, #tpu.memory_space<vmem>>, vector<1x325x128xf32>
    %swap3A_487 = vector.shape_cast %swap3A_486 : vector<1x325x128xf32> to vector<325x128xf32>
    %swap3A_488 = vector.shape_cast %add3A_482 : vector<325x128xf32> to vector<1x325x128xf32>
    tpu.vector_store %arg16[%swap3A_483, %swap3A_484, %swap3A_485], %swap3A_488 {strides = array<i32>} : memref<12x325x128xf32, #tpu.memory_space<vmem>>, vector<1x325x128xf32>,
    %broadcast_in_dim3A_489 = arith.constant 0.000000e+00 : f32
    %broadcast_in_dim3A_490 = vector.broadcast %broadcast_in_dim3A_489 : f32 to vector<325x128xf32>
    %broadcast_in_dim3A_491 = arith.constant 0.000000e+00 : f32
    %broadcast_in_dim3A_492 = vector.broadcast %broadcast_in_dim3A_491 : f32 to vector<325x128xf32>
    %broadcast_in_dim3A_493 = arith.constant 0.000000e+00 : f32
    %broadcast_in_dim3A_494 = vector.broadcast %broadcast_in_dim3A_493 : f32 to vector<325x128xf32>
    %mul3A_495 = arith.constant 0.899999976 : f32
    %mul3A_496 = vector.broadcast %mul3A_495 : f32 to vector<325x128xf32>
    %mul3A_497 = arith.mulf %mul3A_496, %broadcast_in_dim3A_490 : vector<325x128xf32>
    %get3A_498 = arith.constant 0 : index
    %get3A_499 = arith.constant 0 : index
    %get3A_500 = arith.constant 0 : index
    %get3A_501 = vector.load %arg16[%get3A_498, %get3A_499, %get3A_500] : memref<12x325x128xf32, #tpu.memory_space<vmem>>, vector<1x325x128xf32>
    %get3A_502 = vector.shape_cast %get3A_501 : vector<1x325x128xf32> to vector<325x128xf32>
    %add3A_503 = arith.addf %mul3A_497, %get3A_502 : vector<325x128xf32>
    %mul3A_504 = arith.constant 8.000000e-01 : f32
    %mul3A_505 = vector.broadcast %mul3A_504 : f32 to vector<325x128xf32>
    %mul3A_506 = arith.mulf %mul3A_505, %broadcast_in_dim3A_492 : vector<325x128xf32>
    %add3A_507 = arith.addf %mul3A_506, %add3A_503 : vector<325x128xf32>
    %sub3A_508 = arith.subf %add3A_507, %broadcast_in_dim3A_494 : vector<325x128xf32>
    %gt3A = arith.constant 1.000000e+00 : f32
    %gt3A_509 = vector.broadcast %gt3A : f32 to vector<325x128xf32>
    %gt3A_510 = arith.cmpf ogt, %sub3A_508, %gt3A_509 : vector<325x128xf32>
    %convert_element_type3A = arith.extui %gt3A_510 : vector<325x128xi1> to vector<325x128xi32>
    %convert_element_type3A_511 = arith.sitofp %convert_element_type3A : vector<325x128xi32> to vector<325x128xf32>
    %swap3A_512 = arith.constant 0 : index
    %swap3A_513 = arith.constant 0 : index
    %swap3A_514 = arith.constant 0 : index
    %swap3A_515 = vector.load %arg16[%swap3A_512, %swap3A_513, %swap3A_514] : memref<12x325x128xf32, #tpu.memory_space<vmem>>, vector<1x325x128xf32>
    %swap3A_516 = vector.shape_cast %swap3A_515 : vector<1x325x128xf32> to vector<325x128xf32>
    %swap3A_517 = vector.shape_cast %convert_element_type3A_511 : vector<325x128xf32> to vector<1x325x128xf32>
    tpu.vector_store %arg16[%swap3A_512, %swap3A_513, %swap3A_514], %swap3A_517 {strides = array<i32>} : memref<12x325x128xf32, #tpu.memory_space<vmem>>, vector<1x325x128xf32>,
    %mul3A_518 = arith.constant 0.899999976 : f32
    %mul3A_519 = vector.broadcast %mul3A_518 : f32 to vector<325x128xf32>
    %mul3A_520 = arith.mulf %mul3A_519, %add3A_503 : vector<325x128xf32>
    %get3A_521 = arith.constant 1 : index
    %get3A_522 = arith.constant 0 : index
    %get3A_523 = arith.constant 0 : index
    %get3A_524 = vector.load %arg16[%get3A_521, %get3A_522, %get3A_523] : memref<12x325x128xf32, #tpu.memory_space<vmem>>, vector<1x325x128xf32>
    %get3A_525 = vector.shape_cast %get3A_524 : vector<1x325x128xf32> to vector<325x128xf32>
    %add3A_526 = arith.addf %mul3A_520, %get3A_525 : vector<325x128xf32>
    %mul3A_527 = arith.constant 8.000000e-01 : f32
    %mul3A_528 = vector.broadcast %mul3A_527 : f32 to vector<325x128xf32>
    %mul3A_529 = arith.mulf %mul3A_528, %sub3A_508 : vector<325x128xf32>
    %add3A_530 = arith.addf %mul3A_529, %add3A_526 : vector<325x128xf32>
    %sub3A_531 = arith.subf %add3A_530, %convert_element_type3A_511 : vector<325x128xf32>
    %gt3A_532 = arith.constant 1.000000e+00 : f32
    %gt3A_533 = vector.broadcast %gt3A_532 : f32 to vector<325x128xf32>
    %gt3A_534 = arith.cmpf ogt, %sub3A_531, %gt3A_533 : vector<325x128xf32>
    %convert_element_type3A_535 = arith.extui %gt3A_534 : vector<325x128xi1> to vector<325x128xi32>
    %convert_element_type3A_536 = arith.sitofp %convert_element_type3A_535 : vector<325x128xi32> to vector<325x128xf32>
    %swap3A_537 = arith.constant 1 : index
    %swap3A_538 = arith.constant 0 : index
    %swap3A_539 = arith.constant 0 : index
    %swap3A_540 = vector.load %arg16[%swap3A_537, %swap3A_538, %swap3A_539] : memref<12x325x128xf32, #tpu.memory_space<vmem>>, vector<1x325x128xf32>
    %swap3A_541 = vector.shape_cast %swap3A_540 : vector<1x325x128xf32> to vector<325x128xf32>
    %swap3A_542 = vector.shape_cast %convert_element_type3A_536 : vector<325x128xf32> to vector<1x325x128xf32>
    tpu.vector_store %arg16[%swap3A_537, %swap3A_538, %swap3A_539], %swap3A_542 {strides = array<i32>} : memref<12x325x128xf32, #tpu.memory_space<vmem>>, vector<1x325x128xf32>,
    %mul3A_543 = arith.constant 0.899999976 : f32
    %mul3A_544 = vector.broadcast %mul3A_543 : f32 to vector<325x128xf32>
    %mul3A_545 = arith.mulf %mul3A_544, %add3A_526 : vector<325x128xf32>
    %get3A_546 = arith.constant 2 : index
    %get3A_547 = arith.constant 0 : index
    %get3A_548 = arith.constant 0 : index
    %get3A_549 = vector.load %arg16[%get3A_546, %get3A_547, %get3A_548] : memref<12x325x128xf32, #tpu.memory_space<vmem>>, vector<1x325x128xf32>
    %get3A_550 = vector.shape_cast %get3A_549 : vector<1x325x128xf32> to vector<325x128xf32>
    %add3A_551 = arith.addf %mul3A_545, %get3A_550 : vector<325x128xf32>
    %mul3A_552 = arith.constant 8.000000e-01 : f32
    %mul3A_553 = vector.broadcast %mul3A_552 : f32 to vector<325x128xf32>
    %mul3A_554 = arith.mulf %mul3A_553, %sub3A_531 : vector<325x128xf32>
    %add3A_555 = arith.addf %mul3A_554, %add3A_551 : vector<325x128xf32>
    %sub3A_556 = arith.subf %add3A_555, %convert_element_type3A_536 : vector<325x128xf32>
    %gt3A_557 = arith.constant 1.000000e+00 : f32
    %gt3A_558 = vector.broadcast %gt3A_557 : f32 to vector<325x128xf32>
    %gt3A_559 = arith.cmpf ogt, %sub3A_556, %gt3A_558 : vector<325x128xf32>
    %convert_element_type3A_560 = arith.extui %gt3A_559 : vector<325x128xi1> to vector<325x128xi32>
    %convert_element_type3A_561 = arith.sitofp %convert_element_type3A_560 : vector<325x128xi32> to vector<325x128xf32>
    %swap3A_562 = arith.constant 2 : index
    %swap3A_563 = arith.constant 0 : index
    %swap3A_564 = arith.constant 0 : index
    %swap3A_565 = vector.load %arg16[%swap3A_562, %swap3A_563, %swap3A_564] : memref<12x325x128xf32, #tpu.memory_space<vmem>>, vector<1x325x128xf32>
    %swap3A_566 = vector.shape_cast %swap3A_565 : vector<1x325x128xf32> to vector<325x128xf32>
    %swap3A_567 = vector.shape_cast %convert_element_type3A_561 : vector<325x128xf32> to vector<1x325x128xf32>
    tpu.vector_store %arg16[%swap3A_562, %swap3A_563, %swap3A_564], %swap3A_567 {strides = array<i32>} : memref<12x325x128xf32, #tpu.memory_space<vmem>>, vector<1x325x128xf32>,
    %mul3A_568 = arith.constant 0.899999976 : f32
    %mul3A_569 = vector.broadcast %mul3A_568 : f32 to vector<325x128xf32>
    %mul3A_570 = arith.mulf %mul3A_569, %add3A_551 : vector<325x128xf32>
    %get3A_571 = arith.constant 3 : index
    %get3A_572 = arith.constant 0 : index
    %get3A_573 = arith.constant 0 : index
    %get3A_574 = vector.load %arg16[%get3A_571, %get3A_572, %get3A_573] : memref<12x325x128xf32, #tpu.memory_space<vmem>>, vector<1x325x128xf32>
    %get3A_575 = vector.shape_cast %get3A_574 : vector<1x325x128xf32> to vector<325x128xf32>
    %add3A_576 = arith.addf %mul3A_570, %get3A_575 : vector<325x128xf32>
    %mul3A_577 = arith.constant 8.000000e-01 : f32
    %mul3A_578 = vector.broadcast %mul3A_577 : f32 to vector<325x128xf32>
    %mul3A_579 = arith.mulf %mul3A_578, %sub3A_556 : vector<325x128xf32>
    %add3A_580 = arith.addf %mul3A_579, %add3A_576 : vector<325x128xf32>
    %sub3A_581 = arith.subf %add3A_580, %convert_element_type3A_561 : vector<325x128xf32>
    %gt3A_582 = arith.constant 1.000000e+00 : f32
    %gt3A_583 = vector.broadcast %gt3A_582 : f32 to vector<325x128xf32>
    %gt3A_584 = arith.cmpf ogt, %sub3A_581, %gt3A_583 : vector<325x128xf32>
    %convert_element_type3A_585 = arith.extui %gt3A_584 : vector<325x128xi1> to vector<325x128xi32>
    %convert_element_type3A_586 = arith.sitofp %convert_element_type3A_585 : vector<325x128xi32> to vector<325x128xf32>
    %swap3A_587 = arith.constant 3 : index
    %swap3A_588 = arith.constant 0 : index
    %swap3A_589 = arith.constant 0 : index
    %swap3A_590 = vector.load %arg16[%swap3A_587, %swap3A_588, %swap3A_589] : memref<12x325x128xf32, #tpu.memory_space<vmem>>, vector<1x325x128xf32>
    %swap3A_591 = vector.shape_cast %swap3A_590 : vector<1x325x128xf32> to vector<325x128xf32>
    %swap3A_592 = vector.shape_cast %convert_element_type3A_586 : vector<325x128xf32> to vector<1x325x128xf32>
    tpu.vector_store %arg16[%swap3A_587, %swap3A_588, %swap3A_589], %swap3A_592 {strides = array<i32>} : memref<12x325x128xf32, #tpu.memory_space<vmem>>, vector<1x325x128xf32>,
    %mul3A_593 = arith.constant 0.899999976 : f32
    %mul3A_594 = vector.broadcast %mul3A_593 : f32 to vector<325x128xf32>
    %mul3A_595 = arith.mulf %mul3A_594, %add3A_576 : vector<325x128xf32>
    %get3A_596 = arith.constant 4 : index
    %get3A_597 = arith.constant 0 : index
    %get3A_598 = arith.constant 0 : index
    %get3A_599 = vector.load %arg16[%get3A_596, %get3A_597, %get3A_598] : memref<12x325x128xf32, #tpu.memory_space<vmem>>, vector<1x325x128xf32>
    %get3A_600 = vector.shape_cast %get3A_599 : vector<1x325x128xf32> to vector<325x128xf32>
    %add3A_601 = arith.addf %mul3A_595, %get3A_600 : vector<325x128xf32>
    %mul3A_602 = arith.constant 8.000000e-01 : f32
    %mul3A_603 = vector.broadcast %mul3A_602 : f32 to vector<325x128xf32>
    %mul3A_604 = arith.mulf %mul3A_603, %sub3A_581 : vector<325x128xf32>
    %add3A_605 = arith.addf %mul3A_604, %add3A_601 : vector<325x128xf32>
    %sub3A_606 = arith.subf %add3A_605, %convert_element_type3A_586 : vector<325x128xf32>
    %gt3A_607 = arith.constant 1.000000e+00 : f32
    %gt3A_608 = vector.broadcast %gt3A_607 : f32 to vector<325x128xf32>
    %gt3A_609 = arith.cmpf ogt, %sub3A_606, %gt3A_608 : vector<325x128xf32>
    %convert_element_type3A_610 = arith.extui %gt3A_609 : vector<325x128xi1> to vector<325x128xi32>
    %convert_element_type3A_611 = arith.sitofp %convert_element_type3A_610 : vector<325x128xi32> to vector<325x128xf32>
    %swap3A_612 = arith.constant 4 : index
    %swap3A_613 = arith.constant 0 : index
    %swap3A_614 = arith.constant 0 : index
    %swap3A_615 = vector.load %arg16[%swap3A_612, %swap3A_613, %swap3A_614] : memref<12x325x128xf32, #tpu.memory_space<vmem>>, vector<1x325x128xf32>
    %swap3A_616 = vector.shape_cast %swap3A_615 : vector<1x325x128xf32> to vector<325x128xf32>
    %swap3A_617 = vector.shape_cast %convert_element_type3A_611 : vector<325x128xf32> to vector<1x325x128xf32>
    tpu.vector_store %arg16[%swap3A_612, %swap3A_613, %swap3A_614], %swap3A_617 {strides = array<i32>} : memref<12x325x128xf32, #tpu.memory_space<vmem>>, vector<1x325x128xf32>,
    %mul3A_618 = arith.constant 0.899999976 : f32
    %mul3A_619 = vector.broadcast %mul3A_618 : f32 to vector<325x128xf32>
    %mul3A_620 = arith.mulf %mul3A_619, %add3A_601 : vector<325x128xf32>
    %get3A_621 = arith.constant 5 : index
    %get3A_622 = arith.constant 0 : index
    %get3A_623 = arith.constant 0 : index
    %get3A_624 = vector.load %arg16[%get3A_621, %get3A_622, %get3A_623] : memref<12x325x128xf32, #tpu.memory_space<vmem>>, vector<1x325x128xf32>
    %get3A_625 = vector.shape_cast %get3A_624 : vector<1x325x128xf32> to vector<325x128xf32>
    %add3A_626 = arith.addf %mul3A_620, %get3A_625 : vector<325x128xf32>
    %mul3A_627 = arith.constant 8.000000e-01 : f32
    %mul3A_628 = vector.broadcast %mul3A_627 : f32 to vector<325x128xf32>
    %mul3A_629 = arith.mulf %mul3A_628, %sub3A_606 : vector<325x128xf32>
    %add3A_630 = arith.addf %mul3A_629, %add3A_626 : vector<325x128xf32>
    %sub3A_631 = arith.subf %add3A_630, %convert_element_type3A_611 : vector<325x128xf32>
    %gt3A_632 = arith.constant 1.000000e+00 : f32
    %gt3A_633 = vector.broadcast %gt3A_632 : f32 to vector<325x128xf32>
    %gt3A_634 = arith.cmpf ogt, %sub3A_631, %gt3A_633 : vector<325x128xf32>
    %convert_element_type3A_635 = arith.extui %gt3A_634 : vector<325x128xi1> to vector<325x128xi32>
    %convert_element_type3A_636 = arith.sitofp %convert_element_type3A_635 : vector<325x128xi32> to vector<325x128xf32>
    %swap3A_637 = arith.constant 5 : index
    %swap3A_638 = arith.constant 0 : index
    %swap3A_639 = arith.constant 0 : index
    %swap3A_640 = vector.load %arg16[%swap3A_637, %swap3A_638, %swap3A_639] : memref<12x325x128xf32, #tpu.memory_space<vmem>>, vector<1x325x128xf32>
    %swap3A_641 = vector.shape_cast %swap3A_640 : vector<1x325x128xf32> to vector<325x128xf32>
    %swap3A_642 = vector.shape_cast %convert_element_type3A_636 : vector<325x128xf32> to vector<1x325x128xf32>
    tpu.vector_store %arg16[%swap3A_637, %swap3A_638, %swap3A_639], %swap3A_642 {strides = array<i32>} : memref<12x325x128xf32, #tpu.memory_space<vmem>>, vector<1x325x128xf32>,
    %mul3A_643 = arith.constant 0.899999976 : f32
    %mul3A_644 = vector.broadcast %mul3A_643 : f32 to vector<325x128xf32>
    %mul3A_645 = arith.mulf %mul3A_644, %add3A_626 : vector<325x128xf32>
    %get3A_646 = arith.constant 6 : index
    %get3A_647 = arith.constant 0 : index
    %get3A_648 = arith.constant 0 : index
    %get3A_649 = vector.load %arg16[%get3A_646, %get3A_647, %get3A_648] : memref<12x325x128xf32, #tpu.memory_space<vmem>>, vector<1x325x128xf32>
    %get3A_650 = vector.shape_cast %get3A_649 : vector<1x325x128xf32> to vector<325x128xf32>
    %add3A_651 = arith.addf %mul3A_645, %get3A_650 : vector<325x128xf32>
    %mul3A_652 = arith.constant 8.000000e-01 : f32
    %mul3A_653 = vector.broadcast %mul3A_652 : f32 to vector<325x128xf32>
    %mul3A_654 = arith.mulf %mul3A_653, %sub3A_631 : vector<325x128xf32>
    %add3A_655 = arith.addf %mul3A_654, %add3A_651 : vector<325x128xf32>
    %sub3A_656 = arith.subf %add3A_655, %convert_element_type3A_636 : vector<325x128xf32>
    %gt3A_657 = arith.constant 1.000000e+00 : f32
    %gt3A_658 = vector.broadcast %gt3A_657 : f32 to vector<325x128xf32>
    %gt3A_659 = arith.cmpf ogt, %sub3A_656, %gt3A_658 : vector<325x128xf32>
    %convert_element_type3A_660 = arith.extui %gt3A_659 : vector<325x128xi1> to vector<325x128xi32>
    %convert_element_type3A_661 = arith.sitofp %convert_element_type3A_660 : vector<325x128xi32> to vector<325x128xf32>
    %swap3A_662 = arith.constant 6 : index
    %swap3A_663 = arith.constant 0 : index
    %swap3A_664 = arith.constant 0 : index
    %swap3A_665 = vector.load %arg16[%swap3A_662, %swap3A_663, %swap3A_664] : memref<12x325x128xf32, #tpu.memory_space<vmem>>, vector<1x325x128xf32>
    %swap3A_666 = vector.shape_cast %swap3A_665 : vector<1x325x128xf32> to vector<325x128xf32>
    %swap3A_667 = vector.shape_cast %convert_element_type3A_661 : vector<325x128xf32> to vector<1x325x128xf32>
    tpu.vector_store %arg16[%swap3A_662, %swap3A_663, %swap3A_664], %swap3A_667 {strides = array<i32>} : memref<12x325x128xf32, #tpu.memory_space<vmem>>, vector<1x325x128xf32>,
    %mul3A_668 = arith.constant 0.899999976 : f32
    %mul3A_669 = vector.broadcast %mul3A_668 : f32 to vector<325x128xf32>
    %mul3A_670 = arith.mulf %mul3A_669, %add3A_651 : vector<325x128xf32>
    %get3A_671 = arith.constant 7 : index
    %get3A_672 = arith.constant 0 : index
    %get3A_673 = arith.constant 0 : index
    %get3A_674 = vector.load %arg16[%get3A_671, %get3A_672, %get3A_673] : memref<12x325x128xf32, #tpu.memory_space<vmem>>, vector<1x325x128xf32>
    %get3A_675 = vector.shape_cast %get3A_674 : vector<1x325x128xf32> to vector<325x128xf32>
    %add3A_676 = arith.addf %mul3A_670, %get3A_675 : vector<325x128xf32>
    %mul3A_677 = arith.constant 8.000000e-01 : f32
    %mul3A_678 = vector.broadcast %mul3A_677 : f32 to vector<325x128xf32>
    %mul3A_679 = arith.mulf %mul3A_678, %sub3A_656 : vector<325x128xf32>
    %add3A_680 = arith.addf %mul3A_679, %add3A_676 : vector<325x128xf32>
    %sub3A_681 = arith.subf %add3A_680, %convert_element_type3A_661 : vector<325x128xf32>
    %gt3A_682 = arith.constant 1.000000e+00 : f32
    %gt3A_683 = vector.broadcast %gt3A_682 : f32 to vector<325x128xf32>
    %gt3A_684 = arith.cmpf ogt, %sub3A_681, %gt3A_683 : vector<325x128xf32>
    %convert_element_type3A_685 = arith.extui %gt3A_684 : vector<325x128xi1> to vector<325x128xi32>
    %convert_element_type3A_686 = arith.sitofp %convert_element_type3A_685 : vector<325x128xi32> to vector<325x128xf32>
    %swap3A_687 = arith.constant 7 : index
    %swap3A_688 = arith.constant 0 : index
    %swap3A_689 = arith.constant 0 : index
    %swap3A_690 = vector.load %arg16[%swap3A_687, %swap3A_688, %swap3A_689] : memref<12x325x128xf32, #tpu.memory_space<vmem>>, vector<1x325x128xf32>
    %swap3A_691 = vector.shape_cast %swap3A_690 : vector<1x325x128xf32> to vector<325x128xf32>
    %swap3A_692 = vector.shape_cast %convert_element_type3A_686 : vector<325x128xf32> to vector<1x325x128xf32>
    tpu.vector_store %arg16[%swap3A_687, %swap3A_688, %swap3A_689], %swap3A_692 {strides = array<i32>} : memref<12x325x128xf32, #tpu.memory_space<vmem>>, vector<1x325x128xf32>,
    %mul3A_693 = arith.constant 0.899999976 : f32
    %mul3A_694 = vector.broadcast %mul3A_693 : f32 to vector<325x128xf32>
    %mul3A_695 = arith.mulf %mul3A_694, %add3A_676 : vector<325x128xf32>
    %get3A_696 = arith.constant 8 : index
    %get3A_697 = arith.constant 0 : index
    %get3A_698 = arith.constant 0 : index
    %get3A_699 = vector.load %arg16[%get3A_696, %get3A_697, %get3A_698] : memref<12x325x128xf32, #tpu.memory_space<vmem>>, vector<1x325x128xf32>
    %get3A_700 = vector.shape_cast %get3A_699 : vector<1x325x128xf32> to vector<325x128xf32>
    %add3A_701 = arith.addf %mul3A_695, %get3A_700 : vector<325x128xf32>
    %mul3A_702 = arith.constant 8.000000e-01 : f32
    %mul3A_703 = vector.broadcast %mul3A_702 : f32 to vector<325x128xf32>
    %mul3A_704 = arith.mulf %mul3A_703, %sub3A_681 : vector<325x128xf32>
    %add3A_705 = arith.addf %mul3A_704, %add3A_701 : vector<325x128xf32>
    %sub3A_706 = arith.subf %add3A_705, %convert_element_type3A_686 : vector<325x128xf32>
    %gt3A_707 = arith.constant 1.000000e+00 : f32
    %gt3A_708 = vector.broadcast %gt3A_707 : f32 to vector<325x128xf32>
    %gt3A_709 = arith.cmpf ogt, %sub3A_706, %gt3A_708 : vector<325x128xf32>
    %convert_element_type3A_710 = arith.extui %gt3A_709 : vector<325x128xi1> to vector<325x128xi32>
    %convert_element_type3A_711 = arith.sitofp %convert_element_type3A_710 : vector<325x128xi32> to vector<325x128xf32>
    %swap3A_712 = arith.constant 8 : index
    %swap3A_713 = arith.constant 0 : index
    %swap3A_714 = arith.constant 0 : index
    %swap3A_715 = vector.load %arg16[%swap3A_712, %swap3A_713, %swap3A_714] : memref<12x325x128xf32, #tpu.memory_space<vmem>>, vector<1x325x128xf32>
    %swap3A_716 = vector.shape_cast %swap3A_715 : vector<1x325x128xf32> to vector<325x128xf32>
    %swap3A_717 = vector.shape_cast %convert_element_type3A_711 : vector<325x128xf32> to vector<1x325x128xf32>
    tpu.vector_store %arg16[%swap3A_712, %swap3A_713, %swap3A_714], %swap3A_717 {strides = array<i32>} : memref<12x325x128xf32, #tpu.memory_space<vmem>>, vector<1x325x128xf32>,
    %mul3A_718 = arith.constant 0.899999976 : f32
    %mul3A_719 = vector.broadcast %mul3A_718 : f32 to vector<325x128xf32>
    %mul3A_720 = arith.mulf %mul3A_719, %add3A_701 : vector<325x128xf32>
    %get3A_721 = arith.constant 9 : index
    %get3A_722 = arith.constant 0 : index
    %get3A_723 = arith.constant 0 : index
    %get3A_724 = vector.load %arg16[%get3A_721, %get3A_722, %get3A_723] : memref<12x325x128xf32, #tpu.memory_space<vmem>>, vector<1x325x128xf32>
    %get3A_725 = vector.shape_cast %get3A_724 : vector<1x325x128xf32> to vector<325x128xf32>
    %add3A_726 = arith.addf %mul3A_720, %get3A_725 : vector<325x128xf32>
    %mul3A_727 = arith.constant 8.000000e-01 : f32
    %mul3A_728 = vector.broadcast %mul3A_727 : f32 to vector<325x128xf32>
    %mul3A_729 = arith.mulf %mul3A_728, %sub3A_706 : vector<325x128xf32>
    %add3A_730 = arith.addf %mul3A_729, %add3A_726 : vector<325x128xf32>
    %sub3A_731 = arith.subf %add3A_730, %convert_element_type3A_711 : vector<325x128xf32>
    %gt3A_732 = arith.constant 1.000000e+00 : f32
    %gt3A_733 = vector.broadcast %gt3A_732 : f32 to vector<325x128xf32>
    %gt3A_734 = arith.cmpf ogt, %sub3A_731, %gt3A_733 : vector<325x128xf32>
    %convert_element_type3A_735 = arith.extui %gt3A_734 : vector<325x128xi1> to vector<325x128xi32>
    %convert_element_type3A_736 = arith.sitofp %convert_element_type3A_735 : vector<325x128xi32> to vector<325x128xf32>
    %swap3A_737 = arith.constant 9 : index
    %swap3A_738 = arith.constant 0 : index
    %swap3A_739 = arith.constant 0 : index
    %swap3A_740 = vector.load %arg16[%swap3A_737, %swap3A_738, %swap3A_739] : memref<12x325x128xf32, #tpu.memory_space<vmem>>, vector<1x325x128xf32>
    %swap3A_741 = vector.shape_cast %swap3A_740 : vector<1x325x128xf32> to vector<325x128xf32>
    %swap3A_742 = vector.shape_cast %convert_element_type3A_736 : vector<325x128xf32> to vector<1x325x128xf32>
    tpu.vector_store %arg16[%swap3A_737, %swap3A_738, %swap3A_739], %swap3A_742 {strides = array<i32>} : memref<12x325x128xf32, #tpu.memory_space<vmem>>, vector<1x325x128xf32>,
    %mul3A_743 = arith.constant 0.899999976 : f32
    %mul3A_744 = vector.broadcast %mul3A_743 : f32 to vector<325x128xf32>
    %mul3A_745 = arith.mulf %mul3A_744, %add3A_726 : vector<325x128xf32>
    %get3A_746 = arith.constant 10 : index
    %get3A_747 = arith.constant 0 : index
    %get3A_748 = arith.constant 0 : index
    %get3A_749 = vector.load %arg16[%get3A_746, %get3A_747, %get3A_748] : memref<12x325x128xf32, #tpu.memory_space<vmem>>, vector<1x325x128xf32>
    %get3A_750 = vector.shape_cast %get3A_749 : vector<1x325x128xf32> to vector<325x128xf32>
    %add3A_751 = arith.addf %mul3A_745, %get3A_750 : vector<325x128xf32>
    %mul3A_752 = arith.constant 8.000000e-01 : f32
    %mul3A_753 = vector.broadcast %mul3A_752 : f32 to vector<325x128xf32>
    %mul3A_754 = arith.mulf %mul3A_753, %sub3A_731 : vector<325x128xf32>
    %add3A_755 = arith.addf %mul3A_754, %add3A_751 : vector<325x128xf32>
    %sub3A_756 = arith.subf %add3A_755, %convert_element_type3A_736 : vector<325x128xf32>
    %gt3A_757 = arith.constant 1.000000e+00 : f32
    %gt3A_758 = vector.broadcast %gt3A_757 : f32 to vector<325x128xf32>
    %gt3A_759 = arith.cmpf ogt, %sub3A_756, %gt3A_758 : vector<325x128xf32>
    %convert_element_type3A_760 = arith.extui %gt3A_759 : vector<325x128xi1> to vector<325x128xi32>
    %convert_element_type3A_761 = arith.sitofp %convert_element_type3A_760 : vector<325x128xi32> to vector<325x128xf32>
    %swap3A_762 = arith.constant 10 : index
    %swap3A_763 = arith.constant 0 : index
    %swap3A_764 = arith.constant 0 : index
    %swap3A_765 = vector.load %arg16[%swap3A_762, %swap3A_763, %swap3A_764] : memref<12x325x128xf32, #tpu.memory_space<vmem>>, vector<1x325x128xf32>
    %swap3A_766 = vector.shape_cast %swap3A_765 : vector<1x325x128xf32> to vector<325x128xf32>
    %swap3A_767 = vector.shape_cast %convert_element_type3A_761 : vector<325x128xf32> to vector<1x325x128xf32>
    tpu.vector_store %arg16[%swap3A_762, %swap3A_763, %swap3A_764], %swap3A_767 {strides = array<i32>} : memref<12x325x128xf32, #tpu.memory_space<vmem>>, vector<1x325x128xf32>,
    %mul3A_768 = arith.constant 0.899999976 : f32
    %mul3A_769 = vector.broadcast %mul3A_768 : f32 to vector<325x128xf32>
    %mul3A_770 = arith.mulf %mul3A_769, %add3A_751 : vector<325x128xf32>
    %get3A_771 = arith.constant 11 : index
    %get3A_772 = arith.constant 0 : index
    %get3A_773 = arith.constant 0 : index
    %get3A_774 = vector.load %arg16[%get3A_771, %get3A_772, %get3A_773] : memref<12x325x128xf32, #tpu.memory_space<vmem>>, vector<1x325x128xf32>
    %get3A_775 = vector.shape_cast %get3A_774 : vector<1x325x128xf32> to vector<325x128xf32>
    %add3A_776 = arith.addf %mul3A_770, %get3A_775 : vector<325x128xf32>
    %mul3A_777 = arith.constant 8.000000e-01 : f32
    %mul3A_778 = vector.broadcast %mul3A_777 : f32 to vector<325x128xf32>
    %mul3A_779 = arith.mulf %mul3A_778, %sub3A_756 : vector<325x128xf32>
    %add3A_780 = arith.addf %mul3A_779, %add3A_776 : vector<325x128xf32>
    %sub3A_781 = arith.subf %add3A_780, %convert_element_type3A_761 : vector<325x128xf32>
    %gt3A_782 = arith.constant 1.000000e+00 : f32
    %gt3A_783 = vector.broadcast %gt3A_782 : f32 to vector<325x128xf32>
    %gt3A_784 = arith.cmpf ogt, %sub3A_781, %gt3A_783 : vector<325x128xf32>
    %convert_element_type3A_785 = arith.extui %gt3A_784 : vector<325x128xi1> to vector<325x128xi32>
    %convert_element_type3A_786 = arith.sitofp %convert_element_type3A_785 : vector<325x128xi32> to vector<325x128xf32>
    %swap3A_787 = arith.constant 11 : index
    %swap3A_788 = arith.constant 0 : index
    %swap3A_789 = arith.constant 0 : index
    %swap3A_790 = vector.load %arg16[%swap3A_787, %swap3A_788, %swap3A_789] : memref<12x325x128xf32, #tpu.memory_space<vmem>>, vector<1x325x128xf32>
    %swap3A_791 = vector.shape_cast %swap3A_790 : vector<1x325x128xf32> to vector<325x128xf32>
    %swap3A_792 = vector.shape_cast %convert_element_type3A_786 : vector<325x128xf32> to vector<1x325x128xf32>
    tpu.vector_store %arg16[%swap3A_787, %swap3A_788, %swap3A_789], %swap3A_792 {strides = array<i32>} : memref<12x325x128xf32, #tpu.memory_space<vmem>>, vector<1x325x128xf32>,
    %get3A_793 = arith.constant 0 : index
    %get3A_794 = arith.constant 0 : index
    %get3A_795 = arith.constant 0 : index
    %get3A_796 = vector.load %arg16[%get3A_793, %get3A_794, %get3A_795] : memref<12x325x128xf32, #tpu.memory_space<vmem>>, vector<1x325x128xf32>
    %get3A_797 = vector.shape_cast %get3A_796 : vector<1x325x128xf32> to vector<325x128xf32>
    %get3A_798 = arith.constant 1 : index
    %get3A_799 = arith.constant 0 : index
    %get3A_800 = arith.constant 0 : index
    %get3A_801 = vector.load %arg6[%get3A_798, %get3A_799, %get3A_800] : memref<3x128x128xf32, #tpu.memory_space<vmem>>, vector<1x128x128xf32>
    %get3A_802 = vector.shape_cast %get3A_801 : vector<1x128x128xf32> to vector<128x128xf32>
    %dot_general3A_803 = arith.constant dense<0.000000e+00> : vector<325x128xf32>
    %dot_general3A_804 = tpu.matmul %get3A_797, %get3A_802, %dot_general3A_803 {dimension_numbers = #tpu.dot_dimension_numbers<[1], [0], [0], [1], [0, 0, 1, 1], [], []>, transpose_lhs_hint = false} : vector<325x128xf32>, vector<128x128xf32>, vector<325x128xf32> -> vector<325x128xf32>
    %get3A_805 = arith.constant 1 : index
    %get3A_806 = arith.constant 0 : index
    %get3A_807 = vector.load %arg7[%get3A_805, %get3A_806] : memref<3x128xf32, #tpu.memory_space<vmem>>, vector<1x128xf32>
    %get3A_808 = vector.shape_cast %get3A_807 : vector<1x128xf32> to vector<128xf32>
    %broadcast_in_dim3A_809 = vector.shape_cast %get3A_808 : vector<128xf32> to vector<1x128xf32>
    %add3A_810 = vector.broadcast %broadcast_in_dim3A_809 : vector<1x128xf32> to vector<325x128xf32>
    %add3A_811 = arith.addf %dot_general3A_804, %add3A_810 : vector<325x128xf32>
    %swap3A_812 = arith.constant 0 : index
    %swap3A_813 = arith.constant 0 : index
    %swap3A_814 = arith.constant 0 : index
    %swap3A_815 = vector.load %arg17[%swap3A_812, %swap3A_813, %swap3A_814] : memref<12x325x128xf32, #tpu.memory_space<vmem>>, vector<1x325x128xf32>
    %swap3A_816 = vector.shape_cast %swap3A_815 : vector<1x325x128xf32> to vector<325x128xf32>
    %swap3A_817 = vector.shape_cast %add3A_811 : vector<325x128xf32> to vector<1x325x128xf32>
    tpu.vector_store %arg17[%swap3A_812, %swap3A_813, %swap3A_814], %swap3A_817 {strides = array<i32>} : memref<12x325x128xf32, #tpu.memory_space<vmem>>, vector<1x325x128xf32>,
    %get3A_818 = arith.constant 1 : index
    %get3A_819 = arith.constant 0 : index
    %get3A_820 = arith.constant 0 : index
    %get3A_821 = vector.load %arg16[%get3A_818, %get3A_819, %get3A_820] : memref<12x325x128xf32, #tpu.memory_space<vmem>>, vector<1x325x128xf32>
    %get3A_822 = vector.shape_cast %get3A_821 : vector<1x325x128xf32> to vector<325x128xf32>
    %get3A_823 = arith.constant 1 : index
    %get3A_824 = arith.constant 0 : index
    %get3A_825 = arith.constant 0 : index
    %get3A_826 = vector.load %arg6[%get3A_823, %get3A_824, %get3A_825] : memref<3x128x128xf32, #tpu.memory_space<vmem>>, vector<1x128x128xf32>
    %get3A_827 = vector.shape_cast %get3A_826 : vector<1x128x128xf32> to vector<128x128xf32>
    %dot_general3A_828 = arith.constant dense<0.000000e+00> : vector<325x128xf32>
    %dot_general3A_829 = tpu.matmul %get3A_822, %get3A_827, %dot_general3A_828 {dimension_numbers = #tpu.dot_dimension_numbers<[1], [0], [0], [1], [0, 0, 1, 1], [], []>, transpose_lhs_hint = false} : vector<325x128xf32>, vector<128x128xf32>, vector<325x128xf32> -> vector<325x128xf32>
    %get3A_830 = arith.constant 1 : index
    %get3A_831 = arith.constant 0 : index
    %get3A_832 = vector.load %arg7[%get3A_830, %get3A_831] : memref<3x128xf32, #tpu.memory_space<vmem>>, vector<1x128xf32>
    %get3A_833 = vector.shape_cast %get3A_832 : vector<1x128xf32> to vector<128xf32>
    %broadcast_in_dim3A_834 = vector.shape_cast %get3A_833 : vector<128xf32> to vector<1x128xf32>
    %add3A_835 = vector.broadcast %broadcast_in_dim3A_834 : vector<1x128xf32> to vector<325x128xf32>
    %add3A_836 = arith.addf %dot_general3A_829, %add3A_835 : vector<325x128xf32>
    %swap3A_837 = arith.constant 1 : index
    %swap3A_838 = arith.constant 0 : index
    %swap3A_839 = arith.constant 0 : index
    %swap3A_840 = vector.load %arg17[%swap3A_837, %swap3A_838, %swap3A_839] : memref<12x325x128xf32, #tpu.memory_space<vmem>>, vector<1x325x128xf32>
    %swap3A_841 = vector.shape_cast %swap3A_840 : vector<1x325x128xf32> to vector<325x128xf32>
    %swap3A_842 = vector.shape_cast %add3A_836 : vector<325x128xf32> to vector<1x325x128xf32>
    tpu.vector_store %arg17[%swap3A_837, %swap3A_838, %swap3A_839], %swap3A_842 {strides = array<i32>} : memref<12x325x128xf32, #tpu.memory_space<vmem>>, vector<1x325x128xf32>,
    %get3A_843 = arith.constant 2 : index
    %get3A_844 = arith.constant 0 : index
    %get3A_845 = arith.constant 0 : index
    %get3A_846 = vector.load %arg16[%get3A_843, %get3A_844, %get3A_845] : memref<12x325x128xf32, #tpu.memory_space<vmem>>, vector<1x325x128xf32>
    %get3A_847 = vector.shape_cast %get3A_846 : vector<1x325x128xf32> to vector<325x128xf32>
    %get3A_848 = arith.constant 1 : index
    %get3A_849 = arith.constant 0 : index
    %get3A_850 = arith.constant 0 : index
    %get3A_851 = vector.load %arg6[%get3A_848, %get3A_849, %get3A_850] : memref<3x128x128xf32, #tpu.memory_space<vmem>>, vector<1x128x128xf32>
    %get3A_852 = vector.shape_cast %get3A_851 : vector<1x128x128xf32> to vector<128x128xf32>
    %dot_general3A_853 = arith.constant dense<0.000000e+00> : vector<325x128xf32>
    %dot_general3A_854 = tpu.matmul %get3A_847, %get3A_852, %dot_general3A_853 {dimension_numbers = #tpu.dot_dimension_numbers<[1], [0], [0], [1], [0, 0, 1, 1], [], []>, transpose_lhs_hint = false} : vector<325x128xf32>, vector<128x128xf32>, vector<325x128xf32> -> vector<325x128xf32>
    %get3A_855 = arith.constant 1 : index
    %get3A_856 = arith.constant 0 : index
    %get3A_857 = vector.load %arg7[%get3A_855, %get3A_856] : memref<3x128xf32, #tpu.memory_space<vmem>>, vector<1x128xf32>
    %get3A_858 = vector.shape_cast %get3A_857 : vector<1x128xf32> to vector<128xf32>
    %broadcast_in_dim3A_859 = vector.shape_cast %get3A_858 : vector<128xf32> to vector<1x128xf32>
    %add3A_860 = vector.broadcast %broadcast_in_dim3A_859 : vector<1x128xf32> to vector<325x128xf32>
    %add3A_861 = arith.addf %dot_general3A_854, %add3A_860 : vector<325x128xf32>
    %swap3A_862 = arith.constant 2 : index
    %swap3A_863 = arith.constant 0 : index
    %swap3A_864 = arith.constant 0 : index
    %swap3A_865 = vector.load %arg17[%swap3A_862, %swap3A_863, %swap3A_864] : memref<12x325x128xf32, #tpu.memory_space<vmem>>, vector<1x325x128xf32>
    %swap3A_866 = vector.shape_cast %swap3A_865 : vector<1x325x128xf32> to vector<325x128xf32>
    %swap3A_867 = vector.shape_cast %add3A_861 : vector<325x128xf32> to vector<1x325x128xf32>
    tpu.vector_store %arg17[%swap3A_862, %swap3A_863, %swap3A_864], %swap3A_867 {strides = array<i32>} : memref<12x325x128xf32, #tpu.memory_space<vmem>>, vector<1x325x128xf32>,
    %get3A_868 = arith.constant 3 : index
    %get3A_869 = arith.constant 0 : index
    %get3A_870 = arith.constant 0 : index
    %get3A_871 = vector.load %arg16[%get3A_868, %get3A_869, %get3A_870] : memref<12x325x128xf32, #tpu.memory_space<vmem>>, vector<1x325x128xf32>
    %get3A_872 = vector.shape_cast %get3A_871 : vector<1x325x128xf32> to vector<325x128xf32>
    %get3A_873 = arith.constant 1 : index
    %get3A_874 = arith.constant 0 : index
    %get3A_875 = arith.constant 0 : index
    %get3A_876 = vector.load %arg6[%get3A_873, %get3A_874, %get3A_875] : memref<3x128x128xf32, #tpu.memory_space<vmem>>, vector<1x128x128xf32>
    %get3A_877 = vector.shape_cast %get3A_876 : vector<1x128x128xf32> to vector<128x128xf32>
    %dot_general3A_878 = arith.constant dense<0.000000e+00> : vector<325x128xf32>
    %dot_general3A_879 = tpu.matmul %get3A_872, %get3A_877, %dot_general3A_878 {dimension_numbers = #tpu.dot_dimension_numbers<[1], [0], [0], [1], [0, 0, 1, 1], [], []>, transpose_lhs_hint = false} : vector<325x128xf32>, vector<128x128xf32>, vector<325x128xf32> -> vector<325x128xf32>
    %get3A_880 = arith.constant 1 : index
    %get3A_881 = arith.constant 0 : index
    %get3A_882 = vector.load %arg7[%get3A_880, %get3A_881] : memref<3x128xf32, #tpu.memory_space<vmem>>, vector<1x128xf32>
    %get3A_883 = vector.shape_cast %get3A_882 : vector<1x128xf32> to vector<128xf32>
    %broadcast_in_dim3A_884 = vector.shape_cast %get3A_883 : vector<128xf32> to vector<1x128xf32>
    %add3A_885 = vector.broadcast %broadcast_in_dim3A_884 : vector<1x128xf32> to vector<325x128xf32>
    %add3A_886 = arith.addf %dot_general3A_879, %add3A_885 : vector<325x128xf32>
    %swap3A_887 = arith.constant 3 : index
    %swap3A_888 = arith.constant 0 : index
    %swap3A_889 = arith.constant 0 : index
    %swap3A_890 = vector.load %arg17[%swap3A_887, %swap3A_888, %swap3A_889] : memref<12x325x128xf32, #tpu.memory_space<vmem>>, vector<1x325x128xf32>
    %swap3A_891 = vector.shape_cast %swap3A_890 : vector<1x325x128xf32> to vector<325x128xf32>
    %swap3A_892 = vector.shape_cast %add3A_886 : vector<325x128xf32> to vector<1x325x128xf32>
    tpu.vector_store %arg17[%swap3A_887, %swap3A_888, %swap3A_889], %swap3A_892 {strides = array<i32>} : memref<12x325x128xf32, #tpu.memory_space<vmem>>, vector<1x325x128xf32>,
    %get3A_893 = arith.constant 4 : index
    %get3A_894 = arith.constant 0 : index
    %get3A_895 = arith.constant 0 : index
    %get3A_896 = vector.load %arg16[%get3A_893, %get3A_894, %get3A_895] : memref<12x325x128xf32, #tpu.memory_space<vmem>>, vector<1x325x128xf32>
    %get3A_897 = vector.shape_cast %get3A_896 : vector<1x325x128xf32> to vector<325x128xf32>
    %get3A_898 = arith.constant 1 : index
    %get3A_899 = arith.constant 0 : index
    %get3A_900 = arith.constant 0 : index
    %get3A_901 = vector.load %arg6[%get3A_898, %get3A_899, %get3A_900] : memref<3x128x128xf32, #tpu.memory_space<vmem>>, vector<1x128x128xf32>
    %get3A_902 = vector.shape_cast %get3A_901 : vector<1x128x128xf32> to vector<128x128xf32>
    %dot_general3A_903 = arith.constant dense<0.000000e+00> : vector<325x128xf32>
    %dot_general3A_904 = tpu.matmul %get3A_897, %get3A_902, %dot_general3A_903 {dimension_numbers = #tpu.dot_dimension_numbers<[1], [0], [0], [1], [0, 0, 1, 1], [], []>, transpose_lhs_hint = false} : vector<325x128xf32>, vector<128x128xf32>, vector<325x128xf32> -> vector<325x128xf32>
    %get3A_905 = arith.constant 1 : index
    %get3A_906 = arith.constant 0 : index
    %get3A_907 = vector.load %arg7[%get3A_905, %get3A_906] : memref<3x128xf32, #tpu.memory_space<vmem>>, vector<1x128xf32>
    %get3A_908 = vector.shape_cast %get3A_907 : vector<1x128xf32> to vector<128xf32>
    %broadcast_in_dim3A_909 = vector.shape_cast %get3A_908 : vector<128xf32> to vector<1x128xf32>
    %add3A_910 = vector.broadcast %broadcast_in_dim3A_909 : vector<1x128xf32> to vector<325x128xf32>
    %add3A_911 = arith.addf %dot_general3A_904, %add3A_910 : vector<325x128xf32>
    %swap3A_912 = arith.constant 4 : index
    %swap3A_913 = arith.constant 0 : index
    %swap3A_914 = arith.constant 0 : index
    %swap3A_915 = vector.load %arg17[%swap3A_912, %swap3A_913, %swap3A_914] : memref<12x325x128xf32, #tpu.memory_space<vmem>>, vector<1x325x128xf32>
    %swap3A_916 = vector.shape_cast %swap3A_915 : vector<1x325x128xf32> to vector<325x128xf32>
    %swap3A_917 = vector.shape_cast %add3A_911 : vector<325x128xf32> to vector<1x325x128xf32>
    tpu.vector_store %arg17[%swap3A_912, %swap3A_913, %swap3A_914], %swap3A_917 {strides = array<i32>} : memref<12x325x128xf32, #tpu.memory_space<vmem>>, vector<1x325x128xf32>,
    %get3A_918 = arith.constant 5 : index
    %get3A_919 = arith.constant 0 : index
    %get3A_920 = arith.constant 0 : index
    %get3A_921 = vector.load %arg16[%get3A_918, %get3A_919, %get3A_920] : memref<12x325x128xf32, #tpu.memory_space<vmem>>, vector<1x325x128xf32>
    %get3A_922 = vector.shape_cast %get3A_921 : vector<1x325x128xf32> to vector<325x128xf32>
    %get3A_923 = arith.constant 1 : index
    %get3A_924 = arith.constant 0 : index
    %get3A_925 = arith.constant 0 : index
    %get3A_926 = vector.load %arg6[%get3A_923, %get3A_924, %get3A_925] : memref<3x128x128xf32, #tpu.memory_space<vmem>>, vector<1x128x128xf32>
    %get3A_927 = vector.shape_cast %get3A_926 : vector<1x128x128xf32> to vector<128x128xf32>
    %dot_general3A_928 = arith.constant dense<0.000000e+00> : vector<325x128xf32>
    %dot_general3A_929 = tpu.matmul %get3A_922, %get3A_927, %dot_general3A_928 {dimension_numbers = #tpu.dot_dimension_numbers<[1], [0], [0], [1], [0, 0, 1, 1], [], []>, transpose_lhs_hint = false} : vector<325x128xf32>, vector<128x128xf32>, vector<325x128xf32> -> vector<325x128xf32>
    %get3A_930 = arith.constant 1 : index
    %get3A_931 = arith.constant 0 : index
    %get3A_932 = vector.load %arg7[%get3A_930, %get3A_931] : memref<3x128xf32, #tpu.memory_space<vmem>>, vector<1x128xf32>
    %get3A_933 = vector.shape_cast %get3A_932 : vector<1x128xf32> to vector<128xf32>
    %broadcast_in_dim3A_934 = vector.shape_cast %get3A_933 : vector<128xf32> to vector<1x128xf32>
    %add3A_935 = vector.broadcast %broadcast_in_dim3A_934 : vector<1x128xf32> to vector<325x128xf32>
    %add3A_936 = arith.addf %dot_general3A_929, %add3A_935 : vector<325x128xf32>
    %swap3A_937 = arith.constant 5 : index
    %swap3A_938 = arith.constant 0 : index
    %swap3A_939 = arith.constant 0 : index
    %swap3A_940 = vector.load %arg17[%swap3A_937, %swap3A_938, %swap3A_939] : memref<12x325x128xf32, #tpu.memory_space<vmem>>, vector<1x325x128xf32>
    %swap3A_941 = vector.shape_cast %swap3A_940 : vector<1x325x128xf32> to vector<325x128xf32>
    %swap3A_942 = vector.shape_cast %add3A_936 : vector<325x128xf32> to vector<1x325x128xf32>
    tpu.vector_store %arg17[%swap3A_937, %swap3A_938, %swap3A_939], %swap3A_942 {strides = array<i32>} : memref<12x325x128xf32, #tpu.memory_space<vmem>>, vector<1x325x128xf32>,
    %get3A_943 = arith.constant 6 : index
    %get3A_944 = arith.constant 0 : index
    %get3A_945 = arith.constant 0 : index
    %get3A_946 = vector.load %arg16[%get3A_943, %get3A_944, %get3A_945] : memref<12x325x128xf32, #tpu.memory_space<vmem>>, vector<1x325x128xf32>
    %get3A_947 = vector.shape_cast %get3A_946 : vector<1x325x128xf32> to vector<325x128xf32>
    %get3A_948 = arith.constant 1 : index
    %get3A_949 = arith.constant 0 : index
    %get3A_950 = arith.constant 0 : index
    %get3A_951 = vector.load %arg6[%get3A_948, %get3A_949, %get3A_950] : memref<3x128x128xf32, #tpu.memory_space<vmem>>, vector<1x128x128xf32>
    %get3A_952 = vector.shape_cast %get3A_951 : vector<1x128x128xf32> to vector<128x128xf32>
    %dot_general3A_953 = arith.constant dense<0.000000e+00> : vector<325x128xf32>
    %dot_general3A_954 = tpu.matmul %get3A_947, %get3A_952, %dot_general3A_953 {dimension_numbers = #tpu.dot_dimension_numbers<[1], [0], [0], [1], [0, 0, 1, 1], [], []>, transpose_lhs_hint = false} : vector<325x128xf32>, vector<128x128xf32>, vector<325x128xf32> -> vector<325x128xf32>
    %get3A_955 = arith.constant 1 : index
    %get3A_956 = arith.constant 0 : index
    %get3A_957 = vector.load %arg7[%get3A_955, %get3A_956] : memref<3x128xf32, #tpu.memory_space<vmem>>, vector<1x128xf32>
    %get3A_958 = vector.shape_cast %get3A_957 : vector<1x128xf32> to vector<128xf32>
    %broadcast_in_dim3A_959 = vector.shape_cast %get3A_958 : vector<128xf32> to vector<1x128xf32>
    %add3A_960 = vector.broadcast %broadcast_in_dim3A_959 : vector<1x128xf32> to vector<325x128xf32>
    %add3A_961 = arith.addf %dot_general3A_954, %add3A_960 : vector<325x128xf32>
    %swap3A_962 = arith.constant 6 : index
    %swap3A_963 = arith.constant 0 : index
    %swap3A_964 = arith.constant 0 : index
    %swap3A_965 = vector.load %arg17[%swap3A_962, %swap3A_963, %swap3A_964] : memref<12x325x128xf32, #tpu.memory_space<vmem>>, vector<1x325x128xf32>
    %swap3A_966 = vector.shape_cast %swap3A_965 : vector<1x325x128xf32> to vector<325x128xf32>
    %swap3A_967 = vector.shape_cast %add3A_961 : vector<325x128xf32> to vector<1x325x128xf32>
    tpu.vector_store %arg17[%swap3A_962, %swap3A_963, %swap3A_964], %swap3A_967 {strides = array<i32>} : memref<12x325x128xf32, #tpu.memory_space<vmem>>, vector<1x325x128xf32>,
    %get3A_968 = arith.constant 7 : index
    %get3A_969 = arith.constant 0 : index
    %get3A_970 = arith.constant 0 : index
    %get3A_971 = vector.load %arg16[%get3A_968, %get3A_969, %get3A_970] : memref<12x325x128xf32, #tpu.memory_space<vmem>>, vector<1x325x128xf32>
    %get3A_972 = vector.shape_cast %get3A_971 : vector<1x325x128xf32> to vector<325x128xf32>
    %get3A_973 = arith.constant 1 : index
    %get3A_974 = arith.constant 0 : index
    %get3A_975 = arith.constant 0 : index
    %get3A_976 = vector.load %arg6[%get3A_973, %get3A_974, %get3A_975] : memref<3x128x128xf32, #tpu.memory_space<vmem>>, vector<1x128x128xf32>
    %get3A_977 = vector.shape_cast %get3A_976 : vector<1x128x128xf32> to vector<128x128xf32>
    %dot_general3A_978 = arith.constant dense<0.000000e+00> : vector<325x128xf32>
    %dot_general3A_979 = tpu.matmul %get3A_972, %get3A_977, %dot_general3A_978 {dimension_numbers = #tpu.dot_dimension_numbers<[1], [0], [0], [1], [0, 0, 1, 1], [], []>, transpose_lhs_hint = false} : vector<325x128xf32>, vector<128x128xf32>, vector<325x128xf32> -> vector<325x128xf32>
    %get3A_980 = arith.constant 1 : index
    %get3A_981 = arith.constant 0 : index
    %get3A_982 = vector.load %arg7[%get3A_980, %get3A_981] : memref<3x128xf32, #tpu.memory_space<vmem>>, vector<1x128xf32>
    %get3A_983 = vector.shape_cast %get3A_982 : vector<1x128xf32> to vector<128xf32>
    %broadcast_in_dim3A_984 = vector.shape_cast %get3A_983 : vector<128xf32> to vector<1x128xf32>
    %add3A_985 = vector.broadcast %broadcast_in_dim3A_984 : vector<1x128xf32> to vector<325x128xf32>
    %add3A_986 = arith.addf %dot_general3A_979, %add3A_985 : vector<325x128xf32>
    %swap3A_987 = arith.constant 7 : index
    %swap3A_988 = arith.constant 0 : index
    %swap3A_989 = arith.constant 0 : index
    %swap3A_990 = vector.load %arg17[%swap3A_987, %swap3A_988, %swap3A_989] : memref<12x325x128xf32, #tpu.memory_space<vmem>>, vector<1x325x128xf32>
    %swap3A_991 = vector.shape_cast %swap3A_990 : vector<1x325x128xf32> to vector<325x128xf32>
    %swap3A_992 = vector.shape_cast %add3A_986 : vector<325x128xf32> to vector<1x325x128xf32>
    tpu.vector_store %arg17[%swap3A_987, %swap3A_988, %swap3A_989], %swap3A_992 {strides = array<i32>} : memref<12x325x128xf32, #tpu.memory_space<vmem>>, vector<1x325x128xf32>,
    %get3A_993 = arith.constant 8 : index
    %get3A_994 = arith.constant 0 : index
    %get3A_995 = arith.constant 0 : index
    %get3A_996 = vector.load %arg16[%get3A_993, %get3A_994, %get3A_995] : memref<12x325x128xf32, #tpu.memory_space<vmem>>, vector<1x325x128xf32>
    %get3A_997 = vector.shape_cast %get3A_996 : vector<1x325x128xf32> to vector<325x128xf32>
    %get3A_998 = arith.constant 1 : index
    %get3A_999 = arith.constant 0 : index
    %get3A_1000 = arith.constant 0 : index
    %get3A_1001 = vector.load %arg6[%get3A_998, %get3A_999, %get3A_1000] : memref<3x128x128xf32, #tpu.memory_space<vmem>>, vector<1x128x128xf32>
    %get3A_1002 = vector.shape_cast %get3A_1001 : vector<1x128x128xf32> to vector<128x128xf32>
    %dot_general3A_1003 = arith.constant dense<0.000000e+00> : vector<325x128xf32>
    %dot_general3A_1004 = tpu.matmul %get3A_997, %get3A_1002, %dot_general3A_1003 {dimension_numbers = #tpu.dot_dimension_numbers<[1], [0], [0], [1], [0, 0, 1, 1], [], []>, transpose_lhs_hint = false} : vector<325x128xf32>, vector<128x128xf32>, vector<325x128xf32> -> vector<325x128xf32>
    %get3A_1005 = arith.constant 1 : index
    %get3A_1006 = arith.constant 0 : index
    %get3A_1007 = vector.load %arg7[%get3A_1005, %get3A_1006] : memref<3x128xf32, #tpu.memory_space<vmem>>, vector<1x128xf32>
    %get3A_1008 = vector.shape_cast %get3A_1007 : vector<1x128xf32> to vector<128xf32>
    %broadcast_in_dim3A_1009 = vector.shape_cast %get3A_1008 : vector<128xf32> to vector<1x128xf32>
    %add3A_1010 = vector.broadcast %broadcast_in_dim3A_1009 : vector<1x128xf32> to vector<325x128xf32>
    %add3A_1011 = arith.addf %dot_general3A_1004, %add3A_1010 : vector<325x128xf32>
    %swap3A_1012 = arith.constant 8 : index
    %swap3A_1013 = arith.constant 0 : index
    %swap3A_1014 = arith.constant 0 : index
    %swap3A_1015 = vector.load %arg17[%swap3A_1012, %swap3A_1013, %swap3A_1014] : memref<12x325x128xf32, #tpu.memory_space<vmem>>, vector<1x325x128xf32>
    %swap3A_1016 = vector.shape_cast %swap3A_1015 : vector<1x325x128xf32> to vector<325x128xf32>
    %swap3A_1017 = vector.shape_cast %add3A_1011 : vector<325x128xf32> to vector<1x325x128xf32>
    tpu.vector_store %arg17[%swap3A_1012, %swap3A_1013, %swap3A_1014], %swap3A_1017 {strides = array<i32>} : memref<12x325x128xf32, #tpu.memory_space<vmem>>, vector<1x325x128xf32>,
    %get3A_1018 = arith.constant 9 : index
    %get3A_1019 = arith.constant 0 : index
    %get3A_1020 = arith.constant 0 : index
    %get3A_1021 = vector.load %arg16[%get3A_1018, %get3A_1019, %get3A_1020] : memref<12x325x128xf32, #tpu.memory_space<vmem>>, vector<1x325x128xf32>
    %get3A_1022 = vector.shape_cast %get3A_1021 : vector<1x325x128xf32> to vector<325x128xf32>
    %get3A_1023 = arith.constant 1 : index
    %get3A_1024 = arith.constant 0 : index
    %get3A_1025 = arith.constant 0 : index
    %get3A_1026 = vector.load %arg6[%get3A_1023, %get3A_1024, %get3A_1025] : memref<3x128x128xf32, #tpu.memory_space<vmem>>, vector<1x128x128xf32>
    %get3A_1027 = vector.shape_cast %get3A_1026 : vector<1x128x128xf32> to vector<128x128xf32>
    %dot_general3A_1028 = arith.constant dense<0.000000e+00> : vector<325x128xf32>
    %dot_general3A_1029 = tpu.matmul %get3A_1022, %get3A_1027, %dot_general3A_1028 {dimension_numbers = #tpu.dot_dimension_numbers<[1], [0], [0], [1], [0, 0, 1, 1], [], []>, transpose_lhs_hint = false} : vector<325x128xf32>, vector<128x128xf32>, vector<325x128xf32> -> vector<325x128xf32>
    %get3A_1030 = arith.constant 1 : index
    %get3A_1031 = arith.constant 0 : index
    %get3A_1032 = vector.load %arg7[%get3A_1030, %get3A_1031] : memref<3x128xf32, #tpu.memory_space<vmem>>, vector<1x128xf32>
    %get3A_1033 = vector.shape_cast %get3A_1032 : vector<1x128xf32> to vector<128xf32>
    %broadcast_in_dim3A_1034 = vector.shape_cast %get3A_1033 : vector<128xf32> to vector<1x128xf32>
    %add3A_1035 = vector.broadcast %broadcast_in_dim3A_1034 : vector<1x128xf32> to vector<325x128xf32>
    %add3A_1036 = arith.addf %dot_general3A_1029, %add3A_1035 : vector<325x128xf32>
    %swap3A_1037 = arith.constant 9 : index
    %swap3A_1038 = arith.constant 0 : index
    %swap3A_1039 = arith.constant 0 : index
    %swap3A_1040 = vector.load %arg17[%swap3A_1037, %swap3A_1038, %swap3A_1039] : memref<12x325x128xf32, #tpu.memory_space<vmem>>, vector<1x325x128xf32>
    %swap3A_1041 = vector.shape_cast %swap3A_1040 : vector<1x325x128xf32> to vector<325x128xf32>
    %swap3A_1042 = vector.shape_cast %add3A_1036 : vector<325x128xf32> to vector<1x325x128xf32>
    tpu.vector_store %arg17[%swap3A_1037, %swap3A_1038, %swap3A_1039], %swap3A_1042 {strides = array<i32>} : memref<12x325x128xf32, #tpu.memory_space<vmem>>, vector<1x325x128xf32>,
    %get3A_1043 = arith.constant 10 : index
    %get3A_1044 = arith.constant 0 : index
    %get3A_1045 = arith.constant 0 : index
    %get3A_1046 = vector.load %arg16[%get3A_1043, %get3A_1044, %get3A_1045] : memref<12x325x128xf32, #tpu.memory_space<vmem>>, vector<1x325x128xf32>
    %get3A_1047 = vector.shape_cast %get3A_1046 : vector<1x325x128xf32> to vector<325x128xf32>
    %get3A_1048 = arith.constant 1 : index
    %get3A_1049 = arith.constant 0 : index
    %get3A_1050 = arith.constant 0 : index
    %get3A_1051 = vector.load %arg6[%get3A_1048, %get3A_1049, %get3A_1050] : memref<3x128x128xf32, #tpu.memory_space<vmem>>, vector<1x128x128xf32>
    %get3A_1052 = vector.shape_cast %get3A_1051 : vector<1x128x128xf32> to vector<128x128xf32>
    %dot_general3A_1053 = arith.constant dense<0.000000e+00> : vector<325x128xf32>
    %dot_general3A_1054 = tpu.matmul %get3A_1047, %get3A_1052, %dot_general3A_1053 {dimension_numbers = #tpu.dot_dimension_numbers<[1], [0], [0], [1], [0, 0, 1, 1], [], []>, transpose_lhs_hint = false} : vector<325x128xf32>, vector<128x128xf32>, vector<325x128xf32> -> vector<325x128xf32>
    %get3A_1055 = arith.constant 1 : index
    %get3A_1056 = arith.constant 0 : index
    %get3A_1057 = vector.load %arg7[%get3A_1055, %get3A_1056] : memref<3x128xf32, #tpu.memory_space<vmem>>, vector<1x128xf32>
    %get3A_1058 = vector.shape_cast %get3A_1057 : vector<1x128xf32> to vector<128xf32>
    %broadcast_in_dim3A_1059 = vector.shape_cast %get3A_1058 : vector<128xf32> to vector<1x128xf32>
    %add3A_1060 = vector.broadcast %broadcast_in_dim3A_1059 : vector<1x128xf32> to vector<325x128xf32>
    %add3A_1061 = arith.addf %dot_general3A_1054, %add3A_1060 : vector<325x128xf32>
    %swap3A_1062 = arith.constant 10 : index
    %swap3A_1063 = arith.constant 0 : index
    %swap3A_1064 = arith.constant 0 : index
    %swap3A_1065 = vector.load %arg17[%swap3A_1062, %swap3A_1063, %swap3A_1064] : memref<12x325x128xf32, #tpu.memory_space<vmem>>, vector<1x325x128xf32>
    %swap3A_1066 = vector.shape_cast %swap3A_1065 : vector<1x325x128xf32> to vector<325x128xf32>
    %swap3A_1067 = vector.shape_cast %add3A_1061 : vector<325x128xf32> to vector<1x325x128xf32>
    tpu.vector_store %arg17[%swap3A_1062, %swap3A_1063, %swap3A_1064], %swap3A_1067 {strides = array<i32>} : memref<12x325x128xf32, #tpu.memory_space<vmem>>, vector<1x325x128xf32>,
    %get3A_1068 = arith.constant 11 : index
    %get3A_1069 = arith.constant 0 : index
    %get3A_1070 = arith.constant 0 : index
    %get3A_1071 = vector.load %arg16[%get3A_1068, %get3A_1069, %get3A_1070] : memref<12x325x128xf32, #tpu.memory_space<vmem>>, vector<1x325x128xf32>
    %get3A_1072 = vector.shape_cast %get3A_1071 : vector<1x325x128xf32> to vector<325x128xf32>
    %get3A_1073 = arith.constant 1 : index
    %get3A_1074 = arith.constant 0 : index
    %get3A_1075 = arith.constant 0 : index
    %get3A_1076 = vector.load %arg6[%get3A_1073, %get3A_1074, %get3A_1075] : memref<3x128x128xf32, #tpu.memory_space<vmem>>, vector<1x128x128xf32>
    %get3A_1077 = vector.shape_cast %get3A_1076 : vector<1x128x128xf32> to vector<128x128xf32>
    %dot_general3A_1078 = arith.constant dense<0.000000e+00> : vector<325x128xf32>
    %dot_general3A_1079 = tpu.matmul %get3A_1072, %get3A_1077, %dot_general3A_1078 {dimension_numbers = #tpu.dot_dimension_numbers<[1], [0], [0], [1], [0, 0, 1, 1], [], []>, transpose_lhs_hint = false} : vector<325x128xf32>, vector<128x128xf32>, vector<325x128xf32> -> vector<325x128xf32>
    %get3A_1080 = arith.constant 1 : index
    %get3A_1081 = arith.constant 0 : index
    %get3A_1082 = vector.load %arg7[%get3A_1080, %get3A_1081] : memref<3x128xf32, #tpu.memory_space<vmem>>, vector<1x128xf32>
    %get3A_1083 = vector.shape_cast %get3A_1082 : vector<1x128xf32> to vector<128xf32>
    %broadcast_in_dim3A_1084 = vector.shape_cast %get3A_1083 : vector<128xf32> to vector<1x128xf32>
    %add3A_1085 = vector.broadcast %broadcast_in_dim3A_1084 : vector<1x128xf32> to vector<325x128xf32>
    %add3A_1086 = arith.addf %dot_general3A_1079, %add3A_1085 : vector<325x128xf32>
    %swap3A_1087 = arith.constant 11 : index
    %swap3A_1088 = arith.constant 0 : index
    %swap3A_1089 = arith.constant 0 : index
    %swap3A_1090 = vector.load %arg17[%swap3A_1087, %swap3A_1088, %swap3A_1089] : memref<12x325x128xf32, #tpu.memory_space<vmem>>, vector<1x325x128xf32>
    %swap3A_1091 = vector.shape_cast %swap3A_1090 : vector<1x325x128xf32> to vector<325x128xf32>
    %swap3A_1092 = vector.shape_cast %add3A_1086 : vector<325x128xf32> to vector<1x325x128xf32>
    tpu.vector_store %arg17[%swap3A_1087, %swap3A_1088, %swap3A_1089], %swap3A_1092 {strides = array<i32>} : memref<12x325x128xf32, #tpu.memory_space<vmem>>, vector<1x325x128xf32>,
    %broadcast_in_dim3A_1093 = arith.constant 0.000000e+00 : f32
    %broadcast_in_dim3A_1094 = vector.broadcast %broadcast_in_dim3A_1093 : f32 to vector<325x128xf32>
    %broadcast_in_dim3A_1095 = arith.constant 0.000000e+00 : f32
    %broadcast_in_dim3A_1096 = vector.broadcast %broadcast_in_dim3A_1095 : f32 to vector<325x128xf32>
    %broadcast_in_dim3A_1097 = arith.constant 0.000000e+00 : f32
    %broadcast_in_dim3A_1098 = vector.broadcast %broadcast_in_dim3A_1097 : f32 to vector<325x128xf32>
    %mul3A_1099 = arith.constant 0.899999976 : f32
    %mul3A_1100 = vector.broadcast %mul3A_1099 : f32 to vector<325x128xf32>
    %mul3A_1101 = arith.mulf %mul3A_1100, %broadcast_in_dim3A_1094 : vector<325x128xf32>
    %get3A_1102 = arith.constant 0 : index
    %get3A_1103 = arith.constant 0 : index
    %get3A_1104 = arith.constant 0 : index
    %get3A_1105 = vector.load %arg17[%get3A_1102, %get3A_1103, %get3A_1104] : memref<12x325x128xf32, #tpu.memory_space<vmem>>, vector<1x325x128xf32>
    %get3A_1106 = vector.shape_cast %get3A_1105 : vector<1x325x128xf32> to vector<325x128xf32>
    %add3A_1107 = arith.addf %mul3A_1101, %get3A_1106 : vector<325x128xf32>
    %mul3A_1108 = arith.constant 8.000000e-01 : f32
    %mul3A_1109 = vector.broadcast %mul3A_1108 : f32 to vector<325x128xf32>
    %mul3A_1110 = arith.mulf %mul3A_1109, %broadcast_in_dim3A_1096 : vector<325x128xf32>
    %add3A_1111 = arith.addf %mul3A_1110, %add3A_1107 : vector<325x128xf32>
    %sub3A_1112 = arith.subf %add3A_1111, %broadcast_in_dim3A_1098 : vector<325x128xf32>
    %gt3A_1113 = arith.constant 1.000000e+00 : f32
    %gt3A_1114 = vector.broadcast %gt3A_1113 : f32 to vector<325x128xf32>
    %gt3A_1115 = arith.cmpf ogt, %sub3A_1112, %gt3A_1114 : vector<325x128xf32>
    %convert_element_type3A_1116 = arith.extui %gt3A_1115 : vector<325x128xi1> to vector<325x128xi32>
    %convert_element_type3A_1117 = arith.sitofp %convert_element_type3A_1116 : vector<325x128xi32> to vector<325x128xf32>
    %swap3A_1118 = arith.constant 0 : index
    %swap3A_1119 = arith.constant 0 : index
    %swap3A_1120 = arith.constant 0 : index
    %swap3A_1121 = vector.load %arg17[%swap3A_1118, %swap3A_1119, %swap3A_1120] : memref<12x325x128xf32, #tpu.memory_space<vmem>>, vector<1x325x128xf32>
    %swap3A_1122 = vector.shape_cast %swap3A_1121 : vector<1x325x128xf32> to vector<325x128xf32>
    %swap3A_1123 = vector.shape_cast %convert_element_type3A_1117 : vector<325x128xf32> to vector<1x325x128xf32>
    tpu.vector_store %arg17[%swap3A_1118, %swap3A_1119, %swap3A_1120], %swap3A_1123 {strides = array<i32>} : memref<12x325x128xf32, #tpu.memory_space<vmem>>, vector<1x325x128xf32>,
    %mul3A_1124 = arith.constant 0.899999976 : f32
    %mul3A_1125 = vector.broadcast %mul3A_1124 : f32 to vector<325x128xf32>
    %mul3A_1126 = arith.mulf %mul3A_1125, %add3A_1107 : vector<325x128xf32>
    %get3A_1127 = arith.constant 1 : index
    %get3A_1128 = arith.constant 0 : index
    %get3A_1129 = arith.constant 0 : index
    %get3A_1130 = vector.load %arg17[%get3A_1127, %get3A_1128, %get3A_1129] : memref<12x325x128xf32, #tpu.memory_space<vmem>>, vector<1x325x128xf32>
    %get3A_1131 = vector.shape_cast %get3A_1130 : vector<1x325x128xf32> to vector<325x128xf32>
    %add3A_1132 = arith.addf %mul3A_1126, %get3A_1131 : vector<325x128xf32>
    %mul3A_1133 = arith.constant 8.000000e-01 : f32
    %mul3A_1134 = vector.broadcast %mul3A_1133 : f32 to vector<325x128xf32>
    %mul3A_1135 = arith.mulf %mul3A_1134, %sub3A_1112 : vector<325x128xf32>
    %add3A_1136 = arith.addf %mul3A_1135, %add3A_1132 : vector<325x128xf32>
    %sub3A_1137 = arith.subf %add3A_1136, %convert_element_type3A_1117 : vector<325x128xf32>
    %gt3A_1138 = arith.constant 1.000000e+00 : f32
    %gt3A_1139 = vector.broadcast %gt3A_1138 : f32 to vector<325x128xf32>
    %gt3A_1140 = arith.cmpf ogt, %sub3A_1137, %gt3A_1139 : vector<325x128xf32>
    %convert_element_type3A_1141 = arith.extui %gt3A_1140 : vector<325x128xi1> to vector<325x128xi32>
    %convert_element_type3A_1142 = arith.sitofp %convert_element_type3A_1141 : vector<325x128xi32> to vector<325x128xf32>
    %swap3A_1143 = arith.constant 1 : index
    %swap3A_1144 = arith.constant 0 : index
    %swap3A_1145 = arith.constant 0 : index
    %swap3A_1146 = vector.load %arg17[%swap3A_1143, %swap3A_1144, %swap3A_1145] : memref<12x325x128xf32, #tpu.memory_space<vmem>>, vector<1x325x128xf32>
    %swap3A_1147 = vector.shape_cast %swap3A_1146 : vector<1x325x128xf32> to vector<325x128xf32>
    %swap3A_1148 = vector.shape_cast %convert_element_type3A_1142 : vector<325x128xf32> to vector<1x325x128xf32>
    tpu.vector_store %arg17[%swap3A_1143, %swap3A_1144, %swap3A_1145], %swap3A_1148 {strides = array<i32>} : memref<12x325x128xf32, #tpu.memory_space<vmem>>, vector<1x325x128xf32>,
    %mul3A_1149 = arith.constant 0.899999976 : f32
    %mul3A_1150 = vector.broadcast %mul3A_1149 : f32 to vector<325x128xf32>
    %mul3A_1151 = arith.mulf %mul3A_1150, %add3A_1132 : vector<325x128xf32>
    %get3A_1152 = arith.constant 2 : index
    %get3A_1153 = arith.constant 0 : index
    %get3A_1154 = arith.constant 0 : index
    %get3A_1155 = vector.load %arg17[%get3A_1152, %get3A_1153, %get3A_1154] : memref<12x325x128xf32, #tpu.memory_space<vmem>>, vector<1x325x128xf32>
    %get3A_1156 = vector.shape_cast %get3A_1155 : vector<1x325x128xf32> to vector<325x128xf32>
    %add3A_1157 = arith.addf %mul3A_1151, %get3A_1156 : vector<325x128xf32>
    %mul3A_1158 = arith.constant 8.000000e-01 : f32
    %mul3A_1159 = vector.broadcast %mul3A_1158 : f32 to vector<325x128xf32>
    %mul3A_1160 = arith.mulf %mul3A_1159, %sub3A_1137 : vector<325x128xf32>
    %add3A_1161 = arith.addf %mul3A_1160, %add3A_1157 : vector<325x128xf32>
    %sub3A_1162 = arith.subf %add3A_1161, %convert_element_type3A_1142 : vector<325x128xf32>
    %gt3A_1163 = arith.constant 1.000000e+00 : f32
    %gt3A_1164 = vector.broadcast %gt3A_1163 : f32 to vector<325x128xf32>
    %gt3A_1165 = arith.cmpf ogt, %sub3A_1162, %gt3A_1164 : vector<325x128xf32>
    %convert_element_type3A_1166 = arith.extui %gt3A_1165 : vector<325x128xi1> to vector<325x128xi32>
    %convert_element_type3A_1167 = arith.sitofp %convert_element_type3A_1166 : vector<325x128xi32> to vector<325x128xf32>
    %swap3A_1168 = arith.constant 2 : index
    %swap3A_1169 = arith.constant 0 : index
    %swap3A_1170 = arith.constant 0 : index
    %swap3A_1171 = vector.load %arg17[%swap3A_1168, %swap3A_1169, %swap3A_1170] : memref<12x325x128xf32, #tpu.memory_space<vmem>>, vector<1x325x128xf32>
    %swap3A_1172 = vector.shape_cast %swap3A_1171 : vector<1x325x128xf32> to vector<325x128xf32>
    %swap3A_1173 = vector.shape_cast %convert_element_type3A_1167 : vector<325x128xf32> to vector<1x325x128xf32>
    tpu.vector_store %arg17[%swap3A_1168, %swap3A_1169, %swap3A_1170], %swap3A_1173 {strides = array<i32>} : memref<12x325x128xf32, #tpu.memory_space<vmem>>, vector<1x325x128xf32>,
    %mul3A_1174 = arith.constant 0.899999976 : f32
    %mul3A_1175 = vector.broadcast %mul3A_1174 : f32 to vector<325x128xf32>
    %mul3A_1176 = arith.mulf %mul3A_1175, %add3A_1157 : vector<325x128xf32>
    %get3A_1177 = arith.constant 3 : index
    %get3A_1178 = arith.constant 0 : index
    %get3A_1179 = arith.constant 0 : index
    %get3A_1180 = vector.load %arg17[%get3A_1177, %get3A_1178, %get3A_1179] : memref<12x325x128xf32, #tpu.memory_space<vmem>>, vector<1x325x128xf32>
    %get3A_1181 = vector.shape_cast %get3A_1180 : vector<1x325x128xf32> to vector<325x128xf32>
    %add3A_1182 = arith.addf %mul3A_1176, %get3A_1181 : vector<325x128xf32>
    %mul3A_1183 = arith.constant 8.000000e-01 : f32
    %mul3A_1184 = vector.broadcast %mul3A_1183 : f32 to vector<325x128xf32>
    %mul3A_1185 = arith.mulf %mul3A_1184, %sub3A_1162 : vector<325x128xf32>
    %add3A_1186 = arith.addf %mul3A_1185, %add3A_1182 : vector<325x128xf32>
    %sub3A_1187 = arith.subf %add3A_1186, %convert_element_type3A_1167 : vector<325x128xf32>
    %gt3A_1188 = arith.constant 1.000000e+00 : f32
    %gt3A_1189 = vector.broadcast %gt3A_1188 : f32 to vector<325x128xf32>
    %gt3A_1190 = arith.cmpf ogt, %sub3A_1187, %gt3A_1189 : vector<325x128xf32>
    %convert_element_type3A_1191 = arith.extui %gt3A_1190 : vector<325x128xi1> to vector<325x128xi32>
    %convert_element_type3A_1192 = arith.sitofp %convert_element_type3A_1191 : vector<325x128xi32> to vector<325x128xf32>
    %swap3A_1193 = arith.constant 3 : index
    %swap3A_1194 = arith.constant 0 : index
    %swap3A_1195 = arith.constant 0 : index
    %swap3A_1196 = vector.load %arg17[%swap3A_1193, %swap3A_1194, %swap3A_1195] : memref<12x325x128xf32, #tpu.memory_space<vmem>>, vector<1x325x128xf32>
    %swap3A_1197 = vector.shape_cast %swap3A_1196 : vector<1x325x128xf32> to vector<325x128xf32>
    %swap3A_1198 = vector.shape_cast %convert_element_type3A_1192 : vector<325x128xf32> to vector<1x325x128xf32>
    tpu.vector_store %arg17[%swap3A_1193, %swap3A_1194, %swap3A_1195], %swap3A_1198 {strides = array<i32>} : memref<12x325x128xf32, #tpu.memory_space<vmem>>, vector<1x325x128xf32>,
    %mul3A_1199 = arith.constant 0.899999976 : f32
    %mul3A_1200 = vector.broadcast %mul3A_1199 : f32 to vector<325x128xf32>
    %mul3A_1201 = arith.mulf %mul3A_1200, %add3A_1182 : vector<325x128xf32>
    %get3A_1202 = arith.constant 4 : index
    %get3A_1203 = arith.constant 0 : index
    %get3A_1204 = arith.constant 0 : index
    %get3A_1205 = vector.load %arg17[%get3A_1202, %get3A_1203, %get3A_1204] : memref<12x325x128xf32, #tpu.memory_space<vmem>>, vector<1x325x128xf32>
    %get3A_1206 = vector.shape_cast %get3A_1205 : vector<1x325x128xf32> to vector<325x128xf32>
    %add3A_1207 = arith.addf %mul3A_1201, %get3A_1206 : vector<325x128xf32>
    %mul3A_1208 = arith.constant 8.000000e-01 : f32
    %mul3A_1209 = vector.broadcast %mul3A_1208 : f32 to vector<325x128xf32>
    %mul3A_1210 = arith.mulf %mul3A_1209, %sub3A_1187 : vector<325x128xf32>
    %add3A_1211 = arith.addf %mul3A_1210, %add3A_1207 : vector<325x128xf32>
    %sub3A_1212 = arith.subf %add3A_1211, %convert_element_type3A_1192 : vector<325x128xf32>
    %gt3A_1213 = arith.constant 1.000000e+00 : f32
    %gt3A_1214 = vector.broadcast %gt3A_1213 : f32 to vector<325x128xf32>
    %gt3A_1215 = arith.cmpf ogt, %sub3A_1212, %gt3A_1214 : vector<325x128xf32>
    %convert_element_type3A_1216 = arith.extui %gt3A_1215 : vector<325x128xi1> to vector<325x128xi32>
    %convert_element_type3A_1217 = arith.sitofp %convert_element_type3A_1216 : vector<325x128xi32> to vector<325x128xf32>
    %swap3A_1218 = arith.constant 4 : index
    %swap3A_1219 = arith.constant 0 : index
    %swap3A_1220 = arith.constant 0 : index
    %swap3A_1221 = vector.load %arg17[%swap3A_1218, %swap3A_1219, %swap3A_1220] : memref<12x325x128xf32, #tpu.memory_space<vmem>>, vector<1x325x128xf32>
    %swap3A_1222 = vector.shape_cast %swap3A_1221 : vector<1x325x128xf32> to vector<325x128xf32>
    %swap3A_1223 = vector.shape_cast %convert_element_type3A_1217 : vector<325x128xf32> to vector<1x325x128xf32>
    tpu.vector_store %arg17[%swap3A_1218, %swap3A_1219, %swap3A_1220], %swap3A_1223 {strides = array<i32>} : memref<12x325x128xf32, #tpu.memory_space<vmem>>, vector<1x325x128xf32>,
    %mul3A_1224 = arith.constant 0.899999976 : f32
    %mul3A_1225 = vector.broadcast %mul3A_1224 : f32 to vector<325x128xf32>
    %mul3A_1226 = arith.mulf %mul3A_1225, %add3A_1207 : vector<325x128xf32>
    %get3A_1227 = arith.constant 5 : index
    %get3A_1228 = arith.constant 0 : index
    %get3A_1229 = arith.constant 0 : index
    %get3A_1230 = vector.load %arg17[%get3A_1227, %get3A_1228, %get3A_1229] : memref<12x325x128xf32, #tpu.memory_space<vmem>>, vector<1x325x128xf32>
    %get3A_1231 = vector.shape_cast %get3A_1230 : vector<1x325x128xf32> to vector<325x128xf32>
    %add3A_1232 = arith.addf %mul3A_1226, %get3A_1231 : vector<325x128xf32>
    %mul3A_1233 = arith.constant 8.000000e-01 : f32
    %mul3A_1234 = vector.broadcast %mul3A_1233 : f32 to vector<325x128xf32>
    %mul3A_1235 = arith.mulf %mul3A_1234, %sub3A_1212 : vector<325x128xf32>
    %add3A_1236 = arith.addf %mul3A_1235, %add3A_1232 : vector<325x128xf32>
    %sub3A_1237 = arith.subf %add3A_1236, %convert_element_type3A_1217 : vector<325x128xf32>
    %gt3A_1238 = arith.constant 1.000000e+00 : f32
    %gt3A_1239 = vector.broadcast %gt3A_1238 : f32 to vector<325x128xf32>
    %gt3A_1240 = arith.cmpf ogt, %sub3A_1237, %gt3A_1239 : vector<325x128xf32>
    %convert_element_type3A_1241 = arith.extui %gt3A_1240 : vector<325x128xi1> to vector<325x128xi32>
    %convert_element_type3A_1242 = arith.sitofp %convert_element_type3A_1241 : vector<325x128xi32> to vector<325x128xf32>
    %swap3A_1243 = arith.constant 5 : index
    %swap3A_1244 = arith.constant 0 : index
    %swap3A_1245 = arith.constant 0 : index
    %swap3A_1246 = vector.load %arg17[%swap3A_1243, %swap3A_1244, %swap3A_1245] : memref<12x325x128xf32, #tpu.memory_space<vmem>>, vector<1x325x128xf32>
    %swap3A_1247 = vector.shape_cast %swap3A_1246 : vector<1x325x128xf32> to vector<325x128xf32>
    %swap3A_1248 = vector.shape_cast %convert_element_type3A_1242 : vector<325x128xf32> to vector<1x325x128xf32>
    tpu.vector_store %arg17[%swap3A_1243, %swap3A_1244, %swap3A_1245], %swap3A_1248 {strides = array<i32>} : memref<12x325x128xf32, #tpu.memory_space<vmem>>, vector<1x325x128xf32>,
    %mul3A_1249 = arith.constant 0.899999976 : f32
    %mul3A_1250 = vector.broadcast %mul3A_1249 : f32 to vector<325x128xf32>
    %mul3A_1251 = arith.mulf %mul3A_1250, %add3A_1232 : vector<325x128xf32>
    %get3A_1252 = arith.constant 6 : index
    %get3A_1253 = arith.constant 0 : index
    %get3A_1254 = arith.constant 0 : index
    %get3A_1255 = vector.load %arg17[%get3A_1252, %get3A_1253, %get3A_1254] : memref<12x325x128xf32, #tpu.memory_space<vmem>>, vector<1x325x128xf32>
    %get3A_1256 = vector.shape_cast %get3A_1255 : vector<1x325x128xf32> to vector<325x128xf32>
    %add3A_1257 = arith.addf %mul3A_1251, %get3A_1256 : vector<325x128xf32>
    %mul3A_1258 = arith.constant 8.000000e-01 : f32
    %mul3A_1259 = vector.broadcast %mul3A_1258 : f32 to vector<325x128xf32>
    %mul3A_1260 = arith.mulf %mul3A_1259, %sub3A_1237 : vector<325x128xf32>
    %add3A_1261 = arith.addf %mul3A_1260, %add3A_1257 : vector<325x128xf32>
    %sub3A_1262 = arith.subf %add3A_1261, %convert_element_type3A_1242 : vector<325x128xf32>
    %gt3A_1263 = arith.constant 1.000000e+00 : f32
    %gt3A_1264 = vector.broadcast %gt3A_1263 : f32 to vector<325x128xf32>
    %gt3A_1265 = arith.cmpf ogt, %sub3A_1262, %gt3A_1264 : vector<325x128xf32>
    %convert_element_type3A_1266 = arith.extui %gt3A_1265 : vector<325x128xi1> to vector<325x128xi32>
    %convert_element_type3A_1267 = arith.sitofp %convert_element_type3A_1266 : vector<325x128xi32> to vector<325x128xf32>
    %swap3A_1268 = arith.constant 6 : index
    %swap3A_1269 = arith.constant 0 : index
    %swap3A_1270 = arith.constant 0 : index
    %swap3A_1271 = vector.load %arg17[%swap3A_1268, %swap3A_1269, %swap3A_1270] : memref<12x325x128xf32, #tpu.memory_space<vmem>>, vector<1x325x128xf32>
    %swap3A_1272 = vector.shape_cast %swap3A_1271 : vector<1x325x128xf32> to vector<325x128xf32>
    %swap3A_1273 = vector.shape_cast %convert_element_type3A_1267 : vector<325x128xf32> to vector<1x325x128xf32>
    tpu.vector_store %arg17[%swap3A_1268, %swap3A_1269, %swap3A_1270], %swap3A_1273 {strides = array<i32>} : memref<12x325x128xf32, #tpu.memory_space<vmem>>, vector<1x325x128xf32>,
    %mul3A_1274 = arith.constant 0.899999976 : f32
    %mul3A_1275 = vector.broadcast %mul3A_1274 : f32 to vector<325x128xf32>
    %mul3A_1276 = arith.mulf %mul3A_1275, %add3A_1257 : vector<325x128xf32>
    %get3A_1277 = arith.constant 7 : index
    %get3A_1278 = arith.constant 0 : index
    %get3A_1279 = arith.constant 0 : index
    %get3A_1280 = vector.load %arg17[%get3A_1277, %get3A_1278, %get3A_1279] : memref<12x325x128xf32, #tpu.memory_space<vmem>>, vector<1x325x128xf32>
    %get3A_1281 = vector.shape_cast %get3A_1280 : vector<1x325x128xf32> to vector<325x128xf32>
    %add3A_1282 = arith.addf %mul3A_1276, %get3A_1281 : vector<325x128xf32>
    %mul3A_1283 = arith.constant 8.000000e-01 : f32
    %mul3A_1284 = vector.broadcast %mul3A_1283 : f32 to vector<325x128xf32>
    %mul3A_1285 = arith.mulf %mul3A_1284, %sub3A_1262 : vector<325x128xf32>
    %add3A_1286 = arith.addf %mul3A_1285, %add3A_1282 : vector<325x128xf32>
    %sub3A_1287 = arith.subf %add3A_1286, %convert_element_type3A_1267 : vector<325x128xf32>
    %gt3A_1288 = arith.constant 1.000000e+00 : f32
    %gt3A_1289 = vector.broadcast %gt3A_1288 : f32 to vector<325x128xf32>
    %gt3A_1290 = arith.cmpf ogt, %sub3A_1287, %gt3A_1289 : vector<325x128xf32>
    %convert_element_type3A_1291 = arith.extui %gt3A_1290 : vector<325x128xi1> to vector<325x128xi32>
    %convert_element_type3A_1292 = arith.sitofp %convert_element_type3A_1291 : vector<325x128xi32> to vector<325x128xf32>
    %swap3A_1293 = arith.constant 7 : index
    %swap3A_1294 = arith.constant 0 : index
    %swap3A_1295 = arith.constant 0 : index
    %swap3A_1296 = vector.load %arg17[%swap3A_1293, %swap3A_1294, %swap3A_1295] : memref<12x325x128xf32, #tpu.memory_space<vmem>>, vector<1x325x128xf32>
    %swap3A_1297 = vector.shape_cast %swap3A_1296 : vector<1x325x128xf32> to vector<325x128xf32>
    %swap3A_1298 = vector.shape_cast %convert_element_type3A_1292 : vector<325x128xf32> to vector<1x325x128xf32>
    tpu.vector_store %arg17[%swap3A_1293, %swap3A_1294, %swap3A_1295], %swap3A_1298 {strides = array<i32>} : memref<12x325x128xf32, #tpu.memory_space<vmem>>, vector<1x325x128xf32>,
    %mul3A_1299 = arith.constant 0.899999976 : f32
    %mul3A_1300 = vector.broadcast %mul3A_1299 : f32 to vector<325x128xf32>
    %mul3A_1301 = arith.mulf %mul3A_1300, %add3A_1282 : vector<325x128xf32>
    %get3A_1302 = arith.constant 8 : index
    %get3A_1303 = arith.constant 0 : index
    %get3A_1304 = arith.constant 0 : index
    %get3A_1305 = vector.load %arg17[%get3A_1302, %get3A_1303, %get3A_1304] : memref<12x325x128xf32, #tpu.memory_space<vmem>>, vector<1x325x128xf32>
    %get3A_1306 = vector.shape_cast %get3A_1305 : vector<1x325x128xf32> to vector<325x128xf32>
    %add3A_1307 = arith.addf %mul3A_1301, %get3A_1306 : vector<325x128xf32>
    %mul3A_1308 = arith.constant 8.000000e-01 : f32
    %mul3A_1309 = vector.broadcast %mul3A_1308 : f32 to vector<325x128xf32>
    %mul3A_1310 = arith.mulf %mul3A_1309, %sub3A_1287 : vector<325x128xf32>
    %add3A_1311 = arith.addf %mul3A_1310, %add3A_1307 : vector<325x128xf32>
    %sub3A_1312 = arith.subf %add3A_1311, %convert_element_type3A_1292 : vector<325x128xf32>
    %gt3A_1313 = arith.constant 1.000000e+00 : f32
    %gt3A_1314 = vector.broadcast %gt3A_1313 : f32 to vector<325x128xf32>
    %gt3A_1315 = arith.cmpf ogt, %sub3A_1312, %gt3A_1314 : vector<325x128xf32>
    %convert_element_type3A_1316 = arith.extui %gt3A_1315 : vector<325x128xi1> to vector<325x128xi32>
    %convert_element_type3A_1317 = arith.sitofp %convert_element_type3A_1316 : vector<325x128xi32> to vector<325x128xf32>
    %swap3A_1318 = arith.constant 8 : index
    %swap3A_1319 = arith.constant 0 : index
    %swap3A_1320 = arith.constant 0 : index
    %swap3A_1321 = vector.load %arg17[%swap3A_1318, %swap3A_1319, %swap3A_1320] : memref<12x325x128xf32, #tpu.memory_space<vmem>>, vector<1x325x128xf32>
    %swap3A_1322 = vector.shape_cast %swap3A_1321 : vector<1x325x128xf32> to vector<325x128xf32>
    %swap3A_1323 = vector.shape_cast %convert_element_type3A_1317 : vector<325x128xf32> to vector<1x325x128xf32>
    tpu.vector_store %arg17[%swap3A_1318, %swap3A_1319, %swap3A_1320], %swap3A_1323 {strides = array<i32>} : memref<12x325x128xf32, #tpu.memory_space<vmem>>, vector<1x325x128xf32>,
    %mul3A_1324 = arith.constant 0.899999976 : f32
    %mul3A_1325 = vector.broadcast %mul3A_1324 : f32 to vector<325x128xf32>
    %mul3A_1326 = arith.mulf %mul3A_1325, %add3A_1307 : vector<325x128xf32>
    %get3A_1327 = arith.constant 9 : index
    %get3A_1328 = arith.constant 0 : index
    %get3A_1329 = arith.constant 0 : index
    %get3A_1330 = vector.load %arg17[%get3A_1327, %get3A_1328, %get3A_1329] : memref<12x325x128xf32, #tpu.memory_space<vmem>>, vector<1x325x128xf32>
    %get3A_1331 = vector.shape_cast %get3A_1330 : vector<1x325x128xf32> to vector<325x128xf32>
    %add3A_1332 = arith.addf %mul3A_1326, %get3A_1331 : vector<325x128xf32>
    %mul3A_1333 = arith.constant 8.000000e-01 : f32
    %mul3A_1334 = vector.broadcast %mul3A_1333 : f32 to vector<325x128xf32>
    %mul3A_1335 = arith.mulf %mul3A_1334, %sub3A_1312 : vector<325x128xf32>
    %add3A_1336 = arith.addf %mul3A_1335, %add3A_1332 : vector<325x128xf32>
    %sub3A_1337 = arith.subf %add3A_1336, %convert_element_type3A_1317 : vector<325x128xf32>
    %gt3A_1338 = arith.constant 1.000000e+00 : f32
    %gt3A_1339 = vector.broadcast %gt3A_1338 : f32 to vector<325x128xf32>
    %gt3A_1340 = arith.cmpf ogt, %sub3A_1337, %gt3A_1339 : vector<325x128xf32>
    %convert_element_type3A_1341 = arith.extui %gt3A_1340 : vector<325x128xi1> to vector<325x128xi32>
    %convert_element_type3A_1342 = arith.sitofp %convert_element_type3A_1341 : vector<325x128xi32> to vector<325x128xf32>
    %swap3A_1343 = arith.constant 9 : index
    %swap3A_1344 = arith.constant 0 : index
    %swap3A_1345 = arith.constant 0 : index
    %swap3A_1346 = vector.load %arg17[%swap3A_1343, %swap3A_1344, %swap3A_1345] : memref<12x325x128xf32, #tpu.memory_space<vmem>>, vector<1x325x128xf32>
    %swap3A_1347 = vector.shape_cast %swap3A_1346 : vector<1x325x128xf32> to vector<325x128xf32>
    %swap3A_1348 = vector.shape_cast %convert_element_type3A_1342 : vector<325x128xf32> to vector<1x325x128xf32>
    tpu.vector_store %arg17[%swap3A_1343, %swap3A_1344, %swap3A_1345], %swap3A_1348 {strides = array<i32>} : memref<12x325x128xf32, #tpu.memory_space<vmem>>, vector<1x325x128xf32>,
    %mul3A_1349 = arith.constant 0.899999976 : f32
    %mul3A_1350 = vector.broadcast %mul3A_1349 : f32 to vector<325x128xf32>
    %mul3A_1351 = arith.mulf %mul3A_1350, %add3A_1332 : vector<325x128xf32>
    %get3A_1352 = arith.constant 10 : index
    %get3A_1353 = arith.constant 0 : index
    %get3A_1354 = arith.constant 0 : index
    %get3A_1355 = vector.load %arg17[%get3A_1352, %get3A_1353, %get3A_1354] : memref<12x325x128xf32, #tpu.memory_space<vmem>>, vector<1x325x128xf32>
    %get3A_1356 = vector.shape_cast %get3A_1355 : vector<1x325x128xf32> to vector<325x128xf32>
    %add3A_1357 = arith.addf %mul3A_1351, %get3A_1356 : vector<325x128xf32>
    %mul3A_1358 = arith.constant 8.000000e-01 : f32
    %mul3A_1359 = vector.broadcast %mul3A_1358 : f32 to vector<325x128xf32>
    %mul3A_1360 = arith.mulf %mul3A_1359, %sub3A_1337 : vector<325x128xf32>
    %add3A_1361 = arith.addf %mul3A_1360, %add3A_1357 : vector<325x128xf32>
    %sub3A_1362 = arith.subf %add3A_1361, %convert_element_type3A_1342 : vector<325x128xf32>
    %gt3A_1363 = arith.constant 1.000000e+00 : f32
    %gt3A_1364 = vector.broadcast %gt3A_1363 : f32 to vector<325x128xf32>
    %gt3A_1365 = arith.cmpf ogt, %sub3A_1362, %gt3A_1364 : vector<325x128xf32>
    %convert_element_type3A_1366 = arith.extui %gt3A_1365 : vector<325x128xi1> to vector<325x128xi32>
    %convert_element_type3A_1367 = arith.sitofp %convert_element_type3A_1366 : vector<325x128xi32> to vector<325x128xf32>
    %swap3A_1368 = arith.constant 10 : index
    %swap3A_1369 = arith.constant 0 : index
    %swap3A_1370 = arith.constant 0 : index
    %swap3A_1371 = vector.load %arg17[%swap3A_1368, %swap3A_1369, %swap3A_1370] : memref<12x325x128xf32, #tpu.memory_space<vmem>>, vector<1x325x128xf32>
    %swap3A_1372 = vector.shape_cast %swap3A_1371 : vector<1x325x128xf32> to vector<325x128xf32>
    %swap3A_1373 = vector.shape_cast %convert_element_type3A_1367 : vector<325x128xf32> to vector<1x325x128xf32>
    tpu.vector_store %arg17[%swap3A_1368, %swap3A_1369, %swap3A_1370], %swap3A_1373 {strides = array<i32>} : memref<12x325x128xf32, #tpu.memory_space<vmem>>, vector<1x325x128xf32>,
    %mul3A_1374 = arith.constant 0.899999976 : f32
    %mul3A_1375 = vector.broadcast %mul3A_1374 : f32 to vector<325x128xf32>
    %mul3A_1376 = arith.mulf %mul3A_1375, %add3A_1357 : vector<325x128xf32>
    %get3A_1377 = arith.constant 11 : index
    %get3A_1378 = arith.constant 0 : index
    %get3A_1379 = arith.constant 0 : index
    %get3A_1380 = vector.load %arg17[%get3A_1377, %get3A_1378, %get3A_1379] : memref<12x325x128xf32, #tpu.memory_space<vmem>>, vector<1x325x128xf32>
    %get3A_1381 = vector.shape_cast %get3A_1380 : vector<1x325x128xf32> to vector<325x128xf32>
    %add3A_1382 = arith.addf %mul3A_1376, %get3A_1381 : vector<325x128xf32>
    %mul3A_1383 = arith.constant 8.000000e-01 : f32
    %mul3A_1384 = vector.broadcast %mul3A_1383 : f32 to vector<325x128xf32>
    %mul3A_1385 = arith.mulf %mul3A_1384, %sub3A_1362 : vector<325x128xf32>
    %add3A_1386 = arith.addf %mul3A_1385, %add3A_1382 : vector<325x128xf32>
    %sub3A_1387 = arith.subf %add3A_1386, %convert_element_type3A_1367 : vector<325x128xf32>
    %gt3A_1388 = arith.constant 1.000000e+00 : f32
    %gt3A_1389 = vector.broadcast %gt3A_1388 : f32 to vector<325x128xf32>
    %gt3A_1390 = arith.cmpf ogt, %sub3A_1387, %gt3A_1389 : vector<325x128xf32>
    %convert_element_type3A_1391 = arith.extui %gt3A_1390 : vector<325x128xi1> to vector<325x128xi32>
    %convert_element_type3A_1392 = arith.sitofp %convert_element_type3A_1391 : vector<325x128xi32> to vector<325x128xf32>
    %swap3A_1393 = arith.constant 11 : index
    %swap3A_1394 = arith.constant 0 : index
    %swap3A_1395 = arith.constant 0 : index
    %swap3A_1396 = vector.load %arg17[%swap3A_1393, %swap3A_1394, %swap3A_1395] : memref<12x325x128xf32, #tpu.memory_space<vmem>>, vector<1x325x128xf32>
    %swap3A_1397 = vector.shape_cast %swap3A_1396 : vector<1x325x128xf32> to vector<325x128xf32>
    %swap3A_1398 = vector.shape_cast %convert_element_type3A_1392 : vector<325x128xf32> to vector<1x325x128xf32>
    tpu.vector_store %arg17[%swap3A_1393, %swap3A_1394, %swap3A_1395], %swap3A_1398 {strides = array<i32>} : memref<12x325x128xf32, #tpu.memory_space<vmem>>, vector<1x325x128xf32>,
    %get3A_1399 = arith.constant 0 : index
    %get3A_1400 = arith.constant 0 : index
    %get3A_1401 = arith.constant 0 : index
    %get3A_1402 = vector.load %arg17[%get3A_1399, %get3A_1400, %get3A_1401] : memref<12x325x128xf32, #tpu.memory_space<vmem>>, vector<1x325x128xf32>
    %get3A_1403 = vector.shape_cast %get3A_1402 : vector<1x325x128xf32> to vector<325x128xf32>
    %get3A_1404 = arith.constant 2 : index
    %get3A_1405 = arith.constant 0 : index
    %get3A_1406 = arith.constant 0 : index
    %get3A_1407 = vector.load %arg6[%get3A_1404, %get3A_1405, %get3A_1406] : memref<3x128x128xf32, #tpu.memory_space<vmem>>, vector<1x128x128xf32>
    %get3A_1408 = vector.shape_cast %get3A_1407 : vector<1x128x128xf32> to vector<128x128xf32>
    %dot_general3A_1409 = arith.constant dense<0.000000e+00> : vector<325x128xf32>
    %dot_general3A_1410 = tpu.matmul %get3A_1403, %get3A_1408, %dot_general3A_1409 {dimension_numbers = #tpu.dot_dimension_numbers<[1], [0], [0], [1], [0, 0, 1, 1], [], []>, transpose_lhs_hint = false} : vector<325x128xf32>, vector<128x128xf32>, vector<325x128xf32> -> vector<325x128xf32>
    %get3A_1411 = arith.constant 2 : index
    %get3A_1412 = arith.constant 0 : index
    %get3A_1413 = vector.load %arg7[%get3A_1411, %get3A_1412] : memref<3x128xf32, #tpu.memory_space<vmem>>, vector<1x128xf32>
    %get3A_1414 = vector.shape_cast %get3A_1413 : vector<1x128xf32> to vector<128xf32>
    %broadcast_in_dim3A_1415 = vector.shape_cast %get3A_1414 : vector<128xf32> to vector<1x128xf32>
    %add3A_1416 = vector.broadcast %broadcast_in_dim3A_1415 : vector<1x128xf32> to vector<325x128xf32>
    %add3A_1417 = arith.addf %dot_general3A_1410, %add3A_1416 : vector<325x128xf32>
    %swap3A_1418 = arith.constant 0 : index
    %swap3A_1419 = arith.constant 0 : index
    %swap3A_1420 = arith.constant 0 : index
    %swap3A_1421 = vector.load %arg16[%swap3A_1418, %swap3A_1419, %swap3A_1420] : memref<12x325x128xf32, #tpu.memory_space<vmem>>, vector<1x325x128xf32>
    %swap3A_1422 = vector.shape_cast %swap3A_1421 : vector<1x325x128xf32> to vector<325x128xf32>
    %swap3A_1423 = vector.shape_cast %add3A_1417 : vector<325x128xf32> to vector<1x325x128xf32>
    tpu.vector_store %arg16[%swap3A_1418, %swap3A_1419, %swap3A_1420], %swap3A_1423 {strides = array<i32>} : memref<12x325x128xf32, #tpu.memory_space<vmem>>, vector<1x325x128xf32>,
    %get3A_1424 = arith.constant 1 : index
    %get3A_1425 = arith.constant 0 : index
    %get3A_1426 = arith.constant 0 : index
    %get3A_1427 = vector.load %arg17[%get3A_1424, %get3A_1425, %get3A_1426] : memref<12x325x128xf32, #tpu.memory_space<vmem>>, vector<1x325x128xf32>
    %get3A_1428 = vector.shape_cast %get3A_1427 : vector<1x325x128xf32> to vector<325x128xf32>
    %get3A_1429 = arith.constant 2 : index
    %get3A_1430 = arith.constant 0 : index
    %get3A_1431 = arith.constant 0 : index
    %get3A_1432 = vector.load %arg6[%get3A_1429, %get3A_1430, %get3A_1431] : memref<3x128x128xf32, #tpu.memory_space<vmem>>, vector<1x128x128xf32>
    %get3A_1433 = vector.shape_cast %get3A_1432 : vector<1x128x128xf32> to vector<128x128xf32>
    %dot_general3A_1434 = arith.constant dense<0.000000e+00> : vector<325x128xf32>
    %dot_general3A_1435 = tpu.matmul %get3A_1428, %get3A_1433, %dot_general3A_1434 {dimension_numbers = #tpu.dot_dimension_numbers<[1], [0], [0], [1], [0, 0, 1, 1], [], []>, transpose_lhs_hint = false} : vector<325x128xf32>, vector<128x128xf32>, vector<325x128xf32> -> vector<325x128xf32>
    %get3A_1436 = arith.constant 2 : index
    %get3A_1437 = arith.constant 0 : index
    %get3A_1438 = vector.load %arg7[%get3A_1436, %get3A_1437] : memref<3x128xf32, #tpu.memory_space<vmem>>, vector<1x128xf32>
    %get3A_1439 = vector.shape_cast %get3A_1438 : vector<1x128xf32> to vector<128xf32>
    %broadcast_in_dim3A_1440 = vector.shape_cast %get3A_1439 : vector<128xf32> to vector<1x128xf32>
    %add3A_1441 = vector.broadcast %broadcast_in_dim3A_1440 : vector<1x128xf32> to vector<325x128xf32>
    %add3A_1442 = arith.addf %dot_general3A_1435, %add3A_1441 : vector<325x128xf32>
    %swap3A_1443 = arith.constant 1 : index
    %swap3A_1444 = arith.constant 0 : index
    %swap3A_1445 = arith.constant 0 : index
    %swap3A_1446 = vector.load %arg16[%swap3A_1443, %swap3A_1444, %swap3A_1445] : memref<12x325x128xf32, #tpu.memory_space<vmem>>, vector<1x325x128xf32>
    %swap3A_1447 = vector.shape_cast %swap3A_1446 : vector<1x325x128xf32> to vector<325x128xf32>
    %swap3A_1448 = vector.shape_cast %add3A_1442 : vector<325x128xf32> to vector<1x325x128xf32>
    tpu.vector_store %arg16[%swap3A_1443, %swap3A_1444, %swap3A_1445], %swap3A_1448 {strides = array<i32>} : memref<12x325x128xf32, #tpu.memory_space<vmem>>, vector<1x325x128xf32>,
    %get3A_1449 = arith.constant 2 : index
    %get3A_1450 = arith.constant 0 : index
    %get3A_1451 = arith.constant 0 : index
    %get3A_1452 = vector.load %arg17[%get3A_1449, %get3A_1450, %get3A_1451] : memref<12x325x128xf32, #tpu.memory_space<vmem>>, vector<1x325x128xf32>
    %get3A_1453 = vector.shape_cast %get3A_1452 : vector<1x325x128xf32> to vector<325x128xf32>
    %get3A_1454 = arith.constant 2 : index
    %get3A_1455 = arith.constant 0 : index
    %get3A_1456 = arith.constant 0 : index
    %get3A_1457 = vector.load %arg6[%get3A_1454, %get3A_1455, %get3A_1456] : memref<3x128x128xf32, #tpu.memory_space<vmem>>, vector<1x128x128xf32>
    %get3A_1458 = vector.shape_cast %get3A_1457 : vector<1x128x128xf32> to vector<128x128xf32>
    %dot_general3A_1459 = arith.constant dense<0.000000e+00> : vector<325x128xf32>
    %dot_general3A_1460 = tpu.matmul %get3A_1453, %get3A_1458, %dot_general3A_1459 {dimension_numbers = #tpu.dot_dimension_numbers<[1], [0], [0], [1], [0, 0, 1, 1], [], []>, transpose_lhs_hint = false} : vector<325x128xf32>, vector<128x128xf32>, vector<325x128xf32> -> vector<325x128xf32>
    %get3A_1461 = arith.constant 2 : index
    %get3A_1462 = arith.constant 0 : index
    %get3A_1463 = vector.load %arg7[%get3A_1461, %get3A_1462] : memref<3x128xf32, #tpu.memory_space<vmem>>, vector<1x128xf32>
    %get3A_1464 = vector.shape_cast %get3A_1463 : vector<1x128xf32> to vector<128xf32>
    %broadcast_in_dim3A_1465 = vector.shape_cast %get3A_1464 : vector<128xf32> to vector<1x128xf32>
    %add3A_1466 = vector.broadcast %broadcast_in_dim3A_1465 : vector<1x128xf32> to vector<325x128xf32>
    %add3A_1467 = arith.addf %dot_general3A_1460, %add3A_1466 : vector<325x128xf32>
    %swap3A_1468 = arith.constant 2 : index
    %swap3A_1469 = arith.constant 0 : index
    %swap3A_1470 = arith.constant 0 : index
    %swap3A_1471 = vector.load %arg16[%swap3A_1468, %swap3A_1469, %swap3A_1470] : memref<12x325x128xf32, #tpu.memory_space<vmem>>, vector<1x325x128xf32>
    %swap3A_1472 = vector.shape_cast %swap3A_1471 : vector<1x325x128xf32> to vector<325x128xf32>
    %swap3A_1473 = vector.shape_cast %add3A_1467 : vector<325x128xf32> to vector<1x325x128xf32>
    tpu.vector_store %arg16[%swap3A_1468, %swap3A_1469, %swap3A_1470], %swap3A_1473 {strides = array<i32>} : memref<12x325x128xf32, #tpu.memory_space<vmem>>, vector<1x325x128xf32>,
    %get3A_1474 = arith.constant 3 : index
    %get3A_1475 = arith.constant 0 : index
    %get3A_1476 = arith.constant 0 : index
    %get3A_1477 = vector.load %arg17[%get3A_1474, %get3A_1475, %get3A_1476] : memref<12x325x128xf32, #tpu.memory_space<vmem>>, vector<1x325x128xf32>
    %get3A_1478 = vector.shape_cast %get3A_1477 : vector<1x325x128xf32> to vector<325x128xf32>
    %get3A_1479 = arith.constant 2 : index
    %get3A_1480 = arith.constant 0 : index
    %get3A_1481 = arith.constant 0 : index
    %get3A_1482 = vector.load %arg6[%get3A_1479, %get3A_1480, %get3A_1481] : memref<3x128x128xf32, #tpu.memory_space<vmem>>, vector<1x128x128xf32>
    %get3A_1483 = vector.shape_cast %get3A_1482 : vector<1x128x128xf32> to vector<128x128xf32>
    %dot_general3A_1484 = arith.constant dense<0.000000e+00> : vector<325x128xf32>
    %dot_general3A_1485 = tpu.matmul %get3A_1478, %get3A_1483, %dot_general3A_1484 {dimension_numbers = #tpu.dot_dimension_numbers<[1], [0], [0], [1], [0, 0, 1, 1], [], []>, transpose_lhs_hint = false} : vector<325x128xf32>, vector<128x128xf32>, vector<325x128xf32> -> vector<325x128xf32>
    %get3A_1486 = arith.constant 2 : index
    %get3A_1487 = arith.constant 0 : index
    %get3A_1488 = vector.load %arg7[%get3A_1486, %get3A_1487] : memref<3x128xf32, #tpu.memory_space<vmem>>, vector<1x128xf32>
    %get3A_1489 = vector.shape_cast %get3A_1488 : vector<1x128xf32> to vector<128xf32>
    %broadcast_in_dim3A_1490 = vector.shape_cast %get3A_1489 : vector<128xf32> to vector<1x128xf32>
    %add3A_1491 = vector.broadcast %broadcast_in_dim3A_1490 : vector<1x128xf32> to vector<325x128xf32>
    %add3A_1492 = arith.addf %dot_general3A_1485, %add3A_1491 : vector<325x128xf32>
    %swap3A_1493 = arith.constant 3 : index
    %swap3A_1494 = arith.constant 0 : index
    %swap3A_1495 = arith.constant 0 : index
    %swap3A_1496 = vector.load %arg16[%swap3A_1493, %swap3A_1494, %swap3A_1495] : memref<12x325x128xf32, #tpu.memory_space<vmem>>, vector<1x325x128xf32>
    %swap3A_1497 = vector.shape_cast %swap3A_1496 : vector<1x325x128xf32> to vector<325x128xf32>
    %swap3A_1498 = vector.shape_cast %add3A_1492 : vector<325x128xf32> to vector<1x325x128xf32>
    tpu.vector_store %arg16[%swap3A_1493, %swap3A_1494, %swap3A_1495], %swap3A_1498 {strides = array<i32>} : memref<12x325x128xf32, #tpu.memory_space<vmem>>, vector<1x325x128xf32>,
    %get3A_1499 = arith.constant 4 : index
    %get3A_1500 = arith.constant 0 : index
    %get3A_1501 = arith.constant 0 : index
    %get3A_1502 = vector.load %arg17[%get3A_1499, %get3A_1500, %get3A_1501] : memref<12x325x128xf32, #tpu.memory_space<vmem>>, vector<1x325x128xf32>
    %get3A_1503 = vector.shape_cast %get3A_1502 : vector<1x325x128xf32> to vector<325x128xf32>
    %get3A_1504 = arith.constant 2 : index
    %get3A_1505 = arith.constant 0 : index
    %get3A_1506 = arith.constant 0 : index
    %get3A_1507 = vector.load %arg6[%get3A_1504, %get3A_1505, %get3A_1506] : memref<3x128x128xf32, #tpu.memory_space<vmem>>, vector<1x128x128xf32>
    %get3A_1508 = vector.shape_cast %get3A_1507 : vector<1x128x128xf32> to vector<128x128xf32>
    %dot_general3A_1509 = arith.constant dense<0.000000e+00> : vector<325x128xf32>
    %dot_general3A_1510 = tpu.matmul %get3A_1503, %get3A_1508, %dot_general3A_1509 {dimension_numbers = #tpu.dot_dimension_numbers<[1], [0], [0], [1], [0, 0, 1, 1], [], []>, transpose_lhs_hint = false} : vector<325x128xf32>, vector<128x128xf32>, vector<325x128xf32> -> vector<325x128xf32>
    %get3A_1511 = arith.constant 2 : index
    %get3A_1512 = arith.constant 0 : index
    %get3A_1513 = vector.load %arg7[%get3A_1511, %get3A_1512] : memref<3x128xf32, #tpu.memory_space<vmem>>, vector<1x128xf32>
    %get3A_1514 = vector.shape_cast %get3A_1513 : vector<1x128xf32> to vector<128xf32>
    %broadcast_in_dim3A_1515 = vector.shape_cast %get3A_1514 : vector<128xf32> to vector<1x128xf32>
    %add3A_1516 = vector.broadcast %broadcast_in_dim3A_1515 : vector<1x128xf32> to vector<325x128xf32>
    %add3A_1517 = arith.addf %dot_general3A_1510, %add3A_1516 : vector<325x128xf32>
    %swap3A_1518 = arith.constant 4 : index
    %swap3A_1519 = arith.constant 0 : index
    %swap3A_1520 = arith.constant 0 : index
    %swap3A_1521 = vector.load %arg16[%swap3A_1518, %swap3A_1519, %swap3A_1520] : memref<12x325x128xf32, #tpu.memory_space<vmem>>, vector<1x325x128xf32>
    %swap3A_1522 = vector.shape_cast %swap3A_1521 : vector<1x325x128xf32> to vector<325x128xf32>
    %swap3A_1523 = vector.shape_cast %add3A_1517 : vector<325x128xf32> to vector<1x325x128xf32>
    tpu.vector_store %arg16[%swap3A_1518, %swap3A_1519, %swap3A_1520], %swap3A_1523 {strides = array<i32>} : memref<12x325x128xf32, #tpu.memory_space<vmem>>, vector<1x325x128xf32>,
    %get3A_1524 = arith.constant 5 : index
    %get3A_1525 = arith.constant 0 : index
    %get3A_1526 = arith.constant 0 : index
    %get3A_1527 = vector.load %arg17[%get3A_1524, %get3A_1525, %get3A_1526] : memref<12x325x128xf32, #tpu.memory_space<vmem>>, vector<1x325x128xf32>
    %get3A_1528 = vector.shape_cast %get3A_1527 : vector<1x325x128xf32> to vector<325x128xf32>
    %get3A_1529 = arith.constant 2 : index
    %get3A_1530 = arith.constant 0 : index
    %get3A_1531 = arith.constant 0 : index
    %get3A_1532 = vector.load %arg6[%get3A_1529, %get3A_1530, %get3A_1531] : memref<3x128x128xf32, #tpu.memory_space<vmem>>, vector<1x128x128xf32>
    %get3A_1533 = vector.shape_cast %get3A_1532 : vector<1x128x128xf32> to vector<128x128xf32>
    %dot_general3A_1534 = arith.constant dense<0.000000e+00> : vector<325x128xf32>
    %dot_general3A_1535 = tpu.matmul %get3A_1528, %get3A_1533, %dot_general3A_1534 {dimension_numbers = #tpu.dot_dimension_numbers<[1], [0], [0], [1], [0, 0, 1, 1], [], []>, transpose_lhs_hint = false} : vector<325x128xf32>, vector<128x128xf32>, vector<325x128xf32> -> vector<325x128xf32>
    %get3A_1536 = arith.constant 2 : index
    %get3A_1537 = arith.constant 0 : index
    %get3A_1538 = vector.load %arg7[%get3A_1536, %get3A_1537] : memref<3x128xf32, #tpu.memory_space<vmem>>, vector<1x128xf32>
    %get3A_1539 = vector.shape_cast %get3A_1538 : vector<1x128xf32> to vector<128xf32>
    %broadcast_in_dim3A_1540 = vector.shape_cast %get3A_1539 : vector<128xf32> to vector<1x128xf32>
    %add3A_1541 = vector.broadcast %broadcast_in_dim3A_1540 : vector<1x128xf32> to vector<325x128xf32>
    %add3A_1542 = arith.addf %dot_general3A_1535, %add3A_1541 : vector<325x128xf32>
    %swap3A_1543 = arith.constant 5 : index
    %swap3A_1544 = arith.constant 0 : index
    %swap3A_1545 = arith.constant 0 : index
    %swap3A_1546 = vector.load %arg16[%swap3A_1543, %swap3A_1544, %swap3A_1545] : memref<12x325x128xf32, #tpu.memory_space<vmem>>, vector<1x325x128xf32>
    %swap3A_1547 = vector.shape_cast %swap3A_1546 : vector<1x325x128xf32> to vector<325x128xf32>
    %swap3A_1548 = vector.shape_cast %add3A_1542 : vector<325x128xf32> to vector<1x325x128xf32>
    tpu.vector_store %arg16[%swap3A_1543, %swap3A_1544, %swap3A_1545], %swap3A_1548 {strides = array<i32>} : memref<12x325x128xf32, #tpu.memory_space<vmem>>, vector<1x325x128xf32>,
    %get3A_1549 = arith.constant 6 : index
    %get3A_1550 = arith.constant 0 : index
    %get3A_1551 = arith.constant 0 : index
    %get3A_1552 = vector.load %arg17[%get3A_1549, %get3A_1550, %get3A_1551] : memref<12x325x128xf32, #tpu.memory_space<vmem>>, vector<1x325x128xf32>
    %get3A_1553 = vector.shape_cast %get3A_1552 : vector<1x325x128xf32> to vector<325x128xf32>
    %get3A_1554 = arith.constant 2 : index
    %get3A_1555 = arith.constant 0 : index
    %get3A_1556 = arith.constant 0 : index
    %get3A_1557 = vector.load %arg6[%get3A_1554, %get3A_1555, %get3A_1556] : memref<3x128x128xf32, #tpu.memory_space<vmem>>, vector<1x128x128xf32>
    %get3A_1558 = vector.shape_cast %get3A_1557 : vector<1x128x128xf32> to vector<128x128xf32>
    %dot_general3A_1559 = arith.constant dense<0.000000e+00> : vector<325x128xf32>
    %dot_general3A_1560 = tpu.matmul %get3A_1553, %get3A_1558, %dot_general3A_1559 {dimension_numbers = #tpu.dot_dimension_numbers<[1], [0], [0], [1], [0, 0, 1, 1], [], []>, transpose_lhs_hint = false} : vector<325x128xf32>, vector<128x128xf32>, vector<325x128xf32> -> vector<325x128xf32>
    %get3A_1561 = arith.constant 2 : index
    %get3A_1562 = arith.constant 0 : index
    %get3A_1563 = vector.load %arg7[%get3A_1561, %get3A_1562] : memref<3x128xf32, #tpu.memory_space<vmem>>, vector<1x128xf32>
    %get3A_1564 = vector.shape_cast %get3A_1563 : vector<1x128xf32> to vector<128xf32>
    %broadcast_in_dim3A_1565 = vector.shape_cast %get3A_1564 : vector<128xf32> to vector<1x128xf32>
    %add3A_1566 = vector.broadcast %broadcast_in_dim3A_1565 : vector<1x128xf32> to vector<325x128xf32>
    %add3A_1567 = arith.addf %dot_general3A_1560, %add3A_1566 : vector<325x128xf32>
    %swap3A_1568 = arith.constant 6 : index
    %swap3A_1569 = arith.constant 0 : index
    %swap3A_1570 = arith.constant 0 : index
    %swap3A_1571 = vector.load %arg16[%swap3A_1568, %swap3A_1569, %swap3A_1570] : memref<12x325x128xf32, #tpu.memory_space<vmem>>, vector<1x325x128xf32>
    %swap3A_1572 = vector.shape_cast %swap3A_1571 : vector<1x325x128xf32> to vector<325x128xf32>
    %swap3A_1573 = vector.shape_cast %add3A_1567 : vector<325x128xf32> to vector<1x325x128xf32>
    tpu.vector_store %arg16[%swap3A_1568, %swap3A_1569, %swap3A_1570], %swap3A_1573 {strides = array<i32>} : memref<12x325x128xf32, #tpu.memory_space<vmem>>, vector<1x325x128xf32>,
    %get3A_1574 = arith.constant 7 : index
    %get3A_1575 = arith.constant 0 : index
    %get3A_1576 = arith.constant 0 : index
    %get3A_1577 = vector.load %arg17[%get3A_1574, %get3A_1575, %get3A_1576] : memref<12x325x128xf32, #tpu.memory_space<vmem>>, vector<1x325x128xf32>
    %get3A_1578 = vector.shape_cast %get3A_1577 : vector<1x325x128xf32> to vector<325x128xf32>
    %get3A_1579 = arith.constant 2 : index
    %get3A_1580 = arith.constant 0 : index
    %get3A_1581 = arith.constant 0 : index
    %get3A_1582 = vector.load %arg6[%get3A_1579, %get3A_1580, %get3A_1581] : memref<3x128x128xf32, #tpu.memory_space<vmem>>, vector<1x128x128xf32>
    %get3A_1583 = vector.shape_cast %get3A_1582 : vector<1x128x128xf32> to vector<128x128xf32>
    %dot_general3A_1584 = arith.constant dense<0.000000e+00> : vector<325x128xf32>
    %dot_general3A_1585 = tpu.matmul %get3A_1578, %get3A_1583, %dot_general3A_1584 {dimension_numbers = #tpu.dot_dimension_numbers<[1], [0], [0], [1], [0, 0, 1, 1], [], []>, transpose_lhs_hint = false} : vector<325x128xf32>, vector<128x128xf32>, vector<325x128xf32> -> vector<325x128xf32>
    %get3A_1586 = arith.constant 2 : index
    %get3A_1587 = arith.constant 0 : index
    %get3A_1588 = vector.load %arg7[%get3A_1586, %get3A_1587] : memref<3x128xf32, #tpu.memory_space<vmem>>, vector<1x128xf32>
    %get3A_1589 = vector.shape_cast %get3A_1588 : vector<1x128xf32> to vector<128xf32>
    %broadcast_in_dim3A_1590 = vector.shape_cast %get3A_1589 : vector<128xf32> to vector<1x128xf32>
    %add3A_1591 = vector.broadcast %broadcast_in_dim3A_1590 : vector<1x128xf32> to vector<325x128xf32>
    %add3A_1592 = arith.addf %dot_general3A_1585, %add3A_1591 : vector<325x128xf32>
    %swap3A_1593 = arith.constant 7 : index
    %swap3A_1594 = arith.constant 0 : index
    %swap3A_1595 = arith.constant 0 : index
    %swap3A_1596 = vector.load %arg16[%swap3A_1593, %swap3A_1594, %swap3A_1595] : memref<12x325x128xf32, #tpu.memory_space<vmem>>, vector<1x325x128xf32>
    %swap3A_1597 = vector.shape_cast %swap3A_1596 : vector<1x325x128xf32> to vector<325x128xf32>
    %swap3A_1598 = vector.shape_cast %add3A_1592 : vector<325x128xf32> to vector<1x325x128xf32>
    tpu.vector_store %arg16[%swap3A_1593, %swap3A_1594, %swap3A_1595], %swap3A_1598 {strides = array<i32>} : memref<12x325x128xf32, #tpu.memory_space<vmem>>, vector<1x325x128xf32>,
    %get3A_1599 = arith.constant 8 : index
    %get3A_1600 = arith.constant 0 : index
    %get3A_1601 = arith.constant 0 : index
    %get3A_1602 = vector.load %arg17[%get3A_1599, %get3A_1600, %get3A_1601] : memref<12x325x128xf32, #tpu.memory_space<vmem>>, vector<1x325x128xf32>
    %get3A_1603 = vector.shape_cast %get3A_1602 : vector<1x325x128xf32> to vector<325x128xf32>
    %get3A_1604 = arith.constant 2 : index
    %get3A_1605 = arith.constant 0 : index
    %get3A_1606 = arith.constant 0 : index
    %get3A_1607 = vector.load %arg6[%get3A_1604, %get3A_1605, %get3A_1606] : memref<3x128x128xf32, #tpu.memory_space<vmem>>, vector<1x128x128xf32>
    %get3A_1608 = vector.shape_cast %get3A_1607 : vector<1x128x128xf32> to vector<128x128xf32>
    %dot_general3A_1609 = arith.constant dense<0.000000e+00> : vector<325x128xf32>
    %dot_general3A_1610 = tpu.matmul %get3A_1603, %get3A_1608, %dot_general3A_1609 {dimension_numbers = #tpu.dot_dimension_numbers<[1], [0], [0], [1], [0, 0, 1, 1], [], []>, transpose_lhs_hint = false} : vector<325x128xf32>, vector<128x128xf32>, vector<325x128xf32> -> vector<325x128xf32>
    %get3A_1611 = arith.constant 2 : index
    %get3A_1612 = arith.constant 0 : index
    %get3A_1613 = vector.load %arg7[%get3A_1611, %get3A_1612] : memref<3x128xf32, #tpu.memory_space<vmem>>, vector<1x128xf32>
    %get3A_1614 = vector.shape_cast %get3A_1613 : vector<1x128xf32> to vector<128xf32>
    %broadcast_in_dim3A_1615 = vector.shape_cast %get3A_1614 : vector<128xf32> to vector<1x128xf32>
    %add3A_1616 = vector.broadcast %broadcast_in_dim3A_1615 : vector<1x128xf32> to vector<325x128xf32>
    %add3A_1617 = arith.addf %dot_general3A_1610, %add3A_1616 : vector<325x128xf32>
    %swap3A_1618 = arith.constant 8 : index
    %swap3A_1619 = arith.constant 0 : index
    %swap3A_1620 = arith.constant 0 : index
    %swap3A_1621 = vector.load %arg16[%swap3A_1618, %swap3A_1619, %swap3A_1620] : memref<12x325x128xf32, #tpu.memory_space<vmem>>, vector<1x325x128xf32>
    %swap3A_1622 = vector.shape_cast %swap3A_1621 : vector<1x325x128xf32> to vector<325x128xf32>
    %swap3A_1623 = vector.shape_cast %add3A_1617 : vector<325x128xf32> to vector<1x325x128xf32>
    tpu.vector_store %arg16[%swap3A_1618, %swap3A_1619, %swap3A_1620], %swap3A_1623 {strides = array<i32>} : memref<12x325x128xf32, #tpu.memory_space<vmem>>, vector<1x325x128xf32>,
    %get3A_1624 = arith.constant 9 : index
    %get3A_1625 = arith.constant 0 : index
    %get3A_1626 = arith.constant 0 : index
    %get3A_1627 = vector.load %arg17[%get3A_1624, %get3A_1625, %get3A_1626] : memref<12x325x128xf32, #tpu.memory_space<vmem>>, vector<1x325x128xf32>
    %get3A_1628 = vector.shape_cast %get3A_1627 : vector<1x325x128xf32> to vector<325x128xf32>
    %get3A_1629 = arith.constant 2 : index
    %get3A_1630 = arith.constant 0 : index
    %get3A_1631 = arith.constant 0 : index
    %get3A_1632 = vector.load %arg6[%get3A_1629, %get3A_1630, %get3A_1631] : memref<3x128x128xf32, #tpu.memory_space<vmem>>, vector<1x128x128xf32>
    %get3A_1633 = vector.shape_cast %get3A_1632 : vector<1x128x128xf32> to vector<128x128xf32>
    %dot_general3A_1634 = arith.constant dense<0.000000e+00> : vector<325x128xf32>
    %dot_general3A_1635 = tpu.matmul %get3A_1628, %get3A_1633, %dot_general3A_1634 {dimension_numbers = #tpu.dot_dimension_numbers<[1], [0], [0], [1], [0, 0, 1, 1], [], []>, transpose_lhs_hint = false} : vector<325x128xf32>, vector<128x128xf32>, vector<325x128xf32> -> vector<325x128xf32>
    %get3A_1636 = arith.constant 2 : index
    %get3A_1637 = arith.constant 0 : index
    %get3A_1638 = vector.load %arg7[%get3A_1636, %get3A_1637] : memref<3x128xf32, #tpu.memory_space<vmem>>, vector<1x128xf32>
    %get3A_1639 = vector.shape_cast %get3A_1638 : vector<1x128xf32> to vector<128xf32>
    %broadcast_in_dim3A_1640 = vector.shape_cast %get3A_1639 : vector<128xf32> to vector<1x128xf32>
    %add3A_1641 = vector.broadcast %broadcast_in_dim3A_1640 : vector<1x128xf32> to vector<325x128xf32>
    %add3A_1642 = arith.addf %dot_general3A_1635, %add3A_1641 : vector<325x128xf32>
    %swap3A_1643 = arith.constant 9 : index
    %swap3A_1644 = arith.constant 0 : index
    %swap3A_1645 = arith.constant 0 : index
    %swap3A_1646 = vector.load %arg16[%swap3A_1643, %swap3A_1644, %swap3A_1645] : memref<12x325x128xf32, #tpu.memory_space<vmem>>, vector<1x325x128xf32>
    %swap3A_1647 = vector.shape_cast %swap3A_1646 : vector<1x325x128xf32> to vector<325x128xf32>
    %swap3A_1648 = vector.shape_cast %add3A_1642 : vector<325x128xf32> to vector<1x325x128xf32>
    tpu.vector_store %arg16[%swap3A_1643, %swap3A_1644, %swap3A_1645], %swap3A_1648 {strides = array<i32>} : memref<12x325x128xf32, #tpu.memory_space<vmem>>, vector<1x325x128xf32>,
    %get3A_1649 = arith.constant 10 : index
    %get3A_1650 = arith.constant 0 : index
    %get3A_1651 = arith.constant 0 : index
    %get3A_1652 = vector.load %arg17[%get3A_1649, %get3A_1650, %get3A_1651] : memref<12x325x128xf32, #tpu.memory_space<vmem>>, vector<1x325x128xf32>
    %get3A_1653 = vector.shape_cast %get3A_1652 : vector<1x325x128xf32> to vector<325x128xf32>
    %get3A_1654 = arith.constant 2 : index
    %get3A_1655 = arith.constant 0 : index
    %get3A_1656 = arith.constant 0 : index
    %get3A_1657 = vector.load %arg6[%get3A_1654, %get3A_1655, %get3A_1656] : memref<3x128x128xf32, #tpu.memory_space<vmem>>, vector<1x128x128xf32>
    %get3A_1658 = vector.shape_cast %get3A_1657 : vector<1x128x128xf32> to vector<128x128xf32>
    %dot_general3A_1659 = arith.constant dense<0.000000e+00> : vector<325x128xf32>
    %dot_general3A_1660 = tpu.matmul %get3A_1653, %get3A_1658, %dot_general3A_1659 {dimension_numbers = #tpu.dot_dimension_numbers<[1], [0], [0], [1], [0, 0, 1, 1], [], []>, transpose_lhs_hint = false} : vector<325x128xf32>, vector<128x128xf32>, vector<325x128xf32> -> vector<325x128xf32>
    %get3A_1661 = arith.constant 2 : index
    %get3A_1662 = arith.constant 0 : index
    %get3A_1663 = vector.load %arg7[%get3A_1661, %get3A_1662] : memref<3x128xf32, #tpu.memory_space<vmem>>, vector<1x128xf32>
    %get3A_1664 = vector.shape_cast %get3A_1663 : vector<1x128xf32> to vector<128xf32>
    %broadcast_in_dim3A_1665 = vector.shape_cast %get3A_1664 : vector<128xf32> to vector<1x128xf32>
    %add3A_1666 = vector.broadcast %broadcast_in_dim3A_1665 : vector<1x128xf32> to vector<325x128xf32>
    %add3A_1667 = arith.addf %dot_general3A_1660, %add3A_1666 : vector<325x128xf32>
    %swap3A_1668 = arith.constant 10 : index
    %swap3A_1669 = arith.constant 0 : index
    %swap3A_1670 = arith.constant 0 : index
    %swap3A_1671 = vector.load %arg16[%swap3A_1668, %swap3A_1669, %swap3A_1670] : memref<12x325x128xf32, #tpu.memory_space<vmem>>, vector<1x325x128xf32>
    %swap3A_1672 = vector.shape_cast %swap3A_1671 : vector<1x325x128xf32> to vector<325x128xf32>
    %swap3A_1673 = vector.shape_cast %add3A_1667 : vector<325x128xf32> to vector<1x325x128xf32>
    tpu.vector_store %arg16[%swap3A_1668, %swap3A_1669, %swap3A_1670], %swap3A_1673 {strides = array<i32>} : memref<12x325x128xf32, #tpu.memory_space<vmem>>, vector<1x325x128xf32>,
    %get3A_1674 = arith.constant 11 : index
    %get3A_1675 = arith.constant 0 : index
    %get3A_1676 = arith.constant 0 : index
    %get3A_1677 = vector.load %arg17[%get3A_1674, %get3A_1675, %get3A_1676] : memref<12x325x128xf32, #tpu.memory_space<vmem>>, vector<1x325x128xf32>
    %get3A_1678 = vector.shape_cast %get3A_1677 : vector<1x325x128xf32> to vector<325x128xf32>
    %get3A_1679 = arith.constant 2 : index
    %get3A_1680 = arith.constant 0 : index
    %get3A_1681 = arith.constant 0 : index
    %get3A_1682 = vector.load %arg6[%get3A_1679, %get3A_1680, %get3A_1681] : memref<3x128x128xf32, #tpu.memory_space<vmem>>, vector<1x128x128xf32>
    %get3A_1683 = vector.shape_cast %get3A_1682 : vector<1x128x128xf32> to vector<128x128xf32>
    %dot_general3A_1684 = arith.constant dense<0.000000e+00> : vector<325x128xf32>
    %dot_general3A_1685 = tpu.matmul %get3A_1678, %get3A_1683, %dot_general3A_1684 {dimension_numbers = #tpu.dot_dimension_numbers<[1], [0], [0], [1], [0, 0, 1, 1], [], []>, transpose_lhs_hint = false} : vector<325x128xf32>, vector<128x128xf32>, vector<325x128xf32> -> vector<325x128xf32>
    %get3A_1686 = arith.constant 2 : index
    %get3A_1687 = arith.constant 0 : index
    %get3A_1688 = vector.load %arg7[%get3A_1686, %get3A_1687] : memref<3x128xf32, #tpu.memory_space<vmem>>, vector<1x128xf32>
    %get3A_1689 = vector.shape_cast %get3A_1688 : vector<1x128xf32> to vector<128xf32>
    %broadcast_in_dim3A_1690 = vector.shape_cast %get3A_1689 : vector<128xf32> to vector<1x128xf32>
    %add3A_1691 = vector.broadcast %broadcast_in_dim3A_1690 : vector<1x128xf32> to vector<325x128xf32>
    %add3A_1692 = arith.addf %dot_general3A_1685, %add3A_1691 : vector<325x128xf32>
    %swap3A_1693 = arith.constant 11 : index
    %swap3A_1694 = arith.constant 0 : index
    %swap3A_1695 = arith.constant 0 : index
    %swap3A_1696 = vector.load %arg16[%swap3A_1693, %swap3A_1694, %swap3A_1695] : memref<12x325x128xf32, #tpu.memory_space<vmem>>, vector<1x325x128xf32>
    %swap3A_1697 = vector.shape_cast %swap3A_1696 : vector<1x325x128xf32> to vector<325x128xf32>
    %swap3A_1698 = vector.shape_cast %add3A_1692 : vector<325x128xf32> to vector<1x325x128xf32>
    tpu.vector_store %arg16[%swap3A_1693, %swap3A_1694, %swap3A_1695], %swap3A_1698 {strides = array<i32>} : memref<12x325x128xf32, #tpu.memory_space<vmem>>, vector<1x325x128xf32>,
    %broadcast_in_dim3A_1699 = arith.constant 0.000000e+00 : f32
    %broadcast_in_dim3A_1700 = vector.broadcast %broadcast_in_dim3A_1699 : f32 to vector<325x128xf32>
    %broadcast_in_dim3A_1701 = arith.constant 0.000000e+00 : f32
    %broadcast_in_dim3A_1702 = vector.broadcast %broadcast_in_dim3A_1701 : f32 to vector<325x128xf32>
    %broadcast_in_dim3A_1703 = arith.constant 0.000000e+00 : f32
    %broadcast_in_dim3A_1704 = vector.broadcast %broadcast_in_dim3A_1703 : f32 to vector<325x128xf32>
    %mul3A_1705 = arith.constant 0.899999976 : f32
    %mul3A_1706 = vector.broadcast %mul3A_1705 : f32 to vector<325x128xf32>
    %mul3A_1707 = arith.mulf %mul3A_1706, %broadcast_in_dim3A_1700 : vector<325x128xf32>
    %get3A_1708 = arith.constant 0 : index
    %get3A_1709 = arith.constant 0 : index
    %get3A_1710 = arith.constant 0 : index
    %get3A_1711 = vector.load %arg16[%get3A_1708, %get3A_1709, %get3A_1710] : memref<12x325x128xf32, #tpu.memory_space<vmem>>, vector<1x325x128xf32>
    %get3A_1712 = vector.shape_cast %get3A_1711 : vector<1x325x128xf32> to vector<325x128xf32>
    %add3A_1713 = arith.addf %mul3A_1707, %get3A_1712 : vector<325x128xf32>
    %mul3A_1714 = arith.constant 8.000000e-01 : f32
    %mul3A_1715 = vector.broadcast %mul3A_1714 : f32 to vector<325x128xf32>
    %mul3A_1716 = arith.mulf %mul3A_1715, %broadcast_in_dim3A_1702 : vector<325x128xf32>
    %add3A_1717 = arith.addf %mul3A_1716, %add3A_1713 : vector<325x128xf32>
    %sub3A_1718 = arith.subf %add3A_1717, %broadcast_in_dim3A_1704 : vector<325x128xf32>
    %gt3A_1719 = arith.constant 1.000000e+00 : f32
    %gt3A_1720 = vector.broadcast %gt3A_1719 : f32 to vector<325x128xf32>
    %gt3A_1721 = arith.cmpf ogt, %sub3A_1718, %gt3A_1720 : vector<325x128xf32>
    %convert_element_type3A_1722 = arith.extui %gt3A_1721 : vector<325x128xi1> to vector<325x128xi32>
    %convert_element_type3A_1723 = arith.sitofp %convert_element_type3A_1722 : vector<325x128xi32> to vector<325x128xf32>
    %swap3A_1724 = arith.constant 0 : index
    %swap3A_1725 = arith.constant 0 : index
    %swap3A_1726 = arith.constant 0 : index
    %swap3A_1727 = vector.load %arg16[%swap3A_1724, %swap3A_1725, %swap3A_1726] : memref<12x325x128xf32, #tpu.memory_space<vmem>>, vector<1x325x128xf32>
    %swap3A_1728 = vector.shape_cast %swap3A_1727 : vector<1x325x128xf32> to vector<325x128xf32>
    %swap3A_1729 = vector.shape_cast %convert_element_type3A_1723 : vector<325x128xf32> to vector<1x325x128xf32>
    tpu.vector_store %arg16[%swap3A_1724, %swap3A_1725, %swap3A_1726], %swap3A_1729 {strides = array<i32>} : memref<12x325x128xf32, #tpu.memory_space<vmem>>, vector<1x325x128xf32>,
    %mul3A_1730 = arith.constant 0.899999976 : f32
    %mul3A_1731 = vector.broadcast %mul3A_1730 : f32 to vector<325x128xf32>
    %mul3A_1732 = arith.mulf %mul3A_1731, %add3A_1713 : vector<325x128xf32>
    %get3A_1733 = arith.constant 1 : index
    %get3A_1734 = arith.constant 0 : index
    %get3A_1735 = arith.constant 0 : index
    %get3A_1736 = vector.load %arg16[%get3A_1733, %get3A_1734, %get3A_1735] : memref<12x325x128xf32, #tpu.memory_space<vmem>>, vector<1x325x128xf32>
    %get3A_1737 = vector.shape_cast %get3A_1736 : vector<1x325x128xf32> to vector<325x128xf32>
    %add3A_1738 = arith.addf %mul3A_1732, %get3A_1737 : vector<325x128xf32>
    %mul3A_1739 = arith.constant 8.000000e-01 : f32
    %mul3A_1740 = vector.broadcast %mul3A_1739 : f32 to vector<325x128xf32>
    %mul3A_1741 = arith.mulf %mul3A_1740, %sub3A_1718 : vector<325x128xf32>
    %add3A_1742 = arith.addf %mul3A_1741, %add3A_1738 : vector<325x128xf32>
    %sub3A_1743 = arith.subf %add3A_1742, %convert_element_type3A_1723 : vector<325x128xf32>
    %gt3A_1744 = arith.constant 1.000000e+00 : f32
    %gt3A_1745 = vector.broadcast %gt3A_1744 : f32 to vector<325x128xf32>
    %gt3A_1746 = arith.cmpf ogt, %sub3A_1743, %gt3A_1745 : vector<325x128xf32>
    %convert_element_type3A_1747 = arith.extui %gt3A_1746 : vector<325x128xi1> to vector<325x128xi32>
    %convert_element_type3A_1748 = arith.sitofp %convert_element_type3A_1747 : vector<325x128xi32> to vector<325x128xf32>
    %swap3A_1749 = arith.constant 1 : index
    %swap3A_1750 = arith.constant 0 : index
    %swap3A_1751 = arith.constant 0 : index
    %swap3A_1752 = vector.load %arg16[%swap3A_1749, %swap3A_1750, %swap3A_1751] : memref<12x325x128xf32, #tpu.memory_space<vmem>>, vector<1x325x128xf32>
    %swap3A_1753 = vector.shape_cast %swap3A_1752 : vector<1x325x128xf32> to vector<325x128xf32>
    %swap3A_1754 = vector.shape_cast %convert_element_type3A_1748 : vector<325x128xf32> to vector<1x325x128xf32>
    tpu.vector_store %arg16[%swap3A_1749, %swap3A_1750, %swap3A_1751], %swap3A_1754 {strides = array<i32>} : memref<12x325x128xf32, #tpu.memory_space<vmem>>, vector<1x325x128xf32>,
    %mul3A_1755 = arith.constant 0.899999976 : f32
    %mul3A_1756 = vector.broadcast %mul3A_1755 : f32 to vector<325x128xf32>
    %mul3A_1757 = arith.mulf %mul3A_1756, %add3A_1738 : vector<325x128xf32>
    %get3A_1758 = arith.constant 2 : index
    %get3A_1759 = arith.constant 0 : index
    %get3A_1760 = arith.constant 0 : index
    %get3A_1761 = vector.load %arg16[%get3A_1758, %get3A_1759, %get3A_1760] : memref<12x325x128xf32, #tpu.memory_space<vmem>>, vector<1x325x128xf32>
    %get3A_1762 = vector.shape_cast %get3A_1761 : vector<1x325x128xf32> to vector<325x128xf32>
    %add3A_1763 = arith.addf %mul3A_1757, %get3A_1762 : vector<325x128xf32>
    %mul3A_1764 = arith.constant 8.000000e-01 : f32
    %mul3A_1765 = vector.broadcast %mul3A_1764 : f32 to vector<325x128xf32>
    %mul3A_1766 = arith.mulf %mul3A_1765, %sub3A_1743 : vector<325x128xf32>
    %add3A_1767 = arith.addf %mul3A_1766, %add3A_1763 : vector<325x128xf32>
    %sub3A_1768 = arith.subf %add3A_1767, %convert_element_type3A_1748 : vector<325x128xf32>
    %gt3A_1769 = arith.constant 1.000000e+00 : f32
    %gt3A_1770 = vector.broadcast %gt3A_1769 : f32 to vector<325x128xf32>
    %gt3A_1771 = arith.cmpf ogt, %sub3A_1768, %gt3A_1770 : vector<325x128xf32>
    %convert_element_type3A_1772 = arith.extui %gt3A_1771 : vector<325x128xi1> to vector<325x128xi32>
    %convert_element_type3A_1773 = arith.sitofp %convert_element_type3A_1772 : vector<325x128xi32> to vector<325x128xf32>
    %swap3A_1774 = arith.constant 2 : index
    %swap3A_1775 = arith.constant 0 : index
    %swap3A_1776 = arith.constant 0 : index
    %swap3A_1777 = vector.load %arg16[%swap3A_1774, %swap3A_1775, %swap3A_1776] : memref<12x325x128xf32, #tpu.memory_space<vmem>>, vector<1x325x128xf32>
    %swap3A_1778 = vector.shape_cast %swap3A_1777 : vector<1x325x128xf32> to vector<325x128xf32>
    %swap3A_1779 = vector.shape_cast %convert_element_type3A_1773 : vector<325x128xf32> to vector<1x325x128xf32>
    tpu.vector_store %arg16[%swap3A_1774, %swap3A_1775, %swap3A_1776], %swap3A_1779 {strides = array<i32>} : memref<12x325x128xf32, #tpu.memory_space<vmem>>, vector<1x325x128xf32>,
    %mul3A_1780 = arith.constant 0.899999976 : f32
    %mul3A_1781 = vector.broadcast %mul3A_1780 : f32 to vector<325x128xf32>
    %mul3A_1782 = arith.mulf %mul3A_1781, %add3A_1763 : vector<325x128xf32>
    %get3A_1783 = arith.constant 3 : index
    %get3A_1784 = arith.constant 0 : index
    %get3A_1785 = arith.constant 0 : index
    %get3A_1786 = vector.load %arg16[%get3A_1783, %get3A_1784, %get3A_1785] : memref<12x325x128xf32, #tpu.memory_space<vmem>>, vector<1x325x128xf32>
    %get3A_1787 = vector.shape_cast %get3A_1786 : vector<1x325x128xf32> to vector<325x128xf32>
    %add3A_1788 = arith.addf %mul3A_1782, %get3A_1787 : vector<325x128xf32>
    %mul3A_1789 = arith.constant 8.000000e-01 : f32
    %mul3A_1790 = vector.broadcast %mul3A_1789 : f32 to vector<325x128xf32>
    %mul3A_1791 = arith.mulf %mul3A_1790, %sub3A_1768 : vector<325x128xf32>
    %add3A_1792 = arith.addf %mul3A_1791, %add3A_1788 : vector<325x128xf32>
    %sub3A_1793 = arith.subf %add3A_1792, %convert_element_type3A_1773 : vector<325x128xf32>
    %gt3A_1794 = arith.constant 1.000000e+00 : f32
    %gt3A_1795 = vector.broadcast %gt3A_1794 : f32 to vector<325x128xf32>
    %gt3A_1796 = arith.cmpf ogt, %sub3A_1793, %gt3A_1795 : vector<325x128xf32>
    %convert_element_type3A_1797 = arith.extui %gt3A_1796 : vector<325x128xi1> to vector<325x128xi32>
    %convert_element_type3A_1798 = arith.sitofp %convert_element_type3A_1797 : vector<325x128xi32> to vector<325x128xf32>
    %swap3A_1799 = arith.constant 3 : index
    %swap3A_1800 = arith.constant 0 : index
    %swap3A_1801 = arith.constant 0 : index
    %swap3A_1802 = vector.load %arg16[%swap3A_1799, %swap3A_1800, %swap3A_1801] : memref<12x325x128xf32, #tpu.memory_space<vmem>>, vector<1x325x128xf32>
    %swap3A_1803 = vector.shape_cast %swap3A_1802 : vector<1x325x128xf32> to vector<325x128xf32>
    %swap3A_1804 = vector.shape_cast %convert_element_type3A_1798 : vector<325x128xf32> to vector<1x325x128xf32>
    tpu.vector_store %arg16[%swap3A_1799, %swap3A_1800, %swap3A_1801], %swap3A_1804 {strides = array<i32>} : memref<12x325x128xf32, #tpu.memory_space<vmem>>, vector<1x325x128xf32>,
    %mul3A_1805 = arith.constant 0.899999976 : f32
    %mul3A_1806 = vector.broadcast %mul3A_1805 : f32 to vector<325x128xf32>
    %mul3A_1807 = arith.mulf %mul3A_1806, %add3A_1788 : vector<325x128xf32>
    %get3A_1808 = arith.constant 4 : index
    %get3A_1809 = arith.constant 0 : index
    %get3A_1810 = arith.constant 0 : index
    %get3A_1811 = vector.load %arg16[%get3A_1808, %get3A_1809, %get3A_1810] : memref<12x325x128xf32, #tpu.memory_space<vmem>>, vector<1x325x128xf32>
    %get3A_1812 = vector.shape_cast %get3A_1811 : vector<1x325x128xf32> to vector<325x128xf32>
    %add3A_1813 = arith.addf %mul3A_1807, %get3A_1812 : vector<325x128xf32>
    %mul3A_1814 = arith.constant 8.000000e-01 : f32
    %mul3A_1815 = vector.broadcast %mul3A_1814 : f32 to vector<325x128xf32>
    %mul3A_1816 = arith.mulf %mul3A_1815, %sub3A_1793 : vector<325x128xf32>
    %add3A_1817 = arith.addf %mul3A_1816, %add3A_1813 : vector<325x128xf32>
    %sub3A_1818 = arith.subf %add3A_1817, %convert_element_type3A_1798 : vector<325x128xf32>
    %gt3A_1819 = arith.constant 1.000000e+00 : f32
    %gt3A_1820 = vector.broadcast %gt3A_1819 : f32 to vector<325x128xf32>
    %gt3A_1821 = arith.cmpf ogt, %sub3A_1818, %gt3A_1820 : vector<325x128xf32>
    %convert_element_type3A_1822 = arith.extui %gt3A_1821 : vector<325x128xi1> to vector<325x128xi32>
    %convert_element_type3A_1823 = arith.sitofp %convert_element_type3A_1822 : vector<325x128xi32> to vector<325x128xf32>
    %swap3A_1824 = arith.constant 4 : index
    %swap3A_1825 = arith.constant 0 : index
    %swap3A_1826 = arith.constant 0 : index
    %swap3A_1827 = vector.load %arg16[%swap3A_1824, %swap3A_1825, %swap3A_1826] : memref<12x325x128xf32, #tpu.memory_space<vmem>>, vector<1x325x128xf32>
    %swap3A_1828 = vector.shape_cast %swap3A_1827 : vector<1x325x128xf32> to vector<325x128xf32>
    %swap3A_1829 = vector.shape_cast %convert_element_type3A_1823 : vector<325x128xf32> to vector<1x325x128xf32>
    tpu.vector_store %arg16[%swap3A_1824, %swap3A_1825, %swap3A_1826], %swap3A_1829 {strides = array<i32>} : memref<12x325x128xf32, #tpu.memory_space<vmem>>, vector<1x325x128xf32>,
    %mul3A_1830 = arith.constant 0.899999976 : f32
    %mul3A_1831 = vector.broadcast %mul3A_1830 : f32 to vector<325x128xf32>
    %mul3A_1832 = arith.mulf %mul3A_1831, %add3A_1813 : vector<325x128xf32>
    %get3A_1833 = arith.constant 5 : index
    %get3A_1834 = arith.constant 0 : index
    %get3A_1835 = arith.constant 0 : index
    %get3A_1836 = vector.load %arg16[%get3A_1833, %get3A_1834, %get3A_1835] : memref<12x325x128xf32, #tpu.memory_space<vmem>>, vector<1x325x128xf32>
    %get3A_1837 = vector.shape_cast %get3A_1836 : vector<1x325x128xf32> to vector<325x128xf32>
    %add3A_1838 = arith.addf %mul3A_1832, %get3A_1837 : vector<325x128xf32>
    %mul3A_1839 = arith.constant 8.000000e-01 : f32
    %mul3A_1840 = vector.broadcast %mul3A_1839 : f32 to vector<325x128xf32>
    %mul3A_1841 = arith.mulf %mul3A_1840, %sub3A_1818 : vector<325x128xf32>
    %add3A_1842 = arith.addf %mul3A_1841, %add3A_1838 : vector<325x128xf32>
    %sub3A_1843 = arith.subf %add3A_1842, %convert_element_type3A_1823 : vector<325x128xf32>
    %gt3A_1844 = arith.constant 1.000000e+00 : f32
    %gt3A_1845 = vector.broadcast %gt3A_1844 : f32 to vector<325x128xf32>
    %gt3A_1846 = arith.cmpf ogt, %sub3A_1843, %gt3A_1845 : vector<325x128xf32>
    %convert_element_type3A_1847 = arith.extui %gt3A_1846 : vector<325x128xi1> to vector<325x128xi32>
    %convert_element_type3A_1848 = arith.sitofp %convert_element_type3A_1847 : vector<325x128xi32> to vector<325x128xf32>
    %swap3A_1849 = arith.constant 5 : index
    %swap3A_1850 = arith.constant 0 : index
    %swap3A_1851 = arith.constant 0 : index
    %swap3A_1852 = vector.load %arg16[%swap3A_1849, %swap3A_1850, %swap3A_1851] : memref<12x325x128xf32, #tpu.memory_space<vmem>>, vector<1x325x128xf32>
    %swap3A_1853 = vector.shape_cast %swap3A_1852 : vector<1x325x128xf32> to vector<325x128xf32>
    %swap3A_1854 = vector.shape_cast %convert_element_type3A_1848 : vector<325x128xf32> to vector<1x325x128xf32>
    tpu.vector_store %arg16[%swap3A_1849, %swap3A_1850, %swap3A_1851], %swap3A_1854 {strides = array<i32>} : memref<12x325x128xf32, #tpu.memory_space<vmem>>, vector<1x325x128xf32>,
    %mul3A_1855 = arith.constant 0.899999976 : f32
    %mul3A_1856 = vector.broadcast %mul3A_1855 : f32 to vector<325x128xf32>
    %mul3A_1857 = arith.mulf %mul3A_1856, %add3A_1838 : vector<325x128xf32>
    %get3A_1858 = arith.constant 6 : index
    %get3A_1859 = arith.constant 0 : index
    %get3A_1860 = arith.constant 0 : index
    %get3A_1861 = vector.load %arg16[%get3A_1858, %get3A_1859, %get3A_1860] : memref<12x325x128xf32, #tpu.memory_space<vmem>>, vector<1x325x128xf32>
    %get3A_1862 = vector.shape_cast %get3A_1861 : vector<1x325x128xf32> to vector<325x128xf32>
    %add3A_1863 = arith.addf %mul3A_1857, %get3A_1862 : vector<325x128xf32>
    %mul3A_1864 = arith.constant 8.000000e-01 : f32
    %mul3A_1865 = vector.broadcast %mul3A_1864 : f32 to vector<325x128xf32>
    %mul3A_1866 = arith.mulf %mul3A_1865, %sub3A_1843 : vector<325x128xf32>
    %add3A_1867 = arith.addf %mul3A_1866, %add3A_1863 : vector<325x128xf32>
    %sub3A_1868 = arith.subf %add3A_1867, %convert_element_type3A_1848 : vector<325x128xf32>
    %gt3A_1869 = arith.constant 1.000000e+00 : f32
    %gt3A_1870 = vector.broadcast %gt3A_1869 : f32 to vector<325x128xf32>
    %gt3A_1871 = arith.cmpf ogt, %sub3A_1868, %gt3A_1870 : vector<325x128xf32>
    %convert_element_type3A_1872 = arith.extui %gt3A_1871 : vector<325x128xi1> to vector<325x128xi32>
    %convert_element_type3A_1873 = arith.sitofp %convert_element_type3A_1872 : vector<325x128xi32> to vector<325x128xf32>
    %swap3A_1874 = arith.constant 6 : index
    %swap3A_1875 = arith.constant 0 : index
    %swap3A_1876 = arith.constant 0 : index
    %swap3A_1877 = vector.load %arg16[%swap3A_1874, %swap3A_1875, %swap3A_1876] : memref<12x325x128xf32, #tpu.memory_space<vmem>>, vector<1x325x128xf32>
    %swap3A_1878 = vector.shape_cast %swap3A_1877 : vector<1x325x128xf32> to vector<325x128xf32>
    %swap3A_1879 = vector.shape_cast %convert_element_type3A_1873 : vector<325x128xf32> to vector<1x325x128xf32>
    tpu.vector_store %arg16[%swap3A_1874, %swap3A_1875, %swap3A_1876], %swap3A_1879 {strides = array<i32>} : memref<12x325x128xf32, #tpu.memory_space<vmem>>, vector<1x325x128xf32>,
    %mul3A_1880 = arith.constant 0.899999976 : f32
    %mul3A_1881 = vector.broadcast %mul3A_1880 : f32 to vector<325x128xf32>
    %mul3A_1882 = arith.mulf %mul3A_1881, %add3A_1863 : vector<325x128xf32>
    %get3A_1883 = arith.constant 7 : index
    %get3A_1884 = arith.constant 0 : index
    %get3A_1885 = arith.constant 0 : index
    %get3A_1886 = vector.load %arg16[%get3A_1883, %get3A_1884, %get3A_1885] : memref<12x325x128xf32, #tpu.memory_space<vmem>>, vector<1x325x128xf32>
    %get3A_1887 = vector.shape_cast %get3A_1886 : vector<1x325x128xf32> to vector<325x128xf32>
    %add3A_1888 = arith.addf %mul3A_1882, %get3A_1887 : vector<325x128xf32>
    %mul3A_1889 = arith.constant 8.000000e-01 : f32
    %mul3A_1890 = vector.broadcast %mul3A_1889 : f32 to vector<325x128xf32>
    %mul3A_1891 = arith.mulf %mul3A_1890, %sub3A_1868 : vector<325x128xf32>
    %add3A_1892 = arith.addf %mul3A_1891, %add3A_1888 : vector<325x128xf32>
    %sub3A_1893 = arith.subf %add3A_1892, %convert_element_type3A_1873 : vector<325x128xf32>
    %gt3A_1894 = arith.constant 1.000000e+00 : f32
    %gt3A_1895 = vector.broadcast %gt3A_1894 : f32 to vector<325x128xf32>
    %gt3A_1896 = arith.cmpf ogt, %sub3A_1893, %gt3A_1895 : vector<325x128xf32>
    %convert_element_type3A_1897 = arith.extui %gt3A_1896 : vector<325x128xi1> to vector<325x128xi32>
    %convert_element_type3A_1898 = arith.sitofp %convert_element_type3A_1897 : vector<325x128xi32> to vector<325x128xf32>
    %swap3A_1899 = arith.constant 7 : index
    %swap3A_1900 = arith.constant 0 : index
    %swap3A_1901 = arith.constant 0 : index
    %swap3A_1902 = vector.load %arg16[%swap3A_1899, %swap3A_1900, %swap3A_1901] : memref<12x325x128xf32, #tpu.memory_space<vmem>>, vector<1x325x128xf32>
    %swap3A_1903 = vector.shape_cast %swap3A_1902 : vector<1x325x128xf32> to vector<325x128xf32>
    %swap3A_1904 = vector.shape_cast %convert_element_type3A_1898 : vector<325x128xf32> to vector<1x325x128xf32>
    tpu.vector_store %arg16[%swap3A_1899, %swap3A_1900, %swap3A_1901], %swap3A_1904 {strides = array<i32>} : memref<12x325x128xf32, #tpu.memory_space<vmem>>, vector<1x325x128xf32>,
    %mul3A_1905 = arith.constant 0.899999976 : f32
    %mul3A_1906 = vector.broadcast %mul3A_1905 : f32 to vector<325x128xf32>
    %mul3A_1907 = arith.mulf %mul3A_1906, %add3A_1888 : vector<325x128xf32>
    %get3A_1908 = arith.constant 8 : index
    %get3A_1909 = arith.constant 0 : index
    %get3A_1910 = arith.constant 0 : index
    %get3A_1911 = vector.load %arg16[%get3A_1908, %get3A_1909, %get3A_1910] : memref<12x325x128xf32, #tpu.memory_space<vmem>>, vector<1x325x128xf32>
    %get3A_1912 = vector.shape_cast %get3A_1911 : vector<1x325x128xf32> to vector<325x128xf32>
    %add3A_1913 = arith.addf %mul3A_1907, %get3A_1912 : vector<325x128xf32>
    %mul3A_1914 = arith.constant 8.000000e-01 : f32
    %mul3A_1915 = vector.broadcast %mul3A_1914 : f32 to vector<325x128xf32>
    %mul3A_1916 = arith.mulf %mul3A_1915, %sub3A_1893 : vector<325x128xf32>
    %add3A_1917 = arith.addf %mul3A_1916, %add3A_1913 : vector<325x128xf32>
    %sub3A_1918 = arith.subf %add3A_1917, %convert_element_type3A_1898 : vector<325x128xf32>
    %gt3A_1919 = arith.constant 1.000000e+00 : f32
    %gt3A_1920 = vector.broadcast %gt3A_1919 : f32 to vector<325x128xf32>
    %gt3A_1921 = arith.cmpf ogt, %sub3A_1918, %gt3A_1920 : vector<325x128xf32>
    %convert_element_type3A_1922 = arith.extui %gt3A_1921 : vector<325x128xi1> to vector<325x128xi32>
    %convert_element_type3A_1923 = arith.sitofp %convert_element_type3A_1922 : vector<325x128xi32> to vector<325x128xf32>
    %swap3A_1924 = arith.constant 8 : index
    %swap3A_1925 = arith.constant 0 : index
    %swap3A_1926 = arith.constant 0 : index
    %swap3A_1927 = vector.load %arg16[%swap3A_1924, %swap3A_1925, %swap3A_1926] : memref<12x325x128xf32, #tpu.memory_space<vmem>>, vector<1x325x128xf32>
    %swap3A_1928 = vector.shape_cast %swap3A_1927 : vector<1x325x128xf32> to vector<325x128xf32>
    %swap3A_1929 = vector.shape_cast %convert_element_type3A_1923 : vector<325x128xf32> to vector<1x325x128xf32>
    tpu.vector_store %arg16[%swap3A_1924, %swap3A_1925, %swap3A_1926], %swap3A_1929 {strides = array<i32>} : memref<12x325x128xf32, #tpu.memory_space<vmem>>, vector<1x325x128xf32>,
    %mul3A_1930 = arith.constant 0.899999976 : f32
    %mul3A_1931 = vector.broadcast %mul3A_1930 : f32 to vector<325x128xf32>
    %mul3A_1932 = arith.mulf %mul3A_1931, %add3A_1913 : vector<325x128xf32>
    %get3A_1933 = arith.constant 9 : index
    %get3A_1934 = arith.constant 0 : index
    %get3A_1935 = arith.constant 0 : index
    %get3A_1936 = vector.load %arg16[%get3A_1933, %get3A_1934, %get3A_1935] : memref<12x325x128xf32, #tpu.memory_space<vmem>>, vector<1x325x128xf32>
    %get3A_1937 = vector.shape_cast %get3A_1936 : vector<1x325x128xf32> to vector<325x128xf32>
    %add3A_1938 = arith.addf %mul3A_1932, %get3A_1937 : vector<325x128xf32>
    %mul3A_1939 = arith.constant 8.000000e-01 : f32
    %mul3A_1940 = vector.broadcast %mul3A_1939 : f32 to vector<325x128xf32>
    %mul3A_1941 = arith.mulf %mul3A_1940, %sub3A_1918 : vector<325x128xf32>
    %add3A_1942 = arith.addf %mul3A_1941, %add3A_1938 : vector<325x128xf32>
    %sub3A_1943 = arith.subf %add3A_1942, %convert_element_type3A_1923 : vector<325x128xf32>
    %gt3A_1944 = arith.constant 1.000000e+00 : f32
    %gt3A_1945 = vector.broadcast %gt3A_1944 : f32 to vector<325x128xf32>
    %gt3A_1946 = arith.cmpf ogt, %sub3A_1943, %gt3A_1945 : vector<325x128xf32>
    %convert_element_type3A_1947 = arith.extui %gt3A_1946 : vector<325x128xi1> to vector<325x128xi32>
    %convert_element_type3A_1948 = arith.sitofp %convert_element_type3A_1947 : vector<325x128xi32> to vector<325x128xf32>
    %swap3A_1949 = arith.constant 9 : index
    %swap3A_1950 = arith.constant 0 : index
    %swap3A_1951 = arith.constant 0 : index
    %swap3A_1952 = vector.load %arg16[%swap3A_1949, %swap3A_1950, %swap3A_1951] : memref<12x325x128xf32, #tpu.memory_space<vmem>>, vector<1x325x128xf32>
    %swap3A_1953 = vector.shape_cast %swap3A_1952 : vector<1x325x128xf32> to vector<325x128xf32>
    %swap3A_1954 = vector.shape_cast %convert_element_type3A_1948 : vector<325x128xf32> to vector<1x325x128xf32>
    tpu.vector_store %arg16[%swap3A_1949, %swap3A_1950, %swap3A_1951], %swap3A_1954 {strides = array<i32>} : memref<12x325x128xf32, #tpu.memory_space<vmem>>, vector<1x325x128xf32>,
    %mul3A_1955 = arith.constant 0.899999976 : f32
    %mul3A_1956 = vector.broadcast %mul3A_1955 : f32 to vector<325x128xf32>
    %mul3A_1957 = arith.mulf %mul3A_1956, %add3A_1938 : vector<325x128xf32>
    %get3A_1958 = arith.constant 10 : index
    %get3A_1959 = arith.constant 0 : index
    %get3A_1960 = arith.constant 0 : index
    %get3A_1961 = vector.load %arg16[%get3A_1958, %get3A_1959, %get3A_1960] : memref<12x325x128xf32, #tpu.memory_space<vmem>>, vector<1x325x128xf32>
    %get3A_1962 = vector.shape_cast %get3A_1961 : vector<1x325x128xf32> to vector<325x128xf32>
    %add3A_1963 = arith.addf %mul3A_1957, %get3A_1962 : vector<325x128xf32>
    %mul3A_1964 = arith.constant 8.000000e-01 : f32
    %mul3A_1965 = vector.broadcast %mul3A_1964 : f32 to vector<325x128xf32>
    %mul3A_1966 = arith.mulf %mul3A_1965, %sub3A_1943 : vector<325x128xf32>
    %add3A_1967 = arith.addf %mul3A_1966, %add3A_1963 : vector<325x128xf32>
    %sub3A_1968 = arith.subf %add3A_1967, %convert_element_type3A_1948 : vector<325x128xf32>
    %gt3A_1969 = arith.constant 1.000000e+00 : f32
    %gt3A_1970 = vector.broadcast %gt3A_1969 : f32 to vector<325x128xf32>
    %gt3A_1971 = arith.cmpf ogt, %sub3A_1968, %gt3A_1970 : vector<325x128xf32>
    %convert_element_type3A_1972 = arith.extui %gt3A_1971 : vector<325x128xi1> to vector<325x128xi32>
    %convert_element_type3A_1973 = arith.sitofp %convert_element_type3A_1972 : vector<325x128xi32> to vector<325x128xf32>
    %swap3A_1974 = arith.constant 10 : index
    %swap3A_1975 = arith.constant 0 : index
    %swap3A_1976 = arith.constant 0 : index
    %swap3A_1977 = vector.load %arg16[%swap3A_1974, %swap3A_1975, %swap3A_1976] : memref<12x325x128xf32, #tpu.memory_space<vmem>>, vector<1x325x128xf32>
    %swap3A_1978 = vector.shape_cast %swap3A_1977 : vector<1x325x128xf32> to vector<325x128xf32>
    %swap3A_1979 = vector.shape_cast %convert_element_type3A_1973 : vector<325x128xf32> to vector<1x325x128xf32>
    tpu.vector_store %arg16[%swap3A_1974, %swap3A_1975, %swap3A_1976], %swap3A_1979 {strides = array<i32>} : memref<12x325x128xf32, #tpu.memory_space<vmem>>, vector<1x325x128xf32>,
    %mul3A_1980 = arith.constant 0.899999976 : f32
    %mul3A_1981 = vector.broadcast %mul3A_1980 : f32 to vector<325x128xf32>
    %mul3A_1982 = arith.mulf %mul3A_1981, %add3A_1963 : vector<325x128xf32>
    %get3A_1983 = arith.constant 11 : index
    %get3A_1984 = arith.constant 0 : index
    %get3A_1985 = arith.constant 0 : index
    %get3A_1986 = vector.load %arg16[%get3A_1983, %get3A_1984, %get3A_1985] : memref<12x325x128xf32, #tpu.memory_space<vmem>>, vector<1x325x128xf32>
    %get3A_1987 = vector.shape_cast %get3A_1986 : vector<1x325x128xf32> to vector<325x128xf32>
    %add3A_1988 = arith.addf %mul3A_1982, %get3A_1987 : vector<325x128xf32>
    %mul3A_1989 = arith.constant 8.000000e-01 : f32
    %mul3A_1990 = vector.broadcast %mul3A_1989 : f32 to vector<325x128xf32>
    %mul3A_1991 = arith.mulf %mul3A_1990, %sub3A_1968 : vector<325x128xf32>
    %add3A_1992 = arith.addf %mul3A_1991, %add3A_1988 : vector<325x128xf32>
    %sub3A_1993 = arith.subf %add3A_1992, %convert_element_type3A_1973 : vector<325x128xf32>
    %gt3A_1994 = arith.constant 1.000000e+00 : f32
    %gt3A_1995 = vector.broadcast %gt3A_1994 : f32 to vector<325x128xf32>
    %gt3A_1996 = arith.cmpf ogt, %sub3A_1993, %gt3A_1995 : vector<325x128xf32>
    %convert_element_type3A_1997 = arith.extui %gt3A_1996 : vector<325x128xi1> to vector<325x128xi32>
    %convert_element_type3A_1998 = arith.sitofp %convert_element_type3A_1997 : vector<325x128xi32> to vector<325x128xf32>
    %swap3A_1999 = arith.constant 11 : index
    %swap3A_2000 = arith.constant 0 : index
    %swap3A_2001 = arith.constant 0 : index
    %swap3A_2002 = vector.load %arg16[%swap3A_1999, %swap3A_2000, %swap3A_2001] : memref<12x325x128xf32, #tpu.memory_space<vmem>>, vector<1x325x128xf32>
    %swap3A_2003 = vector.shape_cast %swap3A_2002 : vector<1x325x128xf32> to vector<325x128xf32>
    %swap3A_2004 = vector.shape_cast %convert_element_type3A_1998 : vector<325x128xf32> to vector<1x325x128xf32>
    tpu.vector_store %arg16[%swap3A_1999, %swap3A_2000, %swap3A_2001], %swap3A_2004 {strides = array<i32>} : memref<12x325x128xf32, #tpu.memory_space<vmem>>, vector<1x325x128xf32>,
    %get3A_2005 = arith.constant 11 : index
    %get3A_2006 = arith.constant 0 : index
    %get3A_2007 = arith.constant 0 : index
    %get3A_2008 = vector.load %arg16[%get3A_2005, %get3A_2006, %get3A_2007] : memref<12x325x128xf32, #tpu.memory_space<vmem>>, vector<1x325x128xf32>
    %get3A_2009 = vector.shape_cast %get3A_2008 : vector<1x325x128xf32> to vector<325x128xf32>
    %get3A_2010 = arith.constant 0 : index
    %get3A_2011 = arith.constant 0 : index
    %get3A_2012 = vector.load %arg8[%get3A_2010, %get3A_2011] : memref<128x64xf32, #tpu.memory_space<vmem>>, vector<128x64xf32>
    %dot_general3A_2013 = arith.constant dense<0.000000e+00> : vector<325x64xf32>
    %dot_general3A_2014 = tpu.matmul %get3A_2009, %get3A_2012, %dot_general3A_2013 {dimension_numbers = #tpu.dot_dimension_numbers<[1], [0], [0], [1], [0, 0, 1, 1], [], []>, transpose_lhs_hint = false} : vector<325x128xf32>, vector<128x64xf32>, vector<325x64xf32> -> vector<325x64xf32>
    %get3A_2015 = arith.constant 0 : index
    %get3A_2016 = arith.constant 0 : index
    %get3A_2017 = vector.load %arg9[%get3A_2015, %get3A_2016] : memref<1x64xf32, #tpu.memory_space<vmem>>, vector<1x64xf32>
    %add3A_2018 = vector.broadcast %get3A_2017 : vector<1x64xf32> to vector<325x64xf32>
    %add3A_2019 = arith.addf %dot_general3A_2014, %add3A_2018 : vector<325x64xf32>
    %get3A_2020 = arith.constant 0 : index
    %get3A_2021 = arith.constant 0 : index
    %get3A_2022 = arith.constant 0 : index
    %get3A_2023 = vector.load %arg10[%get3A_2020, %get3A_2021, %get3A_2022] : memref<1x325x64xf32, #tpu.memory_space<vmem>>, vector<1x325x64xf32>
    %get3A_2024 = vector.shape_cast %get3A_2023 : vector<1x325x64xf32> to vector<325x64xf32>
    %add3A_2025 = arith.addf %add3A_2019, %get3A_2024 : vector<325x64xf32>
    %max3A = arith.constant 0.000000e+00 : f32
    %max3A_2026 = vector.broadcast %max3A : f32 to vector<325x64xf32>
    %max3A_2027 = arith.maximumf %add3A_2025, %max3A_2026 : vector<325x64xf32>
    %get3A_2028 = arith.constant 0 : index
    %get3A_2029 = arith.constant 0 : index
    %get3A_2030 = vector.load %arg11[%get3A_2028, %get3A_2029] : memref<64x128xf32, #tpu.memory_space<vmem>>, vector<64x128xf32>
    %dot_general3A_2031 = arith.constant dense<0.000000e+00> : vector<325x128xf32>
    %dot_general3A_2032 = tpu.matmul %max3A_2027, %get3A_2030, %dot_general3A_2031 {dimension_numbers = #tpu.dot_dimension_numbers<[1], [0], [0], [1], [0, 0, 1, 1], [], []>, transpose_lhs_hint = false} : vector<325x64xf32>, vector<64x128xf32>, vector<325x128xf32> -> vector<325x128xf32>
    %get3A_2033 = arith.constant 0 : index
    %get3A_2034 = arith.constant 0 : index
    %get3A_2035 = vector.load %arg12[%get3A_2033, %get3A_2034] : memref<1x128xf32, #tpu.memory_space<vmem>>, vector<1x128xf32>
    %add3A_2036 = vector.broadcast %get3A_2035 : vector<1x128xf32> to vector<325x128xf32>
    %add3A_2037 = arith.addf %dot_general3A_2032, %add3A_2036 : vector<325x128xf32>
    %max3A_2038 = arith.constant 0.000000e+00 : f32
    %max3A_2039 = vector.broadcast %max3A_2038 : f32 to vector<325x128xf32>
    %max3A_2040 = arith.maximumf %add3A_2037, %max3A_2039 : vector<325x128xf32>
    %get3A_2041 = arith.constant 0 : index
    %get3A_2042 = arith.constant 0 : index
    %get3A_2043 = vector.load %arg13[%get3A_2041, %get3A_2042] : memref<128x24xf32, #tpu.memory_space<vmem>>, vector<128x24xf32>
    %dot_general3A_2044 = arith.constant dense<0.000000e+00> : vector<325x24xf32>
    %dot_general3A_2045 = tpu.matmul %max3A_2040, %get3A_2043, %dot_general3A_2044 {dimension_numbers = #tpu.dot_dimension_numbers<[1], [0], [0], [1], [0, 0, 1, 1], [], []>, transpose_lhs_hint = false} : vector<325x128xf32>, vector<128x24xf32>, vector<325x24xf32> -> vector<325x24xf32>
    %get3A_2046 = arith.constant 0 : index
    %get3A_2047 = arith.constant 0 : index
    %get3A_2048 = vector.load %arg14[%get3A_2046, %get3A_2047] : memref<1x24xf32, #tpu.memory_space<vmem>>, vector<1x24xf32>
    %add3A_2049 = vector.broadcast %get3A_2048 : vector<1x24xf32> to vector<325x24xf32>
    %add3A_2050 = arith.addf %dot_general3A_2045, %add3A_2049 : vector<325x24xf32>
    %swap3A_2051 = arith.constant 0 : index
    %swap3A_2052 = arith.constant 0 : index
    %swap3A_2053 = arith.constant 0 : index
    %swap3A_2054 = vector.load %arg15[%swap3A_2051, %swap3A_2052, %swap3A_2053] : memref<1x325x24xf32, #tpu.memory_space<vmem>>, vector<1x325x24xf32>
    %swap3A_2055 = vector.shape_cast %swap3A_2054 : vector<1x325x24xf32> to vector<325x24xf32>
    %swap3A_2056 = vector.shape_cast %add3A_2050 : vector<325x24xf32> to vector<1x325x24xf32>
    tpu.vector_store %arg15[%swap3A_2051, %swap3A_2052, %swap3A_2053], %swap3A_2056 {strides = array<i32>} : memref<1x325x24xf32, #tpu.memory_space<vmem>>, vector<1x325x24xf32>,
    return
  }
  func.func @transform_0(%arg0: i32) -> (i32, i32, i32, i32) {
    %c0_i32 = arith.constant 0 : i32
    %c0_i32_0 = arith.constant 0 : i32
    %c0_i32_1 = arith.constant 0 : i32
    %c0_i32_2 = arith.constant 0 : i32
    return %arg0, %c0_i32, %c0_i32_0, %c0_i32_1 : i32, i32, i32, i32
  }
  func.func @transform_1(%arg0: i32) -> (i32, i32) {
    %c0_i32 = arith.constant 0 : i32
    %c0_i32_0 = arith.constant 0 : i32
    %c0_i32_1 = arith.constant 0 : i32
    return %c0_i32, %c0_i32_0 : i32, i32
  }
  func.func @transform_2(%arg0: i32) -> (i32, i32) {
    %c0_i32 = arith.constant 0 : i32
    %c0_i32_0 = arith.constant 0 : i32
    %c0_i32_1 = arith.constant 0 : i32
    return %c0_i32, %c0_i32_0 : i32, i32
  }
  func.func @transform_3(%arg0: i32) -> (i32, i32) {
    %c0_i32 = arith.constant 0 : i32
    %c0_i32_0 = arith.constant 0 : i32
    %c0_i32_1 = arith.constant 0 : i32
    return %c0_i32, %c0_i32_0 : i32, i32
  }
  func.func @transform_4(%arg0: i32) -> (i32, i32) {
    %c0_i32 = arith.constant 0 : i32
    %c0_i32_0 = arith.constant 0 : i32
    %c0_i32_1 = arith.constant 0 : i32
    return %c0_i32, %c0_i32_0 : i32, i32
  }
  func.func @transform_5(%arg0: i32) -> (i32, i32, i32) {
    %c0_i32 = arith.constant 0 : i32
    %c0_i32_0 = arith.constant 0 : i32
    %c0_i32_1 = arith.constant 0 : i32
    %c0_i32_2 = arith.constant 0 : i32
    return %c0_i32, %c0_i32_0, %c0_i32_1 : i32, i32, i32
  }
  func.func @transform_6(%arg0: i32) -> (i32, i32) {
    %c0_i32 = arith.constant 0 : i32
    %c0_i32_0 = arith.constant 0 : i32
    %c0_i32_1 = arith.constant 0 : i32
    return %c0_i32, %c0_i32_0 : i32, i32
  }
  func.func @transform_7(%arg0: i32) -> (i32, i32) {
    %c0_i32 = arith.constant 0 : i32
    %c0_i32_0 = arith.constant 0 : i32
    %c0_i32_1 = arith.constant 0 : i32
    return %c0_i32, %c0_i32_0 : i32, i32
  }
  func.func @transform_8(%arg0: i32) -> (i32, i32) {
    %c0_i32 = arith.constant 0 : i32
    %c0_i32_0 = arith.constant 0 : i32
    %c0_i32_1 = arith.constant 0 : i32
    return %c0_i32, %c0_i32_0 : i32, i32
  }
  func.func @transform_9(%arg0: i32) -> (i32, i32, i32) {
    %c0_i32 = arith.constant 0 : i32
    %c0_i32_0 = arith.constant 0 : i32
    %c0_i32_1 = arith.constant 0 : i32
    return %arg0, %c0_i32, %c0_i32_0 : i32, i32, i32
  }
  func.func @transform_10(%arg0: i32) -> (i32, i32) {
    %c0_i32 = arith.constant 0 : i32
    %c0_i32_0 = arith.constant 0 : i32
    %c0_i32_1 = arith.constant 0 : i32
    return %c0_i32, %c0_i32_0 : i32, i32
  }
  func.func @transform_11(%arg0: i32) -> (i32, i32) {
    %c0_i32 = arith.constant 0 : i32
    %c0_i32_0 = arith.constant 0 : i32
    %c0_i32_1 = arith.constant 0 : i32
    return %c0_i32, %c0_i32_0 : i32, i32
  }
  func.func @transform_12(%arg0: i32) -> (i32, i32) {
    %c0_i32 = arith.constant 0 : i32
    %c0_i32_0 = arith.constant 0 : i32
    %c0_i32_1 = arith.constant 0 : i32
    return %c0_i32, %c0_i32_0 : i32, i32
  }
  func.func @transform_13(%arg0: i32) -> (i32, i32) {
    %c0_i32 = arith.constant 0 : i32
    %c0_i32_0 = arith.constant 0 : i32
    %c0_i32_1 = arith.constant 0 : i32
    return %c0_i32, %c0_i32_0 : i32, i32
  }
  func.func @transform_14(%arg0: i32) -> (i32, i32, i32) {
    %c0_i32 = arith.constant 0 : i32
    %c0_i32_0 = arith.constant 0 : i32
    %c0_i32_1 = arith.constant 0 : i32
    return %arg0, %c0_i32, %c0_i32_0 : i32, i32, i32
  }
}

</mosaic_0001>

<sc_bundles>
// kernel: kernel.6.cloned.1.call-start
scs
__scs_entry_jumppad:
0x0: {  	(pc) =	sbr.rel $0x88, $3  }
0x1: {  	(tag) =	ssettag $0x0;
	lr =	simm.s32 $0x1  }
0x2: {  	[smem:$0x3F7D] =	sst lr;
	_ =	strace $0xD0000000  }
0x3: {  	_ = 	snop  }
0x4: {  	_ = 	snop  }
0x5: {  	_ = 	snop  }
0x6: {  	_ = 	snop  }
0x7: {  	_ = 	snop  }
__scs_overlays_trampoline_lowered:
0x8: {  	[smem:$0x3F8C] =	sst s0  }
0x9: {  	[smem:$0x3F8D] =	sst s1  }
0xa: {  	[smem:$0x3F8E] =	sst s2  }
0xb: {  	[smem:$0x3F8F] =	sst s3  }
0xc: {  	[smem:$0x3F90] =	sst s4  }
0xd: {  	[smem:$0x3F91] =	sst s5  }
0xe: {  	[smem:$0x3F92] =	sst s6  }
0xf: {  	[smem:$0x3F93] =	sst s7  }
0x10: {  	[smem:$0x3F94] =	sst s8  }
0x11: {  	[smem:$0x3F95] =	sst s9;
	s0 =	simm.s32 @!p0 $0x0  }
0x12: {  	s1 =	sld [smem:$0x3F7B];
	s0 =	simm.s32 @p0 $0x1  }
0x13: {  	[smem:$0x3F96] =	sst s0;
	s0 =	simm.s32 @!p1 $0x0  }
0x14: {  	s2 =	sld [smem:$0x3F7A];
	s0 =	simm.s32 @p1 $0x1  }
0x15: {  	[smem:$0x3F97] =	sst s0;
	s0 =	simm.s32 @!p2 $0x0  }
0x16: {  	s3 =	sld [smem:$0x3FDB];
	s0 =	simm.s32 @p2 $0x1  }
0x17: {  	s4 =	simm.s32 $0x1BF5;
	[smem:$0x3F99] =	sst s0  }
0x18: {  	s0 =	sld [smem:$0x3F7C];
	_ =	swait.ge [sflag:s4], $0x0  }
0x19: {  	s7 =	sld [smem:$0x3F7D]  }
0x1a: {  	s8 =	sadd.s32 $0xFFFFE003, lr  }
0x1b: {  	s9 =	sadd.s32 $0xFFFFFEF7, lr;
	s5 =	simm.s32 $0xFFFFFFFF;
	p2 =	slt.u32 s8, $0xFFFFF086  }
0x1c: {  	p1 =	slt.u32 s9, $0xF7A;
	s5 =	simm.s32 @!p2 $0x0  }
0x1d: {  	s5 =	simm.s32 @p1 $0x1;
	p0 =	seq.s32 s7, s2  }
0x1e: {  	s7 =	smul.u32 @!p0 $0xF7A, s2;
	p2 =	seq.s32 @!p0 s5, $0x0  }
0x1f: {  	s9 =	smul.u32 $0xF7A, s1;
	s8 =	simm.s32 @!p0 $0x1BF5;
	p2 =	por !p2, p0  }
0x20: {  	[sflag:s8] =	ssyncset.s32 @!p0 $0xFFFFF086;
	s6 =	sadd.s32 @!p0 s3, s7;
	s7 =	simm.s32 @!p0 $0x108  }
0x21: {  	s3 =	sadd.s32 s3, s9;
	s6 =	sadd.s32 @!p0 $0x88, s6;
	s7 =	simm.s32 @p2 $0x1082  }
0x22: {  	[simem:s7], [sflag:s8] =	dma.local @!p0 [hbm:s6], $0xF7A  }
0x23: {  	s9 =	sor.u32 $0xD0000000, s2;
	s6 =	simm.s32 $0x108;
	_ =	swait.ge @!p0 [sflag:s8], $0x0  }
0x24: {  	s3 =	sadd.s32 $0x88, s3;
	s6 =	simm.s32 @!p1 $0x1082;
	[sflag:s4] =	ssyncset.s32 $0xFFFFF086  }
0x25: {  	[simem:s6], [sflag:s4] =	dma.local [hbm:s3], $0xF7A  }
0x26: {  	[smem:$0x3F7D] =	sst s1;
	(tag) =	ssettag s2;
	_ =	strace s9  }
0x27: {  	s1 =	sld [smem:$0x3F8D]  }
0x28: {  	s2 =	sld [smem:$0x3F8E]  }
0x29: {  	s4 =	sld [smem:$0x3F90]  }
0x2a: {  	p0 =	seq.s32 s5, $0x0;
	s5 =	sld [smem:$0x3F91]  }
0x2b: {  	s6 =	sld [smem:$0x3F92]  }
0x2c: {  	s7 =	sld [smem:$0x3F93]  }
0x2d: {  	s3 =	simm.s32 $0x108;
	s8 =	sld [smem:$0x3F94]  }
0x2e: {  	s3 =	simm.s32 @!p0 $0x1082;
	s9 =	sld [smem:$0x3F95]  }
0x2f: {  	lr =	sadd.s32 s0, s3;
	s0 =	sld [smem:$0x3F8C]  }
0x30: {  	s3 =	sld [smem:$0x3F8F]  }
0x31: {  	[smem:$0x3F98] =	sst s10  }
0x32: {  	s10 =	sld [smem:$0x3F96];
	_ =	sdelay $0x3  }
0x33: {  	p0 =	seq.s32 s10, $0x1;
	s10 =	sld [smem:$0x3F98];
	_ =	sdelay $0x3  }
0x34: {  	[smem:$0x3F98] =	sst s10  }
0x35: {  	s10 =	sld [smem:$0x3F97];
	_ =	sdelay $0x3  }
0x36: {  	p1 =	seq.s32 s10, $0x1;
	s10 =	sld [smem:$0x3F98];
	_ =	sdelay $0x3  }
0x37: {  	[smem:$0x3F98] =	sst s10  }
0x38: {  	s10 =	sld [smem:$0x3F99]  }
0x39: {  	_ = 	snop;
	(pc) =	sbr.ind lr, $3  }
0x3a: {  	_ = 	snop  }
0x3b: {  	_ = 	snop  }
0x3c: {  	p2 =	seq.s32 s10, $0x1;
	s10 =	sld [smem:$0x3F98]  }
0x3d: {  	_ =	shalt  }
0x3e: {  	_ =	shalt  }
0x3f: {  	_ =	shalt  }
0x40: {  	_ =	shalt  }
0x41: {  	_ =	shalt  }
0x42: {  	_ =	shalt  }
0x43: {  	_ =	shalt  }
0x44: {  	_ =	shalt  }
0x45: {  	_ =	shalt  }
0x46: {  	_ =	shalt  }
0x47: {  	_ =	shalt  }
0x48: {  	_ =	shalt  }
0x49: {  	_ =	shalt  }
0x4a: {  	_ =	shalt  }
0x4b: {  	_ =	shalt  }
0x4c: {  	_ =	shalt  }
0x4d: {  	_ =	shalt  }
0x4e: {  	_ =	shalt  }
0x4f: {  	_ =	shalt  }
0x50: {  	_ =	shalt  }
0x51: {  	_ =	shalt  }
0x52: {  	_ =	shalt  }
0x53: {  	_ =	shalt  }
0x54: {  	_ =	shalt  }
0x55: {  	_ =	shalt  }
0x56: {  	_ =	shalt  }
0x57: {  	_ =	shalt  }
0x58: {  	_ =	shalt  }
0x59: {  	_ =	shalt  }
0x5a: {  	_ =	shalt  }
0x5b: {  	_ =	shalt  }
0x5c: {  	_ =	shalt  }
0x5d: {  	_ =	shalt  }
0x5e: {  	_ =	shalt  }
0x5f: {  	_ =	shalt  }
0x60: {  	_ =	shalt  }
0x61: {  	_ =	shalt  }
0x62: {  	_ =	shalt  }
0x63: {  	_ =	shalt  }
0x64: {  	_ =	shalt  }
0x65: {  	_ =	shalt  }
0x66: {  	_ =	shalt  }
0x67: {  	_ =	shalt  }
0x68: {  	_ =	shalt  }
0x69: {  	_ =	shalt  }
0x6a: {  	_ =	shalt  }
0x6b: {  	_ =	shalt  }
0x6c: {  	_ =	shalt  }
0x6d: {  	_ =	shalt  }
0x6e: {  	_ =	shalt  }
0x6f: {  	_ =	shalt  }
0x70: {  	_ =	shalt  }
0x71: {  	_ =	shalt  }
0x72: {  	_ =	shalt  }
0x73: {  	_ =	shalt  }
0x74: {  	_ =	shalt  }
0x75: {  	_ =	shalt  }
0x76: {  	_ =	shalt  }
0x77: {  	_ =	shalt  }
0x78: {  	_ =	shalt  }
0x79: {  	_ =	shalt  }
0x7a: {  	_ =	shalt  }
0x7b: {  	_ =	shalt  }
0x7c: {  	_ =	shalt  }
0x7d: {  	_ =	shalt  }
0x7e: {  	_ =	shalt  }
0x7f: {  	_ =	shalt  }
0x80: {  	_ =	shalt  }
0x81: {  	_ =	shalt  }
0x82: {  	_ =	shalt  }
0x83: {  	_ =	shalt  }
0x84: {  	_ =	shalt  }
0x85: {  	_ =	shalt  }
0x86: {  	_ =	shalt  }
0x87: {  	_ =	shalt  }
.Lfunc_end0:
.L_simem_size_0:
called_computation_lowered:
.L_overlay_start_0:
0x88: {  	s2 =	sld [smem:$0x3FD9]  }
0x89: {  	s3 =	sld [smem:$0x3FFE];
	_ =	sdelay $0x1  }
0x8a: {  	s1 =	srdreg.scid  }
0x8b: {  	s0 =	sand.u32 $0x1, s1  }
0x8c: {  	s17 =	sshll.u32 s0, $0xA;
	s2 =	sadd.s32 s3, s2  }
0x8d: {  	s2 =	sadd.s32 s2, s17  }
0x8e: {  	[smem:$0x3FA4] =	sst s2  }
0x8f: {  	_ = 	snop  }
0x90: {  	s2 =	sld [smem:$0x3FD0];
	(tm) =	ssettm $0x1  }
0x91: {  	s18 =	sld [smem:$0x3FFB];
	_ =	sdelay $0x3  }
0x92: {  	_ =	strace s18  }
0x93: {  	s3 =	sld [smem:$0x3FFC];
	_ =	sdelay $0x3  }
0x94: {  	_ =	strace s3  }
0x95: {  	s3 =	sld [smem:$0x3FFD];
	_ =	sdelay $0x3  }
0x96: {  	_ =	strace s3  }
0x97: {  	_ =	strace $0x8FFFFFFF  }
0x98: {  	s19 =	sld [smem:$0x3FDB];
	_ =	sdelay $0x1  }
0x99: {  	s4 =	simm.s32 $_scs_section_size  }
0x9a: {  	s5 =	simm.s32 $_size__tile_overlayer_lowered;
	s6 =	simm.s32 $_tile_overlayer_lowered  }
0x9b: {  	s22 =	simm.s32 $0x1BFF;
	s21 =	sshll.u32 s6, $0x1;
	s3 =	sadd.s32 s4, s19  }
0x9c: {  	s7 =	simm.s32 $0x0;
	s20 =	sshll.u32 s5, $0x1;
	s5 =	sadd.s32 s21, s3  }
0x9d: {  	[timem:s7], [sflag:s22] =	dma.local [hbm:s5], s20  }
0x9e: {  	_ =	swait.ge [sflag:s22], s20  }
0x9f: {  	s4 =	ssub.s32 $0x0, s20;
	[sflag:s22] =	ssyncset.done $0x0  }
0xa0: {  	[sflag:s22] =	ssyncadd.s32 s4;
	_ =	sdelay $0x1  }
0xa1: {  	s23 =	simm.s32 $0x1B8B  }
0xa2: {  	_ =	swait.ge [sflag:s23], $0x1  }
0xa3: {  	[sflag:s23] =	ssyncset.done $0x0  }
0xa4: {  	s25 =	simm.s32 $0x1B8E;
	s24 =	sld [smem:$0x3FFE];
	[sflag:s23] =	ssyncadd.s32 $0xFFFFFFFF  }
0xa5: {  	s26 =	simm.s32 $execute0_lowered;
	[smem:$0x3FD2] =	sst s25  }
0xa6: {  	s5 =	sshll.u32 s26, $0x1;
	_ =	strace $0x80000046;
	[dreg:$0x1] =	wrdreg $0xFFFFFFFF  }
0xa7: {  	s28 =	simm.s32 $_size_execute0_lowered;
	s3 =	sadd.s32 s3, s5;
	[dreg:$0x0] =	wrdreg $0x0  }
0xa8: {  	s5 =	sshll.u32 s28, $0x1;
	[dreg:$0x2] =	wrdreg s3  }
0xa9: {  	[dreg:$0x3] =	wrdreg s5  }
0xaa: {  	[dreg:$0x4] =	wrdreg $0xC0  }
0xab: {  	_ =	task [dreg:s7], $0x5FFFF  }
0xac: {  	[dreg:$0x1] =	wrdreg $0xFFFFFFFF  }
0xad: {  	[dreg:$0x0] =	wrdreg $0x60  }
0xae: {  	[dreg:$0x2] =	wrdreg s24  }
0xaf: {  	[dreg:$0x3] =	wrdreg s2  }
0xb0: {  	[dreg:$0x4] =	wrdreg $0x0  }
0xb1: {  	[dreg:$0x5] =	wrdreg $0x9  }
0xb2: {  	_ =	task.clear_ibuf [dreg:s7], $0x6FFFF;
	_ =	strace $0x90000046  }
0xb3: {  	s29 =	simm.s32 $0x9;
	_ =	strace $0x80000048  }
0xb4: {  	_ =	swait.ge [sflag:s29], $0x1  }
0xb5: {  	[sflag:s29] =	ssyncadd.s32 $0xFFFFFFFF  }
0xb6: {  	_ =	strace $0x90000048  }
0xb7: {  	_ =	sfence  }
0xb8: {  	s30 =	sld [smem:$0x0];
	_ =	sdelay $0x2  }
0xb9: {  	s31 =	sshll.u32 s1, $0xD;
	s1 =	sshrl.u32 s1, $0x2  }
0xba: {  	s3 =	sand.u32 $0x4000, s31;
	s1 =	sadd.s32 s1, s30  }
0xbb: {  	s0 =	sor.u32 s3, s0;
	s1 =	sshll.u32 s1, $0x11  }
0xbc: {  	s0 =	sor.u32 s1, s0  }
0xbd: {  	s0 =	sadd.s32 $0x8F2B, s0  }
0xbe: {  	[sflag:s0] =	ssyncadd.remote.s32 $0x1  }
0xbf: {  	_ =	sfence.sel $0xFFFF  }
0xc0: {  	[dreg:$0x0] =	wrdreg $0xFFFFFFFF;
	(pc) =	sbr.abs _section_cstart, $3  }
0xc1: {  	[dreg:$0x1] =	wrdreg $0xFFFFFFFF  }
0xc2: {  	_ =	task.clear_ibuf [dreg:s7], $0x2FFFF;
	_ =	strace $0x9FFFFFFF  }
0xc3: {  	(tm) =	ssettm $0x7FFFFFFF  }
tec
execute0_lowered:
.L_overlay_start_1:
0x0: {  	(tag) =	ssettag $0x1  }
0x1: {  	s14 =	rddreg [dreg:$0x0]  }
0x2: {  	s4 =	rddreg [dreg:$0x1]  }
0x3: {  	s3 =	rddreg [dreg:$0x2];
	s1 =	stileid.u32  }
0x4: {  	s0 =	rddreg [dreg:$0x3];
	s2 =	simm.s32 $0x0;
	s15 =	smul.u32 $0x19D0, s1  }
0x5: {  	s5 =	srdreg.scid;
	[smem:$0x7FF] =	sst s2  }
0x6: {  	s16 =	sand.u32 $0x1, s5;
	s5 =	simm.s32 $0x1BD0;
	s31 =	sshrl.u32 s15, $0x3  }
0x7: {  	_ =	strace $0x80000047;
	s6 =	sadd.s32 s4, s31;
	s4 =	simm.s32 $0x1  }
0x8: {  	[tilespmem:s5], [sflag:$0x1] =	stream.linear.gather [hbm4b:s6+s2], $0x19D0, $0x38;
	[tilespmem:$0x35D0] =	vst v63  }
0x9: {  	s7 =	sshll.u32 s16, $0x4;
	_ =	swait.ge [sflag:s4], $0x19D0  }
0xa: {  	s7 =	sor.u32 s1, s7;
	[sflag:s4] =	ssyncset.done $0x0  }
0xb: {  	s8 =	smul.u32 $0xC, s7;
	s7 =	sadd.s32 s15, s3;
	[sflag:s4] =	ssyncadd.s32 $0xFFFFE630  }
0xc: {  	[spmem:s7] =	stream.linear.scatter [tilespmem:s5], [sflag:$0x1], $0x19D0, $0x38;
	[tilespmem:$0x35D0] =	vst v63  }
0xd: {  	_ =	swait.ge [sflag:s4], $0x19D0  }
0xe: {  	s12 =	sadd.s32 s8, s14;
	[sflag:s4] =	ssyncset.done $0x0  }
0xf: {  	s9 =	simm.s32 $0x19D0;
	s8 =	sadd.s32 $0x3C00, s12;
	[sflag:s4] =	ssyncadd.s32 $0xFFFFE630  }
0x10: {  	[tilespmem:s9], [sflag:$0x1] =	stream.linear.gather [hbm4b:s8+s2], $0x60, $0x38;
	[tilespmem:$0x35D0] =	vst v63  }
0x11: {  	_ =	swait.ge [sflag:s4], $0x60  }
0x12: {  	[sflag:s4] =	ssyncset.done $0x0  }
0x13: {  	s11 =	simm.s32 $0x1A50;
	s10 =	sadd.s32 $0x3E00, s12;
	[sflag:s4] =	ssyncadd.s32 $0xFFFFFFA0  }
0x14: {  	[tilespmem:s11], [sflag:$0x1] =	stream.linear.gather [hbm4b:s10+s2], $0x60, $0x38;
	[tilespmem:$0x35D0] =	vst v63  }
0x15: {  	_ =	swait.ge [sflag:s4], $0x60  }
0x16: {  	[sflag:s4] =	ssyncset.done $0x0  }
0x17: {  	s13 =	simm.s32 $0x1AD0;
	s12 =	sadd.s32 $0x4000, s12;
	[sflag:s4] =	ssyncadd.s32 $0xFFFFFFA0  }
0x18: {  	[tilespmem:s13], [sflag:$0x1] =	stream.linear.gather [hbm4b:s12+s2], $0x60, $0x38;
	[tilespmem:$0x35D0] =	vst v63  }
0x19: {  	_ =	swait.ge [sflag:s4], $0x60  }
0x1a: {  	[sflag:s4] =	ssyncset.done $0x0  }
0x1b: {  	[sflag:s4] =	ssyncadd.s32 $0xFFFFFFA0  }
0x1c: {  	v0 =	vld [tilespmem:$0x1A00]  }
0x1d: {  	v1 =	vld [tilespmem:$0x19F0]  }
0x1e: {  	v2 =	vld [tilespmem:$0x19E0]  }
0x1f: {  	v3 =	vld [tilespmem:$0x1A20]  }
0x20: {  	v4 =	vld [tilespmem:$0x1A70]  }
0x21: {  	v5 =	vld [tilespmem:$0x1AA0]  }
0x22: {  	v6 =	vld [tilespmem:$0x1A60]  }
0x23: {  	v7 =	vld [tilespmem:$0x1A80]  }
0x24: {  	v8 =	vld [tilespmem:$0x1A90]  }
0x25: {  	v9 =	vld [tilespmem:$0x1A50];
	v4 =	vmul.u32 $0x145, v4  }
0x26: {  	v10 =	vld [tilespmem:$0x1A10];
	v5 =	vmul.u32 $0x145, v5  }
0x27: {  	v11 =	vld [tilespmem:$0x19D0];
	v6 =	vmul.u32 $0x145, v6;
	v1 =	vadd.s32 v1, v4  }
0x28: {  	s17 =	smul.u32 $0x19D00, s16;
	s16 =	ssub.s32 $0x2, s16;
	v59 =	vmul.u32 $0x145, v7;
	v3 =	vadd.s32 v3, v5;
	[tilespmem:$0x1B70] =	vst v1  }
0x29: {  	s18 =	sshrl.u32 s16, $0x1;
	v60 =	vmul.u32 $0x145, v8;
	v2 =	vadd.s32 v2, v6;
	[tilespmem:$0x1BA0] =	vst v3  }
0x2a: {  	s16 =	ssub.s32 s16, s18;
	v61 =	vmul.u32 $0x145, v9;
	v0 =	vadd.s32 v0, v59;
	[tilespmem:$0x1B60] =	vst v2  }
0x2b: {  	s18 =	smax.u32 s16, $0x1;
	v62 =	vadd.s32 v10, v60;
	[tilespmem:$0x1B80] =	vst v0  }
0x2c: {  	s15 =	sadd.s32 s15, s17;
	p0 =	sne.s32 s18, $0x1;
	v63 =	vadd.s32 v11, v61;
	[tilespmem:$0x1B90] =	vst v62  }
.Ltmp0:
0x2d: {  	s17 =	sshrl.u32 s15, $0x3;
	[tilespmem:$0x1B50] =	vst v63;
	(pc) =	sbr.rel @!p0 .LBB2_2-.Ltmp0, $4  }
0x2e: {  	s15 =	simm.s32 $0x60;
	s16 =	simm.s32 $0x1B50;
	[bflag:$0x0] =	sbarrier.arrive $0xFFFF  }
0x2f: {  	[spmem:s3] =	stream.indirect.scatter.add.f32 [tilespmem:s13], [sflag:$0x1], $0x1, s16, s15, $0xb8;
	[tilespmem:$0x35D0] =	vst v63  }
0x30: {  	s14 =	sadd.s32 s17, s14;
	_ =	swait.ge [sflag:s4], $0x60  }
0x31: {  	s17 =	sadd.s32 $0xFFFFFFFF, s18;
	s14 =	sadd.s32 $0x4200, s14;
	[sflag:s4] =	ssyncset.done $0x0  }
.LBB2_1:
0x32: {  	p0 =	sne.s32 s17, $0x1;
	s17 =	sadd.s32 $0xFFFFFFFF, s17;
	[sflag:s4] =	ssyncadd.s32 $0xFFFFFFA0  }
0x33: {  	[bflag:$0x0] =	sbarrier.arrive $0xFFFF  }
0x34: {  	[tilespmem:s5], [sflag:$0x1] =	stream.linear.gather [spmem:s7], $0x19D0, $0x38;
	[tilespmem:$0x35D0] =	vst v63  }
0x35: {  	_ =	swait.ge [sflag:s4], $0x19D0  }
0x36: {  	[sflag:s4] =	ssyncset.done $0x0  }
0x37: {  	[sflag:s4] =	ssyncadd.s32 $0xFFFFE630  }
0x38: {  	[hbm4b:s14+s2] =	stream.linear.scatter [tilespmem:s5], [sflag:$0x1], $0x19D0, $0x38;
	[tilespmem:$0x35D0] =	vst v63  }
0x39: {  	_ =	swait.ge [sflag:s4], $0x19D0  }
0x3a: {  	[sflag:s4] =	ssyncset.done $0x0  }
0x3b: {  	[sflag:s4] =	ssyncadd.s32 $0xFFFFE630  }
0x3c: {  	[tilespmem:s5], [sflag:$0x1] =	stream.linear.gather [hbm4b:s6+s2], $0x19D0, $0x38;
	[tilespmem:$0x35D0] =	vst v63  }
0x3d: {  	_ =	swait.ge [sflag:s4], $0x19D0  }
0x3e: {  	[sflag:s4] =	ssyncset.done $0x0  }
0x3f: {  	[sflag:s4] =	ssyncadd.s32 $0xFFFFE630  }
0x40: {  	[spmem:s7] =	stream.linear.scatter [tilespmem:s5], [sflag:$0x1], $0x19D0, $0x38;
	[tilespmem:$0x35D0] =	vst v63  }
0x41: {  	_ =	swait.ge [sflag:s4], $0x19D0  }
0x42: {  	[sflag:s4] =	ssyncset.done $0x0  }
0x43: {  	[sflag:s4] =	ssyncadd.s32 $0xFFFFE630  }
0x44: {  	[tilespmem:s9], [sflag:$0x1] =	stream.linear.gather [hbm4b:s8+s2], $0x60, $0x38;
	[tilespmem:$0x35D0] =	vst v63  }
0x45: {  	_ =	swait.ge [sflag:s4], $0x60  }
0x46: {  	[sflag:s4] =	ssyncset.done $0x0  }
0x47: {  	[sflag:s4] =	ssyncadd.s32 $0xFFFFFFA0  }
0x48: {  	[tilespmem:s11], [sflag:$0x1] =	stream.linear.gather [hbm4b:s10+s2], $0x60, $0x38;
	[tilespmem:$0x35D0] =	vst v63  }
0x49: {  	_ =	swait.ge [sflag:s4], $0x60  }
0x4a: {  	[sflag:s4] =	ssyncset.done $0x0  }
0x4b: {  	[sflag:s4] =	ssyncadd.s32 $0xFFFFFFA0  }
0x4c: {  	[tilespmem:s13], [sflag:$0x1] =	stream.linear.gather [hbm4b:s12+s2], $0x60, $0x38;
	[tilespmem:$0x35D0] =	vst v63  }
0x4d: {  	_ =	swait.ge [sflag:s4], $0x60  }
0x4e: {  	[sflag:s4] =	ssyncset.done $0x0  }
0x4f: {  	[sflag:s4] =	ssyncadd.s32 $0xFFFFFFA0  }
0x50: {  	v0 =	vld [tilespmem:$0x1A00]  }
0x51: {  	v1 =	vld [tilespmem:$0x19F0]  }
0x52: {  	v2 =	vld [tilespmem:$0x19E0]  }
0x53: {  	v3 =	vld [tilespmem:$0x1A20]  }
0x54: {  	v4 =	vld [tilespmem:$0x1A70]  }
0x55: {  	v5 =	vld [tilespmem:$0x1AA0]  }
0x56: {  	v6 =	vld [tilespmem:$0x1A60]  }
0x57: {  	v7 =	vld [tilespmem:$0x1A80]  }
0x58: {  	v8 =	vld [tilespmem:$0x1A90]  }
0x59: {  	v9 =	vld [tilespmem:$0x1A50];
	v4 =	vmul.u32 $0x145, v4  }
0x5a: {  	v10 =	vld [tilespmem:$0x1A10];
	v5 =	vmul.u32 $0x145, v5  }
0x5b: {  	v11 =	vld [tilespmem:$0x19D0];
	v6 =	vmul.u32 $0x145, v6;
	v1 =	vadd.s32 v1, v4  }
0x5c: {  	[tilespmem:$0x1B70] =	vst v1;
	v1 =	vmul.u32 $0x145, v7;
	v3 =	vadd.s32 v3, v5  }
0x5d: {  	v2 =	vadd.s32 v2, v6;
	v4 =	vmul.u32 $0x145, v8;
	[tilespmem:$0x1BA0] =	vst v3  }
0x5e: {  	v3 =	vmul.u32 $0x145, v9;
	[tilespmem:$0x1B60] =	vst v2;
	v0 =	vadd.s32 v0, v1  }
0x5f: {  	[tilespmem:$0x1B80] =	vst v0;
	v0 =	vadd.s32 v10, v4  }
0x60: {  	v1 =	vadd.s32 v11, v3;
	[tilespmem:$0x1B90] =	vst v0  }
.Ltmp1:
0x61: {  	[tilespmem:$0x1B50] =	vst v1;
	(pc) =	sbr.rel @p0 .LBB2_1-.Ltmp1, $4  }
0x62: {  	[bflag:$0x0] =	sbarrier.arrive $0xFFFF  }
0x63: {  	[spmem:s3] =	stream.indirect.scatter.add.f32 [tilespmem:s13], [sflag:$0x1], $0x1, s16, s15, $0xb8;
	[tilespmem:$0x35D0] =	vst v63  }
0x64: {  	_ =	swait.ge [sflag:s4], $0x60  }
0x65: {  	[sflag:s4] =	ssyncset.done $0x0  }
.LBB2_2:
0x66: {  	[sflag:s4] =	ssyncadd.s32 $0xFFFFFFA0  }
0x67: {  	[bflag:$0x0] =	sbarrier.arrive $0xFFFF  }
0x68: {  	[tilespmem:s5], [sflag:$0x1] =	stream.linear.gather [spmem:s7], $0x19D0, $0x38;
	[tilespmem:$0x35D0] =	vst v63  }
0x69: {  	_ =	swait.ge [sflag:s4], $0x19D0  }
0x6a: {  	[sflag:s4] =	ssyncset.done $0x0  }
0x6b: {  	[sflag:s4] =	ssyncadd.s32 $0xFFFFE630  }
0x6c: {  	[hbm4b:s14+s2] =	stream.linear.scatter [tilespmem:s5], [sflag:$0x1], $0x19D0, $0x38;
	[tilespmem:$0x35D0] =	vst v63  }
0x6d: {  	_ =	swait.ge [sflag:s4], $0x19D0  }
0x6e: {  	[sflag:s4] =	ssyncset.done $0x0  }
0x6f: {  	[sflag:s4] =	ssyncadd.s32 $0xFFFFE630  }
0x70: {  	_ =	sfence.sel $0x180000  }
0x71: {  	[bflag:$0x0] =	sbarrier.arrive $0xFFFF  }
0x72: {  	p0 =	sne.s32 s1, $0x0;
	_ =	strace $0x90000047  }
0x73: {  	s0 =	sadd.s32 @!p0 $0x100000, s0;
	[bflag:$0x2] =	sbarrier.arrive $0xFFFF  }
0x74: {  	[sflag:s0] =	ssyncadd.tile.s32 @!p0 $0x1;
	_ =	shalt  }
.Lfunc_end2:
_tile_overlayer_lowered:
.L_overlay_start_2:
0x75: {  	(tag) =	ssettag $0x2  }
0x76: {  	s0 =	rddreg [dreg:$0x0];
	s2 =	stileid.u32  }
0x77: {  	s1 =	rddreg [dreg:$0x1];
	p0 =	sne.s32 s2, $0x0  }
0x78: {  	s3 =	rddreg [dreg:$0x2];
	[bflag:$0x3] =	sbarrier.arrive $0xFFFF;
	s2 =	simm.s32 @!p0 $0x1C01  }
0x79: {  	[timem:s3], [sflag:s2] =	dma.local @!p0 [hbm:s0], s1  }
0x7a: {  	s0 =	simm.s32 @!p0 $0x1  }
0x7b: {  	_ =	swait.ge @!p0 [sflag:s0], s1  }
0x7c: {  	s1 =	ssub.s32 @!p0 $0x0, s1;
	[sflag:s0] =	ssyncset.done @!p0 $0x0  }
0x7d: {  	[sflag:s0] =	ssyncadd.s32 @!p0 s1  }
0x7e: {  	[bflag:$0x3] =	sbarrier.arrive $0xFFFF  }
0x7f: {  	_ =	shalt  }

</sc_bundles>
